<compile_context>
chip_gen: v7x
topology: tpu7x:2x2x1
jax: 0.10.2.dev20260603
libtpu: 0.0.44.dev20260713+nightly
codegen_flags: <defaults>
</compile_context>

<pallas_src>
import functools

import jax
import jax.numpy as jnp
from jax import lax
from jax.experimental import pallas as pl
from jax.experimental.pallas import tpu as pltpu
from jax.experimental.pallas import tpu_sc as plsc

_NC = 2
_NS = 16
_NW = _NC * _NS
_LANE = 128


def _iota16():
    return lax.iota(jnp.int32, 16)


def _splat16(v):
    return jnp.full((16,), v, jnp.int32)


@functools.lru_cache(maxsize=None)
def _make_detile(V, D):
    n_full = V // _LANE
    base_cnt, extra = divmod(n_full, _NW)
    mesh = plsc.VectorSubcoreMesh(core_axis_name="c", subcore_axis_name="s")

    @functools.partial(
        pl.kernel,
        out_type=jax.ShapeDtypeStruct((n_full, D, _LANE), jnp.float32),
        mesh=mesh,
        scratch_types=[
            pltpu.VMEM((D, _LANE), jnp.float32),
            pltpu.VMEM((D, _LANE), jnp.float32),
            pltpu.VMEM((D, _LANE), jnp.float32),
            pltpu.SemaphoreType.DMA,
            pltpu.SemaphoreType.DMA,
            pltpu.SemaphoreType.DMA,
            pltpu.SemaphoreType.DMA,
            pltpu.SemaphoreType.DMA,
            pltpu.SemaphoreType.DMA,
        ],
        compiler_params=pltpu.CompilerParams(use_tc_tiling_on_sc=True),
    )
    def detile_kernel(table_t, s_blocks, buf_a, buf_b, buf_c,
                      rsem_a, rsem_b, rsem_c, wsem_a, wsem_b, wsem_c):
        bufs = (buf_a, buf_b, buf_c)
        rsems = (rsem_a, rsem_b, rsem_c)
        wsems = (wsem_a, wsem_b, wsem_c)
        wid = lax.axis_index("s") * _NC + lax.axis_index("c")
        start = wid * base_cnt + jnp.minimum(wid, extra)
        count = base_cnt + jnp.where(wid < extra, 1, 0)

        def fire_read(slot, tc):
            pltpu.async_copy(
                table_t.at[:, pl.ds(pl.multiple_of(tc * _LANE, _LANE), _LANE)],
                bufs[slot], rsems[slot],
            )

        def wait_read(slot):
            pltpu.make_async_copy(
                table_t.at[:, pl.ds(0, _LANE)], bufs[slot], rsems[slot]
            ).wait()

        def fire_write(slot, tc):
            pltpu.async_copy(bufs[slot], s_blocks.at[tc], wsems[slot])

        def wait_write(slot):
            pltpu.make_async_copy(
                bufs[slot], s_blocks.at[0], wsems[slot]
            ).wait()

        fire_read(0, start)
        fire_read(1, start + 1)

        def step(t3, carry):
            for b in range(3):
                i = 3 * t3 + b

                @pl.when(i < count)
                def _():
                    @pl.when(i + 2 < count)
                    def _():
                        fire_read((b + 2) % 3, start + i + 2)

                    wait_read(b)

                    @pl.when(i >= 3)
                    def _():
                        wait_write(b)

                    fire_write(b, start + i)
            return carry

        lax.fori_loop(0, (base_cnt + 3) // 3, step, 0)
        wait_write(0)
        wait_write(1)
        wait_write(2)

    return detile_kernel


@functools.lru_cache(maxsize=None)
def _make_transpose(V, D):
    n_full = V // _LANE
    tail = V - n_full * _LANE
    rows_per_tile = _LANE * D // _LANE
    rows_out = V * D // _LANE
    tail_rows = tail * D // _LANE
    base_cnt, extra = divmod(n_full, _NW)
    mesh = plsc.VectorSubcoreMesh(core_axis_name="c", subcore_axis_name="s")

    @functools.partial(
        pl.kernel,
        out_type=jax.ShapeDtypeStruct((rows_out, _LANE), jnp.float32),
        mesh=mesh,
        scratch_types=[
            pltpu.VMEM((D, _LANE + 1), jnp.float32),
            pltpu.VMEM((D, _LANE + 1), jnp.float32),
            pltpu.VMEM((D, _LANE + 1), jnp.float32),
            pltpu.VMEM((rows_per_tile, _LANE), jnp.float32),
            pltpu.VMEM((rows_per_tile, _LANE), jnp.float32),
            pltpu.VMEM((tail, D), jnp.float32),
            pltpu.SemaphoreType.DMA,
            pltpu.SemaphoreType.DMA,
            pltpu.SemaphoreType.DMA,
            pltpu.SemaphoreType.DMA,
            pltpu.SemaphoreType.DMA,
        ],
        compiler_params=pltpu.CompilerParams(
            use_tc_tiling_on_sc=False, needs_layout_passes=False
        ),
    )
    def transpose_kernel(s_blocks, tail_in, table_lin, f_a, f_b, f_c, r_a, r_b,
                         tbuf, rsem_a, rsem_b, rsem_c, wsem_a, wsem_b):
        fs = (f_a, f_b, f_c)
        rs = (r_a, r_b)
        rsems = (rsem_a, rsem_b, rsem_c)
        wsems = (wsem_a, wsem_b)
        wid = lax.axis_index("s") * _NC + lax.axis_index("c")
        start = wid * base_cnt + jnp.minimum(wid, extra)
        count = base_cnt + jnp.where(wid < extra, 1, 0)

        def fire_read(slot, tc):
            pltpu.async_copy(
                s_blocks.at[tc], fs[slot].at[:, pl.ds(0, _LANE)], rsems[slot]
            )

        def wait_read(slot):
            pltpu.make_async_copy(
                s_blocks.at[0], fs[slot].at[:, pl.ds(0, _LANE)], rsems[slot]
            ).wait()

        def fire_write(slot, tc):
            pltpu.async_copy(
                rs[slot],
                table_lin.at[pl.ds(tc * rows_per_tile, rows_per_tile)],
                wsems[slot],
            )

        def wait_write(slot):
            pltpu.make_async_copy(
                rs[slot], table_lin.at[pl.ds(0, rows_per_tile)], wsems[slot]
            ).wait()

        iotas = [16 * h + _iota16() for h in range(D // 16)]

        def transpose(fslot, rslot):
            src, dst = fs[fslot], rs[rslot]

            @plsc.parallel_loop(0, rows_per_tile, unroll=4)
            def _(q):
                for c in range(8):
                    a, f0 = c // 2, (c % 2) * 16
                    v = plsc.load_gather(src, [iotas[c % 2], _splat16(4 * q + a)])
                    dst[q, pl.ds(16 * c, 16)] = v

        fire_read(0, start)
        fire_read(1, start + 1)

        def step(t6, carry):
            for b6 in range(6):
                i = 6 * t6 + b6
                b3, b2 = b6 % 3, b6 % 2

                @pl.when(i < count)
                def _():
                    @pl.when(i + 2 < count)
                    def _():
                        fire_read((b3 + 2) % 3, start + i + 2)

                    wait_read(b3)

                    @pl.when(i >= 2)
                    def _():
                        wait_write(b2)

                    transpose(b3, b2)
                    fire_write(b2, start + i)
            return carry

        lax.fori_loop(0, (base_cnt + 6) // 6, step, 0)
        wait_write(0)
        wait_write(1)

        @pl.when(wid == _NW - 1)
        def _():
            pltpu.sync_copy(tail_in, tbuf)

            @plsc.parallel_loop(0, tail_rows, unroll=2)
            def _(r):
                for h in range(_LANE // 16):
                    v = tbuf[4 * r + h // 2, pl.ds((h % 2) * 16, 16)]
                    r_a[r, pl.ds(16 * h, 16)] = v

            pltpu.sync_copy(
                r_a.at[pl.ds(0, tail_rows)],
                table_lin.at[pl.ds(n_full * rows_per_tile, tail_rows)],
            )

    return transpose_kernel


@functools.lru_cache(maxsize=None)
def _make_gather(B, V, D):
    n_blocks = B // _LANE
    blocks_per_w = n_blocks // _NW
    n_bands = D // 8
    mesh = plsc.VectorSubcoreMesh(core_axis_name="c", subcore_axis_name="s")

    @functools.partial(
        pl.kernel,
        out_type=jax.ShapeDtypeStruct((n_bands, n_blocks, 8, _LANE), jnp.float32),
        mesh=mesh,
        scratch_types=[
            pltpu.VMEM((blocks_per_w, _LANE), jnp.int32),
            pltpu.VMEM((_LANE, D), jnp.float32),
            pltpu.VMEM((_LANE, D), jnp.float32),
            pltpu.VMEM((_LANE, D), jnp.float32),
            pltpu.VMEM((_LANE, D), jnp.float32),
            pltpu.VMEM((D, _LANE + 1), jnp.float32),
            pltpu.VMEM((D, _LANE + 1), jnp.float32),
            pltpu.SemaphoreType.DMA,
            pltpu.SemaphoreType.DMA,
            pltpu.SemaphoreType.DMA,
            pltpu.SemaphoreType.DMA,
            pltpu.SemaphoreType.DMA,
            pltpu.SemaphoreType.DMA,
        ],
        compiler_params=pltpu.CompilerParams(
            use_tc_tiling_on_sc=False, needs_layout_passes=False
        ),
    )
    def gather_kernel(idx_hbm, table_hbm, out4, idx_v,
                      rows_a, rows_b, rows_c, rows_d,
                      band_a, band_b,
                      gsem_a, gsem_b, gsem_c, gsem_d, osem_a, osem_b):
        rows = (rows_a, rows_b, rows_c, rows_d)
        bands = (band_a, band_b)
        gsems = (gsem_a, gsem_b, gsem_c, gsem_d)
        osems = (osem_a, osem_b)
        wid = lax.axis_index("s") * _NC + lax.axis_index("c")
        base = wid * blocks_per_w
        pltpu.sync_copy(idx_hbm.at[pl.ds(base, blocks_per_w)], idx_v)

        def fire(slot, i):
            pltpu.async_copy(table_hbm.at[idx_v.at[i]], rows[slot], gsems[slot])

        def wait_gather(slot):
            pltpu.make_async_copy(
                table_hbm.at[pl.ds(0, _LANE)], rows[slot], gsems[slot]
            ).wait()

        def write_bands(slot, nt):
            for g in range(n_bands):
                pltpu.async_copy(
                    bands[slot].at[pl.ds(8 * g, 8), pl.ds(0, _LANE)],
                    out4.at[g, nt],
                    osems[slot],
                )

        def wait_bands(slot):
            for g in range(n_bands):
                pltpu.make_async_copy(
                    bands[slot].at[pl.ds(8 * g, 8), pl.ds(0, _LANE)],
                    out4.at[g, 0],
                    osems[slot],
                ).wait()

        iotas = [16 * h + _iota16() for h in range(D // 16)]

        def transpose(rslot, bslot):
            src, dst = rows[rslot], bands[bslot]

            @plsc.parallel_loop(0, _LANE, unroll=4)
            def _(l):
                sl = _splat16(l)
                for h in range(D // 16):
                    v = src[l, pl.ds(16 * h, 16)]
                    plsc.store_scatter(dst, [iotas[h], sl], v)

        for s in range(3):
            fire(s, s)

        def step(t4, carry):
            for b in range(4):
                i = 4 * t4 + b

                @pl.when(i + 3 < blocks_per_w)
                def _():
                    fire((b + 3) % 4, i + 3)

                wait_gather(b)

                @pl.when(i >= 2)
                def _():
                    wait_bands(b % 2)

                transpose(b, b % 2)
                write_bands(b % 2, base + i)
            return carry

        lax.fori_loop(0, blocks_per_w // 4, step, 0)
        wait_bands(0)
        wait_bands(1)

    return gather_kernel


def kernel(walks, table):
    (B,) = walks.shape
    V, D = table.shape
    n_full = V // _LANE
    s_blocks = _make_detile(V, D)(jnp.transpose(table))
    tail64 = lax.slice(table, (n_full * _LANE, 0), (V, D))
    table_lin = _make_transpose(V, D)(s_blocks, tail64)
    table_rows = table_lin.reshape(V, D)
    idx2d = walks.astype(jnp.int32).reshape(B // _LANE, _LANE)
    out4 = _make_gather(B, V, D)(idx2d, table_rows)
    return out4.transpose(1, 3, 0, 2).reshape(B, D)

# --- scband reference (transcript-rebuilt; emitter-appended) ---
"""Pipeline reference for scband-node2-vec-14396730376443 (READ-ONLY COPY).

The authoritative reference and input builder live on the scoring server;
editing this copy changes nothing except your own understanding.
"""

import jax, jax.numpy as jnp
import numpy as np

NUM_EMBEDDINGS = 1000000
EMBED_DIM = 32
N_WALK_IDX = 1048576

def setup_inputs(seed: int = 0) -> dict:
    key = jax.random.key(seed)
    k_tab, k_idx = jax.random.split(key)
    # Embedding table initialized like torch.nn.Embedding (standard normal)
    table = jax.random.normal(k_tab, (NUM_EMBEDDINGS, EMBED_DIM), dtype=jnp.float32)
    walks = jax.random.randint(k_idx, (N_WALK_IDX,), 0, NUM_EMBEDDINGS, dtype=jnp.int64 if jax.config.read('jax_enable_x64') else jnp.int32)
    return {"walks": walks, "table": table}

def reference(walks, table):
    # Node2Vec.forward: emb.index_select(0, walks)
    return jnp.take(table, walks, axis=0)

if __name__ == "__main__":
    import jax
    _d = setup_inputs()
    print(jax.jit(kernel)(*tuple(_d.values())))

</pallas_src>

<mosaic_0001>
#map = affine_map<(d0, d1) -> (0, 0)>
#map1 = affine_map<(d0, d1) -> (0, 0, 0)>
module attributes {stable_mosaic.version = 14 : i64} {
  func.func @detile_kernel(%arg0: i32, %arg1: i32, %arg2: memref<32x1000000xf32, #tpu.memory_space<hbm>>, %arg3: memref<7812x32x128xf32, #tpu.memory_space<hbm>>, %arg4: memref<32x128xf32, #tpu.memory_space<vmem>>, %arg5: memref<32x128xf32, #tpu.memory_space<vmem>>, %arg6: memref<32x128xf32, #tpu.memory_space<vmem>>, %arg7: memref<!tpu.dma_semaphore, #tpu.memory_space<semaphore_mem>>, %arg8: memref<!tpu.dma_semaphore, #tpu.memory_space<semaphore_mem>>, %arg9: memref<!tpu.dma_semaphore, #tpu.memory_space<semaphore_mem>>, %arg10: memref<!tpu.dma_semaphore, #tpu.memory_space<semaphore_mem>>, %arg11: memref<!tpu.dma_semaphore, #tpu.memory_space<semaphore_mem>>, %arg12: memref<!tpu.dma_semaphore, #tpu.memory_space<semaphore_mem>>) attributes {dimension_semantics = [#tpu.dimension_semantics<core_parallel>, #tpu.dimension_semantics<subcore_parallel>], iteration_bounds = array<i64: 2, 16>, scalar_prefetch = 0 : i64, scratch_operands = 9 : i64, tpu.core_type = #tpu.core_type<sc_vector_subcore>, window_params = [{transform_indices = #map}, {transform_indices = #map1}]} {
    %mul3A = arith.constant 2 : i32
    %mul3A_0 = arith.muli %arg1, %mul3A : i32
    %add3A = arith.addi %mul3A_0, %arg0 : i32
    %mul3A_1 = arith.constant 244 : i32
    %mul3A_2 = arith.muli %add3A, %mul3A_1 : i32
    %min3A = arith.constant 4 : i32
    %min3A_3 = arith.minsi %add3A, %min3A : i32
    %add3A_4 = arith.addi %mul3A_2, %min3A_3 : i32
    %lt3A = arith.constant 4 : i32
    %lt3A_5 = arith.cmpi slt, %add3A, %lt3A : i32
    %jit3A = arith.constant 1 : i32
    %jit3A_6 = arith.constant 0 : i32
    %select_n3A = arith.select %lt3A_5, %jit3A, %jit3A_6 : i32
    %add3A_7 = arith.constant 244 : i32
    %add3A_8 = arith.addi %add3A_7, %select_n3A : i32
    %mul3A_9 = arith.constant 128 : i32
    %mul3A_10 = arith.muli %add3A_4, %mul3A_9 : i32
    %multiple_of3A = tpu.assume_multiple %mul3A_10, 128 : i32
    %dma_start3A = arith.constant 0 : i32
    %dma_start3A_11 = tpu.memref_slice %arg2[%dma_start3A, %multiple_of3A] : memref<32x1000000xf32, #tpu.memory_space<hbm>> -> memref<32x128xf32, #tpu.memory_space<hbm>>
    %dma_start3A_12 = arith.constant 0 : i32
    %dma_start3A_13 = tpu.memref_slice %arg2[%dma_start3A_12, %multiple_of3A] : memref<32x1000000xf32, #tpu.memory_space<hbm>> -> memref<32x128xf32, #tpu.memory_space<hbm>>
    tpu.enqueue_dma source(%dma_start3A_13 : memref<32x128xf32, #tpu.memory_space<hbm>>) target(%arg4 : memref<32x128xf32, #tpu.memory_space<vmem>>) target_semaphore(%arg7 : memref<!tpu.dma_semaphore, #tpu.memory_space<semaphore_mem>>)
    %add3A_14 = arith.constant 1 : i32
    %add3A_15 = arith.addi %add3A_4, %add3A_14 : i32
    %mul3A_16 = arith.constant 128 : i32
    %mul3A_17 = arith.muli %add3A_15, %mul3A_16 : i32
    %multiple_of3A_18 = tpu.assume_multiple %mul3A_17, 128 : i32
    %dma_start3A_19 = arith.constant 0 : i32
    %dma_start3A_20 = tpu.memref_slice %arg2[%dma_start3A_19, %multiple_of3A_18] : memref<32x1000000xf32, #tpu.memory_space<hbm>> -> memref<32x128xf32, #tpu.memory_space<hbm>>
    %dma_start3A_21 = arith.constant 0 : i32
    %dma_start3A_22 = tpu.memref_slice %arg2[%dma_start3A_21, %multiple_of3A_18] : memref<32x1000000xf32, #tpu.memory_space<hbm>> -> memref<32x128xf32, #tpu.memory_space<hbm>>
    tpu.enqueue_dma source(%dma_start3A_22 : memref<32x128xf32, #tpu.memory_space<hbm>>) target(%arg5 : memref<32x128xf32, #tpu.memory_space<vmem>>) target_semaphore(%arg8 : memref<!tpu.dma_semaphore, #tpu.memory_space<semaphore_mem>>)
    %scan3A = arith.constant 0 : i32
    %scan3A_23 = arith.constant 0 : i32
    %scan3A_24 = arith.constant 82 : i32
    %scan3A_25 = arith.addi %scan3A_23, %scan3A_24 : i32
    %scan3A_26 = arith.constant 1 : i32
    scf.for %scan3A_54 = %scan3A_23 to %scan3A_25 step %scan3A_26  : i32 {
      %mul3A_55 = arith.constant 3 : i32
      %mul3A_56 = arith.muli %mul3A_55, %scan3A_54 : i32
      %add3A_57 = arith.constant 0 : i32
      %add3A_58 = arith.addi %mul3A_56, %add3A_57 : i32
      %lt3A_59 = arith.cmpi slt, %add3A_58, %add3A_8 : i32
      %convert_element_type3A = arith.extui %lt3A_59 : i1 to i32
      %cond3A = arith.constant 0 : i32
      %cond3A_60 = arith.cmpi ne, %convert_element_type3A, %cond3A : i32
      scf.if %cond3A_60 {
        %add3A_77 = arith.constant 2 : i32
        %add3A_78 = arith.addi %add3A_58, %add3A_77 : i32
        %lt3A_79 = arith.cmpi slt, %add3A_78, %add3A_8 : i32
        %convert_element_type3A_80 = arith.extui %lt3A_79 : i1 to i32
        %cond3A_81 = arith.constant 0 : i32
        %cond3A_82 = arith.cmpi ne, %convert_element_type3A_80, %cond3A_81 : i32
        scf.if %cond3A_82 {
          %add3A_102 = arith.addi %add3A_4, %add3A_58 : i32
          %add3A_103 = arith.constant 2 : i32
          %add3A_104 = arith.addi %add3A_102, %add3A_103 : i32
          %mul3A_105 = arith.constant 128 : i32
          %mul3A_106 = arith.muli %add3A_104, %mul3A_105 : i32
          %multiple_of3A_107 = tpu.assume_multiple %mul3A_106, 128 : i32
          %dma_start3A_108 = arith.constant 0 : i32
          %dma_start3A_109 = tpu.memref_slice %arg2[%dma_start3A_108, %multiple_of3A_107] : memref<32x1000000xf32, #tpu.memory_space<hbm>> -> memref<32x128xf32, #tpu.memory_space<hbm>>
          %dma_start3A_110 = arith.constant 0 : i32
          %dma_start3A_111 = tpu.memref_slice %arg2[%dma_start3A_110, %multiple_of3A_107] : memref<32x1000000xf32, #tpu.memory_space<hbm>> -> memref<32x128xf32, #tpu.memory_space<hbm>>
          tpu.enqueue_dma source(%dma_start3A_111 : memref<32x128xf32, #tpu.memory_space<hbm>>) target(%arg6 : memref<32x128xf32, #tpu.memory_space<vmem>>) target_semaphore(%arg9 : memref<!tpu.dma_semaphore, #tpu.memory_space<semaphore_mem>>)
        } else {
        }
        %dma_wait3A_83 = arith.constant 0 : i32
        %dma_wait3A_84 = arith.constant 0 : i32
        %dma_wait3A_85 = tpu.memref_slice %arg2[%dma_wait3A_83, %dma_wait3A_84] : memref<32x1000000xf32, #tpu.memory_space<hbm>> -> memref<32x128xf32, #tpu.memory_space<hbm>>
        %dma_wait3A_86 = arith.constant 0 : i32
        %dma_wait3A_87 = arith.constant 0 : i32
        %dma_wait3A_88 = tpu.memref_slice %arg2[%dma_wait3A_86, %dma_wait3A_87] : memref<32x1000000xf32, #tpu.memory_space<hbm>> -> memref<32x128xf32, #tpu.memory_space<hbm>>
        tpu.wait_dma2 semaphore(%arg7 : memref<!tpu.dma_semaphore, #tpu.memory_space<semaphore_mem>>) src(%dma_wait3A_88 : memref<32x128xf32, #tpu.memory_space<hbm>>) dst(%arg4 : memref<32x128xf32, #tpu.memory_space<vmem>>)
        %ge3A = arith.constant 3 : i32
        %ge3A_89 = arith.cmpi sge, %add3A_58, %ge3A : i32
        %convert_element_type3A_90 = arith.extui %ge3A_89 : i1 to i32
        %cond3A_91 = arith.constant 0 : i32
        %cond3A_92 = arith.cmpi ne, %convert_element_type3A_90, %cond3A_91 : i32
        scf.if %cond3A_92 {
          %dma_wait3A_102 = arith.constant 0 : i32
          %dma_wait3A_103 = arith.constant 0 : i32
          %dma_wait3A_104 = arith.constant 0 : i32
          %dma_wait3A_105 = tpu.memref_slice %arg3[%dma_wait3A_102, %dma_wait3A_103, %dma_wait3A_104] : memref<7812x32x128xf32, #tpu.memory_space<hbm>> -> memref<1x32x128xf32, #tpu.memory_space<hbm>>
          %dma_wait3A_106 = tpu.memref_squeeze %dma_wait3A_105 : memref<1x32x128xf32, #tpu.memory_space<hbm>> -> memref<32x128xf32, #tpu.memory_space<hbm>>
          %dma_wait3A_107 = arith.constant 0 : i32
          %dma_wait3A_108 = arith.constant 0 : i32
          %dma_wait3A_109 = tpu.memref_slice %arg3[%dma_wait3A_102, %dma_wait3A_107, %dma_wait3A_108] : memref<7812x32x128xf32, #tpu.memory_space<hbm>> -> memref<1x32x128xf32, #tpu.memory_space<hbm>>
          %dma_wait3A_110 = tpu.memref_squeeze %dma_wait3A_109 : memref<1x32x128xf32, #tpu.memory_space<hbm>> -> memref<32x128xf32, #tpu.memory_space<hbm>>
          tpu.wait_dma2 semaphore(%arg10 : memref<!tpu.dma_semaphore, #tpu.memory_space<semaphore_mem>>) src(%arg4 : memref<32x128xf32, #tpu.memory_space<vmem>>) dst(%dma_wait3A_110 : memref<32x128xf32, #tpu.memory_space<hbm>>)
        } else {
        }
        %add3A_93 = arith.addi %add3A_4, %add3A_58 : i32
        %dma_start3A_94 = arith.constant 0 : i32
        %dma_start3A_95 = arith.constant 0 : i32
        %dma_start3A_96 = tpu.memref_slice %arg3[%add3A_93, %dma_start3A_94, %dma_start3A_95] : memref<7812x32x128xf32, #tpu.memory_space<hbm>> -> memref<1x32x128xf32, #tpu.memory_space<hbm>>
        %dma_start3A_97 = tpu.memref_squeeze %dma_start3A_96 : memref<1x32x128xf32, #tpu.memory_space<hbm>> -> memref<32x128xf32, #tpu.memory_space<hbm>>
        %dma_start3A_98 = arith.constant 0 : i32
        %dma_start3A_99 = arith.constant 0 : i32
        %dma_start3A_100 = tpu.memref_slice %arg3[%add3A_93, %dma_start3A_98, %dma_start3A_99] : memref<7812x32x128xf32, #tpu.memory_space<hbm>> -> memref<1x32x128xf32, #tpu.memory_space<hbm>>
        %dma_start3A_101 = tpu.memref_squeeze %dma_start3A_100 : memref<1x32x128xf32, #tpu.memory_space<hbm>> -> memref<32x128xf32, #tpu.memory_space<hbm>>
        tpu.enqueue_dma source(%arg4 : memref<32x128xf32, #tpu.memory_space<vmem>>) target(%dma_start3A_101 : memref<32x128xf32, #tpu.memory_space<hbm>>) target_semaphore(%arg10 : memref<!tpu.dma_semaphore, #tpu.memory_space<semaphore_mem>>)
      } else {
      }
      %mul3A_61 = arith.constant 3 : i32
      %mul3A_62 = arith.muli %mul3A_61, %scan3A_54 : i32
      %add3A_63 = arith.constant 1 : i32
      %add3A_64 = arith.addi %mul3A_62, %add3A_63 : i32
      %lt3A_65 = arith.cmpi slt, %add3A_64, %add3A_8 : i32
      %convert_element_type3A_66 = arith.extui %lt3A_65 : i1 to i32
      %cond3A_67 = arith.constant 0 : i32
      %cond3A_68 = arith.cmpi ne, %convert_element_type3A_66, %cond3A_67 : i32
      scf.if %cond3A_68 {
        %add3A_77 = arith.constant 2 : i32
        %add3A_78 = arith.addi %add3A_64, %add3A_77 : i32
        %lt3A_79 = arith.cmpi slt, %add3A_78, %add3A_8 : i32
        %convert_element_type3A_80 = arith.extui %lt3A_79 : i1 to i32
        %cond3A_81 = arith.constant 0 : i32
        %cond3A_82 = arith.cmpi ne, %convert_element_type3A_80, %cond3A_81 : i32
        scf.if %cond3A_82 {
          %add3A_102 = arith.addi %add3A_4, %add3A_64 : i32
          %add3A_103 = arith.constant 2 : i32
          %add3A_104 = arith.addi %add3A_102, %add3A_103 : i32
          %mul3A_105 = arith.constant 128 : i32
          %mul3A_106 = arith.muli %add3A_104, %mul3A_105 : i32
          %multiple_of3A_107 = tpu.assume_multiple %mul3A_106, 128 : i32
          %dma_start3A_108 = arith.constant 0 : i32
          %dma_start3A_109 = tpu.memref_slice %arg2[%dma_start3A_108, %multiple_of3A_107] : memref<32x1000000xf32, #tpu.memory_space<hbm>> -> memref<32x128xf32, #tpu.memory_space<hbm>>
          %dma_start3A_110 = arith.constant 0 : i32
          %dma_start3A_111 = tpu.memref_slice %arg2[%dma_start3A_110, %multiple_of3A_107] : memref<32x1000000xf32, #tpu.memory_space<hbm>> -> memref<32x128xf32, #tpu.memory_space<hbm>>
          tpu.enqueue_dma source(%dma_start3A_111 : memref<32x128xf32, #tpu.memory_space<hbm>>) target(%arg4 : memref<32x128xf32, #tpu.memory_space<vmem>>) target_semaphore(%arg7 : memref<!tpu.dma_semaphore, #tpu.memory_space<semaphore_mem>>)
        } else {
        }
        %dma_wait3A_83 = arith.constant 0 : i32
        %dma_wait3A_84 = arith.constant 0 : i32
        %dma_wait3A_85 = tpu.memref_slice %arg2[%dma_wait3A_83, %dma_wait3A_84] : memref<32x1000000xf32, #tpu.memory_space<hbm>> -> memref<32x128xf32, #tpu.memory_space<hbm>>
        %dma_wait3A_86 = arith.constant 0 : i32
        %dma_wait3A_87 = arith.constant 0 : i32
        %dma_wait3A_88 = tpu.memref_slice %arg2[%dma_wait3A_86, %dma_wait3A_87] : memref<32x1000000xf32, #tpu.memory_space<hbm>> -> memref<32x128xf32, #tpu.memory_space<hbm>>
        tpu.wait_dma2 semaphore(%arg8 : memref<!tpu.dma_semaphore, #tpu.memory_space<semaphore_mem>>) src(%dma_wait3A_88 : memref<32x128xf32, #tpu.memory_space<hbm>>) dst(%arg5 : memref<32x128xf32, #tpu.memory_space<vmem>>)
        %ge3A = arith.constant 3 : i32
        %ge3A_89 = arith.cmpi sge, %add3A_64, %ge3A : i32
        %convert_element_type3A_90 = arith.extui %ge3A_89 : i1 to i32
        %cond3A_91 = arith.constant 0 : i32
        %cond3A_92 = arith.cmpi ne, %convert_element_type3A_90, %cond3A_91 : i32
        scf.if %cond3A_92 {
          %dma_wait3A_102 = arith.constant 0 : i32
          %dma_wait3A_103 = arith.constant 0 : i32
          %dma_wait3A_104 = arith.constant 0 : i32
          %dma_wait3A_105 = tpu.memref_slice %arg3[%dma_wait3A_102, %dma_wait3A_103, %dma_wait3A_104] : memref<7812x32x128xf32, #tpu.memory_space<hbm>> -> memref<1x32x128xf32, #tpu.memory_space<hbm>>
          %dma_wait3A_106 = tpu.memref_squeeze %dma_wait3A_105 : memref<1x32x128xf32, #tpu.memory_space<hbm>> -> memref<32x128xf32, #tpu.memory_space<hbm>>
          %dma_wait3A_107 = arith.constant 0 : i32
          %dma_wait3A_108 = arith.constant 0 : i32
          %dma_wait3A_109 = tpu.memref_slice %arg3[%dma_wait3A_102, %dma_wait3A_107, %dma_wait3A_108] : memref<7812x32x128xf32, #tpu.memory_space<hbm>> -> memref<1x32x128xf32, #tpu.memory_space<hbm>>
          %dma_wait3A_110 = tpu.memref_squeeze %dma_wait3A_109 : memref<1x32x128xf32, #tpu.memory_space<hbm>> -> memref<32x128xf32, #tpu.memory_space<hbm>>
          tpu.wait_dma2 semaphore(%arg11 : memref<!tpu.dma_semaphore, #tpu.memory_space<semaphore_mem>>) src(%arg5 : memref<32x128xf32, #tpu.memory_space<vmem>>) dst(%dma_wait3A_110 : memref<32x128xf32, #tpu.memory_space<hbm>>)
        } else {
        }
        %add3A_93 = arith.addi %add3A_4, %add3A_64 : i32
        %dma_start3A_94 = arith.constant 0 : i32
        %dma_start3A_95 = arith.constant 0 : i32
        %dma_start3A_96 = tpu.memref_slice %arg3[%add3A_93, %dma_start3A_94, %dma_start3A_95] : memref<7812x32x128xf32, #tpu.memory_space<hbm>> -> memref<1x32x128xf32, #tpu.memory_space<hbm>>
        %dma_start3A_97 = tpu.memref_squeeze %dma_start3A_96 : memref<1x32x128xf32, #tpu.memory_space<hbm>> -> memref<32x128xf32, #tpu.memory_space<hbm>>
        %dma_start3A_98 = arith.constant 0 : i32
        %dma_start3A_99 = arith.constant 0 : i32
        %dma_start3A_100 = tpu.memref_slice %arg3[%add3A_93, %dma_start3A_98, %dma_start3A_99] : memref<7812x32x128xf32, #tpu.memory_space<hbm>> -> memref<1x32x128xf32, #tpu.memory_space<hbm>>
        %dma_start3A_101 = tpu.memref_squeeze %dma_start3A_100 : memref<1x32x128xf32, #tpu.memory_space<hbm>> -> memref<32x128xf32, #tpu.memory_space<hbm>>
        tpu.enqueue_dma source(%arg5 : memref<32x128xf32, #tpu.memory_space<vmem>>) target(%dma_start3A_101 : memref<32x128xf32, #tpu.memory_space<hbm>>) target_semaphore(%arg11 : memref<!tpu.dma_semaphore, #tpu.memory_space<semaphore_mem>>)
      } else {
      }
      %mul3A_69 = arith.constant 3 : i32
      %mul3A_70 = arith.muli %mul3A_69, %scan3A_54 : i32
      %add3A_71 = arith.constant 2 : i32
      %add3A_72 = arith.addi %mul3A_70, %add3A_71 : i32
      %lt3A_73 = arith.cmpi slt, %add3A_72, %add3A_8 : i32
      %convert_element_type3A_74 = arith.extui %lt3A_73 : i1 to i32
      %cond3A_75 = arith.constant 0 : i32
      %cond3A_76 = arith.cmpi ne, %convert_element_type3A_74, %cond3A_75 : i32
      scf.if %cond3A_76 {
        %add3A_77 = arith.constant 2 : i32
        %add3A_78 = arith.addi %add3A_72, %add3A_77 : i32
        %lt3A_79 = arith.cmpi slt, %add3A_78, %add3A_8 : i32
        %convert_element_type3A_80 = arith.extui %lt3A_79 : i1 to i32
        %cond3A_81 = arith.constant 0 : i32
        %cond3A_82 = arith.cmpi ne, %convert_element_type3A_80, %cond3A_81 : i32
        scf.if %cond3A_82 {
          %add3A_102 = arith.addi %add3A_4, %add3A_72 : i32
          %add3A_103 = arith.constant 2 : i32
          %add3A_104 = arith.addi %add3A_102, %add3A_103 : i32
          %mul3A_105 = arith.constant 128 : i32
          %mul3A_106 = arith.muli %add3A_104, %mul3A_105 : i32
          %multiple_of3A_107 = tpu.assume_multiple %mul3A_106, 128 : i32
          %dma_start3A_108 = arith.constant 0 : i32
          %dma_start3A_109 = tpu.memref_slice %arg2[%dma_start3A_108, %multiple_of3A_107] : memref<32x1000000xf32, #tpu.memory_space<hbm>> -> memref<32x128xf32, #tpu.memory_space<hbm>>
          %dma_start3A_110 = arith.constant 0 : i32
          %dma_start3A_111 = tpu.memref_slice %arg2[%dma_start3A_110, %multiple_of3A_107] : memref<32x1000000xf32, #tpu.memory_space<hbm>> -> memref<32x128xf32, #tpu.memory_space<hbm>>
          tpu.enqueue_dma source(%dma_start3A_111 : memref<32x128xf32, #tpu.memory_space<hbm>>) target(%arg5 : memref<32x128xf32, #tpu.memory_space<vmem>>) target_semaphore(%arg8 : memref<!tpu.dma_semaphore, #tpu.memory_space<semaphore_mem>>)
        } else {
        }
        %dma_wait3A_83 = arith.constant 0 : i32
        %dma_wait3A_84 = arith.constant 0 : i32
        %dma_wait3A_85 = tpu.memref_slice %arg2[%dma_wait3A_83, %dma_wait3A_84] : memref<32x1000000xf32, #tpu.memory_space<hbm>> -> memref<32x128xf32, #tpu.memory_space<hbm>>
        %dma_wait3A_86 = arith.constant 0 : i32
        %dma_wait3A_87 = arith.constant 0 : i32
        %dma_wait3A_88 = tpu.memref_slice %arg2[%dma_wait3A_86, %dma_wait3A_87] : memref<32x1000000xf32, #tpu.memory_space<hbm>> -> memref<32x128xf32, #tpu.memory_space<hbm>>
        tpu.wait_dma2 semaphore(%arg9 : memref<!tpu.dma_semaphore, #tpu.memory_space<semaphore_mem>>) src(%dma_wait3A_88 : memref<32x128xf32, #tpu.memory_space<hbm>>) dst(%arg6 : memref<32x128xf32, #tpu.memory_space<vmem>>)
        %ge3A = arith.constant 3 : i32
        %ge3A_89 = arith.cmpi sge, %add3A_72, %ge3A : i32
        %convert_element_type3A_90 = arith.extui %ge3A_89 : i1 to i32
        %cond3A_91 = arith.constant 0 : i32
        %cond3A_92 = arith.cmpi ne, %convert_element_type3A_90, %cond3A_91 : i32
        scf.if %cond3A_92 {
          %dma_wait3A_102 = arith.constant 0 : i32
          %dma_wait3A_103 = arith.constant 0 : i32
          %dma_wait3A_104 = arith.constant 0 : i32
          %dma_wait3A_105 = tpu.memref_slice %arg3[%dma_wait3A_102, %dma_wait3A_103, %dma_wait3A_104] : memref<7812x32x128xf32, #tpu.memory_space<hbm>> -> memref<1x32x128xf32, #tpu.memory_space<hbm>>
          %dma_wait3A_106 = tpu.memref_squeeze %dma_wait3A_105 : memref<1x32x128xf32, #tpu.memory_space<hbm>> -> memref<32x128xf32, #tpu.memory_space<hbm>>
          %dma_wait3A_107 = arith.constant 0 : i32
          %dma_wait3A_108 = arith.constant 0 : i32
          %dma_wait3A_109 = tpu.memref_slice %arg3[%dma_wait3A_102, %dma_wait3A_107, %dma_wait3A_108] : memref<7812x32x128xf32, #tpu.memory_space<hbm>> -> memref<1x32x128xf32, #tpu.memory_space<hbm>>
          %dma_wait3A_110 = tpu.memref_squeeze %dma_wait3A_109 : memref<1x32x128xf32, #tpu.memory_space<hbm>> -> memref<32x128xf32, #tpu.memory_space<hbm>>
          tpu.wait_dma2 semaphore(%arg12 : memref<!tpu.dma_semaphore, #tpu.memory_space<semaphore_mem>>) src(%arg6 : memref<32x128xf32, #tpu.memory_space<vmem>>) dst(%dma_wait3A_110 : memref<32x128xf32, #tpu.memory_space<hbm>>)
        } else {
        }
        %add3A_93 = arith.addi %add3A_4, %add3A_72 : i32
        %dma_start3A_94 = arith.constant 0 : i32
        %dma_start3A_95 = arith.constant 0 : i32
        %dma_start3A_96 = tpu.memref_slice %arg3[%add3A_93, %dma_start3A_94, %dma_start3A_95] : memref<7812x32x128xf32, #tpu.memory_space<hbm>> -> memref<1x32x128xf32, #tpu.memory_space<hbm>>
        %dma_start3A_97 = tpu.memref_squeeze %dma_start3A_96 : memref<1x32x128xf32, #tpu.memory_space<hbm>> -> memref<32x128xf32, #tpu.memory_space<hbm>>
        %dma_start3A_98 = arith.constant 0 : i32
        %dma_start3A_99 = arith.constant 0 : i32
        %dma_start3A_100 = tpu.memref_slice %arg3[%add3A_93, %dma_start3A_98, %dma_start3A_99] : memref<7812x32x128xf32, #tpu.memory_space<hbm>> -> memref<1x32x128xf32, #tpu.memory_space<hbm>>
        %dma_start3A_101 = tpu.memref_squeeze %dma_start3A_100 : memref<1x32x128xf32, #tpu.memory_space<hbm>> -> memref<32x128xf32, #tpu.memory_space<hbm>>
        tpu.enqueue_dma source(%arg6 : memref<32x128xf32, #tpu.memory_space<vmem>>) target(%dma_start3A_101 : memref<32x128xf32, #tpu.memory_space<hbm>>) target_semaphore(%arg12 : memref<!tpu.dma_semaphore, #tpu.memory_space<semaphore_mem>>)
      } else {
      }
    }
    %scan3A_27 = arith.constant 82 : i32
    %dma_wait3A = arith.constant 0 : i32
    %dma_wait3A_28 = arith.constant 0 : i32
    %dma_wait3A_29 = arith.constant 0 : i32
    %dma_wait3A_30 = tpu.memref_slice %arg3[%dma_wait3A, %dma_wait3A_28, %dma_wait3A_29] : memref<7812x32x128xf32, #tpu.memory_space<hbm>> -> memref<1x32x128xf32, #tpu.memory_space<hbm>>
    %dma_wait3A_31 = tpu.memref_squeeze %dma_wait3A_30 : memref<1x32x128xf32, #tpu.memory_space<hbm>> -> memref<32x128xf32, #tpu.memory_space<hbm>>
    %dma_wait3A_32 = arith.constant 0 : i32
    %dma_wait3A_33 = arith.constant 0 : i32
    %dma_wait3A_34 = tpu.memref_slice %arg3[%dma_wait3A, %dma_wait3A_32, %dma_wait3A_33] : memref<7812x32x128xf32, #tpu.memory_space<hbm>> -> memref<1x32x128xf32, #tpu.memory_space<hbm>>
    %dma_wait3A_35 = tpu.memref_squeeze %dma_wait3A_34 : memref<1x32x128xf32, #tpu.memory_space<hbm>> -> memref<32x128xf32, #tpu.memory_space<hbm>>
    tpu.wait_dma2 semaphore(%arg10 : memref<!tpu.dma_semaphore, #tpu.memory_space<semaphore_mem>>) src(%arg4 : memref<32x128xf32, #tpu.memory_space<vmem>>) dst(%dma_wait3A_35 : memref<32x128xf32, #tpu.memory_space<hbm>>)
    %dma_wait3A_36 = arith.constant 0 : i32
    %dma_wait3A_37 = arith.constant 0 : i32
    %dma_wait3A_38 = arith.constant 0 : i32
    %dma_wait3A_39 = tpu.memref_slice %arg3[%dma_wait3A_36, %dma_wait3A_37, %dma_wait3A_38] : memref<7812x32x128xf32, #tpu.memory_space<hbm>> -> memref<1x32x128xf32, #tpu.memory_space<hbm>>
    %dma_wait3A_40 = tpu.memref_squeeze %dma_wait3A_39 : memref<1x32x128xf32, #tpu.memory_space<hbm>> -> memref<32x128xf32, #tpu.memory_space<hbm>>
    %dma_wait3A_41 = arith.constant 0 : i32
    %dma_wait3A_42 = arith.constant 0 : i32
    %dma_wait3A_43 = tpu.memref_slice %arg3[%dma_wait3A_36, %dma_wait3A_41, %dma_wait3A_42] : memref<7812x32x128xf32, #tpu.memory_space<hbm>> -> memref<1x32x128xf32, #tpu.memory_space<hbm>>
    %dma_wait3A_44 = tpu.memref_squeeze %dma_wait3A_43 : memref<1x32x128xf32, #tpu.memory_space<hbm>> -> memref<32x128xf32, #tpu.memory_space<hbm>>
    tpu.wait_dma2 semaphore(%arg11 : memref<!tpu.dma_semaphore, #tpu.memory_space<semaphore_mem>>) src(%arg5 : memref<32x128xf32, #tpu.memory_space<vmem>>) dst(%dma_wait3A_44 : memref<32x128xf32, #tpu.memory_space<hbm>>)
    %dma_wait3A_45 = arith.constant 0 : i32
    %dma_wait3A_46 = arith.constant 0 : i32
    %dma_wait3A_47 = arith.constant 0 : i32
    %dma_wait3A_48 = tpu.memref_slice %arg3[%dma_wait3A_45, %dma_wait3A_46, %dma_wait3A_47] : memref<7812x32x128xf32, #tpu.memory_space<hbm>> -> memref<1x32x128xf32, #tpu.memory_space<hbm>>
    %dma_wait3A_49 = tpu.memref_squeeze %dma_wait3A_48 : memref<1x32x128xf32, #tpu.memory_space<hbm>> -> memref<32x128xf32, #tpu.memory_space<hbm>>
    %dma_wait3A_50 = arith.constant 0 : i32
    %dma_wait3A_51 = arith.constant 0 : i32
    %dma_wait3A_52 = tpu.memref_slice %arg3[%dma_wait3A_45, %dma_wait3A_50, %dma_wait3A_51] : memref<7812x32x128xf32, #tpu.memory_space<hbm>> -> memref<1x32x128xf32, #tpu.memory_space<hbm>>
    %dma_wait3A_53 = tpu.memref_squeeze %dma_wait3A_52 : memref<1x32x128xf32, #tpu.memory_space<hbm>> -> memref<32x128xf32, #tpu.memory_space<hbm>>
    tpu.wait_dma2 semaphore(%arg12 : memref<!tpu.dma_semaphore, #tpu.memory_space<semaphore_mem>>) src(%arg6 : memref<32x128xf32, #tpu.memory_space<vmem>>) dst(%dma_wait3A_53 : memref<32x128xf32, #tpu.memory_space<hbm>>)
    return
  }
}

#map = affine_map<(d0, d1) -> (0, 0, 0)>
#map1 = affine_map<(d0, d1) -> (0, 0)>
module attributes {stable_mosaic.version = 14 : i64} {
  func.func @transpose_kernel(%arg0: i32, %arg1: i32, %arg2: memref<7812x32x128xf32, #tpu.memory_space<hbm>>, %arg3: memref<64x32xf32, #tpu.memory_space<hbm>>, %arg4: memref<250000x128xf32, #tpu.memory_space<hbm>>, %arg5: memref<32x129xf32, #tpu.memory_space<vmem>>, %arg6: memref<32x129xf32, #tpu.memory_space<vmem>>, %arg7: memref<32x129xf32, #tpu.memory_space<vmem>>, %arg8: memref<32x128xf32, #tpu.memory_space<vmem>>, %arg9: memref<32x128xf32, #tpu.memory_space<vmem>>, %arg10: memref<64x32xf32, #tpu.memory_space<vmem>>, %arg11: memref<!tpu.dma_semaphore, #tpu.memory_space<semaphore_mem>>, %arg12: memref<!tpu.dma_semaphore, #tpu.memory_space<semaphore_mem>>, %arg13: memref<!tpu.dma_semaphore, #tpu.memory_space<semaphore_mem>>, %arg14: memref<!tpu.dma_semaphore, #tpu.memory_space<semaphore_mem>>, %arg15: memref<!tpu.dma_semaphore, #tpu.memory_space<semaphore_mem>>) attributes {dimension_semantics = [#tpu.dimension_semantics<core_parallel>, #tpu.dimension_semantics<subcore_parallel>], iteration_bounds = array<i64: 2, 16>, scalar_prefetch = 0 : i64, scratch_operands = 11 : i64, tpu.core_type = #tpu.core_type<sc_vector_subcore>, window_params = [{transform_indices = #map}, {transform_indices = #map1}, {transform_indices = #map1}]} {
    %mul3A = arith.constant 2 : i32
    %mul3A_0 = arith.muli %arg1, %mul3A : i32
    %add3A = arith.addi %mul3A_0, %arg0 : i32
    %mul3A_1 = arith.constant 244 : i32
    %mul3A_2 = arith.muli %add3A, %mul3A_1 : i32
    %min3A = arith.constant 4 : i32
    %min3A_3 = arith.minsi %add3A, %min3A : i32
    %add3A_4 = arith.addi %mul3A_2, %min3A_3 : i32
    %lt3A = arith.constant 4 : i32
    %lt3A_5 = arith.cmpi slt, %add3A, %lt3A : i32
    %jit3A = arith.constant 1 : i32
    %jit3A_6 = arith.constant 0 : i32
    %select_n3A = arith.select %lt3A_5, %jit3A, %jit3A_6 : i32
    %add3A_7 = arith.constant 244 : i32
    %add3A_8 = arith.addi %add3A_7, %select_n3A : i32
    %iota3A = tpu.iota {dimensions = array<i32: 0>} : vector<16xi32>
    %add3A_9 = arith.constant 0 : i32
    %add3A_10 = vector.broadcast %add3A_9 : i32 to vector<16xi32>
    %add3A_11 = arith.addi %add3A_10, %iota3A : vector<16xi32>
    %iota3A_12 = tpu.iota {dimensions = array<i32: 0>} : vector<16xi32>
    %add3A_13 = arith.constant 16 : i32
    %add3A_14 = vector.broadcast %add3A_13 : i32 to vector<16xi32>
    %add3A_15 = arith.addi %add3A_14, %iota3A_12 : vector<16xi32>
    %dma_start3A = arith.constant 0 : i32
    %dma_start3A_16 = arith.constant 0 : i32
    %dma_start3A_17 = tpu.memref_slice %arg5[%dma_start3A, %dma_start3A_16] : memref<32x129xf32, #tpu.memory_space<vmem>> -> memref<32x128xf32, #tpu.memory_space<vmem>>
    %dma_start3A_18 = arith.constant 0 : i32
    %dma_start3A_19 = arith.constant 0 : i32
    %dma_start3A_20 = tpu.memref_slice %arg2[%add3A_4, %dma_start3A_18, %dma_start3A_19] : memref<7812x32x128xf32, #tpu.memory_space<hbm>> -> memref<1x32x128xf32, #tpu.memory_space<hbm>>
    %dma_start3A_21 = tpu.memref_squeeze %dma_start3A_20 : memref<1x32x128xf32, #tpu.memory_space<hbm>> -> memref<32x128xf32, #tpu.memory_space<hbm>>
    %dma_start3A_22 = arith.constant 0 : i32
    %dma_start3A_23 = arith.constant 0 : i32
    %dma_start3A_24 = tpu.memref_slice %arg5[%dma_start3A_22, %dma_start3A_23] : memref<32x129xf32, #tpu.memory_space<vmem>> -> memref<32x128xf32, #tpu.memory_space<vmem>>
    %dma_start3A_25 = arith.constant 0 : i32
    %dma_start3A_26 = arith.constant 0 : i32
    %dma_start3A_27 = tpu.memref_slice %arg2[%add3A_4, %dma_start3A_25, %dma_start3A_26] : memref<7812x32x128xf32, #tpu.memory_space<hbm>> -> memref<1x32x128xf32, #tpu.memory_space<hbm>>
    %dma_start3A_28 = tpu.memref_squeeze %dma_start3A_27 : memref<1x32x128xf32, #tpu.memory_space<hbm>> -> memref<32x128xf32, #tpu.memory_space<hbm>>
    tpu.enqueue_dma source(%dma_start3A_28 : memref<32x128xf32, #tpu.memory_space<hbm>>) target(%dma_start3A_24 : memref<32x128xf32, #tpu.memory_space<vmem>>) target_semaphore(%arg11 : memref<!tpu.dma_semaphore, #tpu.memory_space<semaphore_mem>>)
    %add3A_29 = arith.constant 1 : i32
    %add3A_30 = arith.addi %add3A_4, %add3A_29 : i32
    %dma_start3A_31 = arith.constant 0 : i32
    %dma_start3A_32 = arith.constant 0 : i32
    %dma_start3A_33 = tpu.memref_slice %arg6[%dma_start3A_31, %dma_start3A_32] : memref<32x129xf32, #tpu.memory_space<vmem>> -> memref<32x128xf32, #tpu.memory_space<vmem>>
    %dma_start3A_34 = arith.constant 0 : i32
    %dma_start3A_35 = arith.constant 0 : i32
    %dma_start3A_36 = tpu.memref_slice %arg2[%add3A_30, %dma_start3A_34, %dma_start3A_35] : memref<7812x32x128xf32, #tpu.memory_space<hbm>> -> memref<1x32x128xf32, #tpu.memory_space<hbm>>
    %dma_start3A_37 = tpu.memref_squeeze %dma_start3A_36 : memref<1x32x128xf32, #tpu.memory_space<hbm>> -> memref<32x128xf32, #tpu.memory_space<hbm>>
    %dma_start3A_38 = arith.constant 0 : i32
    %dma_start3A_39 = arith.constant 0 : i32
    %dma_start3A_40 = tpu.memref_slice %arg6[%dma_start3A_38, %dma_start3A_39] : memref<32x129xf32, #tpu.memory_space<vmem>> -> memref<32x128xf32, #tpu.memory_space<vmem>>
    %dma_start3A_41 = arith.constant 0 : i32
    %dma_start3A_42 = arith.constant 0 : i32
    %dma_start3A_43 = tpu.memref_slice %arg2[%add3A_30, %dma_start3A_41, %dma_start3A_42] : memref<7812x32x128xf32, #tpu.memory_space<hbm>> -> memref<1x32x128xf32, #tpu.memory_space<hbm>>
    %dma_start3A_44 = tpu.memref_squeeze %dma_start3A_43 : memref<1x32x128xf32, #tpu.memory_space<hbm>> -> memref<32x128xf32, #tpu.memory_space<hbm>>
    tpu.enqueue_dma source(%dma_start3A_44 : memref<32x128xf32, #tpu.memory_space<hbm>>) target(%dma_start3A_40 : memref<32x128xf32, #tpu.memory_space<vmem>>) target_semaphore(%arg12 : memref<!tpu.dma_semaphore, #tpu.memory_space<semaphore_mem>>)
    %scan3A = arith.constant 0 : i32
    %scan3A_45 = arith.constant 0 : i32
    %scan3A_46 = arith.constant 41 : i32
    %scan3A_47 = arith.addi %scan3A_45, %scan3A_46 : i32
    %scan3A_48 = arith.constant 1 : i32
    scf.for %scan3A_63 = %scan3A_45 to %scan3A_47 step %scan3A_48  : i32 {
      %mul3A_64 = arith.constant 6 : i32
      %mul3A_65 = arith.muli %mul3A_64, %scan3A_63 : i32
      %add3A_66 = arith.constant 0 : i32
      %add3A_67 = arith.addi %mul3A_65, %add3A_66 : i32
      %lt3A_68 = arith.cmpi slt, %add3A_67, %add3A_8 : i32
      %convert_element_type3A_69 = arith.extui %lt3A_68 : i1 to i32
      %cond3A_70 = arith.constant 0 : i32
      %cond3A_71 = arith.cmpi ne, %convert_element_type3A_69, %cond3A_70 : i32
      scf.if %cond3A_71 {
        %add3A_112 = arith.constant 2 : i32
        %add3A_113 = arith.addi %add3A_67, %add3A_112 : i32
        %lt3A_114 = arith.cmpi slt, %add3A_113, %add3A_8 : i32
        %convert_element_type3A_115 = arith.extui %lt3A_114 : i1 to i32
        %cond3A_116 = arith.constant 0 : i32
        %cond3A_117 = arith.cmpi ne, %convert_element_type3A_115, %cond3A_116 : i32
        scf.if %cond3A_117 {
          %add3A_146 = arith.addi %add3A_4, %add3A_67 : i32
          %add3A_147 = arith.constant 2 : i32
          %add3A_148 = arith.addi %add3A_146, %add3A_147 : i32
          %dma_start3A_149 = arith.constant 0 : i32
          %dma_start3A_150 = arith.constant 0 : i32
          %dma_start3A_151 = tpu.memref_slice %arg7[%dma_start3A_149, %dma_start3A_150] : memref<32x129xf32, #tpu.memory_space<vmem>> -> memref<32x128xf32, #tpu.memory_space<vmem>>
          %dma_start3A_152 = arith.constant 0 : i32
          %dma_start3A_153 = arith.constant 0 : i32
          %dma_start3A_154 = tpu.memref_slice %arg2[%add3A_148, %dma_start3A_152, %dma_start3A_153] : memref<7812x32x128xf32, #tpu.memory_space<hbm>> -> memref<1x32x128xf32, #tpu.memory_space<hbm>>
          %dma_start3A_155 = tpu.memref_squeeze %dma_start3A_154 : memref<1x32x128xf32, #tpu.memory_space<hbm>> -> memref<32x128xf32, #tpu.memory_space<hbm>>
          %dma_start3A_156 = arith.constant 0 : i32
          %dma_start3A_157 = arith.constant 0 : i32
          %dma_start3A_158 = tpu.memref_slice %arg7[%dma_start3A_156, %dma_start3A_157] : memref<32x129xf32, #tpu.memory_space<vmem>> -> memref<32x128xf32, #tpu.memory_space<vmem>>
          %dma_start3A_159 = arith.constant 0 : i32
          %dma_start3A_160 = arith.constant 0 : i32
          %dma_start3A_161 = tpu.memref_slice %arg2[%add3A_148, %dma_start3A_159, %dma_start3A_160] : memref<7812x32x128xf32, #tpu.memory_space<hbm>> -> memref<1x32x128xf32, #tpu.memory_space<hbm>>
          %dma_start3A_162 = tpu.memref_squeeze %dma_start3A_161 : memref<1x32x128xf32, #tpu.memory_space<hbm>> -> memref<32x128xf32, #tpu.memory_space<hbm>>
          tpu.enqueue_dma source(%dma_start3A_162 : memref<32x128xf32, #tpu.memory_space<hbm>>) target(%dma_start3A_158 : memref<32x128xf32, #tpu.memory_space<vmem>>) target_semaphore(%arg13 : memref<!tpu.dma_semaphore, #tpu.memory_space<semaphore_mem>>)
        } else {
        }
        %dma_wait3A_118 = arith.constant 0 : i32
        %dma_wait3A_119 = arith.constant 0 : i32
        %dma_wait3A_120 = arith.constant 0 : i32
        %dma_wait3A_121 = tpu.memref_slice %arg5[%dma_wait3A_119, %dma_wait3A_120] : memref<32x129xf32, #tpu.memory_space<vmem>> -> memref<32x128xf32, #tpu.memory_space<vmem>>
        %dma_wait3A_122 = arith.constant 0 : i32
        %dma_wait3A_123 = arith.constant 0 : i32
        %dma_wait3A_124 = tpu.memref_slice %arg2[%dma_wait3A_118, %dma_wait3A_122, %dma_wait3A_123] : memref<7812x32x128xf32, #tpu.memory_space<hbm>> -> memref<1x32x128xf32, #tpu.memory_space<hbm>>
        %dma_wait3A_125 = tpu.memref_squeeze %dma_wait3A_124 : memref<1x32x128xf32, #tpu.memory_space<hbm>> -> memref<32x128xf32, #tpu.memory_space<hbm>>
        %dma_wait3A_126 = arith.constant 0 : i32
        %dma_wait3A_127 = arith.constant 0 : i32
        %dma_wait3A_128 = tpu.memref_slice %arg5[%dma_wait3A_126, %dma_wait3A_127] : memref<32x129xf32, #tpu.memory_space<vmem>> -> memref<32x128xf32, #tpu.memory_space<vmem>>
        %dma_wait3A_129 = arith.constant 0 : i32
        %dma_wait3A_130 = arith.constant 0 : i32
        %dma_wait3A_131 = tpu.memref_slice %arg2[%dma_wait3A_118, %dma_wait3A_129, %dma_wait3A_130] : memref<7812x32x128xf32, #tpu.memory_space<hbm>> -> memref<1x32x128xf32, #tpu.memory_space<hbm>>
        %dma_wait3A_132 = tpu.memref_squeeze %dma_wait3A_131 : memref<1x32x128xf32, #tpu.memory_space<hbm>> -> memref<32x128xf32, #tpu.memory_space<hbm>>
        tpu.wait_dma2 semaphore(%arg11 : memref<!tpu.dma_semaphore, #tpu.memory_space<semaphore_mem>>) src(%dma_wait3A_132 : memref<32x128xf32, #tpu.memory_space<hbm>>) dst(%dma_wait3A_128 : memref<32x128xf32, #tpu.memory_space<vmem>>)
        %ge3A = arith.constant 2 : i32
        %ge3A_133 = arith.cmpi sge, %add3A_67, %ge3A : i32
        %convert_element_type3A_134 = arith.extui %ge3A_133 : i1 to i32
        %cond3A_135 = arith.constant 0 : i32
        %cond3A_136 = arith.cmpi ne, %convert_element_type3A_134, %cond3A_135 : i32
        scf.if %cond3A_136 {
          %dma_wait3A_146 = arith.constant 0 : i32
          %dma_wait3A_147 = arith.constant 0 : i32
          %dma_wait3A_148 = tpu.memref_slice %arg4[%dma_wait3A_146, %dma_wait3A_147] : memref<250000x128xf32, #tpu.memory_space<hbm>> -> memref<32x128xf32, #tpu.memory_space<hbm>>
          %dma_wait3A_149 = arith.constant 0 : i32
          %dma_wait3A_150 = arith.constant 0 : i32
          %dma_wait3A_151 = tpu.memref_slice %arg4[%dma_wait3A_149, %dma_wait3A_150] : memref<250000x128xf32, #tpu.memory_space<hbm>> -> memref<32x128xf32, #tpu.memory_space<hbm>>
          tpu.wait_dma2 semaphore(%arg14 : memref<!tpu.dma_semaphore, #tpu.memory_space<semaphore_mem>>) src(%arg8 : memref<32x128xf32, #tpu.memory_space<vmem>>) dst(%dma_wait3A_151 : memref<32x128xf32, #tpu.memory_space<hbm>>)
        } else {
        }
        %parallel_loop3A = arith.constant 0 : i32
        %parallel_loop3A_137 = arith.constant 32 : i32
        %parallel_loop3A_138 = arith.constant 1 : i32
        scf.for %parallel_loop3A_146 = %parallel_loop3A to %parallel_loop3A_137 step %parallel_loop3A_138  : i32 {
          %parallel_loop3A_147 = arith.constant 4 : i32
          %parallel_loop3A_148 = arith.muli %parallel_loop3A_147, %parallel_loop3A_146 : i32
          %parallel_loop3A_149 = arith.constant 0 : i32
          %parallel_loop3A_150 = arith.addi %parallel_loop3A_148, %parallel_loop3A_149 : i32
          %parallel_loop3A_151 = vector.broadcast %parallel_loop3A_150 : i32 to vector<16xi32>
          %parallel_loop3A_152 = tpu.vector_load_idx %arg5[%add3A_11, %parallel_loop3A_151] : memref<32x129xf32, #tpu.memory_space<vmem>>[vector<16xi32>, vector<16xi32>], vector<16xf32>,
          %parallel_loop3A_153 = arith.index_cast %parallel_loop3A_146 : i32 to index
          %parallel_loop3A_154 = arith.constant 0 : index
          %parallel_loop3A_155 = tpu.vector_load %arg8[%parallel_loop3A_153, %parallel_loop3A_154] {strides = array<i32>} : memref<32x128xf32, #tpu.memory_space<vmem>>, vector<16xf32>,
          tpu.vector_store %arg8[%parallel_loop3A_153, %parallel_loop3A_154], %parallel_loop3A_152 {strides = array<i32>} : memref<32x128xf32, #tpu.memory_space<vmem>>, vector<16xf32>,
          %parallel_loop3A_156 = arith.constant 4 : i32
          %parallel_loop3A_157 = arith.muli %parallel_loop3A_156, %parallel_loop3A_146 : i32
          %parallel_loop3A_158 = arith.constant 0 : i32
          %parallel_loop3A_159 = arith.addi %parallel_loop3A_157, %parallel_loop3A_158 : i32
          %parallel_loop3A_160 = vector.broadcast %parallel_loop3A_159 : i32 to vector<16xi32>
          %parallel_loop3A_161 = tpu.vector_load_idx %arg5[%add3A_15, %parallel_loop3A_160] : memref<32x129xf32, #tpu.memory_space<vmem>>[vector<16xi32>, vector<16xi32>], vector<16xf32>,
          %parallel_loop3A_162 = arith.index_cast %parallel_loop3A_146 : i32 to index
          %parallel_loop3A_163 = arith.constant 16 : index
          %parallel_loop3A_164 = tpu.vector_load %arg8[%parallel_loop3A_162, %parallel_loop3A_163] {strides = array<i32>} : memref<32x128xf32, #tpu.memory_space<vmem>>, vector<16xf32>,
          tpu.vector_store %arg8[%parallel_loop3A_162, %parallel_loop3A_163], %parallel_loop3A_161 {strides = array<i32>} : memref<32x128xf32, #tpu.memory_space<vmem>>, vector<16xf32>,
          %parallel_loop3A_165 = arith.constant 4 : i32
          %parallel_loop3A_166 = arith.muli %parallel_loop3A_165, %parallel_loop3A_146 : i32
          %parallel_loop3A_167 = arith.constant 1 : i32
          %parallel_loop3A_168 = arith.addi %parallel_loop3A_166, %parallel_loop3A_167 : i32
          %parallel_loop3A_169 = vector.broadcast %parallel_loop3A_168 : i32 to vector<16xi32>
          %parallel_loop3A_170 = tpu.vector_load_idx %arg5[%add3A_11, %parallel_loop3A_169] : memref<32x129xf32, #tpu.memory_space<vmem>>[vector<16xi32>, vector<16xi32>], vector<16xf32>,
          %parallel_loop3A_171 = arith.index_cast %parallel_loop3A_146 : i32 to index
          %parallel_loop3A_172 = arith.constant 32 : index
          %parallel_loop3A_173 = tpu.vector_load %arg8[%parallel_loop3A_171, %parallel_loop3A_172] {strides = array<i32>} : memref<32x128xf32, #tpu.memory_space<vmem>>, vector<16xf32>,
          tpu.vector_store %arg8[%parallel_loop3A_171, %parallel_loop3A_172], %parallel_loop3A_170 {strides = array<i32>} : memref<32x128xf32, #tpu.memory_space<vmem>>, vector<16xf32>,
          %parallel_loop3A_174 = arith.constant 4 : i32
          %parallel_loop3A_175 = arith.muli %parallel_loop3A_174, %parallel_loop3A_146 : i32
          %parallel_loop3A_176 = arith.constant 1 : i32
          %parallel_loop3A_177 = arith.addi %parallel_loop3A_175, %parallel_loop3A_176 : i32
          %parallel_loop3A_178 = vector.broadcast %parallel_loop3A_177 : i32 to vector<16xi32>
          %parallel_loop3A_179 = tpu.vector_load_idx %arg5[%add3A_15, %parallel_loop3A_178] : memref<32x129xf32, #tpu.memory_space<vmem>>[vector<16xi32>, vector<16xi32>], vector<16xf32>,
          %parallel_loop3A_180 = arith.index_cast %parallel_loop3A_146 : i32 to index
          %parallel_loop3A_181 = arith.constant 48 : index
          %parallel_loop3A_182 = tpu.vector_load %arg8[%parallel_loop3A_180, %parallel_loop3A_181] {strides = array<i32>} : memref<32x128xf32, #tpu.memory_space<vmem>>, vector<16xf32>,
          tpu.vector_store %arg8[%parallel_loop3A_180, %parallel_loop3A_181], %parallel_loop3A_179 {strides = array<i32>} : memref<32x128xf32, #tpu.memory_space<vmem>>, vector<16xf32>,
          %parallel_loop3A_183 = arith.constant 4 : i32
          %parallel_loop3A_184 = arith.muli %parallel_loop3A_183, %parallel_loop3A_146 : i32
          %parallel_loop3A_185 = arith.constant 2 : i32
          %parallel_loop3A_186 = arith.addi %parallel_loop3A_184, %parallel_loop3A_185 : i32
          %parallel_loop3A_187 = vector.broadcast %parallel_loop3A_186 : i32 to vector<16xi32>
          %parallel_loop3A_188 = tpu.vector_load_idx %arg5[%add3A_11, %parallel_loop3A_187] : memref<32x129xf32, #tpu.memory_space<vmem>>[vector<16xi32>, vector<16xi32>], vector<16xf32>,
          %parallel_loop3A_189 = arith.index_cast %parallel_loop3A_146 : i32 to index
          %parallel_loop3A_190 = arith.constant 64 : index
          %parallel_loop3A_191 = tpu.vector_load %arg8[%parallel_loop3A_189, %parallel_loop3A_190] {strides = array<i32>} : memref<32x128xf32, #tpu.memory_space<vmem>>, vector<16xf32>,
          tpu.vector_store %arg8[%parallel_loop3A_189, %parallel_loop3A_190], %parallel_loop3A_188 {strides = array<i32>} : memref<32x128xf32, #tpu.memory_space<vmem>>, vector<16xf32>,
          %parallel_loop3A_192 = arith.constant 4 : i32
          %parallel_loop3A_193 = arith.muli %parallel_loop3A_192, %parallel_loop3A_146 : i32
          %parallel_loop3A_194 = arith.constant 2 : i32
          %parallel_loop3A_195 = arith.addi %parallel_loop3A_193, %parallel_loop3A_194 : i32
          %parallel_loop3A_196 = vector.broadcast %parallel_loop3A_195 : i32 to vector<16xi32>
          %parallel_loop3A_197 = tpu.vector_load_idx %arg5[%add3A_15, %parallel_loop3A_196] : memref<32x129xf32, #tpu.memory_space<vmem>>[vector<16xi32>, vector<16xi32>], vector<16xf32>,
          %parallel_loop3A_198 = arith.index_cast %parallel_loop3A_146 : i32 to index
          %parallel_loop3A_199 = arith.constant 80 : index
          %parallel_loop3A_200 = tpu.vector_load %arg8[%parallel_loop3A_198, %parallel_loop3A_199] {strides = array<i32>} : memref<32x128xf32, #tpu.memory_space<vmem>>, vector<16xf32>,
          tpu.vector_store %arg8[%parallel_loop3A_198, %parallel_loop3A_199], %parallel_loop3A_197 {strides = array<i32>} : memref<32x128xf32, #tpu.memory_space<vmem>>, vector<16xf32>,
          %parallel_loop3A_201 = arith.constant 4 : i32
          %parallel_loop3A_202 = arith.muli %parallel_loop3A_201, %parallel_loop3A_146 : i32
          %parallel_loop3A_203 = arith.constant 3 : i32
          %parallel_loop3A_204 = arith.addi %parallel_loop3A_202, %parallel_loop3A_203 : i32
          %parallel_loop3A_205 = vector.broadcast %parallel_loop3A_204 : i32 to vector<16xi32>
          %parallel_loop3A_206 = tpu.vector_load_idx %arg5[%add3A_11, %parallel_loop3A_205] : memref<32x129xf32, #tpu.memory_space<vmem>>[vector<16xi32>, vector<16xi32>], vector<16xf32>,
          %parallel_loop3A_207 = arith.index_cast %parallel_loop3A_146 : i32 to index
          %parallel_loop3A_208 = arith.constant 96 : index
          %parallel_loop3A_209 = tpu.vector_load %arg8[%parallel_loop3A_207, %parallel_loop3A_208] {strides = array<i32>} : memref<32x128xf32, #tpu.memory_space<vmem>>, vector<16xf32>,
          tpu.vector_store %arg8[%parallel_loop3A_207, %parallel_loop3A_208], %parallel_loop3A_206 {strides = array<i32>} : memref<32x128xf32, #tpu.memory_space<vmem>>, vector<16xf32>,
          %parallel_loop3A_210 = arith.constant 4 : i32
          %parallel_loop3A_211 = arith.muli %parallel_loop3A_210, %parallel_loop3A_146 : i32
          %parallel_loop3A_212 = arith.constant 3 : i32
          %parallel_loop3A_213 = arith.addi %parallel_loop3A_211, %parallel_loop3A_212 : i32
          %parallel_loop3A_214 = vector.broadcast %parallel_loop3A_213 : i32 to vector<16xi32>
          %parallel_loop3A_215 = tpu.vector_load_idx %arg5[%add3A_15, %parallel_loop3A_214] : memref<32x129xf32, #tpu.memory_space<vmem>>[vector<16xi32>, vector<16xi32>], vector<16xf32>,
          %parallel_loop3A_216 = arith.index_cast %parallel_loop3A_146 : i32 to index
          %parallel_loop3A_217 = arith.constant 112 : index
          %parallel_loop3A_218 = tpu.vector_load %arg8[%parallel_loop3A_216, %parallel_loop3A_217] {strides = array<i32>} : memref<32x128xf32, #tpu.memory_space<vmem>>, vector<16xf32>,
          tpu.vector_store %arg8[%parallel_loop3A_216, %parallel_loop3A_217], %parallel_loop3A_215 {strides = array<i32>} : memref<32x128xf32, #tpu.memory_space<vmem>>, vector<16xf32>,
        } {sc.loop_unroll_factor = 4 : i64, sc.parallel_access}
        %add3A_139 = arith.addi %add3A_4, %add3A_67 : i32
        %mul3A_140 = arith.constant 32 : i32
        %mul3A_141 = arith.muli %add3A_139, %mul3A_140 : i32
        %dma_start3A_142 = arith.constant 0 : i32
        %dma_start3A_143 = tpu.memref_slice %arg4[%mul3A_141, %dma_start3A_142] : memref<250000x128xf32, #tpu.memory_space<hbm>> -> memref<32x128xf32, #tpu.memory_space<hbm>>
        %dma_start3A_144 = arith.constant 0 : i32
        %dma_start3A_145 = tpu.memref_slice %arg4[%mul3A_141, %dma_start3A_144] : memref<250000x128xf32, #tpu.memory_space<hbm>> -> memref<32x128xf32, #tpu.memory_space<hbm>>
        tpu.enqueue_dma source(%arg8 : memref<32x128xf32, #tpu.memory_space<vmem>>) target(%dma_start3A_145 : memref<32x128xf32, #tpu.memory_space<hbm>>) target_semaphore(%arg14 : memref<!tpu.dma_semaphore, #tpu.memory_space<semaphore_mem>>)
      } else {
      }
      %mul3A_72 = arith.constant 6 : i32
      %mul3A_73 = arith.muli %mul3A_72, %scan3A_63 : i32
      %add3A_74 = arith.constant 1 : i32
      %add3A_75 = arith.addi %mul3A_73, %add3A_74 : i32
      %lt3A_76 = arith.cmpi slt, %add3A_75, %add3A_8 : i32
      %convert_element_type3A_77 = arith.extui %lt3A_76 : i1 to i32
      %cond3A_78 = arith.constant 0 : i32
      %cond3A_79 = arith.cmpi ne, %convert_element_type3A_77, %cond3A_78 : i32
      scf.if %cond3A_79 {
        %add3A_112 = arith.constant 2 : i32
        %add3A_113 = arith.addi %add3A_75, %add3A_112 : i32
        %lt3A_114 = arith.cmpi slt, %add3A_113, %add3A_8 : i32
        %convert_element_type3A_115 = arith.extui %lt3A_114 : i1 to i32
        %cond3A_116 = arith.constant 0 : i32
        %cond3A_117 = arith.cmpi ne, %convert_element_type3A_115, %cond3A_116 : i32
        scf.if %cond3A_117 {
          %add3A_146 = arith.addi %add3A_4, %add3A_75 : i32
          %add3A_147 = arith.constant 2 : i32
          %add3A_148 = arith.addi %add3A_146, %add3A_147 : i32
          %dma_start3A_149 = arith.constant 0 : i32
          %dma_start3A_150 = arith.constant 0 : i32
          %dma_start3A_151 = tpu.memref_slice %arg5[%dma_start3A_149, %dma_start3A_150] : memref<32x129xf32, #tpu.memory_space<vmem>> -> memref<32x128xf32, #tpu.memory_space<vmem>>
          %dma_start3A_152 = arith.constant 0 : i32
          %dma_start3A_153 = arith.constant 0 : i32
          %dma_start3A_154 = tpu.memref_slice %arg2[%add3A_148, %dma_start3A_152, %dma_start3A_153] : memref<7812x32x128xf32, #tpu.memory_space<hbm>> -> memref<1x32x128xf32, #tpu.memory_space<hbm>>
          %dma_start3A_155 = tpu.memref_squeeze %dma_start3A_154 : memref<1x32x128xf32, #tpu.memory_space<hbm>> -> memref<32x128xf32, #tpu.memory_space<hbm>>
          %dma_start3A_156 = arith.constant 0 : i32
          %dma_start3A_157 = arith.constant 0 : i32
          %dma_start3A_158 = tpu.memref_slice %arg5[%dma_start3A_156, %dma_start3A_157] : memref<32x129xf32, #tpu.memory_space<vmem>> -> memref<32x128xf32, #tpu.memory_space<vmem>>
          %dma_start3A_159 = arith.constant 0 : i32
          %dma_start3A_160 = arith.constant 0 : i32
          %dma_start3A_161 = tpu.memref_slice %arg2[%add3A_148, %dma_start3A_159, %dma_start3A_160] : memref<7812x32x128xf32, #tpu.memory_space<hbm>> -> memref<1x32x128xf32, #tpu.memory_space<hbm>>
          %dma_start3A_162 = tpu.memref_squeeze %dma_start3A_161 : memref<1x32x128xf32, #tpu.memory_space<hbm>> -> memref<32x128xf32, #tpu.memory_space<hbm>>
          tpu.enqueue_dma source(%dma_start3A_162 : memref<32x128xf32, #tpu.memory_space<hbm>>) target(%dma_start3A_158 : memref<32x128xf32, #tpu.memory_space<vmem>>) target_semaphore(%arg11 : memref<!tpu.dma_semaphore, #tpu.memory_space<semaphore_mem>>)
        } else {
        }
        %dma_wait3A_118 = arith.constant 0 : i32
        %dma_wait3A_119 = arith.constant 0 : i32
        %dma_wait3A_120 = arith.constant 0 : i32
        %dma_wait3A_121 = tpu.memref_slice %arg6[%dma_wait3A_119, %dma_wait3A_120] : memref<32x129xf32, #tpu.memory_space<vmem>> -> memref<32x128xf32, #tpu.memory_space<vmem>>
        %dma_wait3A_122 = arith.constant 0 : i32
        %dma_wait3A_123 = arith.constant 0 : i32
        %dma_wait3A_124 = tpu.memref_slice %arg2[%dma_wait3A_118, %dma_wait3A_122, %dma_wait3A_123] : memref<7812x32x128xf32, #tpu.memory_space<hbm>> -> memref<1x32x128xf32, #tpu.memory_space<hbm>>
        %dma_wait3A_125 = tpu.memref_squeeze %dma_wait3A_124 : memref<1x32x128xf32, #tpu.memory_space<hbm>> -> memref<32x128xf32, #tpu.memory_space<hbm>>
        %dma_wait3A_126 = arith.constant 0 : i32
        %dma_wait3A_127 = arith.constant 0 : i32
        %dma_wait3A_128 = tpu.memref_slice %arg6[%dma_wait3A_126, %dma_wait3A_127] : memref<32x129xf32, #tpu.memory_space<vmem>> -> memref<32x128xf32, #tpu.memory_space<vmem>>
        %dma_wait3A_129 = arith.constant 0 : i32
        %dma_wait3A_130 = arith.constant 0 : i32
        %dma_wait3A_131 = tpu.memref_slice %arg2[%dma_wait3A_118, %dma_wait3A_129, %dma_wait3A_130] : memref<7812x32x128xf32, #tpu.memory_space<hbm>> -> memref<1x32x128xf32, #tpu.memory_space<hbm>>
        %dma_wait3A_132 = tpu.memref_squeeze %dma_wait3A_131 : memref<1x32x128xf32, #tpu.memory_space<hbm>> -> memref<32x128xf32, #tpu.memory_space<hbm>>
        tpu.wait_dma2 semaphore(%arg12 : memref<!tpu.dma_semaphore, #tpu.memory_space<semaphore_mem>>) src(%dma_wait3A_132 : memref<32x128xf32, #tpu.memory_space<hbm>>) dst(%dma_wait3A_128 : memref<32x128xf32, #tpu.memory_space<vmem>>)
        %ge3A = arith.constant 2 : i32
        %ge3A_133 = arith.cmpi sge, %add3A_75, %ge3A : i32
        %convert_element_type3A_134 = arith.extui %ge3A_133 : i1 to i32
        %cond3A_135 = arith.constant 0 : i32
        %cond3A_136 = arith.cmpi ne, %convert_element_type3A_134, %cond3A_135 : i32
        scf.if %cond3A_136 {
          %dma_wait3A_146 = arith.constant 0 : i32
          %dma_wait3A_147 = arith.constant 0 : i32
          %dma_wait3A_148 = tpu.memref_slice %arg4[%dma_wait3A_146, %dma_wait3A_147] : memref<250000x128xf32, #tpu.memory_space<hbm>> -> memref<32x128xf32, #tpu.memory_space<hbm>>
          %dma_wait3A_149 = arith.constant 0 : i32
          %dma_wait3A_150 = arith.constant 0 : i32
          %dma_wait3A_151 = tpu.memref_slice %arg4[%dma_wait3A_149, %dma_wait3A_150] : memref<250000x128xf32, #tpu.memory_space<hbm>> -> memref<32x128xf32, #tpu.memory_space<hbm>>
          tpu.wait_dma2 semaphore(%arg15 : memref<!tpu.dma_semaphore, #tpu.memory_space<semaphore_mem>>) src(%arg9 : memref<32x128xf32, #tpu.memory_space<vmem>>) dst(%dma_wait3A_151 : memref<32x128xf32, #tpu.memory_space<hbm>>)
        } else {
        }
        %parallel_loop3A = arith.constant 0 : i32
        %parallel_loop3A_137 = arith.constant 32 : i32
        %parallel_loop3A_138 = arith.constant 1 : i32
        scf.for %parallel_loop3A_146 = %parallel_loop3A to %parallel_loop3A_137 step %parallel_loop3A_138  : i32 {
          %parallel_loop3A_147 = arith.constant 4 : i32
          %parallel_loop3A_148 = arith.muli %parallel_loop3A_147, %parallel_loop3A_146 : i32
          %parallel_loop3A_149 = arith.constant 0 : i32
          %parallel_loop3A_150 = arith.addi %parallel_loop3A_148, %parallel_loop3A_149 : i32
          %parallel_loop3A_151 = vector.broadcast %parallel_loop3A_150 : i32 to vector<16xi32>
          %parallel_loop3A_152 = tpu.vector_load_idx %arg6[%add3A_11, %parallel_loop3A_151] : memref<32x129xf32, #tpu.memory_space<vmem>>[vector<16xi32>, vector<16xi32>], vector<16xf32>,
          %parallel_loop3A_153 = arith.index_cast %parallel_loop3A_146 : i32 to index
          %parallel_loop3A_154 = arith.constant 0 : index
          %parallel_loop3A_155 = tpu.vector_load %arg9[%parallel_loop3A_153, %parallel_loop3A_154] {strides = array<i32>} : memref<32x128xf32, #tpu.memory_space<vmem>>, vector<16xf32>,
          tpu.vector_store %arg9[%parallel_loop3A_153, %parallel_loop3A_154], %parallel_loop3A_152 {strides = array<i32>} : memref<32x128xf32, #tpu.memory_space<vmem>>, vector<16xf32>,
          %parallel_loop3A_156 = arith.constant 4 : i32
          %parallel_loop3A_157 = arith.muli %parallel_loop3A_156, %parallel_loop3A_146 : i32
          %parallel_loop3A_158 = arith.constant 0 : i32
          %parallel_loop3A_159 = arith.addi %parallel_loop3A_157, %parallel_loop3A_158 : i32
          %parallel_loop3A_160 = vector.broadcast %parallel_loop3A_159 : i32 to vector<16xi32>
          %parallel_loop3A_161 = tpu.vector_load_idx %arg6[%add3A_15, %parallel_loop3A_160] : memref<32x129xf32, #tpu.memory_space<vmem>>[vector<16xi32>, vector<16xi32>], vector<16xf32>,
          %parallel_loop3A_162 = arith.index_cast %parallel_loop3A_146 : i32 to index
          %parallel_loop3A_163 = arith.constant 16 : index
          %parallel_loop3A_164 = tpu.vector_load %arg9[%parallel_loop3A_162, %parallel_loop3A_163] {strides = array<i32>} : memref<32x128xf32, #tpu.memory_space<vmem>>, vector<16xf32>,
          tpu.vector_store %arg9[%parallel_loop3A_162, %parallel_loop3A_163], %parallel_loop3A_161 {strides = array<i32>} : memref<32x128xf32, #tpu.memory_space<vmem>>, vector<16xf32>,
          %parallel_loop3A_165 = arith.constant 4 : i32
          %parallel_loop3A_166 = arith.muli %parallel_loop3A_165, %parallel_loop3A_146 : i32
          %parallel_loop3A_167 = arith.constant 1 : i32
          %parallel_loop3A_168 = arith.addi %parallel_loop3A_166, %parallel_loop3A_167 : i32
          %parallel_loop3A_169 = vector.broadcast %parallel_loop3A_168 : i32 to vector<16xi32>
          %parallel_loop3A_170 = tpu.vector_load_idx %arg6[%add3A_11, %parallel_loop3A_169] : memref<32x129xf32, #tpu.memory_space<vmem>>[vector<16xi32>, vector<16xi32>], vector<16xf32>,
          %parallel_loop3A_171 = arith.index_cast %parallel_loop3A_146 : i32 to index
          %parallel_loop3A_172 = arith.constant 32 : index
          %parallel_loop3A_173 = tpu.vector_load %arg9[%parallel_loop3A_171, %parallel_loop3A_172] {strides = array<i32>} : memref<32x128xf32, #tpu.memory_space<vmem>>, vector<16xf32>,
          tpu.vector_store %arg9[%parallel_loop3A_171, %parallel_loop3A_172], %parallel_loop3A_170 {strides = array<i32>} : memref<32x128xf32, #tpu.memory_space<vmem>>, vector<16xf32>,
          %parallel_loop3A_174 = arith.constant 4 : i32
          %parallel_loop3A_175 = arith.muli %parallel_loop3A_174, %parallel_loop3A_146 : i32
          %parallel_loop3A_176 = arith.constant 1 : i32
          %parallel_loop3A_177 = arith.addi %parallel_loop3A_175, %parallel_loop3A_176 : i32
          %parallel_loop3A_178 = vector.broadcast %parallel_loop3A_177 : i32 to vector<16xi32>
          %parallel_loop3A_179 = tpu.vector_load_idx %arg6[%add3A_15, %parallel_loop3A_178] : memref<32x129xf32, #tpu.memory_space<vmem>>[vector<16xi32>, vector<16xi32>], vector<16xf32>,
          %parallel_loop3A_180 = arith.index_cast %parallel_loop3A_146 : i32 to index
          %parallel_loop3A_181 = arith.constant 48 : index
          %parallel_loop3A_182 = tpu.vector_load %arg9[%parallel_loop3A_180, %parallel_loop3A_181] {strides = array<i32>} : memref<32x128xf32, #tpu.memory_space<vmem>>, vector<16xf32>,
          tpu.vector_store %arg9[%parallel_loop3A_180, %parallel_loop3A_181], %parallel_loop3A_179 {strides = array<i32>} : memref<32x128xf32, #tpu.memory_space<vmem>>, vector<16xf32>,
          %parallel_loop3A_183 = arith.constant 4 : i32
          %parallel_loop3A_184 = arith.muli %parallel_loop3A_183, %parallel_loop3A_146 : i32
          %parallel_loop3A_185 = arith.constant 2 : i32
          %parallel_loop3A_186 = arith.addi %parallel_loop3A_184, %parallel_loop3A_185 : i32
          %parallel_loop3A_187 = vector.broadcast %parallel_loop3A_186 : i32 to vector<16xi32>
          %parallel_loop3A_188 = tpu.vector_load_idx %arg6[%add3A_11, %parallel_loop3A_187] : memref<32x129xf32, #tpu.memory_space<vmem>>[vector<16xi32>, vector<16xi32>], vector<16xf32>,
          %parallel_loop3A_189 = arith.index_cast %parallel_loop3A_146 : i32 to index
          %parallel_loop3A_190 = arith.constant 64 : index
          %parallel_loop3A_191 = tpu.vector_load %arg9[%parallel_loop3A_189, %parallel_loop3A_190] {strides = array<i32>} : memref<32x128xf32, #tpu.memory_space<vmem>>, vector<16xf32>,
          tpu.vector_store %arg9[%parallel_loop3A_189, %parallel_loop3A_190], %parallel_loop3A_188 {strides = array<i32>} : memref<32x128xf32, #tpu.memory_space<vmem>>, vector<16xf32>,
          %parallel_loop3A_192 = arith.constant 4 : i32
          %parallel_loop3A_193 = arith.muli %parallel_loop3A_192, %parallel_loop3A_146 : i32
          %parallel_loop3A_194 = arith.constant 2 : i32
          %parallel_loop3A_195 = arith.addi %parallel_loop3A_193, %parallel_loop3A_194 : i32
          %parallel_loop3A_196 = vector.broadcast %parallel_loop3A_195 : i32 to vector<16xi32>
          %parallel_loop3A_197 = tpu.vector_load_idx %arg6[%add3A_15, %parallel_loop3A_196] : memref<32x129xf32, #tpu.memory_space<vmem>>[vector<16xi32>, vector<16xi32>], vector<16xf32>,
          %parallel_loop3A_198 = arith.index_cast %parallel_loop3A_146 : i32 to index
          %parallel_loop3A_199 = arith.constant 80 : index
          %parallel_loop3A_200 = tpu.vector_load %arg9[%parallel_loop3A_198, %parallel_loop3A_199] {strides = array<i32>} : memref<32x128xf32, #tpu.memory_space<vmem>>, vector<16xf32>,
          tpu.vector_store %arg9[%parallel_loop3A_198, %parallel_loop3A_199], %parallel_loop3A_197 {strides = array<i32>} : memref<32x128xf32, #tpu.memory_space<vmem>>, vector<16xf32>,
          %parallel_loop3A_201 = arith.constant 4 : i32
          %parallel_loop3A_202 = arith.muli %parallel_loop3A_201, %parallel_loop3A_146 : i32
          %parallel_loop3A_203 = arith.constant 3 : i32
          %parallel_loop3A_204 = arith.addi %parallel_loop3A_202, %parallel_loop3A_203 : i32
          %parallel_loop3A_205 = vector.broadcast %parallel_loop3A_204 : i32 to vector<16xi32>
          %parallel_loop3A_206 = tpu.vector_load_idx %arg6[%add3A_11, %parallel_loop3A_205] : memref<32x129xf32, #tpu.memory_space<vmem>>[vector<16xi32>, vector<16xi32>], vector<16xf32>,
          %parallel_loop3A_207 = arith.index_cast %parallel_loop3A_146 : i32 to index
          %parallel_loop3A_208 = arith.constant 96 : index
          %parallel_loop3A_209 = tpu.vector_load %arg9[%parallel_loop3A_207, %parallel_loop3A_208] {strides = array<i32>} : memref<32x128xf32, #tpu.memory_space<vmem>>, vector<16xf32>,
          tpu.vector_store %arg9[%parallel_loop3A_207, %parallel_loop3A_208], %parallel_loop3A_206 {strides = array<i32>} : memref<32x128xf32, #tpu.memory_space<vmem>>, vector<16xf32>,
          %parallel_loop3A_210 = arith.constant 4 : i32
          %parallel_loop3A_211 = arith.muli %parallel_loop3A_210, %parallel_loop3A_146 : i32
          %parallel_loop3A_212 = arith.constant 3 : i32
          %parallel_loop3A_213 = arith.addi %parallel_loop3A_211, %parallel_loop3A_212 : i32
          %parallel_loop3A_214 = vector.broadcast %parallel_loop3A_213 : i32 to vector<16xi32>
          %parallel_loop3A_215 = tpu.vector_load_idx %arg6[%add3A_15, %parallel_loop3A_214] : memref<32x129xf32, #tpu.memory_space<vmem>>[vector<16xi32>, vector<16xi32>], vector<16xf32>,
          %parallel_loop3A_216 = arith.index_cast %parallel_loop3A_146 : i32 to index
          %parallel_loop3A_217 = arith.constant 112 : index
          %parallel_loop3A_218 = tpu.vector_load %arg9[%parallel_loop3A_216, %parallel_loop3A_217] {strides = array<i32>} : memref<32x128xf32, #tpu.memory_space<vmem>>, vector<16xf32>,
          tpu.vector_store %arg9[%parallel_loop3A_216, %parallel_loop3A_217], %parallel_loop3A_215 {strides = array<i32>} : memref<32x128xf32, #tpu.memory_space<vmem>>, vector<16xf32>,
        } {sc.loop_unroll_factor = 4 : i64, sc.parallel_access}
        %add3A_139 = arith.addi %add3A_4, %add3A_75 : i32
        %mul3A_140 = arith.constant 32 : i32
        %mul3A_141 = arith.muli %add3A_139, %mul3A_140 : i32
        %dma_start3A_142 = arith.constant 0 : i32
        %dma_start3A_143 = tpu.memref_slice %arg4[%mul3A_141, %dma_start3A_142] : memref<250000x128xf32, #tpu.memory_space<hbm>> -> memref<32x128xf32, #tpu.memory_space<hbm>>
        %dma_start3A_144 = arith.constant 0 : i32
        %dma_start3A_145 = tpu.memref_slice %arg4[%mul3A_141, %dma_start3A_144] : memref<250000x128xf32, #tpu.memory_space<hbm>> -> memref<32x128xf32, #tpu.memory_space<hbm>>
        tpu.enqueue_dma source(%arg9 : memref<32x128xf32, #tpu.memory_space<vmem>>) target(%dma_start3A_145 : memref<32x128xf32, #tpu.memory_space<hbm>>) target_semaphore(%arg15 : memref<!tpu.dma_semaphore, #tpu.memory_space<semaphore_mem>>)
      } else {
      }
      %mul3A_80 = arith.constant 6 : i32
      %mul3A_81 = arith.muli %mul3A_80, %scan3A_63 : i32
      %add3A_82 = arith.constant 2 : i32
      %add3A_83 = arith.addi %mul3A_81, %add3A_82 : i32
      %lt3A_84 = arith.cmpi slt, %add3A_83, %add3A_8 : i32
      %convert_element_type3A_85 = arith.extui %lt3A_84 : i1 to i32
      %cond3A_86 = arith.constant 0 : i32
      %cond3A_87 = arith.cmpi ne, %convert_element_type3A_85, %cond3A_86 : i32
      scf.if %cond3A_87 {
        %add3A_112 = arith.constant 2 : i32
        %add3A_113 = arith.addi %add3A_83, %add3A_112 : i32
        %lt3A_114 = arith.cmpi slt, %add3A_113, %add3A_8 : i32
        %convert_element_type3A_115 = arith.extui %lt3A_114 : i1 to i32
        %cond3A_116 = arith.constant 0 : i32
        %cond3A_117 = arith.cmpi ne, %convert_element_type3A_115, %cond3A_116 : i32
        scf.if %cond3A_117 {
          %add3A_146 = arith.addi %add3A_4, %add3A_83 : i32
          %add3A_147 = arith.constant 2 : i32
          %add3A_148 = arith.addi %add3A_146, %add3A_147 : i32
          %dma_start3A_149 = arith.constant 0 : i32
          %dma_start3A_150 = arith.constant 0 : i32
          %dma_start3A_151 = tpu.memref_slice %arg6[%dma_start3A_149, %dma_start3A_150] : memref<32x129xf32, #tpu.memory_space<vmem>> -> memref<32x128xf32, #tpu.memory_space<vmem>>
          %dma_start3A_152 = arith.constant 0 : i32
          %dma_start3A_153 = arith.constant 0 : i32
          %dma_start3A_154 = tpu.memref_slice %arg2[%add3A_148, %dma_start3A_152, %dma_start3A_153] : memref<7812x32x128xf32, #tpu.memory_space<hbm>> -> memref<1x32x128xf32, #tpu.memory_space<hbm>>
          %dma_start3A_155 = tpu.memref_squeeze %dma_start3A_154 : memref<1x32x128xf32, #tpu.memory_space<hbm>> -> memref<32x128xf32, #tpu.memory_space<hbm>>
          %dma_start3A_156 = arith.constant 0 : i32
          %dma_start3A_157 = arith.constant 0 : i32
          %dma_start3A_158 = tpu.memref_slice %arg6[%dma_start3A_156, %dma_start3A_157] : memref<32x129xf32, #tpu.memory_space<vmem>> -> memref<32x128xf32, #tpu.memory_space<vmem>>
          %dma_start3A_159 = arith.constant 0 : i32
          %dma_start3A_160 = arith.constant 0 : i32
          %dma_start3A_161 = tpu.memref_slice %arg2[%add3A_148, %dma_start3A_159, %dma_start3A_160] : memref<7812x32x128xf32, #tpu.memory_space<hbm>> -> memref<1x32x128xf32, #tpu.memory_space<hbm>>
          %dma_start3A_162 = tpu.memref_squeeze %dma_start3A_161 : memref<1x32x128xf32, #tpu.memory_space<hbm>> -> memref<32x128xf32, #tpu.memory_space<hbm>>
          tpu.enqueue_dma source(%dma_start3A_162 : memref<32x128xf32, #tpu.memory_space<hbm>>) target(%dma_start3A_158 : memref<32x128xf32, #tpu.memory_space<vmem>>) target_semaphore(%arg12 : memref<!tpu.dma_semaphore, #tpu.memory_space<semaphore_mem>>)
        } else {
        }
        %dma_wait3A_118 = arith.constant 0 : i32
        %dma_wait3A_119 = arith.constant 0 : i32
        %dma_wait3A_120 = arith.constant 0 : i32
        %dma_wait3A_121 = tpu.memref_slice %arg7[%dma_wait3A_119, %dma_wait3A_120] : memref<32x129xf32, #tpu.memory_space<vmem>> -> memref<32x128xf32, #tpu.memory_space<vmem>>
        %dma_wait3A_122 = arith.constant 0 : i32
        %dma_wait3A_123 = arith.constant 0 : i32
        %dma_wait3A_124 = tpu.memref_slice %arg2[%dma_wait3A_118, %dma_wait3A_122, %dma_wait3A_123] : memref<7812x32x128xf32, #tpu.memory_space<hbm>> -> memref<1x32x128xf32, #tpu.memory_space<hbm>>
        %dma_wait3A_125 = tpu.memref_squeeze %dma_wait3A_124 : memref<1x32x128xf32, #tpu.memory_space<hbm>> -> memref<32x128xf32, #tpu.memory_space<hbm>>
        %dma_wait3A_126 = arith.constant 0 : i32
        %dma_wait3A_127 = arith.constant 0 : i32
        %dma_wait3A_128 = tpu.memref_slice %arg7[%dma_wait3A_126, %dma_wait3A_127] : memref<32x129xf32, #tpu.memory_space<vmem>> -> memref<32x128xf32, #tpu.memory_space<vmem>>
        %dma_wait3A_129 = arith.constant 0 : i32
        %dma_wait3A_130 = arith.constant 0 : i32
        %dma_wait3A_131 = tpu.memref_slice %arg2[%dma_wait3A_118, %dma_wait3A_129, %dma_wait3A_130] : memref<7812x32x128xf32, #tpu.memory_space<hbm>> -> memref<1x32x128xf32, #tpu.memory_space<hbm>>
        %dma_wait3A_132 = tpu.memref_squeeze %dma_wait3A_131 : memref<1x32x128xf32, #tpu.memory_space<hbm>> -> memref<32x128xf32, #tpu.memory_space<hbm>>
        tpu.wait_dma2 semaphore(%arg13 : memref<!tpu.dma_semaphore, #tpu.memory_space<semaphore_mem>>) src(%dma_wait3A_132 : memref<32x128xf32, #tpu.memory_space<hbm>>) dst(%dma_wait3A_128 : memref<32x128xf32, #tpu.memory_space<vmem>>)
        %ge3A = arith.constant 2 : i32
        %ge3A_133 = arith.cmpi sge, %add3A_83, %ge3A : i32
        %convert_element_type3A_134 = arith.extui %ge3A_133 : i1 to i32
        %cond3A_135 = arith.constant 0 : i32
        %cond3A_136 = arith.cmpi ne, %convert_element_type3A_134, %cond3A_135 : i32
        scf.if %cond3A_136 {
          %dma_wait3A_146 = arith.constant 0 : i32
          %dma_wait3A_147 = arith.constant 0 : i32
          %dma_wait3A_148 = tpu.memref_slice %arg4[%dma_wait3A_146, %dma_wait3A_147] : memref<250000x128xf32, #tpu.memory_space<hbm>> -> memref<32x128xf32, #tpu.memory_space<hbm>>
          %dma_wait3A_149 = arith.constant 0 : i32
          %dma_wait3A_150 = arith.constant 0 : i32
          %dma_wait3A_151 = tpu.memref_slice %arg4[%dma_wait3A_149, %dma_wait3A_150] : memref<250000x128xf32, #tpu.memory_space<hbm>> -> memref<32x128xf32, #tpu.memory_space<hbm>>
          tpu.wait_dma2 semaphore(%arg14 : memref<!tpu.dma_semaphore, #tpu.memory_space<semaphore_mem>>) src(%arg8 : memref<32x128xf32, #tpu.memory_space<vmem>>) dst(%dma_wait3A_151 : memref<32x128xf32, #tpu.memory_space<hbm>>)
        } else {
        }
        %parallel_loop3A = arith.constant 0 : i32
        %parallel_loop3A_137 = arith.constant 32 : i32
        %parallel_loop3A_138 = arith.constant 1 : i32
        scf.for %parallel_loop3A_146 = %parallel_loop3A to %parallel_loop3A_137 step %parallel_loop3A_138  : i32 {
          %parallel_loop3A_147 = arith.constant 4 : i32
          %parallel_loop3A_148 = arith.muli %parallel_loop3A_147, %parallel_loop3A_146 : i32
          %parallel_loop3A_149 = arith.constant 0 : i32
          %parallel_loop3A_150 = arith.addi %parallel_loop3A_148, %parallel_loop3A_149 : i32
          %parallel_loop3A_151 = vector.broadcast %parallel_loop3A_150 : i32 to vector<16xi32>
          %parallel_loop3A_152 = tpu.vector_load_idx %arg7[%add3A_11, %parallel_loop3A_151] : memref<32x129xf32, #tpu.memory_space<vmem>>[vector<16xi32>, vector<16xi32>], vector<16xf32>,
          %parallel_loop3A_153 = arith.index_cast %parallel_loop3A_146 : i32 to index
          %parallel_loop3A_154 = arith.constant 0 : index
          %parallel_loop3A_155 = tpu.vector_load %arg8[%parallel_loop3A_153, %parallel_loop3A_154] {strides = array<i32>} : memref<32x128xf32, #tpu.memory_space<vmem>>, vector<16xf32>,
          tpu.vector_store %arg8[%parallel_loop3A_153, %parallel_loop3A_154], %parallel_loop3A_152 {strides = array<i32>} : memref<32x128xf32, #tpu.memory_space<vmem>>, vector<16xf32>,
          %parallel_loop3A_156 = arith.constant 4 : i32
          %parallel_loop3A_157 = arith.muli %parallel_loop3A_156, %parallel_loop3A_146 : i32
          %parallel_loop3A_158 = arith.constant 0 : i32
          %parallel_loop3A_159 = arith.addi %parallel_loop3A_157, %parallel_loop3A_158 : i32
          %parallel_loop3A_160 = vector.broadcast %parallel_loop3A_159 : i32 to vector<16xi32>
          %parallel_loop3A_161 = tpu.vector_load_idx %arg7[%add3A_15, %parallel_loop3A_160] : memref<32x129xf32, #tpu.memory_space<vmem>>[vector<16xi32>, vector<16xi32>], vector<16xf32>,
          %parallel_loop3A_162 = arith.index_cast %parallel_loop3A_146 : i32 to index
          %parallel_loop3A_163 = arith.constant 16 : index
          %parallel_loop3A_164 = tpu.vector_load %arg8[%parallel_loop3A_162, %parallel_loop3A_163] {strides = array<i32>} : memref<32x128xf32, #tpu.memory_space<vmem>>, vector<16xf32>,
          tpu.vector_store %arg8[%parallel_loop3A_162, %parallel_loop3A_163], %parallel_loop3A_161 {strides = array<i32>} : memref<32x128xf32, #tpu.memory_space<vmem>>, vector<16xf32>,
          %parallel_loop3A_165 = arith.constant 4 : i32
          %parallel_loop3A_166 = arith.muli %parallel_loop3A_165, %parallel_loop3A_146 : i32
          %parallel_loop3A_167 = arith.constant 1 : i32
          %parallel_loop3A_168 = arith.addi %parallel_loop3A_166, %parallel_loop3A_167 : i32
          %parallel_loop3A_169 = vector.broadcast %parallel_loop3A_168 : i32 to vector<16xi32>
          %parallel_loop3A_170 = tpu.vector_load_idx %arg7[%add3A_11, %parallel_loop3A_169] : memref<32x129xf32, #tpu.memory_space<vmem>>[vector<16xi32>, vector<16xi32>], vector<16xf32>,
          %parallel_loop3A_171 = arith.index_cast %parallel_loop3A_146 : i32 to index
          %parallel_loop3A_172 = arith.constant 32 : index
          %parallel_loop3A_173 = tpu.vector_load %arg8[%parallel_loop3A_171, %parallel_loop3A_172] {strides = array<i32>} : memref<32x128xf32, #tpu.memory_space<vmem>>, vector<16xf32>,
          tpu.vector_store %arg8[%parallel_loop3A_171, %parallel_loop3A_172], %parallel_loop3A_170 {strides = array<i32>} : memref<32x128xf32, #tpu.memory_space<vmem>>, vector<16xf32>,
          %parallel_loop3A_174 = arith.constant 4 : i32
          %parallel_loop3A_175 = arith.muli %parallel_loop3A_174, %parallel_loop3A_146 : i32
          %parallel_loop3A_176 = arith.constant 1 : i32
          %parallel_loop3A_177 = arith.addi %parallel_loop3A_175, %parallel_loop3A_176 : i32
          %parallel_loop3A_178 = vector.broadcast %parallel_loop3A_177 : i32 to vector<16xi32>
          %parallel_loop3A_179 = tpu.vector_load_idx %arg7[%add3A_15, %parallel_loop3A_178] : memref<32x129xf32, #tpu.memory_space<vmem>>[vector<16xi32>, vector<16xi32>], vector<16xf32>,
          %parallel_loop3A_180 = arith.index_cast %parallel_loop3A_146 : i32 to index
          %parallel_loop3A_181 = arith.constant 48 : index
          %parallel_loop3A_182 = tpu.vector_load %arg8[%parallel_loop3A_180, %parallel_loop3A_181] {strides = array<i32>} : memref<32x128xf32, #tpu.memory_space<vmem>>, vector<16xf32>,
          tpu.vector_store %arg8[%parallel_loop3A_180, %parallel_loop3A_181], %parallel_loop3A_179 {strides = array<i32>} : memref<32x128xf32, #tpu.memory_space<vmem>>, vector<16xf32>,
          %parallel_loop3A_183 = arith.constant 4 : i32
          %parallel_loop3A_184 = arith.muli %parallel_loop3A_183, %parallel_loop3A_146 : i32
          %parallel_loop3A_185 = arith.constant 2 : i32
          %parallel_loop3A_186 = arith.addi %parallel_loop3A_184, %parallel_loop3A_185 : i32
          %parallel_loop3A_187 = vector.broadcast %parallel_loop3A_186 : i32 to vector<16xi32>
          %parallel_loop3A_188 = tpu.vector_load_idx %arg7[%add3A_11, %parallel_loop3A_187] : memref<32x129xf32, #tpu.memory_space<vmem>>[vector<16xi32>, vector<16xi32>], vector<16xf32>,
          %parallel_loop3A_189 = arith.index_cast %parallel_loop3A_146 : i32 to index
          %parallel_loop3A_190 = arith.constant 64 : index
          %parallel_loop3A_191 = tpu.vector_load %arg8[%parallel_loop3A_189, %parallel_loop3A_190] {strides = array<i32>} : memref<32x128xf32, #tpu.memory_space<vmem>>, vector<16xf32>,
          tpu.vector_store %arg8[%parallel_loop3A_189, %parallel_loop3A_190], %parallel_loop3A_188 {strides = array<i32>} : memref<32x128xf32, #tpu.memory_space<vmem>>, vector<16xf32>,
          %parallel_loop3A_192 = arith.constant 4 : i32
          %parallel_loop3A_193 = arith.muli %parallel_loop3A_192, %parallel_loop3A_146 : i32
          %parallel_loop3A_194 = arith.constant 2 : i32
          %parallel_loop3A_195 = arith.addi %parallel_loop3A_193, %parallel_loop3A_194 : i32
          %parallel_loop3A_196 = vector.broadcast %parallel_loop3A_195 : i32 to vector<16xi32>
          %parallel_loop3A_197 = tpu.vector_load_idx %arg7[%add3A_15, %parallel_loop3A_196] : memref<32x129xf32, #tpu.memory_space<vmem>>[vector<16xi32>, vector<16xi32>], vector<16xf32>,
          %parallel_loop3A_198 = arith.index_cast %parallel_loop3A_146 : i32 to index
          %parallel_loop3A_199 = arith.constant 80 : index
          %parallel_loop3A_200 = tpu.vector_load %arg8[%parallel_loop3A_198, %parallel_loop3A_199] {strides = array<i32>} : memref<32x128xf32, #tpu.memory_space<vmem>>, vector<16xf32>,
          tpu.vector_store %arg8[%parallel_loop3A_198, %parallel_loop3A_199], %parallel_loop3A_197 {strides = array<i32>} : memref<32x128xf32, #tpu.memory_space<vmem>>, vector<16xf32>,
          %parallel_loop3A_201 = arith.constant 4 : i32
          %parallel_loop3A_202 = arith.muli %parallel_loop3A_201, %parallel_loop3A_146 : i32
          %parallel_loop3A_203 = arith.constant 3 : i32
          %parallel_loop3A_204 = arith.addi %parallel_loop3A_202, %parallel_loop3A_203 : i32
          %parallel_loop3A_205 = vector.broadcast %parallel_loop3A_204 : i32 to vector<16xi32>
          %parallel_loop3A_206 = tpu.vector_load_idx %arg7[%add3A_11, %parallel_loop3A_205] : memref<32x129xf32, #tpu.memory_space<vmem>>[vector<16xi32>, vector<16xi32>], vector<16xf32>,
          %parallel_loop3A_207 = arith.index_cast %parallel_loop3A_146 : i32 to index
          %parallel_loop3A_208 = arith.constant 96 : index
          %parallel_loop3A_209 = tpu.vector_load %arg8[%parallel_loop3A_207, %parallel_loop3A_208] {strides = array<i32>} : memref<32x128xf32, #tpu.memory_space<vmem>>, vector<16xf32>,
          tpu.vector_store %arg8[%parallel_loop3A_207, %parallel_loop3A_208], %parallel_loop3A_206 {strides = array<i32>} : memref<32x128xf32, #tpu.memory_space<vmem>>, vector<16xf32>,
          %parallel_loop3A_210 = arith.constant 4 : i32
          %parallel_loop3A_211 = arith.muli %parallel_loop3A_210, %parallel_loop3A_146 : i32
          %parallel_loop3A_212 = arith.constant 3 : i32
          %parallel_loop3A_213 = arith.addi %parallel_loop3A_211, %parallel_loop3A_212 : i32
          %parallel_loop3A_214 = vector.broadcast %parallel_loop3A_213 : i32 to vector<16xi32>
          %parallel_loop3A_215 = tpu.vector_load_idx %arg7[%add3A_15, %parallel_loop3A_214] : memref<32x129xf32, #tpu.memory_space<vmem>>[vector<16xi32>, vector<16xi32>], vector<16xf32>,
          %parallel_loop3A_216 = arith.index_cast %parallel_loop3A_146 : i32 to index
          %parallel_loop3A_217 = arith.constant 112 : index
          %parallel_loop3A_218 = tpu.vector_load %arg8[%parallel_loop3A_216, %parallel_loop3A_217] {strides = array<i32>} : memref<32x128xf32, #tpu.memory_space<vmem>>, vector<16xf32>,
          tpu.vector_store %arg8[%parallel_loop3A_216, %parallel_loop3A_217], %parallel_loop3A_215 {strides = array<i32>} : memref<32x128xf32, #tpu.memory_space<vmem>>, vector<16xf32>,
        } {sc.loop_unroll_factor = 4 : i64, sc.parallel_access}
        %add3A_139 = arith.addi %add3A_4, %add3A_83 : i32
        %mul3A_140 = arith.constant 32 : i32
        %mul3A_141 = arith.muli %add3A_139, %mul3A_140 : i32
        %dma_start3A_142 = arith.constant 0 : i32
        %dma_start3A_143 = tpu.memref_slice %arg4[%mul3A_141, %dma_start3A_142] : memref<250000x128xf32, #tpu.memory_space<hbm>> -> memref<32x128xf32, #tpu.memory_space<hbm>>
        %dma_start3A_144 = arith.constant 0 : i32
        %dma_start3A_145 = tpu.memref_slice %arg4[%mul3A_141, %dma_start3A_144] : memref<250000x128xf32, #tpu.memory_space<hbm>> -> memref<32x128xf32, #tpu.memory_space<hbm>>
        tpu.enqueue_dma source(%arg8 : memref<32x128xf32, #tpu.memory_space<vmem>>) target(%dma_start3A_145 : memref<32x128xf32, #tpu.memory_space<hbm>>) target_semaphore(%arg14 : memref<!tpu.dma_semaphore, #tpu.memory_space<semaphore_mem>>)
      } else {
      }
      %mul3A_88 = arith.constant 6 : i32
      %mul3A_89 = arith.muli %mul3A_88, %scan3A_63 : i32
      %add3A_90 = arith.constant 3 : i32
      %add3A_91 = arith.addi %mul3A_89, %add3A_90 : i32
      %lt3A_92 = arith.cmpi slt, %add3A_91, %add3A_8 : i32
      %convert_element_type3A_93 = arith.extui %lt3A_92 : i1 to i32
      %cond3A_94 = arith.constant 0 : i32
      %cond3A_95 = arith.cmpi ne, %convert_element_type3A_93, %cond3A_94 : i32
      scf.if %cond3A_95 {
        %add3A_112 = arith.constant 2 : i32
        %add3A_113 = arith.addi %add3A_91, %add3A_112 : i32
        %lt3A_114 = arith.cmpi slt, %add3A_113, %add3A_8 : i32
        %convert_element_type3A_115 = arith.extui %lt3A_114 : i1 to i32
        %cond3A_116 = arith.constant 0 : i32
        %cond3A_117 = arith.cmpi ne, %convert_element_type3A_115, %cond3A_116 : i32
        scf.if %cond3A_117 {
          %add3A_146 = arith.addi %add3A_4, %add3A_91 : i32
          %add3A_147 = arith.constant 2 : i32
          %add3A_148 = arith.addi %add3A_146, %add3A_147 : i32
          %dma_start3A_149 = arith.constant 0 : i32
          %dma_start3A_150 = arith.constant 0 : i32
          %dma_start3A_151 = tpu.memref_slice %arg7[%dma_start3A_149, %dma_start3A_150] : memref<32x129xf32, #tpu.memory_space<vmem>> -> memref<32x128xf32, #tpu.memory_space<vmem>>
          %dma_start3A_152 = arith.constant 0 : i32
          %dma_start3A_153 = arith.constant 0 : i32
          %dma_start3A_154 = tpu.memref_slice %arg2[%add3A_148, %dma_start3A_152, %dma_start3A_153] : memref<7812x32x128xf32, #tpu.memory_space<hbm>> -> memref<1x32x128xf32, #tpu.memory_space<hbm>>
          %dma_start3A_155 = tpu.memref_squeeze %dma_start3A_154 : memref<1x32x128xf32, #tpu.memory_space<hbm>> -> memref<32x128xf32, #tpu.memory_space<hbm>>
          %dma_start3A_156 = arith.constant 0 : i32
          %dma_start3A_157 = arith.constant 0 : i32
          %dma_start3A_158 = tpu.memref_slice %arg7[%dma_start3A_156, %dma_start3A_157] : memref<32x129xf32, #tpu.memory_space<vmem>> -> memref<32x128xf32, #tpu.memory_space<vmem>>
          %dma_start3A_159 = arith.constant 0 : i32
          %dma_start3A_160 = arith.constant 0 : i32
          %dma_start3A_161 = tpu.memref_slice %arg2[%add3A_148, %dma_start3A_159, %dma_start3A_160] : memref<7812x32x128xf32, #tpu.memory_space<hbm>> -> memref<1x32x128xf32, #tpu.memory_space<hbm>>
          %dma_start3A_162 = tpu.memref_squeeze %dma_start3A_161 : memref<1x32x128xf32, #tpu.memory_space<hbm>> -> memref<32x128xf32, #tpu.memory_space<hbm>>
          tpu.enqueue_dma source(%dma_start3A_162 : memref<32x128xf32, #tpu.memory_space<hbm>>) target(%dma_start3A_158 : memref<32x128xf32, #tpu.memory_space<vmem>>) target_semaphore(%arg13 : memref<!tpu.dma_semaphore, #tpu.memory_space<semaphore_mem>>)
        } else {
        }
        %dma_wait3A_118 = arith.constant 0 : i32
        %dma_wait3A_119 = arith.constant 0 : i32
        %dma_wait3A_120 = arith.constant 0 : i32
        %dma_wait3A_121 = tpu.memref_slice %arg5[%dma_wait3A_119, %dma_wait3A_120] : memref<32x129xf32, #tpu.memory_space<vmem>> -> memref<32x128xf32, #tpu.memory_space<vmem>>
        %dma_wait3A_122 = arith.constant 0 : i32
        %dma_wait3A_123 = arith.constant 0 : i32
        %dma_wait3A_124 = tpu.memref_slice %arg2[%dma_wait3A_118, %dma_wait3A_122, %dma_wait3A_123] : memref<7812x32x128xf32, #tpu.memory_space<hbm>> -> memref<1x32x128xf32, #tpu.memory_space<hbm>>
        %dma_wait3A_125 = tpu.memref_squeeze %dma_wait3A_124 : memref<1x32x128xf32, #tpu.memory_space<hbm>> -> memref<32x128xf32, #tpu.memory_space<hbm>>
        %dma_wait3A_126 = arith.constant 0 : i32
        %dma_wait3A_127 = arith.constant 0 : i32
        %dma_wait3A_128 = tpu.memref_slice %arg5[%dma_wait3A_126, %dma_wait3A_127] : memref<32x129xf32, #tpu.memory_space<vmem>> -> memref<32x128xf32, #tpu.memory_space<vmem>>
        %dma_wait3A_129 = arith.constant 0 : i32
        %dma_wait3A_130 = arith.constant 0 : i32
        %dma_wait3A_131 = tpu.memref_slice %arg2[%dma_wait3A_118, %dma_wait3A_129, %dma_wait3A_130] : memref<7812x32x128xf32, #tpu.memory_space<hbm>> -> memref<1x32x128xf32, #tpu.memory_space<hbm>>
        %dma_wait3A_132 = tpu.memref_squeeze %dma_wait3A_131 : memref<1x32x128xf32, #tpu.memory_space<hbm>> -> memref<32x128xf32, #tpu.memory_space<hbm>>
        tpu.wait_dma2 semaphore(%arg11 : memref<!tpu.dma_semaphore, #tpu.memory_space<semaphore_mem>>) src(%dma_wait3A_132 : memref<32x128xf32, #tpu.memory_space<hbm>>) dst(%dma_wait3A_128 : memref<32x128xf32, #tpu.memory_space<vmem>>)
        %ge3A = arith.constant 2 : i32
        %ge3A_133 = arith.cmpi sge, %add3A_91, %ge3A : i32
        %convert_element_type3A_134 = arith.extui %ge3A_133 : i1 to i32
        %cond3A_135 = arith.constant 0 : i32
        %cond3A_136 = arith.cmpi ne, %convert_element_type3A_134, %cond3A_135 : i32
        scf.if %cond3A_136 {
          %dma_wait3A_146 = arith.constant 0 : i32
          %dma_wait3A_147 = arith.constant 0 : i32
          %dma_wait3A_148 = tpu.memref_slice %arg4[%dma_wait3A_146, %dma_wait3A_147] : memref<250000x128xf32, #tpu.memory_space<hbm>> -> memref<32x128xf32, #tpu.memory_space<hbm>>
          %dma_wait3A_149 = arith.constant 0 : i32
          %dma_wait3A_150 = arith.constant 0 : i32
          %dma_wait3A_151 = tpu.memref_slice %arg4[%dma_wait3A_149, %dma_wait3A_150] : memref<250000x128xf32, #tpu.memory_space<hbm>> -> memref<32x128xf32, #tpu.memory_space<hbm>>
          tpu.wait_dma2 semaphore(%arg15 : memref<!tpu.dma_semaphore, #tpu.memory_space<semaphore_mem>>) src(%arg9 : memref<32x128xf32, #tpu.memory_space<vmem>>) dst(%dma_wait3A_151 : memref<32x128xf32, #tpu.memory_space<hbm>>)
        } else {
        }
        %parallel_loop3A = arith.constant 0 : i32
        %parallel_loop3A_137 = arith.constant 32 : i32
        %parallel_loop3A_138 = arith.constant 1 : i32
        scf.for %parallel_loop3A_146 = %parallel_loop3A to %parallel_loop3A_137 step %parallel_loop3A_138  : i32 {
          %parallel_loop3A_147 = arith.constant 4 : i32
          %parallel_loop3A_148 = arith.muli %parallel_loop3A_147, %parallel_loop3A_146 : i32
          %parallel_loop3A_149 = arith.constant 0 : i32
          %parallel_loop3A_150 = arith.addi %parallel_loop3A_148, %parallel_loop3A_149 : i32
          %parallel_loop3A_151 = vector.broadcast %parallel_loop3A_150 : i32 to vector<16xi32>
          %parallel_loop3A_152 = tpu.vector_load_idx %arg5[%add3A_11, %parallel_loop3A_151] : memref<32x129xf32, #tpu.memory_space<vmem>>[vector<16xi32>, vector<16xi32>], vector<16xf32>,
          %parallel_loop3A_153 = arith.index_cast %parallel_loop3A_146 : i32 to index
          %parallel_loop3A_154 = arith.constant 0 : index
          %parallel_loop3A_155 = tpu.vector_load %arg9[%parallel_loop3A_153, %parallel_loop3A_154] {strides = array<i32>} : memref<32x128xf32, #tpu.memory_space<vmem>>, vector<16xf32>,
          tpu.vector_store %arg9[%parallel_loop3A_153, %parallel_loop3A_154], %parallel_loop3A_152 {strides = array<i32>} : memref<32x128xf32, #tpu.memory_space<vmem>>, vector<16xf32>,
          %parallel_loop3A_156 = arith.constant 4 : i32
          %parallel_loop3A_157 = arith.muli %parallel_loop3A_156, %parallel_loop3A_146 : i32
          %parallel_loop3A_158 = arith.constant 0 : i32
          %parallel_loop3A_159 = arith.addi %parallel_loop3A_157, %parallel_loop3A_158 : i32
          %parallel_loop3A_160 = vector.broadcast %parallel_loop3A_159 : i32 to vector<16xi32>
          %parallel_loop3A_161 = tpu.vector_load_idx %arg5[%add3A_15, %parallel_loop3A_160] : memref<32x129xf32, #tpu.memory_space<vmem>>[vector<16xi32>, vector<16xi32>], vector<16xf32>,
          %parallel_loop3A_162 = arith.index_cast %parallel_loop3A_146 : i32 to index
          %parallel_loop3A_163 = arith.constant 16 : index
          %parallel_loop3A_164 = tpu.vector_load %arg9[%parallel_loop3A_162, %parallel_loop3A_163] {strides = array<i32>} : memref<32x128xf32, #tpu.memory_space<vmem>>, vector<16xf32>,
          tpu.vector_store %arg9[%parallel_loop3A_162, %parallel_loop3A_163], %parallel_loop3A_161 {strides = array<i32>} : memref<32x128xf32, #tpu.memory_space<vmem>>, vector<16xf32>,
          %parallel_loop3A_165 = arith.constant 4 : i32
          %parallel_loop3A_166 = arith.muli %parallel_loop3A_165, %parallel_loop3A_146 : i32
          %parallel_loop3A_167 = arith.constant 1 : i32
          %parallel_loop3A_168 = arith.addi %parallel_loop3A_166, %parallel_loop3A_167 : i32
          %parallel_loop3A_169 = vector.broadcast %parallel_loop3A_168 : i32 to vector<16xi32>
          %parallel_loop3A_170 = tpu.vector_load_idx %arg5[%add3A_11, %parallel_loop3A_169] : memref<32x129xf32, #tpu.memory_space<vmem>>[vector<16xi32>, vector<16xi32>], vector<16xf32>,
          %parallel_loop3A_171 = arith.index_cast %parallel_loop3A_146 : i32 to index
          %parallel_loop3A_172 = arith.constant 32 : index
          %parallel_loop3A_173 = tpu.vector_load %arg9[%parallel_loop3A_171, %parallel_loop3A_172] {strides = array<i32>} : memref<32x128xf32, #tpu.memory_space<vmem>>, vector<16xf32>,
          tpu.vector_store %arg9[%parallel_loop3A_171, %parallel_loop3A_172], %parallel_loop3A_170 {strides = array<i32>} : memref<32x128xf32, #tpu.memory_space<vmem>>, vector<16xf32>,
          %parallel_loop3A_174 = arith.constant 4 : i32
          %parallel_loop3A_175 = arith.muli %parallel_loop3A_174, %parallel_loop3A_146 : i32
          %parallel_loop3A_176 = arith.constant 1 : i32
          %parallel_loop3A_177 = arith.addi %parallel_loop3A_175, %parallel_loop3A_176 : i32
          %parallel_loop3A_178 = vector.broadcast %parallel_loop3A_177 : i32 to vector<16xi32>
          %parallel_loop3A_179 = tpu.vector_load_idx %arg5[%add3A_15, %parallel_loop3A_178] : memref<32x129xf32, #tpu.memory_space<vmem>>[vector<16xi32>, vector<16xi32>], vector<16xf32>,
          %parallel_loop3A_180 = arith.index_cast %parallel_loop3A_146 : i32 to index
          %parallel_loop3A_181 = arith.constant 48 : index
          %parallel_loop3A_182 = tpu.vector_load %arg9[%parallel_loop3A_180, %parallel_loop3A_181] {strides = array<i32>} : memref<32x128xf32, #tpu.memory_space<vmem>>, vector<16xf32>,
          tpu.vector_store %arg9[%parallel_loop3A_180, %parallel_loop3A_181], %parallel_loop3A_179 {strides = array<i32>} : memref<32x128xf32, #tpu.memory_space<vmem>>, vector<16xf32>,
          %parallel_loop3A_183 = arith.constant 4 : i32
          %parallel_loop3A_184 = arith.muli %parallel_loop3A_183, %parallel_loop3A_146 : i32
          %parallel_loop3A_185 = arith.constant 2 : i32
          %parallel_loop3A_186 = arith.addi %parallel_loop3A_184, %parallel_loop3A_185 : i32
          %parallel_loop3A_187 = vector.broadcast %parallel_loop3A_186 : i32 to vector<16xi32>
          %parallel_loop3A_188 = tpu.vector_load_idx %arg5[%add3A_11, %parallel_loop3A_187] : memref<32x129xf32, #tpu.memory_space<vmem>>[vector<16xi32>, vector<16xi32>], vector<16xf32>,
          %parallel_loop3A_189 = arith.index_cast %parallel_loop3A_146 : i32 to index
          %parallel_loop3A_190 = arith.constant 64 : index
          %parallel_loop3A_191 = tpu.vector_load %arg9[%parallel_loop3A_189, %parallel_loop3A_190] {strides = array<i32>} : memref<32x128xf32, #tpu.memory_space<vmem>>, vector<16xf32>,
          tpu.vector_store %arg9[%parallel_loop3A_189, %parallel_loop3A_190], %parallel_loop3A_188 {strides = array<i32>} : memref<32x128xf32, #tpu.memory_space<vmem>>, vector<16xf32>,
          %parallel_loop3A_192 = arith.constant 4 : i32
          %parallel_loop3A_193 = arith.muli %parallel_loop3A_192, %parallel_loop3A_146 : i32
          %parallel_loop3A_194 = arith.constant 2 : i32
          %parallel_loop3A_195 = arith.addi %parallel_loop3A_193, %parallel_loop3A_194 : i32
          %parallel_loop3A_196 = vector.broadcast %parallel_loop3A_195 : i32 to vector<16xi32>
          %parallel_loop3A_197 = tpu.vector_load_idx %arg5[%add3A_15, %parallel_loop3A_196] : memref<32x129xf32, #tpu.memory_space<vmem>>[vector<16xi32>, vector<16xi32>], vector<16xf32>,
          %parallel_loop3A_198 = arith.index_cast %parallel_loop3A_146 : i32 to index
          %parallel_loop3A_199 = arith.constant 80 : index
          %parallel_loop3A_200 = tpu.vector_load %arg9[%parallel_loop3A_198, %parallel_loop3A_199] {strides = array<i32>} : memref<32x128xf32, #tpu.memory_space<vmem>>, vector<16xf32>,
          tpu.vector_store %arg9[%parallel_loop3A_198, %parallel_loop3A_199], %parallel_loop3A_197 {strides = array<i32>} : memref<32x128xf32, #tpu.memory_space<vmem>>, vector<16xf32>,
          %parallel_loop3A_201 = arith.constant 4 : i32
          %parallel_loop3A_202 = arith.muli %parallel_loop3A_201, %parallel_loop3A_146 : i32
          %parallel_loop3A_203 = arith.constant 3 : i32
          %parallel_loop3A_204 = arith.addi %parallel_loop3A_202, %parallel_loop3A_203 : i32
          %parallel_loop3A_205 = vector.broadcast %parallel_loop3A_204 : i32 to vector<16xi32>
          %parallel_loop3A_206 = tpu.vector_load_idx %arg5[%add3A_11, %parallel_loop3A_205] : memref<32x129xf32, #tpu.memory_space<vmem>>[vector<16xi32>, vector<16xi32>], vector<16xf32>,
          %parallel_loop3A_207 = arith.index_cast %parallel_loop3A_146 : i32 to index
          %parallel_loop3A_208 = arith.constant 96 : index
          %parallel_loop3A_209 = tpu.vector_load %arg9[%parallel_loop3A_207, %parallel_loop3A_208] {strides = array<i32>} : memref<32x128xf32, #tpu.memory_space<vmem>>, vector<16xf32>,
          tpu.vector_store %arg9[%parallel_loop3A_207, %parallel_loop3A_208], %parallel_loop3A_206 {strides = array<i32>} : memref<32x128xf32, #tpu.memory_space<vmem>>, vector<16xf32>,
          %parallel_loop3A_210 = arith.constant 4 : i32
          %parallel_loop3A_211 = arith.muli %parallel_loop3A_210, %parallel_loop3A_146 : i32
          %parallel_loop3A_212 = arith.constant 3 : i32
          %parallel_loop3A_213 = arith.addi %parallel_loop3A_211, %parallel_loop3A_212 : i32
          %parallel_loop3A_214 = vector.broadcast %parallel_loop3A_213 : i32 to vector<16xi32>
          %parallel_loop3A_215 = tpu.vector_load_idx %arg5[%add3A_15, %parallel_loop3A_214] : memref<32x129xf32, #tpu.memory_space<vmem>>[vector<16xi32>, vector<16xi32>], vector<16xf32>,
          %parallel_loop3A_216 = arith.index_cast %parallel_loop3A_146 : i32 to index
          %parallel_loop3A_217 = arith.constant 112 : index
          %parallel_loop3A_218 = tpu.vector_load %arg9[%parallel_loop3A_216, %parallel_loop3A_217] {strides = array<i32>} : memref<32x128xf32, #tpu.memory_space<vmem>>, vector<16xf32>,
          tpu.vector_store %arg9[%parallel_loop3A_216, %parallel_loop3A_217], %parallel_loop3A_215 {strides = array<i32>} : memref<32x128xf32, #tpu.memory_space<vmem>>, vector<16xf32>,
        } {sc.loop_unroll_factor = 4 : i64, sc.parallel_access}
        %add3A_139 = arith.addi %add3A_4, %add3A_91 : i32
        %mul3A_140 = arith.constant 32 : i32
        %mul3A_141 = arith.muli %add3A_139, %mul3A_140 : i32
        %dma_start3A_142 = arith.constant 0 : i32
        %dma_start3A_143 = tpu.memref_slice %arg4[%mul3A_141, %dma_start3A_142] : memref<250000x128xf32, #tpu.memory_space<hbm>> -> memref<32x128xf32, #tpu.memory_space<hbm>>
        %dma_start3A_144 = arith.constant 0 : i32
        %dma_start3A_145 = tpu.memref_slice %arg4[%mul3A_141, %dma_start3A_144] : memref<250000x128xf32, #tpu.memory_space<hbm>> -> memref<32x128xf32, #tpu.memory_space<hbm>>
        tpu.enqueue_dma source(%arg9 : memref<32x128xf32, #tpu.memory_space<vmem>>) target(%dma_start3A_145 : memref<32x128xf32, #tpu.memory_space<hbm>>) target_semaphore(%arg15 : memref<!tpu.dma_semaphore, #tpu.memory_space<semaphore_mem>>)
      } else {
      }
      %mul3A_96 = arith.constant 6 : i32
      %mul3A_97 = arith.muli %mul3A_96, %scan3A_63 : i32
      %add3A_98 = arith.constant 4 : i32
      %add3A_99 = arith.addi %mul3A_97, %add3A_98 : i32
      %lt3A_100 = arith.cmpi slt, %add3A_99, %add3A_8 : i32
      %convert_element_type3A_101 = arith.extui %lt3A_100 : i1 to i32
      %cond3A_102 = arith.constant 0 : i32
      %cond3A_103 = arith.cmpi ne, %convert_element_type3A_101, %cond3A_102 : i32
      scf.if %cond3A_103 {
        %add3A_112 = arith.constant 2 : i32
        %add3A_113 = arith.addi %add3A_99, %add3A_112 : i32
        %lt3A_114 = arith.cmpi slt, %add3A_113, %add3A_8 : i32
        %convert_element_type3A_115 = arith.extui %lt3A_114 : i1 to i32
        %cond3A_116 = arith.constant 0 : i32
        %cond3A_117 = arith.cmpi ne, %convert_element_type3A_115, %cond3A_116 : i32
        scf.if %cond3A_117 {
          %add3A_146 = arith.addi %add3A_4, %add3A_99 : i32
          %add3A_147 = arith.constant 2 : i32
          %add3A_148 = arith.addi %add3A_146, %add3A_147 : i32
          %dma_start3A_149 = arith.constant 0 : i32
          %dma_start3A_150 = arith.constant 0 : i32
          %dma_start3A_151 = tpu.memref_slice %arg5[%dma_start3A_149, %dma_start3A_150] : memref<32x129xf32, #tpu.memory_space<vmem>> -> memref<32x128xf32, #tpu.memory_space<vmem>>
          %dma_start3A_152 = arith.constant 0 : i32
          %dma_start3A_153 = arith.constant 0 : i32
          %dma_start3A_154 = tpu.memref_slice %arg2[%add3A_148, %dma_start3A_152, %dma_start3A_153] : memref<7812x32x128xf32, #tpu.memory_space<hbm>> -> memref<1x32x128xf32, #tpu.memory_space<hbm>>
          %dma_start3A_155 = tpu.memref_squeeze %dma_start3A_154 : memref<1x32x128xf32, #tpu.memory_space<hbm>> -> memref<32x128xf32, #tpu.memory_space<hbm>>
          %dma_start3A_156 = arith.constant 0 : i32
          %dma_start3A_157 = arith.constant 0 : i32
          %dma_start3A_158 = tpu.memref_slice %arg5[%dma_start3A_156, %dma_start3A_157] : memref<32x129xf32, #tpu.memory_space<vmem>> -> memref<32x128xf32, #tpu.memory_space<vmem>>
          %dma_start3A_159 = arith.constant 0 : i32
          %dma_start3A_160 = arith.constant 0 : i32
          %dma_start3A_161 = tpu.memref_slice %arg2[%add3A_148, %dma_start3A_159, %dma_start3A_160] : memref<7812x32x128xf32, #tpu.memory_space<hbm>> -> memref<1x32x128xf32, #tpu.memory_space<hbm>>
          %dma_start3A_162 = tpu.memref_squeeze %dma_start3A_161 : memref<1x32x128xf32, #tpu.memory_space<hbm>> -> memref<32x128xf32, #tpu.memory_space<hbm>>
          tpu.enqueue_dma source(%dma_start3A_162 : memref<32x128xf32, #tpu.memory_space<hbm>>) target(%dma_start3A_158 : memref<32x128xf32, #tpu.memory_space<vmem>>) target_semaphore(%arg11 : memref<!tpu.dma_semaphore, #tpu.memory_space<semaphore_mem>>)
        } else {
        }
        %dma_wait3A_118 = arith.constant 0 : i32
        %dma_wait3A_119 = arith.constant 0 : i32
        %dma_wait3A_120 = arith.constant 0 : i32
        %dma_wait3A_121 = tpu.memref_slice %arg6[%dma_wait3A_119, %dma_wait3A_120] : memref<32x129xf32, #tpu.memory_space<vmem>> -> memref<32x128xf32, #tpu.memory_space<vmem>>
        %dma_wait3A_122 = arith.constant 0 : i32
        %dma_wait3A_123 = arith.constant 0 : i32
        %dma_wait3A_124 = tpu.memref_slice %arg2[%dma_wait3A_118, %dma_wait3A_122, %dma_wait3A_123] : memref<7812x32x128xf32, #tpu.memory_space<hbm>> -> memref<1x32x128xf32, #tpu.memory_space<hbm>>
        %dma_wait3A_125 = tpu.memref_squeeze %dma_wait3A_124 : memref<1x32x128xf32, #tpu.memory_space<hbm>> -> memref<32x128xf32, #tpu.memory_space<hbm>>
        %dma_wait3A_126 = arith.constant 0 : i32
        %dma_wait3A_127 = arith.constant 0 : i32
        %dma_wait3A_128 = tpu.memref_slice %arg6[%dma_wait3A_126, %dma_wait3A_127] : memref<32x129xf32, #tpu.memory_space<vmem>> -> memref<32x128xf32, #tpu.memory_space<vmem>>
        %dma_wait3A_129 = arith.constant 0 : i32
        %dma_wait3A_130 = arith.constant 0 : i32
        %dma_wait3A_131 = tpu.memref_slice %arg2[%dma_wait3A_118, %dma_wait3A_129, %dma_wait3A_130] : memref<7812x32x128xf32, #tpu.memory_space<hbm>> -> memref<1x32x128xf32, #tpu.memory_space<hbm>>
        %dma_wait3A_132 = tpu.memref_squeeze %dma_wait3A_131 : memref<1x32x128xf32, #tpu.memory_space<hbm>> -> memref<32x128xf32, #tpu.memory_space<hbm>>
        tpu.wait_dma2 semaphore(%arg12 : memref<!tpu.dma_semaphore, #tpu.memory_space<semaphore_mem>>) src(%dma_wait3A_132 : memref<32x128xf32, #tpu.memory_space<hbm>>) dst(%dma_wait3A_128 : memref<32x128xf32, #tpu.memory_space<vmem>>)
        %ge3A = arith.constant 2 : i32
        %ge3A_133 = arith.cmpi sge, %add3A_99, %ge3A : i32
        %convert_element_type3A_134 = arith.extui %ge3A_133 : i1 to i32
        %cond3A_135 = arith.constant 0 : i32
        %cond3A_136 = arith.cmpi ne, %convert_element_type3A_134, %cond3A_135 : i32
        scf.if %cond3A_136 {
          %dma_wait3A_146 = arith.constant 0 : i32
          %dma_wait3A_147 = arith.constant 0 : i32
          %dma_wait3A_148 = tpu.memref_slice %arg4[%dma_wait3A_146, %dma_wait3A_147] : memref<250000x128xf32, #tpu.memory_space<hbm>> -> memref<32x128xf32, #tpu.memory_space<hbm>>
          %dma_wait3A_149 = arith.constant 0 : i32
          %dma_wait3A_150 = arith.constant 0 : i32
          %dma_wait3A_151 = tpu.memref_slice %arg4[%dma_wait3A_149, %dma_wait3A_150] : memref<250000x128xf32, #tpu.memory_space<hbm>> -> memref<32x128xf32, #tpu.memory_space<hbm>>
          tpu.wait_dma2 semaphore(%arg14 : memref<!tpu.dma_semaphore, #tpu.memory_space<semaphore_mem>>) src(%arg8 : memref<32x128xf32, #tpu.memory_space<vmem>>) dst(%dma_wait3A_151 : memref<32x128xf32, #tpu.memory_space<hbm>>)
        } else {
        }
        %parallel_loop3A = arith.constant 0 : i32
        %parallel_loop3A_137 = arith.constant 32 : i32
        %parallel_loop3A_138 = arith.constant 1 : i32
        scf.for %parallel_loop3A_146 = %parallel_loop3A to %parallel_loop3A_137 step %parallel_loop3A_138  : i32 {
          %parallel_loop3A_147 = arith.constant 4 : i32
          %parallel_loop3A_148 = arith.muli %parallel_loop3A_147, %parallel_loop3A_146 : i32
          %parallel_loop3A_149 = arith.constant 0 : i32
          %parallel_loop3A_150 = arith.addi %parallel_loop3A_148, %parallel_loop3A_149 : i32
          %parallel_loop3A_151 = vector.broadcast %parallel_loop3A_150 : i32 to vector<16xi32>
          %parallel_loop3A_152 = tpu.vector_load_idx %arg6[%add3A_11, %parallel_loop3A_151] : memref<32x129xf32, #tpu.memory_space<vmem>>[vector<16xi32>, vector<16xi32>], vector<16xf32>,
          %parallel_loop3A_153 = arith.index_cast %parallel_loop3A_146 : i32 to index
          %parallel_loop3A_154 = arith.constant 0 : index
          %parallel_loop3A_155 = tpu.vector_load %arg8[%parallel_loop3A_153, %parallel_loop3A_154] {strides = array<i32>} : memref<32x128xf32, #tpu.memory_space<vmem>>, vector<16xf32>,
          tpu.vector_store %arg8[%parallel_loop3A_153, %parallel_loop3A_154], %parallel_loop3A_152 {strides = array<i32>} : memref<32x128xf32, #tpu.memory_space<vmem>>, vector<16xf32>,
          %parallel_loop3A_156 = arith.constant 4 : i32
          %parallel_loop3A_157 = arith.muli %parallel_loop3A_156, %parallel_loop3A_146 : i32
          %parallel_loop3A_158 = arith.constant 0 : i32
          %parallel_loop3A_159 = arith.addi %parallel_loop3A_157, %parallel_loop3A_158 : i32
          %parallel_loop3A_160 = vector.broadcast %parallel_loop3A_159 : i32 to vector<16xi32>
          %parallel_loop3A_161 = tpu.vector_load_idx %arg6[%add3A_15, %parallel_loop3A_160] : memref<32x129xf32, #tpu.memory_space<vmem>>[vector<16xi32>, vector<16xi32>], vector<16xf32>,
          %parallel_loop3A_162 = arith.index_cast %parallel_loop3A_146 : i32 to index
          %parallel_loop3A_163 = arith.constant 16 : index
          %parallel_loop3A_164 = tpu.vector_load %arg8[%parallel_loop3A_162, %parallel_loop3A_163] {strides = array<i32>} : memref<32x128xf32, #tpu.memory_space<vmem>>, vector<16xf32>,
          tpu.vector_store %arg8[%parallel_loop3A_162, %parallel_loop3A_163], %parallel_loop3A_161 {strides = array<i32>} : memref<32x128xf32, #tpu.memory_space<vmem>>, vector<16xf32>,
          %parallel_loop3A_165 = arith.constant 4 : i32
          %parallel_loop3A_166 = arith.muli %parallel_loop3A_165, %parallel_loop3A_146 : i32
          %parallel_loop3A_167 = arith.constant 1 : i32
          %parallel_loop3A_168 = arith.addi %parallel_loop3A_166, %parallel_loop3A_167 : i32
          %parallel_loop3A_169 = vector.broadcast %parallel_loop3A_168 : i32 to vector<16xi32>
          %parallel_loop3A_170 = tpu.vector_load_idx %arg6[%add3A_11, %parallel_loop3A_169] : memref<32x129xf32, #tpu.memory_space<vmem>>[vector<16xi32>, vector<16xi32>], vector<16xf32>,
          %parallel_loop3A_171 = arith.index_cast %parallel_loop3A_146 : i32 to index
          %parallel_loop3A_172 = arith.constant 32 : index
          %parallel_loop3A_173 = tpu.vector_load %arg8[%parallel_loop3A_171, %parallel_loop3A_172] {strides = array<i32>} : memref<32x128xf32, #tpu.memory_space<vmem>>, vector<16xf32>,
          tpu.vector_store %arg8[%parallel_loop3A_171, %parallel_loop3A_172], %parallel_loop3A_170 {strides = array<i32>} : memref<32x128xf32, #tpu.memory_space<vmem>>, vector<16xf32>,
          %parallel_loop3A_174 = arith.constant 4 : i32
          %parallel_loop3A_175 = arith.muli %parallel_loop3A_174, %parallel_loop3A_146 : i32
          %parallel_loop3A_176 = arith.constant 1 : i32
          %parallel_loop3A_177 = arith.addi %parallel_loop3A_175, %parallel_loop3A_176 : i32
          %parallel_loop3A_178 = vector.broadcast %parallel_loop3A_177 : i32 to vector<16xi32>
          %parallel_loop3A_179 = tpu.vector_load_idx %arg6[%add3A_15, %parallel_loop3A_178] : memref<32x129xf32, #tpu.memory_space<vmem>>[vector<16xi32>, vector<16xi32>], vector<16xf32>,
          %parallel_loop3A_180 = arith.index_cast %parallel_loop3A_146 : i32 to index
          %parallel_loop3A_181 = arith.constant 48 : index
          %parallel_loop3A_182 = tpu.vector_load %arg8[%parallel_loop3A_180, %parallel_loop3A_181] {strides = array<i32>} : memref<32x128xf32, #tpu.memory_space<vmem>>, vector<16xf32>,
          tpu.vector_store %arg8[%parallel_loop3A_180, %parallel_loop3A_181], %parallel_loop3A_179 {strides = array<i32>} : memref<32x128xf32, #tpu.memory_space<vmem>>, vector<16xf32>,
          %parallel_loop3A_183 = arith.constant 4 : i32
          %parallel_loop3A_184 = arith.muli %parallel_loop3A_183, %parallel_loop3A_146 : i32
          %parallel_loop3A_185 = arith.constant 2 : i32
          %parallel_loop3A_186 = arith.addi %parallel_loop3A_184, %parallel_loop3A_185 : i32
          %parallel_loop3A_187 = vector.broadcast %parallel_loop3A_186 : i32 to vector<16xi32>
          %parallel_loop3A_188 = tpu.vector_load_idx %arg6[%add3A_11, %parallel_loop3A_187] : memref<32x129xf32, #tpu.memory_space<vmem>>[vector<16xi32>, vector<16xi32>], vector<16xf32>,
          %parallel_loop3A_189 = arith.index_cast %parallel_loop3A_146 : i32 to index
          %parallel_loop3A_190 = arith.constant 64 : index
          %parallel_loop3A_191 = tpu.vector_load %arg8[%parallel_loop3A_189, %parallel_loop3A_190] {strides = array<i32>} : memref<32x128xf32, #tpu.memory_space<vmem>>, vector<16xf32>,
          tpu.vector_store %arg8[%parallel_loop3A_189, %parallel_loop3A_190], %parallel_loop3A_188 {strides = array<i32>} : memref<32x128xf32, #tpu.memory_space<vmem>>, vector<16xf32>,
          %parallel_loop3A_192 = arith.constant 4 : i32
          %parallel_loop3A_193 = arith.muli %parallel_loop3A_192, %parallel_loop3A_146 : i32
          %parallel_loop3A_194 = arith.constant 2 : i32
          %parallel_loop3A_195 = arith.addi %parallel_loop3A_193, %parallel_loop3A_194 : i32
          %parallel_loop3A_196 = vector.broadcast %parallel_loop3A_195 : i32 to vector<16xi32>
          %parallel_loop3A_197 = tpu.vector_load_idx %arg6[%add3A_15, %parallel_loop3A_196] : memref<32x129xf32, #tpu.memory_space<vmem>>[vector<16xi32>, vector<16xi32>], vector<16xf32>,
          %parallel_loop3A_198 = arith.index_cast %parallel_loop3A_146 : i32 to index
          %parallel_loop3A_199 = arith.constant 80 : index
          %parallel_loop3A_200 = tpu.vector_load %arg8[%parallel_loop3A_198, %parallel_loop3A_199] {strides = array<i32>} : memref<32x128xf32, #tpu.memory_space<vmem>>, vector<16xf32>,
          tpu.vector_store %arg8[%parallel_loop3A_198, %parallel_loop3A_199], %parallel_loop3A_197 {strides = array<i32>} : memref<32x128xf32, #tpu.memory_space<vmem>>, vector<16xf32>,
          %parallel_loop3A_201 = arith.constant 4 : i32
          %parallel_loop3A_202 = arith.muli %parallel_loop3A_201, %parallel_loop3A_146 : i32
          %parallel_loop3A_203 = arith.constant 3 : i32
          %parallel_loop3A_204 = arith.addi %parallel_loop3A_202, %parallel_loop3A_203 : i32
          %parallel_loop3A_205 = vector.broadcast %parallel_loop3A_204 : i32 to vector<16xi32>
          %parallel_loop3A_206 = tpu.vector_load_idx %arg6[%add3A_11, %parallel_loop3A_205] : memref<32x129xf32, #tpu.memory_space<vmem>>[vector<16xi32>, vector<16xi32>], vector<16xf32>,
          %parallel_loop3A_207 = arith.index_cast %parallel_loop3A_146 : i32 to index
          %parallel_loop3A_208 = arith.constant 96 : index
          %parallel_loop3A_209 = tpu.vector_load %arg8[%parallel_loop3A_207, %parallel_loop3A_208] {strides = array<i32>} : memref<32x128xf32, #tpu.memory_space<vmem>>, vector<16xf32>,
          tpu.vector_store %arg8[%parallel_loop3A_207, %parallel_loop3A_208], %parallel_loop3A_206 {strides = array<i32>} : memref<32x128xf32, #tpu.memory_space<vmem>>, vector<16xf32>,
          %parallel_loop3A_210 = arith.constant 4 : i32
          %parallel_loop3A_211 = arith.muli %parallel_loop3A_210, %parallel_loop3A_146 : i32
          %parallel_loop3A_212 = arith.constant 3 : i32
          %parallel_loop3A_213 = arith.addi %parallel_loop3A_211, %parallel_loop3A_212 : i32
          %parallel_loop3A_214 = vector.broadcast %parallel_loop3A_213 : i32 to vector<16xi32>
          %parallel_loop3A_215 = tpu.vector_load_idx %arg6[%add3A_15, %parallel_loop3A_214] : memref<32x129xf32, #tpu.memory_space<vmem>>[vector<16xi32>, vector<16xi32>], vector<16xf32>,
          %parallel_loop3A_216 = arith.index_cast %parallel_loop3A_146 : i32 to index
          %parallel_loop3A_217 = arith.constant 112 : index
          %parallel_loop3A_218 = tpu.vector_load %arg8[%parallel_loop3A_216, %parallel_loop3A_217] {strides = array<i32>} : memref<32x128xf32, #tpu.memory_space<vmem>>, vector<16xf32>,
          tpu.vector_store %arg8[%parallel_loop3A_216, %parallel_loop3A_217], %parallel_loop3A_215 {strides = array<i32>} : memref<32x128xf32, #tpu.memory_space<vmem>>, vector<16xf32>,
        } {sc.loop_unroll_factor = 4 : i64, sc.parallel_access}
        %add3A_139 = arith.addi %add3A_4, %add3A_99 : i32
        %mul3A_140 = arith.constant 32 : i32
        %mul3A_141 = arith.muli %add3A_139, %mul3A_140 : i32
        %dma_start3A_142 = arith.constant 0 : i32
        %dma_start3A_143 = tpu.memref_slice %arg4[%mul3A_141, %dma_start3A_142] : memref<250000x128xf32, #tpu.memory_space<hbm>> -> memref<32x128xf32, #tpu.memory_space<hbm>>
        %dma_start3A_144 = arith.constant 0 : i32
        %dma_start3A_145 = tpu.memref_slice %arg4[%mul3A_141, %dma_start3A_144] : memref<250000x128xf32, #tpu.memory_space<hbm>> -> memref<32x128xf32, #tpu.memory_space<hbm>>
        tpu.enqueue_dma source(%arg8 : memref<32x128xf32, #tpu.memory_space<vmem>>) target(%dma_start3A_145 : memref<32x128xf32, #tpu.memory_space<hbm>>) target_semaphore(%arg14 : memref<!tpu.dma_semaphore, #tpu.memory_space<semaphore_mem>>)
      } else {
      }
      %mul3A_104 = arith.constant 6 : i32
      %mul3A_105 = arith.muli %mul3A_104, %scan3A_63 : i32
      %add3A_106 = arith.constant 5 : i32
      %add3A_107 = arith.addi %mul3A_105, %add3A_106 : i32
      %lt3A_108 = arith.cmpi slt, %add3A_107, %add3A_8 : i32
      %convert_element_type3A_109 = arith.extui %lt3A_108 : i1 to i32
      %cond3A_110 = arith.constant 0 : i32
      %cond3A_111 = arith.cmpi ne, %convert_element_type3A_109, %cond3A_110 : i32
      scf.if %cond3A_111 {
        %add3A_112 = arith.constant 2 : i32
        %add3A_113 = arith.addi %add3A_107, %add3A_112 : i32
        %lt3A_114 = arith.cmpi slt, %add3A_113, %add3A_8 : i32
        %convert_element_type3A_115 = arith.extui %lt3A_114 : i1 to i32
        %cond3A_116 = arith.constant 0 : i32
        %cond3A_117 = arith.cmpi ne, %convert_element_type3A_115, %cond3A_116 : i32
        scf.if %cond3A_117 {
          %add3A_146 = arith.addi %add3A_4, %add3A_107 : i32
          %add3A_147 = arith.constant 2 : i32
          %add3A_148 = arith.addi %add3A_146, %add3A_147 : i32
          %dma_start3A_149 = arith.constant 0 : i32
          %dma_start3A_150 = arith.constant 0 : i32
          %dma_start3A_151 = tpu.memref_slice %arg6[%dma_start3A_149, %dma_start3A_150] : memref<32x129xf32, #tpu.memory_space<vmem>> -> memref<32x128xf32, #tpu.memory_space<vmem>>
          %dma_start3A_152 = arith.constant 0 : i32
          %dma_start3A_153 = arith.constant 0 : i32
          %dma_start3A_154 = tpu.memref_slice %arg2[%add3A_148, %dma_start3A_152, %dma_start3A_153] : memref<7812x32x128xf32, #tpu.memory_space<hbm>> -> memref<1x32x128xf32, #tpu.memory_space<hbm>>
          %dma_start3A_155 = tpu.memref_squeeze %dma_start3A_154 : memref<1x32x128xf32, #tpu.memory_space<hbm>> -> memref<32x128xf32, #tpu.memory_space<hbm>>
          %dma_start3A_156 = arith.constant 0 : i32
          %dma_start3A_157 = arith.constant 0 : i32
          %dma_start3A_158 = tpu.memref_slice %arg6[%dma_start3A_156, %dma_start3A_157] : memref<32x129xf32, #tpu.memory_space<vmem>> -> memref<32x128xf32, #tpu.memory_space<vmem>>
          %dma_start3A_159 = arith.constant 0 : i32
          %dma_start3A_160 = arith.constant 0 : i32
          %dma_start3A_161 = tpu.memref_slice %arg2[%add3A_148, %dma_start3A_159, %dma_start3A_160] : memref<7812x32x128xf32, #tpu.memory_space<hbm>> -> memref<1x32x128xf32, #tpu.memory_space<hbm>>
          %dma_start3A_162 = tpu.memref_squeeze %dma_start3A_161 : memref<1x32x128xf32, #tpu.memory_space<hbm>> -> memref<32x128xf32, #tpu.memory_space<hbm>>
          tpu.enqueue_dma source(%dma_start3A_162 : memref<32x128xf32, #tpu.memory_space<hbm>>) target(%dma_start3A_158 : memref<32x128xf32, #tpu.memory_space<vmem>>) target_semaphore(%arg12 : memref<!tpu.dma_semaphore, #tpu.memory_space<semaphore_mem>>)
        } else {
        }
        %dma_wait3A_118 = arith.constant 0 : i32
        %dma_wait3A_119 = arith.constant 0 : i32
        %dma_wait3A_120 = arith.constant 0 : i32
        %dma_wait3A_121 = tpu.memref_slice %arg7[%dma_wait3A_119, %dma_wait3A_120] : memref<32x129xf32, #tpu.memory_space<vmem>> -> memref<32x128xf32, #tpu.memory_space<vmem>>
        %dma_wait3A_122 = arith.constant 0 : i32
        %dma_wait3A_123 = arith.constant 0 : i32
        %dma_wait3A_124 = tpu.memref_slice %arg2[%dma_wait3A_118, %dma_wait3A_122, %dma_wait3A_123] : memref<7812x32x128xf32, #tpu.memory_space<hbm>> -> memref<1x32x128xf32, #tpu.memory_space<hbm>>
        %dma_wait3A_125 = tpu.memref_squeeze %dma_wait3A_124 : memref<1x32x128xf32, #tpu.memory_space<hbm>> -> memref<32x128xf32, #tpu.memory_space<hbm>>
        %dma_wait3A_126 = arith.constant 0 : i32
        %dma_wait3A_127 = arith.constant 0 : i32
        %dma_wait3A_128 = tpu.memref_slice %arg7[%dma_wait3A_126, %dma_wait3A_127] : memref<32x129xf32, #tpu.memory_space<vmem>> -> memref<32x128xf32, #tpu.memory_space<vmem>>
        %dma_wait3A_129 = arith.constant 0 : i32
        %dma_wait3A_130 = arith.constant 0 : i32
        %dma_wait3A_131 = tpu.memref_slice %arg2[%dma_wait3A_118, %dma_wait3A_129, %dma_wait3A_130] : memref<7812x32x128xf32, #tpu.memory_space<hbm>> -> memref<1x32x128xf32, #tpu.memory_space<hbm>>
        %dma_wait3A_132 = tpu.memref_squeeze %dma_wait3A_131 : memref<1x32x128xf32, #tpu.memory_space<hbm>> -> memref<32x128xf32, #tpu.memory_space<hbm>>
        tpu.wait_dma2 semaphore(%arg13 : memref<!tpu.dma_semaphore, #tpu.memory_space<semaphore_mem>>) src(%dma_wait3A_132 : memref<32x128xf32, #tpu.memory_space<hbm>>) dst(%dma_wait3A_128 : memref<32x128xf32, #tpu.memory_space<vmem>>)
        %ge3A = arith.constant 2 : i32
        %ge3A_133 = arith.cmpi sge, %add3A_107, %ge3A : i32
        %convert_element_type3A_134 = arith.extui %ge3A_133 : i1 to i32
        %cond3A_135 = arith.constant 0 : i32
        %cond3A_136 = arith.cmpi ne, %convert_element_type3A_134, %cond3A_135 : i32
        scf.if %cond3A_136 {
          %dma_wait3A_146 = arith.constant 0 : i32
          %dma_wait3A_147 = arith.constant 0 : i32
          %dma_wait3A_148 = tpu.memref_slice %arg4[%dma_wait3A_146, %dma_wait3A_147] : memref<250000x128xf32, #tpu.memory_space<hbm>> -> memref<32x128xf32, #tpu.memory_space<hbm>>
          %dma_wait3A_149 = arith.constant 0 : i32
          %dma_wait3A_150 = arith.constant 0 : i32
          %dma_wait3A_151 = tpu.memref_slice %arg4[%dma_wait3A_149, %dma_wait3A_150] : memref<250000x128xf32, #tpu.memory_space<hbm>> -> memref<32x128xf32, #tpu.memory_space<hbm>>
          tpu.wait_dma2 semaphore(%arg15 : memref<!tpu.dma_semaphore, #tpu.memory_space<semaphore_mem>>) src(%arg9 : memref<32x128xf32, #tpu.memory_space<vmem>>) dst(%dma_wait3A_151 : memref<32x128xf32, #tpu.memory_space<hbm>>)
        } else {
        }
        %parallel_loop3A = arith.constant 0 : i32
        %parallel_loop3A_137 = arith.constant 32 : i32
        %parallel_loop3A_138 = arith.constant 1 : i32
        scf.for %parallel_loop3A_146 = %parallel_loop3A to %parallel_loop3A_137 step %parallel_loop3A_138  : i32 {
          %parallel_loop3A_147 = arith.constant 4 : i32
          %parallel_loop3A_148 = arith.muli %parallel_loop3A_147, %parallel_loop3A_146 : i32
          %parallel_loop3A_149 = arith.constant 0 : i32
          %parallel_loop3A_150 = arith.addi %parallel_loop3A_148, %parallel_loop3A_149 : i32
          %parallel_loop3A_151 = vector.broadcast %parallel_loop3A_150 : i32 to vector<16xi32>
          %parallel_loop3A_152 = tpu.vector_load_idx %arg7[%add3A_11, %parallel_loop3A_151] : memref<32x129xf32, #tpu.memory_space<vmem>>[vector<16xi32>, vector<16xi32>], vector<16xf32>,
          %parallel_loop3A_153 = arith.index_cast %parallel_loop3A_146 : i32 to index
          %parallel_loop3A_154 = arith.constant 0 : index
          %parallel_loop3A_155 = tpu.vector_load %arg9[%parallel_loop3A_153, %parallel_loop3A_154] {strides = array<i32>} : memref<32x128xf32, #tpu.memory_space<vmem>>, vector<16xf32>,
          tpu.vector_store %arg9[%parallel_loop3A_153, %parallel_loop3A_154], %parallel_loop3A_152 {strides = array<i32>} : memref<32x128xf32, #tpu.memory_space<vmem>>, vector<16xf32>,
          %parallel_loop3A_156 = arith.constant 4 : i32
          %parallel_loop3A_157 = arith.muli %parallel_loop3A_156, %parallel_loop3A_146 : i32
          %parallel_loop3A_158 = arith.constant 0 : i32
          %parallel_loop3A_159 = arith.addi %parallel_loop3A_157, %parallel_loop3A_158 : i32
          %parallel_loop3A_160 = vector.broadcast %parallel_loop3A_159 : i32 to vector<16xi32>
          %parallel_loop3A_161 = tpu.vector_load_idx %arg7[%add3A_15, %parallel_loop3A_160] : memref<32x129xf32, #tpu.memory_space<vmem>>[vector<16xi32>, vector<16xi32>], vector<16xf32>,
          %parallel_loop3A_162 = arith.index_cast %parallel_loop3A_146 : i32 to index
          %parallel_loop3A_163 = arith.constant 16 : index
          %parallel_loop3A_164 = tpu.vector_load %arg9[%parallel_loop3A_162, %parallel_loop3A_163] {strides = array<i32>} : memref<32x128xf32, #tpu.memory_space<vmem>>, vector<16xf32>,
          tpu.vector_store %arg9[%parallel_loop3A_162, %parallel_loop3A_163], %parallel_loop3A_161 {strides = array<i32>} : memref<32x128xf32, #tpu.memory_space<vmem>>, vector<16xf32>,
          %parallel_loop3A_165 = arith.constant 4 : i32
          %parallel_loop3A_166 = arith.muli %parallel_loop3A_165, %parallel_loop3A_146 : i32
          %parallel_loop3A_167 = arith.constant 1 : i32
          %parallel_loop3A_168 = arith.addi %parallel_loop3A_166, %parallel_loop3A_167 : i32
          %parallel_loop3A_169 = vector.broadcast %parallel_loop3A_168 : i32 to vector<16xi32>
          %parallel_loop3A_170 = tpu.vector_load_idx %arg7[%add3A_11, %parallel_loop3A_169] : memref<32x129xf32, #tpu.memory_space<vmem>>[vector<16xi32>, vector<16xi32>], vector<16xf32>,
          %parallel_loop3A_171 = arith.index_cast %parallel_loop3A_146 : i32 to index
          %parallel_loop3A_172 = arith.constant 32 : index
          %parallel_loop3A_173 = tpu.vector_load %arg9[%parallel_loop3A_171, %parallel_loop3A_172] {strides = array<i32>} : memref<32x128xf32, #tpu.memory_space<vmem>>, vector<16xf32>,
          tpu.vector_store %arg9[%parallel_loop3A_171, %parallel_loop3A_172], %parallel_loop3A_170 {strides = array<i32>} : memref<32x128xf32, #tpu.memory_space<vmem>>, vector<16xf32>,
          %parallel_loop3A_174 = arith.constant 4 : i32
          %parallel_loop3A_175 = arith.muli %parallel_loop3A_174, %parallel_loop3A_146 : i32
          %parallel_loop3A_176 = arith.constant 1 : i32
          %parallel_loop3A_177 = arith.addi %parallel_loop3A_175, %parallel_loop3A_176 : i32
          %parallel_loop3A_178 = vector.broadcast %parallel_loop3A_177 : i32 to vector<16xi32>
          %parallel_loop3A_179 = tpu.vector_load_idx %arg7[%add3A_15, %parallel_loop3A_178] : memref<32x129xf32, #tpu.memory_space<vmem>>[vector<16xi32>, vector<16xi32>], vector<16xf32>,
          %parallel_loop3A_180 = arith.index_cast %parallel_loop3A_146 : i32 to index
          %parallel_loop3A_181 = arith.constant 48 : index
          %parallel_loop3A_182 = tpu.vector_load %arg9[%parallel_loop3A_180, %parallel_loop3A_181] {strides = array<i32>} : memref<32x128xf32, #tpu.memory_space<vmem>>, vector<16xf32>,
          tpu.vector_store %arg9[%parallel_loop3A_180, %parallel_loop3A_181], %parallel_loop3A_179 {strides = array<i32>} : memref<32x128xf32, #tpu.memory_space<vmem>>, vector<16xf32>,
          %parallel_loop3A_183 = arith.constant 4 : i32
          %parallel_loop3A_184 = arith.muli %parallel_loop3A_183, %parallel_loop3A_146 : i32
          %parallel_loop3A_185 = arith.constant 2 : i32
          %parallel_loop3A_186 = arith.addi %parallel_loop3A_184, %parallel_loop3A_185 : i32
          %parallel_loop3A_187 = vector.broadcast %parallel_loop3A_186 : i32 to vector<16xi32>
          %parallel_loop3A_188 = tpu.vector_load_idx %arg7[%add3A_11, %parallel_loop3A_187] : memref<32x129xf32, #tpu.memory_space<vmem>>[vector<16xi32>, vector<16xi32>], vector<16xf32>,
          %parallel_loop3A_189 = arith.index_cast %parallel_loop3A_146 : i32 to index
          %parallel_loop3A_190 = arith.constant 64 : index
          %parallel_loop3A_191 = tpu.vector_load %arg9[%parallel_loop3A_189, %parallel_loop3A_190] {strides = array<i32>} : memref<32x128xf32, #tpu.memory_space<vmem>>, vector<16xf32>,
          tpu.vector_store %arg9[%parallel_loop3A_189, %parallel_loop3A_190], %parallel_loop3A_188 {strides = array<i32>} : memref<32x128xf32, #tpu.memory_space<vmem>>, vector<16xf32>,
          %parallel_loop3A_192 = arith.constant 4 : i32
          %parallel_loop3A_193 = arith.muli %parallel_loop3A_192, %parallel_loop3A_146 : i32
          %parallel_loop3A_194 = arith.constant 2 : i32
          %parallel_loop3A_195 = arith.addi %parallel_loop3A_193, %parallel_loop3A_194 : i32
          %parallel_loop3A_196 = vector.broadcast %parallel_loop3A_195 : i32 to vector<16xi32>
          %parallel_loop3A_197 = tpu.vector_load_idx %arg7[%add3A_15, %parallel_loop3A_196] : memref<32x129xf32, #tpu.memory_space<vmem>>[vector<16xi32>, vector<16xi32>], vector<16xf32>,
          %parallel_loop3A_198 = arith.index_cast %parallel_loop3A_146 : i32 to index
          %parallel_loop3A_199 = arith.constant 80 : index
          %parallel_loop3A_200 = tpu.vector_load %arg9[%parallel_loop3A_198, %parallel_loop3A_199] {strides = array<i32>} : memref<32x128xf32, #tpu.memory_space<vmem>>, vector<16xf32>,
          tpu.vector_store %arg9[%parallel_loop3A_198, %parallel_loop3A_199], %parallel_loop3A_197 {strides = array<i32>} : memref<32x128xf32, #tpu.memory_space<vmem>>, vector<16xf32>,
          %parallel_loop3A_201 = arith.constant 4 : i32
          %parallel_loop3A_202 = arith.muli %parallel_loop3A_201, %parallel_loop3A_146 : i32
          %parallel_loop3A_203 = arith.constant 3 : i32
          %parallel_loop3A_204 = arith.addi %parallel_loop3A_202, %parallel_loop3A_203 : i32
          %parallel_loop3A_205 = vector.broadcast %parallel_loop3A_204 : i32 to vector<16xi32>
          %parallel_loop3A_206 = tpu.vector_load_idx %arg7[%add3A_11, %parallel_loop3A_205] : memref<32x129xf32, #tpu.memory_space<vmem>>[vector<16xi32>, vector<16xi32>], vector<16xf32>,
          %parallel_loop3A_207 = arith.index_cast %parallel_loop3A_146 : i32 to index
          %parallel_loop3A_208 = arith.constant 96 : index
          %parallel_loop3A_209 = tpu.vector_load %arg9[%parallel_loop3A_207, %parallel_loop3A_208] {strides = array<i32>} : memref<32x128xf32, #tpu.memory_space<vmem>>, vector<16xf32>,
          tpu.vector_store %arg9[%parallel_loop3A_207, %parallel_loop3A_208], %parallel_loop3A_206 {strides = array<i32>} : memref<32x128xf32, #tpu.memory_space<vmem>>, vector<16xf32>,
          %parallel_loop3A_210 = arith.constant 4 : i32
          %parallel_loop3A_211 = arith.muli %parallel_loop3A_210, %parallel_loop3A_146 : i32
          %parallel_loop3A_212 = arith.constant 3 : i32
          %parallel_loop3A_213 = arith.addi %parallel_loop3A_211, %parallel_loop3A_212 : i32
          %parallel_loop3A_214 = vector.broadcast %parallel_loop3A_213 : i32 to vector<16xi32>
          %parallel_loop3A_215 = tpu.vector_load_idx %arg7[%add3A_15, %parallel_loop3A_214] : memref<32x129xf32, #tpu.memory_space<vmem>>[vector<16xi32>, vector<16xi32>], vector<16xf32>,
          %parallel_loop3A_216 = arith.index_cast %parallel_loop3A_146 : i32 to index
          %parallel_loop3A_217 = arith.constant 112 : index
          %parallel_loop3A_218 = tpu.vector_load %arg9[%parallel_loop3A_216, %parallel_loop3A_217] {strides = array<i32>} : memref<32x128xf32, #tpu.memory_space<vmem>>, vector<16xf32>,
          tpu.vector_store %arg9[%parallel_loop3A_216, %parallel_loop3A_217], %parallel_loop3A_215 {strides = array<i32>} : memref<32x128xf32, #tpu.memory_space<vmem>>, vector<16xf32>,
        } {sc.loop_unroll_factor = 4 : i64, sc.parallel_access}
        %add3A_139 = arith.addi %add3A_4, %add3A_107 : i32
        %mul3A_140 = arith.constant 32 : i32
        %mul3A_141 = arith.muli %add3A_139, %mul3A_140 : i32
        %dma_start3A_142 = arith.constant 0 : i32
        %dma_start3A_143 = tpu.memref_slice %arg4[%mul3A_141, %dma_start3A_142] : memref<250000x128xf32, #tpu.memory_space<hbm>> -> memref<32x128xf32, #tpu.memory_space<hbm>>
        %dma_start3A_144 = arith.constant 0 : i32
        %dma_start3A_145 = tpu.memref_slice %arg4[%mul3A_141, %dma_start3A_144] : memref<250000x128xf32, #tpu.memory_space<hbm>> -> memref<32x128xf32, #tpu.memory_space<hbm>>
        tpu.enqueue_dma source(%arg9 : memref<32x128xf32, #tpu.memory_space<vmem>>) target(%dma_start3A_145 : memref<32x128xf32, #tpu.memory_space<hbm>>) target_semaphore(%arg15 : memref<!tpu.dma_semaphore, #tpu.memory_space<semaphore_mem>>)
      } else {
      }
    }
    %scan3A_49 = arith.constant 41 : i32
    %dma_wait3A = arith.constant 0 : i32
    %dma_wait3A_50 = arith.constant 0 : i32
    %dma_wait3A_51 = tpu.memref_slice %arg4[%dma_wait3A, %dma_wait3A_50] : memref<250000x128xf32, #tpu.memory_space<hbm>> -> memref<32x128xf32, #tpu.memory_space<hbm>>
    %dma_wait3A_52 = arith.constant 0 : i32
    %dma_wait3A_53 = arith.constant 0 : i32
    %dma_wait3A_54 = tpu.memref_slice %arg4[%dma_wait3A_52, %dma_wait3A_53] : memref<250000x128xf32, #tpu.memory_space<hbm>> -> memref<32x128xf32, #tpu.memory_space<hbm>>
    tpu.wait_dma2 semaphore(%arg14 : memref<!tpu.dma_semaphore, #tpu.memory_space<semaphore_mem>>) src(%arg8 : memref<32x128xf32, #tpu.memory_space<vmem>>) dst(%dma_wait3A_54 : memref<32x128xf32, #tpu.memory_space<hbm>>)
    %dma_wait3A_55 = arith.constant 0 : i32
    %dma_wait3A_56 = arith.constant 0 : i32
    %dma_wait3A_57 = tpu.memref_slice %arg4[%dma_wait3A_55, %dma_wait3A_56] : memref<250000x128xf32, #tpu.memory_space<hbm>> -> memref<32x128xf32, #tpu.memory_space<hbm>>
    %dma_wait3A_58 = arith.constant 0 : i32
    %dma_wait3A_59 = arith.constant 0 : i32
    %dma_wait3A_60 = tpu.memref_slice %arg4[%dma_wait3A_58, %dma_wait3A_59] : memref<250000x128xf32, #tpu.memory_space<hbm>> -> memref<32x128xf32, #tpu.memory_space<hbm>>
    tpu.wait_dma2 semaphore(%arg15 : memref<!tpu.dma_semaphore, #tpu.memory_space<semaphore_mem>>) src(%arg9 : memref<32x128xf32, #tpu.memory_space<vmem>>) dst(%dma_wait3A_60 : memref<32x128xf32, #tpu.memory_space<hbm>>)
    %eq3A = arith.constant 31 : i32
    %eq3A_61 = arith.cmpi eq, %add3A, %eq3A : i32
    %convert_element_type3A = arith.extui %eq3A_61 : i1 to i32
    %cond3A = arith.constant 0 : i32
    %cond3A_62 = arith.cmpi ne, %convert_element_type3A, %cond3A : i32
    scf.if %cond3A_62 {
      "tpu.region"() ({
        %run_scoped3A = tpu.sem_alloc : memref<!tpu.dma_semaphore, #tpu.memory_space<semaphore_mem>>
        tpu.enqueue_dma source(%arg3 : memref<64x32xf32, #tpu.memory_space<hbm>>) target(%arg10 : memref<64x32xf32, #tpu.memory_space<vmem>>) target_semaphore(%run_scoped3A : memref<!tpu.dma_semaphore, #tpu.memory_space<semaphore_mem>>)
        tpu.wait_dma2 semaphore(%run_scoped3A : memref<!tpu.dma_semaphore, #tpu.memory_space<semaphore_mem>>) src(%arg3 : memref<64x32xf32, #tpu.memory_space<hbm>>) dst(%arg10 : memref<64x32xf32, #tpu.memory_space<vmem>>)
        tpu.yield
      }) : () -> ()
      %parallel_loop3A = arith.constant 0 : i32
      %parallel_loop3A_63 = arith.constant 16 : i32
      %parallel_loop3A_64 = arith.constant 1 : i32
      scf.for %parallel_loop3A_65 = %parallel_loop3A to %parallel_loop3A_63 step %parallel_loop3A_64  : i32 {
        %parallel_loop3A_66 = arith.constant 4 : i32
        %parallel_loop3A_67 = arith.muli %parallel_loop3A_66, %parallel_loop3A_65 : i32
        %parallel_loop3A_68 = arith.constant 0 : i32
        %parallel_loop3A_69 = arith.addi %parallel_loop3A_67, %parallel_loop3A_68 : i32
        %parallel_loop3A_70 = arith.index_cast %parallel_loop3A_69 : i32 to index
        %parallel_loop3A_71 = arith.constant 0 : index
        %parallel_loop3A_72 = tpu.vector_load %arg10[%parallel_loop3A_70, %parallel_loop3A_71] {strides = array<i32>} : memref<64x32xf32, #tpu.memory_space<vmem>>, vector<16xf32>,
        %parallel_loop3A_73 = arith.index_cast %parallel_loop3A_65 : i32 to index
        %parallel_loop3A_74 = arith.constant 0 : index
        %parallel_loop3A_75 = tpu.vector_load %arg8[%parallel_loop3A_73, %parallel_loop3A_74] {strides = array<i32>} : memref<32x128xf32, #tpu.memory_space<vmem>>, vector<16xf32>,
        tpu.vector_store %arg8[%parallel_loop3A_73, %parallel_loop3A_74], %parallel_loop3A_72 {strides = array<i32>} : memref<32x128xf32, #tpu.memory_space<vmem>>, vector<16xf32>,
        %parallel_loop3A_76 = arith.constant 4 : i32
        %parallel_loop3A_77 = arith.muli %parallel_loop3A_76, %parallel_loop3A_65 : i32
        %parallel_loop3A_78 = arith.constant 0 : i32
        %parallel_loop3A_79 = arith.addi %parallel_loop3A_77, %parallel_loop3A_78 : i32
        %parallel_loop3A_80 = arith.index_cast %parallel_loop3A_79 : i32 to index
        %parallel_loop3A_81 = arith.constant 16 : index
        %parallel_loop3A_82 = tpu.vector_load %arg10[%parallel_loop3A_80, %parallel_loop3A_81] {strides = array<i32>} : memref<64x32xf32, #tpu.memory_space<vmem>>, vector<16xf32>,
        %parallel_loop3A_83 = arith.index_cast %parallel_loop3A_65 : i32 to index
        %parallel_loop3A_84 = arith.constant 16 : index
        %parallel_loop3A_85 = tpu.vector_load %arg8[%parallel_loop3A_83, %parallel_loop3A_84] {strides = array<i32>} : memref<32x128xf32, #tpu.memory_space<vmem>>, vector<16xf32>,
        tpu.vector_store %arg8[%parallel_loop3A_83, %parallel_loop3A_84], %parallel_loop3A_82 {strides = array<i32>} : memref<32x128xf32, #tpu.memory_space<vmem>>, vector<16xf32>,
        %parallel_loop3A_86 = arith.constant 4 : i32
        %parallel_loop3A_87 = arith.muli %parallel_loop3A_86, %parallel_loop3A_65 : i32
        %parallel_loop3A_88 = arith.constant 1 : i32
        %parallel_loop3A_89 = arith.addi %parallel_loop3A_87, %parallel_loop3A_88 : i32
        %parallel_loop3A_90 = arith.index_cast %parallel_loop3A_89 : i32 to index
        %parallel_loop3A_91 = arith.constant 0 : index
        %parallel_loop3A_92 = tpu.vector_load %arg10[%parallel_loop3A_90, %parallel_loop3A_91] {strides = array<i32>} : memref<64x32xf32, #tpu.memory_space<vmem>>, vector<16xf32>,
        %parallel_loop3A_93 = arith.index_cast %parallel_loop3A_65 : i32 to index
        %parallel_loop3A_94 = arith.constant 32 : index
        %parallel_loop3A_95 = tpu.vector_load %arg8[%parallel_loop3A_93, %parallel_loop3A_94] {strides = array<i32>} : memref<32x128xf32, #tpu.memory_space<vmem>>, vector<16xf32>,
        tpu.vector_store %arg8[%parallel_loop3A_93, %parallel_loop3A_94], %parallel_loop3A_92 {strides = array<i32>} : memref<32x128xf32, #tpu.memory_space<vmem>>, vector<16xf32>,
        %parallel_loop3A_96 = arith.constant 4 : i32
        %parallel_loop3A_97 = arith.muli %parallel_loop3A_96, %parallel_loop3A_65 : i32
        %parallel_loop3A_98 = arith.constant 1 : i32
        %parallel_loop3A_99 = arith.addi %parallel_loop3A_97, %parallel_loop3A_98 : i32
        %parallel_loop3A_100 = arith.index_cast %parallel_loop3A_99 : i32 to index
        %parallel_loop3A_101 = arith.constant 16 : index
        %parallel_loop3A_102 = tpu.vector_load %arg10[%parallel_loop3A_100, %parallel_loop3A_101] {strides = array<i32>} : memref<64x32xf32, #tpu.memory_space<vmem>>, vector<16xf32>,
        %parallel_loop3A_103 = arith.index_cast %parallel_loop3A_65 : i32 to index
        %parallel_loop3A_104 = arith.constant 48 : index
        %parallel_loop3A_105 = tpu.vector_load %arg8[%parallel_loop3A_103, %parallel_loop3A_104] {strides = array<i32>} : memref<32x128xf32, #tpu.memory_space<vmem>>, vector<16xf32>,
        tpu.vector_store %arg8[%parallel_loop3A_103, %parallel_loop3A_104], %parallel_loop3A_102 {strides = array<i32>} : memref<32x128xf32, #tpu.memory_space<vmem>>, vector<16xf32>,
        %parallel_loop3A_106 = arith.constant 4 : i32
        %parallel_loop3A_107 = arith.muli %parallel_loop3A_106, %parallel_loop3A_65 : i32
        %parallel_loop3A_108 = arith.constant 2 : i32
        %parallel_loop3A_109 = arith.addi %parallel_loop3A_107, %parallel_loop3A_108 : i32
        %parallel_loop3A_110 = arith.index_cast %parallel_loop3A_109 : i32 to index
        %parallel_loop3A_111 = arith.constant 0 : index
        %parallel_loop3A_112 = tpu.vector_load %arg10[%parallel_loop3A_110, %parallel_loop3A_111] {strides = array<i32>} : memref<64x32xf32, #tpu.memory_space<vmem>>, vector<16xf32>,
        %parallel_loop3A_113 = arith.index_cast %parallel_loop3A_65 : i32 to index
        %parallel_loop3A_114 = arith.constant 64 : index
        %parallel_loop3A_115 = tpu.vector_load %arg8[%parallel_loop3A_113, %parallel_loop3A_114] {strides = array<i32>} : memref<32x128xf32, #tpu.memory_space<vmem>>, vector<16xf32>,
        tpu.vector_store %arg8[%parallel_loop3A_113, %parallel_loop3A_114], %parallel_loop3A_112 {strides = array<i32>} : memref<32x128xf32, #tpu.memory_space<vmem>>, vector<16xf32>,
        %parallel_loop3A_116 = arith.constant 4 : i32
        %parallel_loop3A_117 = arith.muli %parallel_loop3A_116, %parallel_loop3A_65 : i32
        %parallel_loop3A_118 = arith.constant 2 : i32
        %parallel_loop3A_119 = arith.addi %parallel_loop3A_117, %parallel_loop3A_118 : i32
        %parallel_loop3A_120 = arith.index_cast %parallel_loop3A_119 : i32 to index
        %parallel_loop3A_121 = arith.constant 16 : index
        %parallel_loop3A_122 = tpu.vector_load %arg10[%parallel_loop3A_120, %parallel_loop3A_121] {strides = array<i32>} : memref<64x32xf32, #tpu.memory_space<vmem>>, vector<16xf32>,
        %parallel_loop3A_123 = arith.index_cast %parallel_loop3A_65 : i32 to index
        %parallel_loop3A_124 = arith.constant 80 : index
        %parallel_loop3A_125 = tpu.vector_load %arg8[%parallel_loop3A_123, %parallel_loop3A_124] {strides = array<i32>} : memref<32x128xf32, #tpu.memory_space<vmem>>, vector<16xf32>,
        tpu.vector_store %arg8[%parallel_loop3A_123, %parallel_loop3A_124], %parallel_loop3A_122 {strides = array<i32>} : memref<32x128xf32, #tpu.memory_space<vmem>>, vector<16xf32>,
        %parallel_loop3A_126 = arith.constant 4 : i32
        %parallel_loop3A_127 = arith.muli %parallel_loop3A_126, %parallel_loop3A_65 : i32
        %parallel_loop3A_128 = arith.constant 3 : i32
        %parallel_loop3A_129 = arith.addi %parallel_loop3A_127, %parallel_loop3A_128 : i32
        %parallel_loop3A_130 = arith.index_cast %parallel_loop3A_129 : i32 to index
        %parallel_loop3A_131 = arith.constant 0 : index
        %parallel_loop3A_132 = tpu.vector_load %arg10[%parallel_loop3A_130, %parallel_loop3A_131] {strides = array<i32>} : memref<64x32xf32, #tpu.memory_space<vmem>>, vector<16xf32>,
        %parallel_loop3A_133 = arith.index_cast %parallel_loop3A_65 : i32 to index
        %parallel_loop3A_134 = arith.constant 96 : index
        %parallel_loop3A_135 = tpu.vector_load %arg8[%parallel_loop3A_133, %parallel_loop3A_134] {strides = array<i32>} : memref<32x128xf32, #tpu.memory_space<vmem>>, vector<16xf32>,
        tpu.vector_store %arg8[%parallel_loop3A_133, %parallel_loop3A_134], %parallel_loop3A_132 {strides = array<i32>} : memref<32x128xf32, #tpu.memory_space<vmem>>, vector<16xf32>,
        %parallel_loop3A_136 = arith.constant 4 : i32
        %parallel_loop3A_137 = arith.muli %parallel_loop3A_136, %parallel_loop3A_65 : i32
        %parallel_loop3A_138 = arith.constant 3 : i32
        %parallel_loop3A_139 = arith.addi %parallel_loop3A_137, %parallel_loop3A_138 : i32
        %parallel_loop3A_140 = arith.index_cast %parallel_loop3A_139 : i32 to index
        %parallel_loop3A_141 = arith.constant 16 : index
        %parallel_loop3A_142 = tpu.vector_load %arg10[%parallel_loop3A_140, %parallel_loop3A_141] {strides = array<i32>} : memref<64x32xf32, #tpu.memory_space<vmem>>, vector<16xf32>,
        %parallel_loop3A_143 = arith.index_cast %parallel_loop3A_65 : i32 to index
        %parallel_loop3A_144 = arith.constant 112 : index
        %parallel_loop3A_145 = tpu.vector_load %arg8[%parallel_loop3A_143, %parallel_loop3A_144] {strides = array<i32>} : memref<32x128xf32, #tpu.memory_space<vmem>>, vector<16xf32>,
        tpu.vector_store %arg8[%parallel_loop3A_143, %parallel_loop3A_144], %parallel_loop3A_142 {strides = array<i32>} : memref<32x128xf32, #tpu.memory_space<vmem>>, vector<16xf32>,
      } {sc.loop_unroll_factor = 2 : i64, sc.parallel_access}
      "tpu.region"() ({
        %run_scoped3A = tpu.sem_alloc : memref<!tpu.dma_semaphore, #tpu.memory_space<semaphore_mem>>
        %dma_start3A_65 = arith.constant 0 : i32
        %dma_start3A_66 = arith.constant 0 : i32
        %dma_start3A_67 = tpu.memref_slice %arg8[%dma_start3A_65, %dma_start3A_66] : memref<32x128xf32, #tpu.memory_space<vmem>> -> memref<16x128xf32, #tpu.memory_space<vmem>>
        %dma_start3A_68 = arith.constant 249984 : i32
        %dma_start3A_69 = arith.constant 0 : i32
        %dma_start3A_70 = tpu.memref_slice %arg4[%dma_start3A_68, %dma_start3A_69] : memref<250000x128xf32, #tpu.memory_space<hbm>> -> memref<16x128xf32, #tpu.memory_space<hbm>>
        %dma_start3A_71 = arith.constant 249984 : i32
        %dma_start3A_72 = arith.constant 0 : i32
        %dma_start3A_73 = tpu.memref_slice %arg4[%dma_start3A_71, %dma_start3A_72] : memref<250000x128xf32, #tpu.memory_space<hbm>> -> memref<16x128xf32, #tpu.memory_space<hbm>>
        %dma_start3A_74 = arith.constant 0 : i32
        %dma_start3A_75 = arith.constant 0 : i32
        %dma_start3A_76 = tpu.memref_slice %arg8[%dma_start3A_74, %dma_start3A_75] : memref<32x128xf32, #tpu.memory_space<vmem>> -> memref<16x128xf32, #tpu.memory_space<vmem>>
        tpu.enqueue_dma source(%dma_start3A_76 : memref<16x128xf32, #tpu.memory_space<vmem>>) target(%dma_start3A_73 : memref<16x128xf32, #tpu.memory_space<hbm>>) target_semaphore(%run_scoped3A : memref<!tpu.dma_semaphore, #tpu.memory_space<semaphore_mem>>)
        %dma_wait3A_77 = arith.constant 0 : i32
        %dma_wait3A_78 = arith.constant 0 : i32
        %dma_wait3A_79 = tpu.memref_slice %arg8[%dma_wait3A_77, %dma_wait3A_78] : memref<32x128xf32, #tpu.memory_space<vmem>> -> memref<16x128xf32, #tpu.memory_space<vmem>>
        %dma_wait3A_80 = arith.constant 249984 : i32
        %dma_wait3A_81 = arith.constant 0 : i32
        %dma_wait3A_82 = tpu.memref_slice %arg4[%dma_wait3A_80, %dma_wait3A_81] : memref<250000x128xf32, #tpu.memory_space<hbm>> -> memref<16x128xf32, #tpu.memory_space<hbm>>
        %dma_wait3A_83 = arith.constant 249984 : i32
        %dma_wait3A_84 = arith.constant 0 : i32
        %dma_wait3A_85 = tpu.memref_slice %arg4[%dma_wait3A_83, %dma_wait3A_84] : memref<250000x128xf32, #tpu.memory_space<hbm>> -> memref<16x128xf32, #tpu.memory_space<hbm>>
        %dma_wait3A_86 = arith.constant 0 : i32
        %dma_wait3A_87 = arith.constant 0 : i32
        %dma_wait3A_88 = tpu.memref_slice %arg8[%dma_wait3A_86, %dma_wait3A_87] : memref<32x128xf32, #tpu.memory_space<vmem>> -> memref<16x128xf32, #tpu.memory_space<vmem>>
        tpu.wait_dma2 semaphore(%run_scoped3A : memref<!tpu.dma_semaphore, #tpu.memory_space<semaphore_mem>>) src(%dma_wait3A_88 : memref<16x128xf32, #tpu.memory_space<vmem>>) dst(%dma_wait3A_85 : memref<16x128xf32, #tpu.memory_space<hbm>>)
        tpu.yield
      }) : () -> ()
    } else {
    }
    return
  }
}

#map = affine_map<(d0, d1) -> (0, 0)>
#map1 = affine_map<(d0, d1) -> (0, 0, 0, 0)>
module attributes {stable_mosaic.version = 14 : i64} {
  func.func @gather_kernel(%arg0: i32, %arg1: i32, %arg2: memref<8192x128xi32, #tpu.memory_space<hbm>>, %arg3: memref<1000000x32xf32, #tpu.memory_space<hbm>>, %arg4: memref<4x8192x8x128xf32, #tpu.memory_space<hbm>>, %arg5: memref<256x128xi32, #tpu.memory_space<vmem>>, %arg6: memref<128x32xf32, #tpu.memory_space<vmem>>, %arg7: memref<128x32xf32, #tpu.memory_space<vmem>>, %arg8: memref<128x32xf32, #tpu.memory_space<vmem>>, %arg9: memref<128x32xf32, #tpu.memory_space<vmem>>, %arg10: memref<32x129xf32, #tpu.memory_space<vmem>>, %arg11: memref<32x129xf32, #tpu.memory_space<vmem>>, %arg12: memref<!tpu.dma_semaphore, #tpu.memory_space<semaphore_mem>>, %arg13: memref<!tpu.dma_semaphore, #tpu.memory_space<semaphore_mem>>, %arg14: memref<!tpu.dma_semaphore, #tpu.memory_space<semaphore_mem>>, %arg15: memref<!tpu.dma_semaphore, #tpu.memory_space<semaphore_mem>>, %arg16: memref<!tpu.dma_semaphore, #tpu.memory_space<semaphore_mem>>, %arg17: memref<!tpu.dma_semaphore, #tpu.memory_space<semaphore_mem>>) attributes {dimension_semantics = [#tpu.dimension_semantics<core_parallel>, #tpu.dimension_semantics<subcore_parallel>], iteration_bounds = array<i64: 2, 16>, scalar_prefetch = 0 : i64, scratch_operands = 13 : i64, tpu.core_type = #tpu.core_type<sc_vector_subcore>, window_params = [{transform_indices = #map}, {transform_indices = #map}, {transform_indices = #map1}]} {
    %mul3A = arith.constant 2 : i32
    %mul3A_0 = arith.muli %arg1, %mul3A : i32
    %add3A = arith.addi %mul3A_0, %arg0 : i32
    %mul3A_1 = arith.constant 256 : i32
    %mul3A_2 = arith.muli %add3A, %mul3A_1 : i32
    "tpu.region"() ({
      %run_scoped3A = tpu.sem_alloc : memref<!tpu.dma_semaphore, #tpu.memory_space<semaphore_mem>>
      %dma_start3A_162 = arith.constant 0 : i32
      %dma_start3A_163 = tpu.memref_slice %arg2[%mul3A_2, %dma_start3A_162] : memref<8192x128xi32, #tpu.memory_space<hbm>> -> memref<256x128xi32, #tpu.memory_space<hbm>>
      %dma_start3A_164 = arith.constant 0 : i32
      %dma_start3A_165 = tpu.memref_slice %arg2[%mul3A_2, %dma_start3A_164] : memref<8192x128xi32, #tpu.memory_space<hbm>> -> memref<256x128xi32, #tpu.memory_space<hbm>>
      tpu.enqueue_dma source(%dma_start3A_165 : memref<256x128xi32, #tpu.memory_space<hbm>>) target(%arg5 : memref<256x128xi32, #tpu.memory_space<vmem>>) target_semaphore(%run_scoped3A : memref<!tpu.dma_semaphore, #tpu.memory_space<semaphore_mem>>)
      %dma_wait3A_166 = arith.constant 0 : i32
      %dma_wait3A_167 = tpu.memref_slice %arg2[%mul3A_2, %dma_wait3A_166] : memref<8192x128xi32, #tpu.memory_space<hbm>> -> memref<256x128xi32, #tpu.memory_space<hbm>>
      %dma_wait3A_168 = arith.constant 0 : i32
      %dma_wait3A_169 = tpu.memref_slice %arg2[%mul3A_2, %dma_wait3A_168] : memref<8192x128xi32, #tpu.memory_space<hbm>> -> memref<256x128xi32, #tpu.memory_space<hbm>>
      tpu.wait_dma2 semaphore(%run_scoped3A : memref<!tpu.dma_semaphore, #tpu.memory_space<semaphore_mem>>) src(%dma_wait3A_169 : memref<256x128xi32, #tpu.memory_space<hbm>>) dst(%arg5 : memref<256x128xi32, #tpu.memory_space<vmem>>)
      tpu.yield
    }) : () -> ()
    %iota3A = tpu.iota {dimensions = array<i32: 0>} : vector<16xi32>
    %add3A_3 = arith.constant 0 : i32
    %add3A_4 = vector.broadcast %add3A_3 : i32 to vector<16xi32>
    %add3A_5 = arith.addi %add3A_4, %iota3A : vector<16xi32>
    %iota3A_6 = tpu.iota {dimensions = array<i32: 0>} : vector<16xi32>
    %add3A_7 = arith.constant 16 : i32
    %add3A_8 = vector.broadcast %add3A_7 : i32 to vector<16xi32>
    %add3A_9 = arith.addi %add3A_8, %iota3A_6 : vector<16xi32>
    %dma_start3A = arith.constant 0 : i32
    %dma_start3A_10 = arith.constant 0 : i32
    %dma_start3A_11 = tpu.memref_slice %arg5[%dma_start3A, %dma_start3A_10] : memref<256x128xi32, #tpu.memory_space<vmem>> -> memref<1x128xi32, #tpu.memory_space<vmem>>
    %dma_start3A_12 = tpu.memref_squeeze %dma_start3A_11 : memref<1x128xi32, #tpu.memory_space<vmem>> -> memref<128xi32, #tpu.memory_space<vmem>>
    %dma_start3A_13 = arith.constant 0 : i32
    %dma_start3A_14 = arith.constant 0 : i32
    %dma_start3A_15 = tpu.memref_slice %arg3[%dma_start3A_13, %dma_start3A_14] : memref<1000000x32xf32, #tpu.memory_space<hbm>> -> memref<1000000x32xf32, #tpu.memory_space<hbm>>
    tpu.enqueue_indirect_dma source(%dma_start3A_15 : memref<1000000x32xf32, #tpu.memory_space<hbm>>) target(%arg6 : memref<128x32xf32, #tpu.memory_space<vmem>>) offsets(%dma_start3A_12 : memref<128xi32, #tpu.memory_space<vmem>>) semaphore(%arg12 : memref<!tpu.dma_semaphore, #tpu.memory_space<semaphore_mem>>)
    %dma_start3A_16 = arith.constant 1 : i32
    %dma_start3A_17 = arith.constant 0 : i32
    %dma_start3A_18 = tpu.memref_slice %arg5[%dma_start3A_16, %dma_start3A_17] : memref<256x128xi32, #tpu.memory_space<vmem>> -> memref<1x128xi32, #tpu.memory_space<vmem>>
    %dma_start3A_19 = tpu.memref_squeeze %dma_start3A_18 : memref<1x128xi32, #tpu.memory_space<vmem>> -> memref<128xi32, #tpu.memory_space<vmem>>
    %dma_start3A_20 = arith.constant 0 : i32
    %dma_start3A_21 = arith.constant 0 : i32
    %dma_start3A_22 = tpu.memref_slice %arg3[%dma_start3A_20, %dma_start3A_21] : memref<1000000x32xf32, #tpu.memory_space<hbm>> -> memref<1000000x32xf32, #tpu.memory_space<hbm>>
    tpu.enqueue_indirect_dma source(%dma_start3A_22 : memref<1000000x32xf32, #tpu.memory_space<hbm>>) target(%arg7 : memref<128x32xf32, #tpu.memory_space<vmem>>) offsets(%dma_start3A_19 : memref<128xi32, #tpu.memory_space<vmem>>) semaphore(%arg13 : memref<!tpu.dma_semaphore, #tpu.memory_space<semaphore_mem>>)
    %dma_start3A_23 = arith.constant 2 : i32
    %dma_start3A_24 = arith.constant 0 : i32
    %dma_start3A_25 = tpu.memref_slice %arg5[%dma_start3A_23, %dma_start3A_24] : memref<256x128xi32, #tpu.memory_space<vmem>> -> memref<1x128xi32, #tpu.memory_space<vmem>>
    %dma_start3A_26 = tpu.memref_squeeze %dma_start3A_25 : memref<1x128xi32, #tpu.memory_space<vmem>> -> memref<128xi32, #tpu.memory_space<vmem>>
    %dma_start3A_27 = arith.constant 0 : i32
    %dma_start3A_28 = arith.constant 0 : i32
    %dma_start3A_29 = tpu.memref_slice %arg3[%dma_start3A_27, %dma_start3A_28] : memref<1000000x32xf32, #tpu.memory_space<hbm>> -> memref<1000000x32xf32, #tpu.memory_space<hbm>>
    tpu.enqueue_indirect_dma source(%dma_start3A_29 : memref<1000000x32xf32, #tpu.memory_space<hbm>>) target(%arg8 : memref<128x32xf32, #tpu.memory_space<vmem>>) offsets(%dma_start3A_26 : memref<128xi32, #tpu.memory_space<vmem>>) semaphore(%arg14 : memref<!tpu.dma_semaphore, #tpu.memory_space<semaphore_mem>>)
    %scan3A = arith.constant 0 : i32
    %scan3A_30 = arith.constant 0 : i32
    %scan3A_31 = arith.constant 64 : i32
    %scan3A_32 = arith.addi %scan3A_30, %scan3A_31 : i32
    %scan3A_33 = arith.constant 1 : i32
    scf.for %scan3A_162 = %scan3A_30 to %scan3A_32 step %scan3A_33  : i32 {
      %mul3A_163 = arith.constant 4 : i32
      %mul3A_164 = arith.muli %mul3A_163, %scan3A_162 : i32
      %add3A_165 = arith.constant 0 : i32
      %add3A_166 = arith.addi %mul3A_164, %add3A_165 : i32
      %add3A_167 = arith.constant 3 : i32
      %add3A_168 = arith.addi %add3A_166, %add3A_167 : i32
      %lt3A = arith.constant 256 : i32
      %lt3A_169 = arith.cmpi slt, %add3A_168, %lt3A : i32
      %convert_element_type3A = arith.extui %lt3A_169 : i1 to i32
      %cond3A = arith.constant 0 : i32
      %cond3A_170 = arith.cmpi ne, %convert_element_type3A, %cond3A : i32
      scf.if %cond3A_170 {
        %add3A_502 = arith.constant 3 : i32
        %add3A_503 = arith.addi %add3A_166, %add3A_502 : i32
        %dma_start3A_504 = arith.constant 0 : i32
        %dma_start3A_505 = tpu.memref_slice %arg5[%add3A_503, %dma_start3A_504] : memref<256x128xi32, #tpu.memory_space<vmem>> -> memref<1x128xi32, #tpu.memory_space<vmem>>
        %dma_start3A_506 = tpu.memref_squeeze %dma_start3A_505 : memref<1x128xi32, #tpu.memory_space<vmem>> -> memref<128xi32, #tpu.memory_space<vmem>>
        %dma_start3A_507 = arith.constant 0 : i32
        %dma_start3A_508 = arith.constant 0 : i32
        %dma_start3A_509 = tpu.memref_slice %arg3[%dma_start3A_507, %dma_start3A_508] : memref<1000000x32xf32, #tpu.memory_space<hbm>> -> memref<1000000x32xf32, #tpu.memory_space<hbm>>
        tpu.enqueue_indirect_dma source(%dma_start3A_509 : memref<1000000x32xf32, #tpu.memory_space<hbm>>) target(%arg9 : memref<128x32xf32, #tpu.memory_space<vmem>>) offsets(%dma_start3A_506 : memref<128xi32, #tpu.memory_space<vmem>>) semaphore(%arg15 : memref<!tpu.dma_semaphore, #tpu.memory_space<semaphore_mem>>)
      } else {
      }
      %dma_wait3A_171 = arith.constant 0 : i32
      %dma_wait3A_172 = arith.constant 0 : i32
      %dma_wait3A_173 = tpu.memref_slice %arg3[%dma_wait3A_171, %dma_wait3A_172] : memref<1000000x32xf32, #tpu.memory_space<hbm>> -> memref<128x32xf32, #tpu.memory_space<hbm>>
      %dma_wait3A_174 = arith.constant 0 : i32
      %dma_wait3A_175 = arith.constant 0 : i32
      %dma_wait3A_176 = tpu.memref_slice %arg3[%dma_wait3A_174, %dma_wait3A_175] : memref<1000000x32xf32, #tpu.memory_space<hbm>> -> memref<128x32xf32, #tpu.memory_space<hbm>>
      tpu.wait_dma2 semaphore(%arg12 : memref<!tpu.dma_semaphore, #tpu.memory_space<semaphore_mem>>) src(%dma_wait3A_176 : memref<128x32xf32, #tpu.memory_space<hbm>>) dst(%arg6 : memref<128x32xf32, #tpu.memory_space<vmem>>)
      %ge3A = arith.constant 2 : i32
      %ge3A_177 = arith.cmpi sge, %add3A_166, %ge3A : i32
      %convert_element_type3A_178 = arith.extui %ge3A_177 : i1 to i32
      %cond3A_179 = arith.constant 0 : i32
      %cond3A_180 = arith.cmpi ne, %convert_element_type3A_178, %cond3A_179 : i32
      scf.if %cond3A_180 {
        %dma_wait3A_502 = arith.constant 0 : i32
        %dma_wait3A_503 = arith.constant 0 : i32
        %dma_wait3A_504 = arith.constant 0 : i32
        %dma_wait3A_505 = arith.constant 0 : i32
        %dma_wait3A_506 = tpu.memref_slice %arg10[%dma_wait3A_504, %dma_wait3A_505] : memref<32x129xf32, #tpu.memory_space<vmem>> -> memref<8x128xf32, #tpu.memory_space<vmem>>
        %dma_wait3A_507 = arith.constant 0 : i32
        %dma_wait3A_508 = arith.constant 0 : i32
        %dma_wait3A_509 = tpu.memref_slice %arg4[%dma_wait3A_502, %dma_wait3A_503, %dma_wait3A_507, %dma_wait3A_508] : memref<4x8192x8x128xf32, #tpu.memory_space<hbm>> -> memref<1x1x8x128xf32, #tpu.memory_space<hbm>>
        %dma_wait3A_510 = tpu.memref_squeeze %dma_wait3A_509 : memref<1x1x8x128xf32, #tpu.memory_space<hbm>> -> memref<8x128xf32, #tpu.memory_space<hbm>>
        %dma_wait3A_511 = arith.constant 0 : i32
        %dma_wait3A_512 = arith.constant 0 : i32
        %dma_wait3A_513 = tpu.memref_slice %arg4[%dma_wait3A_502, %dma_wait3A_503, %dma_wait3A_511, %dma_wait3A_512] : memref<4x8192x8x128xf32, #tpu.memory_space<hbm>> -> memref<1x1x8x128xf32, #tpu.memory_space<hbm>>
        %dma_wait3A_514 = tpu.memref_squeeze %dma_wait3A_513 : memref<1x1x8x128xf32, #tpu.memory_space<hbm>> -> memref<8x128xf32, #tpu.memory_space<hbm>>
        %dma_wait3A_515 = arith.constant 0 : i32
        %dma_wait3A_516 = arith.constant 0 : i32
        %dma_wait3A_517 = tpu.memref_slice %arg10[%dma_wait3A_515, %dma_wait3A_516] : memref<32x129xf32, #tpu.memory_space<vmem>> -> memref<8x128xf32, #tpu.memory_space<vmem>>
        tpu.wait_dma2 semaphore(%arg16 : memref<!tpu.dma_semaphore, #tpu.memory_space<semaphore_mem>>) src(%dma_wait3A_517 : memref<8x128xf32, #tpu.memory_space<vmem>>) dst(%dma_wait3A_514 : memref<8x128xf32, #tpu.memory_space<hbm>>)
        %dma_wait3A_518 = arith.constant 1 : i32
        %dma_wait3A_519 = arith.constant 0 : i32
        %dma_wait3A_520 = arith.constant 8 : i32
        %dma_wait3A_521 = arith.constant 0 : i32
        %dma_wait3A_522 = tpu.memref_slice %arg10[%dma_wait3A_520, %dma_wait3A_521] : memref<32x129xf32, #tpu.memory_space<vmem>> -> memref<8x128xf32, #tpu.memory_space<vmem>>
        %dma_wait3A_523 = arith.constant 0 : i32
        %dma_wait3A_524 = arith.constant 0 : i32
        %dma_wait3A_525 = tpu.memref_slice %arg4[%dma_wait3A_518, %dma_wait3A_519, %dma_wait3A_523, %dma_wait3A_524] : memref<4x8192x8x128xf32, #tpu.memory_space<hbm>> -> memref<1x1x8x128xf32, #tpu.memory_space<hbm>>
        %dma_wait3A_526 = tpu.memref_squeeze %dma_wait3A_525 : memref<1x1x8x128xf32, #tpu.memory_space<hbm>> -> memref<8x128xf32, #tpu.memory_space<hbm>>
        %dma_wait3A_527 = arith.constant 0 : i32
        %dma_wait3A_528 = arith.constant 0 : i32
        %dma_wait3A_529 = tpu.memref_slice %arg4[%dma_wait3A_518, %dma_wait3A_519, %dma_wait3A_527, %dma_wait3A_528] : memref<4x8192x8x128xf32, #tpu.memory_space<hbm>> -> memref<1x1x8x128xf32, #tpu.memory_space<hbm>>
        %dma_wait3A_530 = tpu.memref_squeeze %dma_wait3A_529 : memref<1x1x8x128xf32, #tpu.memory_space<hbm>> -> memref<8x128xf32, #tpu.memory_space<hbm>>
        %dma_wait3A_531 = arith.constant 8 : i32
        %dma_wait3A_532 = arith.constant 0 : i32
        %dma_wait3A_533 = tpu.memref_slice %arg10[%dma_wait3A_531, %dma_wait3A_532] : memref<32x129xf32, #tpu.memory_space<vmem>> -> memref<8x128xf32, #tpu.memory_space<vmem>>
        tpu.wait_dma2 semaphore(%arg16 : memref<!tpu.dma_semaphore, #tpu.memory_space<semaphore_mem>>) src(%dma_wait3A_533 : memref<8x128xf32, #tpu.memory_space<vmem>>) dst(%dma_wait3A_530 : memref<8x128xf32, #tpu.memory_space<hbm>>)
        %dma_wait3A_534 = arith.constant 2 : i32
        %dma_wait3A_535 = arith.constant 0 : i32
        %dma_wait3A_536 = arith.constant 16 : i32
        %dma_wait3A_537 = arith.constant 0 : i32
        %dma_wait3A_538 = tpu.memref_slice %arg10[%dma_wait3A_536, %dma_wait3A_537] : memref<32x129xf32, #tpu.memory_space<vmem>> -> memref<8x128xf32, #tpu.memory_space<vmem>>
        %dma_wait3A_539 = arith.constant 0 : i32
        %dma_wait3A_540 = arith.constant 0 : i32
        %dma_wait3A_541 = tpu.memref_slice %arg4[%dma_wait3A_534, %dma_wait3A_535, %dma_wait3A_539, %dma_wait3A_540] : memref<4x8192x8x128xf32, #tpu.memory_space<hbm>> -> memref<1x1x8x128xf32, #tpu.memory_space<hbm>>
        %dma_wait3A_542 = tpu.memref_squeeze %dma_wait3A_541 : memref<1x1x8x128xf32, #tpu.memory_space<hbm>> -> memref<8x128xf32, #tpu.memory_space<hbm>>
        %dma_wait3A_543 = arith.constant 0 : i32
        %dma_wait3A_544 = arith.constant 0 : i32
        %dma_wait3A_545 = tpu.memref_slice %arg4[%dma_wait3A_534, %dma_wait3A_535, %dma_wait3A_543, %dma_wait3A_544] : memref<4x8192x8x128xf32, #tpu.memory_space<hbm>> -> memref<1x1x8x128xf32, #tpu.memory_space<hbm>>
        %dma_wait3A_546 = tpu.memref_squeeze %dma_wait3A_545 : memref<1x1x8x128xf32, #tpu.memory_space<hbm>> -> memref<8x128xf32, #tpu.memory_space<hbm>>
        %dma_wait3A_547 = arith.constant 16 : i32
        %dma_wait3A_548 = arith.constant 0 : i32
        %dma_wait3A_549 = tpu.memref_slice %arg10[%dma_wait3A_547, %dma_wait3A_548] : memref<32x129xf32, #tpu.memory_space<vmem>> -> memref<8x128xf32, #tpu.memory_space<vmem>>
        tpu.wait_dma2 semaphore(%arg16 : memref<!tpu.dma_semaphore, #tpu.memory_space<semaphore_mem>>) src(%dma_wait3A_549 : memref<8x128xf32, #tpu.memory_space<vmem>>) dst(%dma_wait3A_546 : memref<8x128xf32, #tpu.memory_space<hbm>>)
        %dma_wait3A_550 = arith.constant 3 : i32
        %dma_wait3A_551 = arith.constant 0 : i32
        %dma_wait3A_552 = arith.constant 24 : i32
        %dma_wait3A_553 = arith.constant 0 : i32
        %dma_wait3A_554 = tpu.memref_slice %arg10[%dma_wait3A_552, %dma_wait3A_553] : memref<32x129xf32, #tpu.memory_space<vmem>> -> memref<8x128xf32, #tpu.memory_space<vmem>>
        %dma_wait3A_555 = arith.constant 0 : i32
        %dma_wait3A_556 = arith.constant 0 : i32
        %dma_wait3A_557 = tpu.memref_slice %arg4[%dma_wait3A_550, %dma_wait3A_551, %dma_wait3A_555, %dma_wait3A_556] : memref<4x8192x8x128xf32, #tpu.memory_space<hbm>> -> memref<1x1x8x128xf32, #tpu.memory_space<hbm>>
        %dma_wait3A_558 = tpu.memref_squeeze %dma_wait3A_557 : memref<1x1x8x128xf32, #tpu.memory_space<hbm>> -> memref<8x128xf32, #tpu.memory_space<hbm>>
        %dma_wait3A_559 = arith.constant 0 : i32
        %dma_wait3A_560 = arith.constant 0 : i32
        %dma_wait3A_561 = tpu.memref_slice %arg4[%dma_wait3A_550, %dma_wait3A_551, %dma_wait3A_559, %dma_wait3A_560] : memref<4x8192x8x128xf32, #tpu.memory_space<hbm>> -> memref<1x1x8x128xf32, #tpu.memory_space<hbm>>
        %dma_wait3A_562 = tpu.memref_squeeze %dma_wait3A_561 : memref<1x1x8x128xf32, #tpu.memory_space<hbm>> -> memref<8x128xf32, #tpu.memory_space<hbm>>
        %dma_wait3A_563 = arith.constant 24 : i32
        %dma_wait3A_564 = arith.constant 0 : i32
        %dma_wait3A_565 = tpu.memref_slice %arg10[%dma_wait3A_563, %dma_wait3A_564] : memref<32x129xf32, #tpu.memory_space<vmem>> -> memref<8x128xf32, #tpu.memory_space<vmem>>
        tpu.wait_dma2 semaphore(%arg16 : memref<!tpu.dma_semaphore, #tpu.memory_space<semaphore_mem>>) src(%dma_wait3A_565 : memref<8x128xf32, #tpu.memory_space<vmem>>) dst(%dma_wait3A_562 : memref<8x128xf32, #tpu.memory_space<hbm>>)
      } else {
      }
      %parallel_loop3A = arith.constant 0 : i32
      %parallel_loop3A_181 = arith.constant 128 : i32
      %parallel_loop3A_182 = arith.constant 1 : i32
      scf.for %parallel_loop3A_502 = %parallel_loop3A to %parallel_loop3A_181 step %parallel_loop3A_182  : i32 {
        %parallel_loop3A_503 = vector.broadcast %parallel_loop3A_502 : i32 to vector<16xi32>
        %parallel_loop3A_504 = arith.index_cast %parallel_loop3A_502 : i32 to index
        %parallel_loop3A_505 = arith.constant 0 : index
        %parallel_loop3A_506 = tpu.vector_load %arg6[%parallel_loop3A_504, %parallel_loop3A_505] {strides = array<i32>} : memref<128x32xf32, #tpu.memory_space<vmem>>, vector<16xf32>,
        tpu.vector_store_idx %arg10[%add3A_5, %parallel_loop3A_503], %parallel_loop3A_506 : memref<32x129xf32, #tpu.memory_space<vmem>>[vector<16xi32>, vector<16xi32>], vector<16xf32>,
        %parallel_loop3A_507 = arith.index_cast %parallel_loop3A_502 : i32 to index
        %parallel_loop3A_508 = arith.constant 16 : index
        %parallel_loop3A_509 = tpu.vector_load %arg6[%parallel_loop3A_507, %parallel_loop3A_508] {strides = array<i32>} : memref<128x32xf32, #tpu.memory_space<vmem>>, vector<16xf32>,
        tpu.vector_store_idx %arg10[%add3A_9, %parallel_loop3A_503], %parallel_loop3A_509 : memref<32x129xf32, #tpu.memory_space<vmem>>[vector<16xi32>, vector<16xi32>], vector<16xf32>,
      } {sc.loop_unroll_factor = 4 : i64, sc.parallel_access}
      %add3A_183 = arith.addi %mul3A_2, %add3A_166 : i32
      %dma_start3A_184 = arith.constant 0 : i32
      %dma_start3A_185 = arith.constant 0 : i32
      %dma_start3A_186 = arith.constant 0 : i32
      %dma_start3A_187 = tpu.memref_slice %arg10[%dma_start3A_185, %dma_start3A_186] : memref<32x129xf32, #tpu.memory_space<vmem>> -> memref<8x128xf32, #tpu.memory_space<vmem>>
      %dma_start3A_188 = arith.constant 0 : i32
      %dma_start3A_189 = arith.constant 0 : i32
      %dma_start3A_190 = tpu.memref_slice %arg4[%dma_start3A_184, %add3A_183, %dma_start3A_188, %dma_start3A_189] : memref<4x8192x8x128xf32, #tpu.memory_space<hbm>> -> memref<1x1x8x128xf32, #tpu.memory_space<hbm>>
      %dma_start3A_191 = tpu.memref_squeeze %dma_start3A_190 : memref<1x1x8x128xf32, #tpu.memory_space<hbm>> -> memref<8x128xf32, #tpu.memory_space<hbm>>
      %dma_start3A_192 = arith.constant 0 : i32
      %dma_start3A_193 = arith.constant 0 : i32
      %dma_start3A_194 = tpu.memref_slice %arg4[%dma_start3A_184, %add3A_183, %dma_start3A_192, %dma_start3A_193] : memref<4x8192x8x128xf32, #tpu.memory_space<hbm>> -> memref<1x1x8x128xf32, #tpu.memory_space<hbm>>
      %dma_start3A_195 = tpu.memref_squeeze %dma_start3A_194 : memref<1x1x8x128xf32, #tpu.memory_space<hbm>> -> memref<8x128xf32, #tpu.memory_space<hbm>>
      %dma_start3A_196 = arith.constant 0 : i32
      %dma_start3A_197 = arith.constant 0 : i32
      %dma_start3A_198 = tpu.memref_slice %arg10[%dma_start3A_196, %dma_start3A_197] : memref<32x129xf32, #tpu.memory_space<vmem>> -> memref<8x128xf32, #tpu.memory_space<vmem>>
      tpu.enqueue_dma source(%dma_start3A_198 : memref<8x128xf32, #tpu.memory_space<vmem>>) target(%dma_start3A_195 : memref<8x128xf32, #tpu.memory_space<hbm>>) target_semaphore(%arg16 : memref<!tpu.dma_semaphore, #tpu.memory_space<semaphore_mem>>)
      %dma_start3A_199 = arith.constant 1 : i32
      %dma_start3A_200 = arith.constant 8 : i32
      %dma_start3A_201 = arith.constant 0 : i32
      %dma_start3A_202 = tpu.memref_slice %arg10[%dma_start3A_200, %dma_start3A_201] : memref<32x129xf32, #tpu.memory_space<vmem>> -> memref<8x128xf32, #tpu.memory_space<vmem>>
      %dma_start3A_203 = arith.constant 0 : i32
      %dma_start3A_204 = arith.constant 0 : i32
      %dma_start3A_205 = tpu.memref_slice %arg4[%dma_start3A_199, %add3A_183, %dma_start3A_203, %dma_start3A_204] : memref<4x8192x8x128xf32, #tpu.memory_space<hbm>> -> memref<1x1x8x128xf32, #tpu.memory_space<hbm>>
      %dma_start3A_206 = tpu.memref_squeeze %dma_start3A_205 : memref<1x1x8x128xf32, #tpu.memory_space<hbm>> -> memref<8x128xf32, #tpu.memory_space<hbm>>
      %dma_start3A_207 = arith.constant 0 : i32
      %dma_start3A_208 = arith.constant 0 : i32
      %dma_start3A_209 = tpu.memref_slice %arg4[%dma_start3A_199, %add3A_183, %dma_start3A_207, %dma_start3A_208] : memref<4x8192x8x128xf32, #tpu.memory_space<hbm>> -> memref<1x1x8x128xf32, #tpu.memory_space<hbm>>
      %dma_start3A_210 = tpu.memref_squeeze %dma_start3A_209 : memref<1x1x8x128xf32, #tpu.memory_space<hbm>> -> memref<8x128xf32, #tpu.memory_space<hbm>>
      %dma_start3A_211 = arith.constant 8 : i32
      %dma_start3A_212 = arith.constant 0 : i32
      %dma_start3A_213 = tpu.memref_slice %arg10[%dma_start3A_211, %dma_start3A_212] : memref<32x129xf32, #tpu.memory_space<vmem>> -> memref<8x128xf32, #tpu.memory_space<vmem>>
      tpu.enqueue_dma source(%dma_start3A_213 : memref<8x128xf32, #tpu.memory_space<vmem>>) target(%dma_start3A_210 : memref<8x128xf32, #tpu.memory_space<hbm>>) target_semaphore(%arg16 : memref<!tpu.dma_semaphore, #tpu.memory_space<semaphore_mem>>)
      %dma_start3A_214 = arith.constant 2 : i32
      %dma_start3A_215 = arith.constant 16 : i32
      %dma_start3A_216 = arith.constant 0 : i32
      %dma_start3A_217 = tpu.memref_slice %arg10[%dma_start3A_215, %dma_start3A_216] : memref<32x129xf32, #tpu.memory_space<vmem>> -> memref<8x128xf32, #tpu.memory_space<vmem>>
      %dma_start3A_218 = arith.constant 0 : i32
      %dma_start3A_219 = arith.constant 0 : i32
      %dma_start3A_220 = tpu.memref_slice %arg4[%dma_start3A_214, %add3A_183, %dma_start3A_218, %dma_start3A_219] : memref<4x8192x8x128xf32, #tpu.memory_space<hbm>> -> memref<1x1x8x128xf32, #tpu.memory_space<hbm>>
      %dma_start3A_221 = tpu.memref_squeeze %dma_start3A_220 : memref<1x1x8x128xf32, #tpu.memory_space<hbm>> -> memref<8x128xf32, #tpu.memory_space<hbm>>
      %dma_start3A_222 = arith.constant 0 : i32
      %dma_start3A_223 = arith.constant 0 : i32
      %dma_start3A_224 = tpu.memref_slice %arg4[%dma_start3A_214, %add3A_183, %dma_start3A_222, %dma_start3A_223] : memref<4x8192x8x128xf32, #tpu.memory_space<hbm>> -> memref<1x1x8x128xf32, #tpu.memory_space<hbm>>
      %dma_start3A_225 = tpu.memref_squeeze %dma_start3A_224 : memref<1x1x8x128xf32, #tpu.memory_space<hbm>> -> memref<8x128xf32, #tpu.memory_space<hbm>>
      %dma_start3A_226 = arith.constant 16 : i32
      %dma_start3A_227 = arith.constant 0 : i32
      %dma_start3A_228 = tpu.memref_slice %arg10[%dma_start3A_226, %dma_start3A_227] : memref<32x129xf32, #tpu.memory_space<vmem>> -> memref<8x128xf32, #tpu.memory_space<vmem>>
      tpu.enqueue_dma source(%dma_start3A_228 : memref<8x128xf32, #tpu.memory_space<vmem>>) target(%dma_start3A_225 : memref<8x128xf32, #tpu.memory_space<hbm>>) target_semaphore(%arg16 : memref<!tpu.dma_semaphore, #tpu.memory_space<semaphore_mem>>)
      %dma_start3A_229 = arith.constant 3 : i32
      %dma_start3A_230 = arith.constant 24 : i32
      %dma_start3A_231 = arith.constant 0 : i32
      %dma_start3A_232 = tpu.memref_slice %arg10[%dma_start3A_230, %dma_start3A_231] : memref<32x129xf32, #tpu.memory_space<vmem>> -> memref<8x128xf32, #tpu.memory_space<vmem>>
      %dma_start3A_233 = arith.constant 0 : i32
      %dma_start3A_234 = arith.constant 0 : i32
      %dma_start3A_235 = tpu.memref_slice %arg4[%dma_start3A_229, %add3A_183, %dma_start3A_233, %dma_start3A_234] : memref<4x8192x8x128xf32, #tpu.memory_space<hbm>> -> memref<1x1x8x128xf32, #tpu.memory_space<hbm>>
      %dma_start3A_236 = tpu.memref_squeeze %dma_start3A_235 : memref<1x1x8x128xf32, #tpu.memory_space<hbm>> -> memref<8x128xf32, #tpu.memory_space<hbm>>
      %dma_start3A_237 = arith.constant 0 : i32
      %dma_start3A_238 = arith.constant 0 : i32
      %dma_start3A_239 = tpu.memref_slice %arg4[%dma_start3A_229, %add3A_183, %dma_start3A_237, %dma_start3A_238] : memref<4x8192x8x128xf32, #tpu.memory_space<hbm>> -> memref<1x1x8x128xf32, #tpu.memory_space<hbm>>
      %dma_start3A_240 = tpu.memref_squeeze %dma_start3A_239 : memref<1x1x8x128xf32, #tpu.memory_space<hbm>> -> memref<8x128xf32, #tpu.memory_space<hbm>>
      %dma_start3A_241 = arith.constant 24 : i32
      %dma_start3A_242 = arith.constant 0 : i32
      %dma_start3A_243 = tpu.memref_slice %arg10[%dma_start3A_241, %dma_start3A_242] : memref<32x129xf32, #tpu.memory_space<vmem>> -> memref<8x128xf32, #tpu.memory_space<vmem>>
      tpu.enqueue_dma source(%dma_start3A_243 : memref<8x128xf32, #tpu.memory_space<vmem>>) target(%dma_start3A_240 : memref<8x128xf32, #tpu.memory_space<hbm>>) target_semaphore(%arg16 : memref<!tpu.dma_semaphore, #tpu.memory_space<semaphore_mem>>)
      %mul3A_244 = arith.constant 4 : i32
      %mul3A_245 = arith.muli %mul3A_244, %scan3A_162 : i32
      %add3A_246 = arith.constant 1 : i32
      %add3A_247 = arith.addi %mul3A_245, %add3A_246 : i32
      %add3A_248 = arith.constant 3 : i32
      %add3A_249 = arith.addi %add3A_247, %add3A_248 : i32
      %lt3A_250 = arith.constant 256 : i32
      %lt3A_251 = arith.cmpi slt, %add3A_249, %lt3A_250 : i32
      %convert_element_type3A_252 = arith.extui %lt3A_251 : i1 to i32
      %cond3A_253 = arith.constant 0 : i32
      %cond3A_254 = arith.cmpi ne, %convert_element_type3A_252, %cond3A_253 : i32
      scf.if %cond3A_254 {
        %add3A_502 = arith.constant 3 : i32
        %add3A_503 = arith.addi %add3A_247, %add3A_502 : i32
        %dma_start3A_504 = arith.constant 0 : i32
        %dma_start3A_505 = tpu.memref_slice %arg5[%add3A_503, %dma_start3A_504] : memref<256x128xi32, #tpu.memory_space<vmem>> -> memref<1x128xi32, #tpu.memory_space<vmem>>
        %dma_start3A_506 = tpu.memref_squeeze %dma_start3A_505 : memref<1x128xi32, #tpu.memory_space<vmem>> -> memref<128xi32, #tpu.memory_space<vmem>>
        %dma_start3A_507 = arith.constant 0 : i32
        %dma_start3A_508 = arith.constant 0 : i32
        %dma_start3A_509 = tpu.memref_slice %arg3[%dma_start3A_507, %dma_start3A_508] : memref<1000000x32xf32, #tpu.memory_space<hbm>> -> memref<1000000x32xf32, #tpu.memory_space<hbm>>
        tpu.enqueue_indirect_dma source(%dma_start3A_509 : memref<1000000x32xf32, #tpu.memory_space<hbm>>) target(%arg6 : memref<128x32xf32, #tpu.memory_space<vmem>>) offsets(%dma_start3A_506 : memref<128xi32, #tpu.memory_space<vmem>>) semaphore(%arg12 : memref<!tpu.dma_semaphore, #tpu.memory_space<semaphore_mem>>)
      } else {
      }
      %dma_wait3A_255 = arith.constant 0 : i32
      %dma_wait3A_256 = arith.constant 0 : i32
      %dma_wait3A_257 = tpu.memref_slice %arg3[%dma_wait3A_255, %dma_wait3A_256] : memref<1000000x32xf32, #tpu.memory_space<hbm>> -> memref<128x32xf32, #tpu.memory_space<hbm>>
      %dma_wait3A_258 = arith.constant 0 : i32
      %dma_wait3A_259 = arith.constant 0 : i32
      %dma_wait3A_260 = tpu.memref_slice %arg3[%dma_wait3A_258, %dma_wait3A_259] : memref<1000000x32xf32, #tpu.memory_space<hbm>> -> memref<128x32xf32, #tpu.memory_space<hbm>>
      tpu.wait_dma2 semaphore(%arg13 : memref<!tpu.dma_semaphore, #tpu.memory_space<semaphore_mem>>) src(%dma_wait3A_260 : memref<128x32xf32, #tpu.memory_space<hbm>>) dst(%arg7 : memref<128x32xf32, #tpu.memory_space<vmem>>)
      %ge3A_261 = arith.constant 2 : i32
      %ge3A_262 = arith.cmpi sge, %add3A_247, %ge3A_261 : i32
      %convert_element_type3A_263 = arith.extui %ge3A_262 : i1 to i32
      %cond3A_264 = arith.constant 0 : i32
      %cond3A_265 = arith.cmpi ne, %convert_element_type3A_263, %cond3A_264 : i32
      scf.if %cond3A_265 {
        %dma_wait3A_502 = arith.constant 0 : i32
        %dma_wait3A_503 = arith.constant 0 : i32
        %dma_wait3A_504 = arith.constant 0 : i32
        %dma_wait3A_505 = arith.constant 0 : i32
        %dma_wait3A_506 = tpu.memref_slice %arg11[%dma_wait3A_504, %dma_wait3A_505] : memref<32x129xf32, #tpu.memory_space<vmem>> -> memref<8x128xf32, #tpu.memory_space<vmem>>
        %dma_wait3A_507 = arith.constant 0 : i32
        %dma_wait3A_508 = arith.constant 0 : i32
        %dma_wait3A_509 = tpu.memref_slice %arg4[%dma_wait3A_502, %dma_wait3A_503, %dma_wait3A_507, %dma_wait3A_508] : memref<4x8192x8x128xf32, #tpu.memory_space<hbm>> -> memref<1x1x8x128xf32, #tpu.memory_space<hbm>>
        %dma_wait3A_510 = tpu.memref_squeeze %dma_wait3A_509 : memref<1x1x8x128xf32, #tpu.memory_space<hbm>> -> memref<8x128xf32, #tpu.memory_space<hbm>>
        %dma_wait3A_511 = arith.constant 0 : i32
        %dma_wait3A_512 = arith.constant 0 : i32
        %dma_wait3A_513 = tpu.memref_slice %arg4[%dma_wait3A_502, %dma_wait3A_503, %dma_wait3A_511, %dma_wait3A_512] : memref<4x8192x8x128xf32, #tpu.memory_space<hbm>> -> memref<1x1x8x128xf32, #tpu.memory_space<hbm>>
        %dma_wait3A_514 = tpu.memref_squeeze %dma_wait3A_513 : memref<1x1x8x128xf32, #tpu.memory_space<hbm>> -> memref<8x128xf32, #tpu.memory_space<hbm>>
        %dma_wait3A_515 = arith.constant 0 : i32
        %dma_wait3A_516 = arith.constant 0 : i32
        %dma_wait3A_517 = tpu.memref_slice %arg11[%dma_wait3A_515, %dma_wait3A_516] : memref<32x129xf32, #tpu.memory_space<vmem>> -> memref<8x128xf32, #tpu.memory_space<vmem>>
        tpu.wait_dma2 semaphore(%arg17 : memref<!tpu.dma_semaphore, #tpu.memory_space<semaphore_mem>>) src(%dma_wait3A_517 : memref<8x128xf32, #tpu.memory_space<vmem>>) dst(%dma_wait3A_514 : memref<8x128xf32, #tpu.memory_space<hbm>>)
        %dma_wait3A_518 = arith.constant 1 : i32
        %dma_wait3A_519 = arith.constant 0 : i32
        %dma_wait3A_520 = arith.constant 8 : i32
        %dma_wait3A_521 = arith.constant 0 : i32
        %dma_wait3A_522 = tpu.memref_slice %arg11[%dma_wait3A_520, %dma_wait3A_521] : memref<32x129xf32, #tpu.memory_space<vmem>> -> memref<8x128xf32, #tpu.memory_space<vmem>>
        %dma_wait3A_523 = arith.constant 0 : i32
        %dma_wait3A_524 = arith.constant 0 : i32
        %dma_wait3A_525 = tpu.memref_slice %arg4[%dma_wait3A_518, %dma_wait3A_519, %dma_wait3A_523, %dma_wait3A_524] : memref<4x8192x8x128xf32, #tpu.memory_space<hbm>> -> memref<1x1x8x128xf32, #tpu.memory_space<hbm>>
        %dma_wait3A_526 = tpu.memref_squeeze %dma_wait3A_525 : memref<1x1x8x128xf32, #tpu.memory_space<hbm>> -> memref<8x128xf32, #tpu.memory_space<hbm>>
        %dma_wait3A_527 = arith.constant 0 : i32
        %dma_wait3A_528 = arith.constant 0 : i32
        %dma_wait3A_529 = tpu.memref_slice %arg4[%dma_wait3A_518, %dma_wait3A_519, %dma_wait3A_527, %dma_wait3A_528] : memref<4x8192x8x128xf32, #tpu.memory_space<hbm>> -> memref<1x1x8x128xf32, #tpu.memory_space<hbm>>
        %dma_wait3A_530 = tpu.memref_squeeze %dma_wait3A_529 : memref<1x1x8x128xf32, #tpu.memory_space<hbm>> -> memref<8x128xf32, #tpu.memory_space<hbm>>
        %dma_wait3A_531 = arith.constant 8 : i32
        %dma_wait3A_532 = arith.constant 0 : i32
        %dma_wait3A_533 = tpu.memref_slice %arg11[%dma_wait3A_531, %dma_wait3A_532] : memref<32x129xf32, #tpu.memory_space<vmem>> -> memref<8x128xf32, #tpu.memory_space<vmem>>
        tpu.wait_dma2 semaphore(%arg17 : memref<!tpu.dma_semaphore, #tpu.memory_space<semaphore_mem>>) src(%dma_wait3A_533 : memref<8x128xf32, #tpu.memory_space<vmem>>) dst(%dma_wait3A_530 : memref<8x128xf32, #tpu.memory_space<hbm>>)
        %dma_wait3A_534 = arith.constant 2 : i32
        %dma_wait3A_535 = arith.constant 0 : i32
        %dma_wait3A_536 = arith.constant 16 : i32
        %dma_wait3A_537 = arith.constant 0 : i32
        %dma_wait3A_538 = tpu.memref_slice %arg11[%dma_wait3A_536, %dma_wait3A_537] : memref<32x129xf32, #tpu.memory_space<vmem>> -> memref<8x128xf32, #tpu.memory_space<vmem>>
        %dma_wait3A_539 = arith.constant 0 : i32
        %dma_wait3A_540 = arith.constant 0 : i32
        %dma_wait3A_541 = tpu.memref_slice %arg4[%dma_wait3A_534, %dma_wait3A_535, %dma_wait3A_539, %dma_wait3A_540] : memref<4x8192x8x128xf32, #tpu.memory_space<hbm>> -> memref<1x1x8x128xf32, #tpu.memory_space<hbm>>
        %dma_wait3A_542 = tpu.memref_squeeze %dma_wait3A_541 : memref<1x1x8x128xf32, #tpu.memory_space<hbm>> -> memref<8x128xf32, #tpu.memory_space<hbm>>
        %dma_wait3A_543 = arith.constant 0 : i32
        %dma_wait3A_544 = arith.constant 0 : i32
        %dma_wait3A_545 = tpu.memref_slice %arg4[%dma_wait3A_534, %dma_wait3A_535, %dma_wait3A_543, %dma_wait3A_544] : memref<4x8192x8x128xf32, #tpu.memory_space<hbm>> -> memref<1x1x8x128xf32, #tpu.memory_space<hbm>>
        %dma_wait3A_546 = tpu.memref_squeeze %dma_wait3A_545 : memref<1x1x8x128xf32, #tpu.memory_space<hbm>> -> memref<8x128xf32, #tpu.memory_space<hbm>>
        %dma_wait3A_547 = arith.constant 16 : i32
        %dma_wait3A_548 = arith.constant 0 : i32
        %dma_wait3A_549 = tpu.memref_slice %arg11[%dma_wait3A_547, %dma_wait3A_548] : memref<32x129xf32, #tpu.memory_space<vmem>> -> memref<8x128xf32, #tpu.memory_space<vmem>>
        tpu.wait_dma2 semaphore(%arg17 : memref<!tpu.dma_semaphore, #tpu.memory_space<semaphore_mem>>) src(%dma_wait3A_549 : memref<8x128xf32, #tpu.memory_space<vmem>>) dst(%dma_wait3A_546 : memref<8x128xf32, #tpu.memory_space<hbm>>)
        %dma_wait3A_550 = arith.constant 3 : i32
        %dma_wait3A_551 = arith.constant 0 : i32
        %dma_wait3A_552 = arith.constant 24 : i32
        %dma_wait3A_553 = arith.constant 0 : i32
        %dma_wait3A_554 = tpu.memref_slice %arg11[%dma_wait3A_552, %dma_wait3A_553] : memref<32x129xf32, #tpu.memory_space<vmem>> -> memref<8x128xf32, #tpu.memory_space<vmem>>
        %dma_wait3A_555 = arith.constant 0 : i32
        %dma_wait3A_556 = arith.constant 0 : i32
        %dma_wait3A_557 = tpu.memref_slice %arg4[%dma_wait3A_550, %dma_wait3A_551, %dma_wait3A_555, %dma_wait3A_556] : memref<4x8192x8x128xf32, #tpu.memory_space<hbm>> -> memref<1x1x8x128xf32, #tpu.memory_space<hbm>>
        %dma_wait3A_558 = tpu.memref_squeeze %dma_wait3A_557 : memref<1x1x8x128xf32, #tpu.memory_space<hbm>> -> memref<8x128xf32, #tpu.memory_space<hbm>>
        %dma_wait3A_559 = arith.constant 0 : i32
        %dma_wait3A_560 = arith.constant 0 : i32
        %dma_wait3A_561 = tpu.memref_slice %arg4[%dma_wait3A_550, %dma_wait3A_551, %dma_wait3A_559, %dma_wait3A_560] : memref<4x8192x8x128xf32, #tpu.memory_space<hbm>> -> memref<1x1x8x128xf32, #tpu.memory_space<hbm>>
        %dma_wait3A_562 = tpu.memref_squeeze %dma_wait3A_561 : memref<1x1x8x128xf32, #tpu.memory_space<hbm>> -> memref<8x128xf32, #tpu.memory_space<hbm>>
        %dma_wait3A_563 = arith.constant 24 : i32
        %dma_wait3A_564 = arith.constant 0 : i32
        %dma_wait3A_565 = tpu.memref_slice %arg11[%dma_wait3A_563, %dma_wait3A_564] : memref<32x129xf32, #tpu.memory_space<vmem>> -> memref<8x128xf32, #tpu.memory_space<vmem>>
        tpu.wait_dma2 semaphore(%arg17 : memref<!tpu.dma_semaphore, #tpu.memory_space<semaphore_mem>>) src(%dma_wait3A_565 : memref<8x128xf32, #tpu.memory_space<vmem>>) dst(%dma_wait3A_562 : memref<8x128xf32, #tpu.memory_space<hbm>>)
      } else {
      }
      %parallel_loop3A_266 = arith.constant 0 : i32
      %parallel_loop3A_267 = arith.constant 128 : i32
      %parallel_loop3A_268 = arith.constant 1 : i32
      scf.for %parallel_loop3A_502 = %parallel_loop3A_266 to %parallel_loop3A_267 step %parallel_loop3A_268  : i32 {
        %parallel_loop3A_503 = vector.broadcast %parallel_loop3A_502 : i32 to vector<16xi32>
        %parallel_loop3A_504 = arith.index_cast %parallel_loop3A_502 : i32 to index
        %parallel_loop3A_505 = arith.constant 0 : index
        %parallel_loop3A_506 = tpu.vector_load %arg7[%parallel_loop3A_504, %parallel_loop3A_505] {strides = array<i32>} : memref<128x32xf32, #tpu.memory_space<vmem>>, vector<16xf32>,
        tpu.vector_store_idx %arg11[%add3A_5, %parallel_loop3A_503], %parallel_loop3A_506 : memref<32x129xf32, #tpu.memory_space<vmem>>[vector<16xi32>, vector<16xi32>], vector<16xf32>,
        %parallel_loop3A_507 = arith.index_cast %parallel_loop3A_502 : i32 to index
        %parallel_loop3A_508 = arith.constant 16 : index
        %parallel_loop3A_509 = tpu.vector_load %arg7[%parallel_loop3A_507, %parallel_loop3A_508] {strides = array<i32>} : memref<128x32xf32, #tpu.memory_space<vmem>>, vector<16xf32>,
        tpu.vector_store_idx %arg11[%add3A_9, %parallel_loop3A_503], %parallel_loop3A_509 : memref<32x129xf32, #tpu.memory_space<vmem>>[vector<16xi32>, vector<16xi32>], vector<16xf32>,
      } {sc.loop_unroll_factor = 4 : i64, sc.parallel_access}
      %add3A_269 = arith.addi %mul3A_2, %add3A_247 : i32
      %dma_start3A_270 = arith.constant 0 : i32
      %dma_start3A_271 = arith.constant 0 : i32
      %dma_start3A_272 = arith.constant 0 : i32
      %dma_start3A_273 = tpu.memref_slice %arg11[%dma_start3A_271, %dma_start3A_272] : memref<32x129xf32, #tpu.memory_space<vmem>> -> memref<8x128xf32, #tpu.memory_space<vmem>>
      %dma_start3A_274 = arith.constant 0 : i32
      %dma_start3A_275 = arith.constant 0 : i32
      %dma_start3A_276 = tpu.memref_slice %arg4[%dma_start3A_270, %add3A_269, %dma_start3A_274, %dma_start3A_275] : memref<4x8192x8x128xf32, #tpu.memory_space<hbm>> -> memref<1x1x8x128xf32, #tpu.memory_space<hbm>>
      %dma_start3A_277 = tpu.memref_squeeze %dma_start3A_276 : memref<1x1x8x128xf32, #tpu.memory_space<hbm>> -> memref<8x128xf32, #tpu.memory_space<hbm>>
      %dma_start3A_278 = arith.constant 0 : i32
      %dma_start3A_279 = arith.constant 0 : i32
      %dma_start3A_280 = tpu.memref_slice %arg4[%dma_start3A_270, %add3A_269, %dma_start3A_278, %dma_start3A_279] : memref<4x8192x8x128xf32, #tpu.memory_space<hbm>> -> memref<1x1x8x128xf32, #tpu.memory_space<hbm>>
      %dma_start3A_281 = tpu.memref_squeeze %dma_start3A_280 : memref<1x1x8x128xf32, #tpu.memory_space<hbm>> -> memref<8x128xf32, #tpu.memory_space<hbm>>
      %dma_start3A_282 = arith.constant 0 : i32
      %dma_start3A_283 = arith.constant 0 : i32
      %dma_start3A_284 = tpu.memref_slice %arg11[%dma_start3A_282, %dma_start3A_283] : memref<32x129xf32, #tpu.memory_space<vmem>> -> memref<8x128xf32, #tpu.memory_space<vmem>>
      tpu.enqueue_dma source(%dma_start3A_284 : memref<8x128xf32, #tpu.memory_space<vmem>>) target(%dma_start3A_281 : memref<8x128xf32, #tpu.memory_space<hbm>>) target_semaphore(%arg17 : memref<!tpu.dma_semaphore, #tpu.memory_space<semaphore_mem>>)
      %dma_start3A_285 = arith.constant 1 : i32
      %dma_start3A_286 = arith.constant 8 : i32
      %dma_start3A_287 = arith.constant 0 : i32
      %dma_start3A_288 = tpu.memref_slice %arg11[%dma_start3A_286, %dma_start3A_287] : memref<32x129xf32, #tpu.memory_space<vmem>> -> memref<8x128xf32, #tpu.memory_space<vmem>>
      %dma_start3A_289 = arith.constant 0 : i32
      %dma_start3A_290 = arith.constant 0 : i32
      %dma_start3A_291 = tpu.memref_slice %arg4[%dma_start3A_285, %add3A_269, %dma_start3A_289, %dma_start3A_290] : memref<4x8192x8x128xf32, #tpu.memory_space<hbm>> -> memref<1x1x8x128xf32, #tpu.memory_space<hbm>>
      %dma_start3A_292 = tpu.memref_squeeze %dma_start3A_291 : memref<1x1x8x128xf32, #tpu.memory_space<hbm>> -> memref<8x128xf32, #tpu.memory_space<hbm>>
      %dma_start3A_293 = arith.constant 0 : i32
      %dma_start3A_294 = arith.constant 0 : i32
      %dma_start3A_295 = tpu.memref_slice %arg4[%dma_start3A_285, %add3A_269, %dma_start3A_293, %dma_start3A_294] : memref<4x8192x8x128xf32, #tpu.memory_space<hbm>> -> memref<1x1x8x128xf32, #tpu.memory_space<hbm>>
      %dma_start3A_296 = tpu.memref_squeeze %dma_start3A_295 : memref<1x1x8x128xf32, #tpu.memory_space<hbm>> -> memref<8x128xf32, #tpu.memory_space<hbm>>
      %dma_start3A_297 = arith.constant 8 : i32
      %dma_start3A_298 = arith.constant 0 : i32
      %dma_start3A_299 = tpu.memref_slice %arg11[%dma_start3A_297, %dma_start3A_298] : memref<32x129xf32, #tpu.memory_space<vmem>> -> memref<8x128xf32, #tpu.memory_space<vmem>>
      tpu.enqueue_dma source(%dma_start3A_299 : memref<8x128xf32, #tpu.memory_space<vmem>>) target(%dma_start3A_296 : memref<8x128xf32, #tpu.memory_space<hbm>>) target_semaphore(%arg17 : memref<!tpu.dma_semaphore, #tpu.memory_space<semaphore_mem>>)
      %dma_start3A_300 = arith.constant 2 : i32
      %dma_start3A_301 = arith.constant 16 : i32
      %dma_start3A_302 = arith.constant 0 : i32
      %dma_start3A_303 = tpu.memref_slice %arg11[%dma_start3A_301, %dma_start3A_302] : memref<32x129xf32, #tpu.memory_space<vmem>> -> memref<8x128xf32, #tpu.memory_space<vmem>>
      %dma_start3A_304 = arith.constant 0 : i32
      %dma_start3A_305 = arith.constant 0 : i32
      %dma_start3A_306 = tpu.memref_slice %arg4[%dma_start3A_300, %add3A_269, %dma_start3A_304, %dma_start3A_305] : memref<4x8192x8x128xf32, #tpu.memory_space<hbm>> -> memref<1x1x8x128xf32, #tpu.memory_space<hbm>>
      %dma_start3A_307 = tpu.memref_squeeze %dma_start3A_306 : memref<1x1x8x128xf32, #tpu.memory_space<hbm>> -> memref<8x128xf32, #tpu.memory_space<hbm>>
      %dma_start3A_308 = arith.constant 0 : i32
      %dma_start3A_309 = arith.constant 0 : i32
      %dma_start3A_310 = tpu.memref_slice %arg4[%dma_start3A_300, %add3A_269, %dma_start3A_308, %dma_start3A_309] : memref<4x8192x8x128xf32, #tpu.memory_space<hbm>> -> memref<1x1x8x128xf32, #tpu.memory_space<hbm>>
      %dma_start3A_311 = tpu.memref_squeeze %dma_start3A_310 : memref<1x1x8x128xf32, #tpu.memory_space<hbm>> -> memref<8x128xf32, #tpu.memory_space<hbm>>
      %dma_start3A_312 = arith.constant 16 : i32
      %dma_start3A_313 = arith.constant 0 : i32
      %dma_start3A_314 = tpu.memref_slice %arg11[%dma_start3A_312, %dma_start3A_313] : memref<32x129xf32, #tpu.memory_space<vmem>> -> memref<8x128xf32, #tpu.memory_space<vmem>>
      tpu.enqueue_dma source(%dma_start3A_314 : memref<8x128xf32, #tpu.memory_space<vmem>>) target(%dma_start3A_311 : memref<8x128xf32, #tpu.memory_space<hbm>>) target_semaphore(%arg17 : memref<!tpu.dma_semaphore, #tpu.memory_space<semaphore_mem>>)
      %dma_start3A_315 = arith.constant 3 : i32
      %dma_start3A_316 = arith.constant 24 : i32
      %dma_start3A_317 = arith.constant 0 : i32
      %dma_start3A_318 = tpu.memref_slice %arg11[%dma_start3A_316, %dma_start3A_317] : memref<32x129xf32, #tpu.memory_space<vmem>> -> memref<8x128xf32, #tpu.memory_space<vmem>>
      %dma_start3A_319 = arith.constant 0 : i32
      %dma_start3A_320 = arith.constant 0 : i32
      %dma_start3A_321 = tpu.memref_slice %arg4[%dma_start3A_315, %add3A_269, %dma_start3A_319, %dma_start3A_320] : memref<4x8192x8x128xf32, #tpu.memory_space<hbm>> -> memref<1x1x8x128xf32, #tpu.memory_space<hbm>>
      %dma_start3A_322 = tpu.memref_squeeze %dma_start3A_321 : memref<1x1x8x128xf32, #tpu.memory_space<hbm>> -> memref<8x128xf32, #tpu.memory_space<hbm>>
      %dma_start3A_323 = arith.constant 0 : i32
      %dma_start3A_324 = arith.constant 0 : i32
      %dma_start3A_325 = tpu.memref_slice %arg4[%dma_start3A_315, %add3A_269, %dma_start3A_323, %dma_start3A_324] : memref<4x8192x8x128xf32, #tpu.memory_space<hbm>> -> memref<1x1x8x128xf32, #tpu.memory_space<hbm>>
      %dma_start3A_326 = tpu.memref_squeeze %dma_start3A_325 : memref<1x1x8x128xf32, #tpu.memory_space<hbm>> -> memref<8x128xf32, #tpu.memory_space<hbm>>
      %dma_start3A_327 = arith.constant 24 : i32
      %dma_start3A_328 = arith.constant 0 : i32
      %dma_start3A_329 = tpu.memref_slice %arg11[%dma_start3A_327, %dma_start3A_328] : memref<32x129xf32, #tpu.memory_space<vmem>> -> memref<8x128xf32, #tpu.memory_space<vmem>>
      tpu.enqueue_dma source(%dma_start3A_329 : memref<8x128xf32, #tpu.memory_space<vmem>>) target(%dma_start3A_326 : memref<8x128xf32, #tpu.memory_space<hbm>>) target_semaphore(%arg17 : memref<!tpu.dma_semaphore, #tpu.memory_space<semaphore_mem>>)
      %mul3A_330 = arith.constant 4 : i32
      %mul3A_331 = arith.muli %mul3A_330, %scan3A_162 : i32
      %add3A_332 = arith.constant 2 : i32
      %add3A_333 = arith.addi %mul3A_331, %add3A_332 : i32
      %add3A_334 = arith.constant 3 : i32
      %add3A_335 = arith.addi %add3A_333, %add3A_334 : i32
      %lt3A_336 = arith.constant 256 : i32
      %lt3A_337 = arith.cmpi slt, %add3A_335, %lt3A_336 : i32
      %convert_element_type3A_338 = arith.extui %lt3A_337 : i1 to i32
      %cond3A_339 = arith.constant 0 : i32
      %cond3A_340 = arith.cmpi ne, %convert_element_type3A_338, %cond3A_339 : i32
      scf.if %cond3A_340 {
        %add3A_502 = arith.constant 3 : i32
        %add3A_503 = arith.addi %add3A_333, %add3A_502 : i32
        %dma_start3A_504 = arith.constant 0 : i32
        %dma_start3A_505 = tpu.memref_slice %arg5[%add3A_503, %dma_start3A_504] : memref<256x128xi32, #tpu.memory_space<vmem>> -> memref<1x128xi32, #tpu.memory_space<vmem>>
        %dma_start3A_506 = tpu.memref_squeeze %dma_start3A_505 : memref<1x128xi32, #tpu.memory_space<vmem>> -> memref<128xi32, #tpu.memory_space<vmem>>
        %dma_start3A_507 = arith.constant 0 : i32
        %dma_start3A_508 = arith.constant 0 : i32
        %dma_start3A_509 = tpu.memref_slice %arg3[%dma_start3A_507, %dma_start3A_508] : memref<1000000x32xf32, #tpu.memory_space<hbm>> -> memref<1000000x32xf32, #tpu.memory_space<hbm>>
        tpu.enqueue_indirect_dma source(%dma_start3A_509 : memref<1000000x32xf32, #tpu.memory_space<hbm>>) target(%arg7 : memref<128x32xf32, #tpu.memory_space<vmem>>) offsets(%dma_start3A_506 : memref<128xi32, #tpu.memory_space<vmem>>) semaphore(%arg13 : memref<!tpu.dma_semaphore, #tpu.memory_space<semaphore_mem>>)
      } else {
      }
      %dma_wait3A_341 = arith.constant 0 : i32
      %dma_wait3A_342 = arith.constant 0 : i32
      %dma_wait3A_343 = tpu.memref_slice %arg3[%dma_wait3A_341, %dma_wait3A_342] : memref<1000000x32xf32, #tpu.memory_space<hbm>> -> memref<128x32xf32, #tpu.memory_space<hbm>>
      %dma_wait3A_344 = arith.constant 0 : i32
      %dma_wait3A_345 = arith.constant 0 : i32
      %dma_wait3A_346 = tpu.memref_slice %arg3[%dma_wait3A_344, %dma_wait3A_345] : memref<1000000x32xf32, #tpu.memory_space<hbm>> -> memref<128x32xf32, #tpu.memory_space<hbm>>
      tpu.wait_dma2 semaphore(%arg14 : memref<!tpu.dma_semaphore, #tpu.memory_space<semaphore_mem>>) src(%dma_wait3A_346 : memref<128x32xf32, #tpu.memory_space<hbm>>) dst(%arg8 : memref<128x32xf32, #tpu.memory_space<vmem>>)
      %ge3A_347 = arith.constant 2 : i32
      %ge3A_348 = arith.cmpi sge, %add3A_333, %ge3A_347 : i32
      %convert_element_type3A_349 = arith.extui %ge3A_348 : i1 to i32
      %cond3A_350 = arith.constant 0 : i32
      %cond3A_351 = arith.cmpi ne, %convert_element_type3A_349, %cond3A_350 : i32
      scf.if %cond3A_351 {
        %dma_wait3A_502 = arith.constant 0 : i32
        %dma_wait3A_503 = arith.constant 0 : i32
        %dma_wait3A_504 = arith.constant 0 : i32
        %dma_wait3A_505 = arith.constant 0 : i32
        %dma_wait3A_506 = tpu.memref_slice %arg10[%dma_wait3A_504, %dma_wait3A_505] : memref<32x129xf32, #tpu.memory_space<vmem>> -> memref<8x128xf32, #tpu.memory_space<vmem>>
        %dma_wait3A_507 = arith.constant 0 : i32
        %dma_wait3A_508 = arith.constant 0 : i32
        %dma_wait3A_509 = tpu.memref_slice %arg4[%dma_wait3A_502, %dma_wait3A_503, %dma_wait3A_507, %dma_wait3A_508] : memref<4x8192x8x128xf32, #tpu.memory_space<hbm>> -> memref<1x1x8x128xf32, #tpu.memory_space<hbm>>
        %dma_wait3A_510 = tpu.memref_squeeze %dma_wait3A_509 : memref<1x1x8x128xf32, #tpu.memory_space<hbm>> -> memref<8x128xf32, #tpu.memory_space<hbm>>
        %dma_wait3A_511 = arith.constant 0 : i32
        %dma_wait3A_512 = arith.constant 0 : i32
        %dma_wait3A_513 = tpu.memref_slice %arg4[%dma_wait3A_502, %dma_wait3A_503, %dma_wait3A_511, %dma_wait3A_512] : memref<4x8192x8x128xf32, #tpu.memory_space<hbm>> -> memref<1x1x8x128xf32, #tpu.memory_space<hbm>>
        %dma_wait3A_514 = tpu.memref_squeeze %dma_wait3A_513 : memref<1x1x8x128xf32, #tpu.memory_space<hbm>> -> memref<8x128xf32, #tpu.memory_space<hbm>>
        %dma_wait3A_515 = arith.constant 0 : i32
        %dma_wait3A_516 = arith.constant 0 : i32
        %dma_wait3A_517 = tpu.memref_slice %arg10[%dma_wait3A_515, %dma_wait3A_516] : memref<32x129xf32, #tpu.memory_space<vmem>> -> memref<8x128xf32, #tpu.memory_space<vmem>>
        tpu.wait_dma2 semaphore(%arg16 : memref<!tpu.dma_semaphore, #tpu.memory_space<semaphore_mem>>) src(%dma_wait3A_517 : memref<8x128xf32, #tpu.memory_space<vmem>>) dst(%dma_wait3A_514 : memref<8x128xf32, #tpu.memory_space<hbm>>)
        %dma_wait3A_518 = arith.constant 1 : i32
        %dma_wait3A_519 = arith.constant 0 : i32
        %dma_wait3A_520 = arith.constant 8 : i32
        %dma_wait3A_521 = arith.constant 0 : i32
        %dma_wait3A_522 = tpu.memref_slice %arg10[%dma_wait3A_520, %dma_wait3A_521] : memref<32x129xf32, #tpu.memory_space<vmem>> -> memref<8x128xf32, #tpu.memory_space<vmem>>
        %dma_wait3A_523 = arith.constant 0 : i32
        %dma_wait3A_524 = arith.constant 0 : i32
        %dma_wait3A_525 = tpu.memref_slice %arg4[%dma_wait3A_518, %dma_wait3A_519, %dma_wait3A_523, %dma_wait3A_524] : memref<4x8192x8x128xf32, #tpu.memory_space<hbm>> -> memref<1x1x8x128xf32, #tpu.memory_space<hbm>>
        %dma_wait3A_526 = tpu.memref_squeeze %dma_wait3A_525 : memref<1x1x8x128xf32, #tpu.memory_space<hbm>> -> memref<8x128xf32, #tpu.memory_space<hbm>>
        %dma_wait3A_527 = arith.constant 0 : i32
        %dma_wait3A_528 = arith.constant 0 : i32
        %dma_wait3A_529 = tpu.memref_slice %arg4[%dma_wait3A_518, %dma_wait3A_519, %dma_wait3A_527, %dma_wait3A_528] : memref<4x8192x8x128xf32, #tpu.memory_space<hbm>> -> memref<1x1x8x128xf32, #tpu.memory_space<hbm>>
        %dma_wait3A_530 = tpu.memref_squeeze %dma_wait3A_529 : memref<1x1x8x128xf32, #tpu.memory_space<hbm>> -> memref<8x128xf32, #tpu.memory_space<hbm>>
        %dma_wait3A_531 = arith.constant 8 : i32
        %dma_wait3A_532 = arith.constant 0 : i32
        %dma_wait3A_533 = tpu.memref_slice %arg10[%dma_wait3A_531, %dma_wait3A_532] : memref<32x129xf32, #tpu.memory_space<vmem>> -> memref<8x128xf32, #tpu.memory_space<vmem>>
        tpu.wait_dma2 semaphore(%arg16 : memref<!tpu.dma_semaphore, #tpu.memory_space<semaphore_mem>>) src(%dma_wait3A_533 : memref<8x128xf32, #tpu.memory_space<vmem>>) dst(%dma_wait3A_530 : memref<8x128xf32, #tpu.memory_space<hbm>>)
        %dma_wait3A_534 = arith.constant 2 : i32
        %dma_wait3A_535 = arith.constant 0 : i32
        %dma_wait3A_536 = arith.constant 16 : i32
        %dma_wait3A_537 = arith.constant 0 : i32
        %dma_wait3A_538 = tpu.memref_slice %arg10[%dma_wait3A_536, %dma_wait3A_537] : memref<32x129xf32, #tpu.memory_space<vmem>> -> memref<8x128xf32, #tpu.memory_space<vmem>>
        %dma_wait3A_539 = arith.constant 0 : i32
        %dma_wait3A_540 = arith.constant 0 : i32
        %dma_wait3A_541 = tpu.memref_slice %arg4[%dma_wait3A_534, %dma_wait3A_535, %dma_wait3A_539, %dma_wait3A_540] : memref<4x8192x8x128xf32, #tpu.memory_space<hbm>> -> memref<1x1x8x128xf32, #tpu.memory_space<hbm>>
        %dma_wait3A_542 = tpu.memref_squeeze %dma_wait3A_541 : memref<1x1x8x128xf32, #tpu.memory_space<hbm>> -> memref<8x128xf32, #tpu.memory_space<hbm>>
        %dma_wait3A_543 = arith.constant 0 : i32
        %dma_wait3A_544 = arith.constant 0 : i32
        %dma_wait3A_545 = tpu.memref_slice %arg4[%dma_wait3A_534, %dma_wait3A_535, %dma_wait3A_543, %dma_wait3A_544] : memref<4x8192x8x128xf32, #tpu.memory_space<hbm>> -> memref<1x1x8x128xf32, #tpu.memory_space<hbm>>
        %dma_wait3A_546 = tpu.memref_squeeze %dma_wait3A_545 : memref<1x1x8x128xf32, #tpu.memory_space<hbm>> -> memref<8x128xf32, #tpu.memory_space<hbm>>
        %dma_wait3A_547 = arith.constant 16 : i32
        %dma_wait3A_548 = arith.constant 0 : i32
        %dma_wait3A_549 = tpu.memref_slice %arg10[%dma_wait3A_547, %dma_wait3A_548] : memref<32x129xf32, #tpu.memory_space<vmem>> -> memref<8x128xf32, #tpu.memory_space<vmem>>
        tpu.wait_dma2 semaphore(%arg16 : memref<!tpu.dma_semaphore, #tpu.memory_space<semaphore_mem>>) src(%dma_wait3A_549 : memref<8x128xf32, #tpu.memory_space<vmem>>) dst(%dma_wait3A_546 : memref<8x128xf32, #tpu.memory_space<hbm>>)
        %dma_wait3A_550 = arith.constant 3 : i32
        %dma_wait3A_551 = arith.constant 0 : i32
        %dma_wait3A_552 = arith.constant 24 : i32
        %dma_wait3A_553 = arith.constant 0 : i32
        %dma_wait3A_554 = tpu.memref_slice %arg10[%dma_wait3A_552, %dma_wait3A_553] : memref<32x129xf32, #tpu.memory_space<vmem>> -> memref<8x128xf32, #tpu.memory_space<vmem>>
        %dma_wait3A_555 = arith.constant 0 : i32
        %dma_wait3A_556 = arith.constant 0 : i32
        %dma_wait3A_557 = tpu.memref_slice %arg4[%dma_wait3A_550, %dma_wait3A_551, %dma_wait3A_555, %dma_wait3A_556] : memref<4x8192x8x128xf32, #tpu.memory_space<hbm>> -> memref<1x1x8x128xf32, #tpu.memory_space<hbm>>
        %dma_wait3A_558 = tpu.memref_squeeze %dma_wait3A_557 : memref<1x1x8x128xf32, #tpu.memory_space<hbm>> -> memref<8x128xf32, #tpu.memory_space<hbm>>
        %dma_wait3A_559 = arith.constant 0 : i32
        %dma_wait3A_560 = arith.constant 0 : i32
        %dma_wait3A_561 = tpu.memref_slice %arg4[%dma_wait3A_550, %dma_wait3A_551, %dma_wait3A_559, %dma_wait3A_560] : memref<4x8192x8x128xf32, #tpu.memory_space<hbm>> -> memref<1x1x8x128xf32, #tpu.memory_space<hbm>>
        %dma_wait3A_562 = tpu.memref_squeeze %dma_wait3A_561 : memref<1x1x8x128xf32, #tpu.memory_space<hbm>> -> memref<8x128xf32, #tpu.memory_space<hbm>>
        %dma_wait3A_563 = arith.constant 24 : i32
        %dma_wait3A_564 = arith.constant 0 : i32
        %dma_wait3A_565 = tpu.memref_slice %arg10[%dma_wait3A_563, %dma_wait3A_564] : memref<32x129xf32, #tpu.memory_space<vmem>> -> memref<8x128xf32, #tpu.memory_space<vmem>>
        tpu.wait_dma2 semaphore(%arg16 : memref<!tpu.dma_semaphore, #tpu.memory_space<semaphore_mem>>) src(%dma_wait3A_565 : memref<8x128xf32, #tpu.memory_space<vmem>>) dst(%dma_wait3A_562 : memref<8x128xf32, #tpu.memory_space<hbm>>)
      } else {
      }
      %parallel_loop3A_352 = arith.constant 0 : i32
      %parallel_loop3A_353 = arith.constant 128 : i32
      %parallel_loop3A_354 = arith.constant 1 : i32
      scf.for %parallel_loop3A_502 = %parallel_loop3A_352 to %parallel_loop3A_353 step %parallel_loop3A_354  : i32 {
        %parallel_loop3A_503 = vector.broadcast %parallel_loop3A_502 : i32 to vector<16xi32>
        %parallel_loop3A_504 = arith.index_cast %parallel_loop3A_502 : i32 to index
        %parallel_loop3A_505 = arith.constant 0 : index
        %parallel_loop3A_506 = tpu.vector_load %arg8[%parallel_loop3A_504, %parallel_loop3A_505] {strides = array<i32>} : memref<128x32xf32, #tpu.memory_space<vmem>>, vector<16xf32>,
        tpu.vector_store_idx %arg10[%add3A_5, %parallel_loop3A_503], %parallel_loop3A_506 : memref<32x129xf32, #tpu.memory_space<vmem>>[vector<16xi32>, vector<16xi32>], vector<16xf32>,
        %parallel_loop3A_507 = arith.index_cast %parallel_loop3A_502 : i32 to index
        %parallel_loop3A_508 = arith.constant 16 : index
        %parallel_loop3A_509 = tpu.vector_load %arg8[%parallel_loop3A_507, %parallel_loop3A_508] {strides = array<i32>} : memref<128x32xf32, #tpu.memory_space<vmem>>, vector<16xf32>,
        tpu.vector_store_idx %arg10[%add3A_9, %parallel_loop3A_503], %parallel_loop3A_509 : memref<32x129xf32, #tpu.memory_space<vmem>>[vector<16xi32>, vector<16xi32>], vector<16xf32>,
      } {sc.loop_unroll_factor = 4 : i64, sc.parallel_access}
      %add3A_355 = arith.addi %mul3A_2, %add3A_333 : i32
      %dma_start3A_356 = arith.constant 0 : i32
      %dma_start3A_357 = arith.constant 0 : i32
      %dma_start3A_358 = arith.constant 0 : i32
      %dma_start3A_359 = tpu.memref_slice %arg10[%dma_start3A_357, %dma_start3A_358] : memref<32x129xf32, #tpu.memory_space<vmem>> -> memref<8x128xf32, #tpu.memory_space<vmem>>
      %dma_start3A_360 = arith.constant 0 : i32
      %dma_start3A_361 = arith.constant 0 : i32
      %dma_start3A_362 = tpu.memref_slice %arg4[%dma_start3A_356, %add3A_355, %dma_start3A_360, %dma_start3A_361] : memref<4x8192x8x128xf32, #tpu.memory_space<hbm>> -> memref<1x1x8x128xf32, #tpu.memory_space<hbm>>
      %dma_start3A_363 = tpu.memref_squeeze %dma_start3A_362 : memref<1x1x8x128xf32, #tpu.memory_space<hbm>> -> memref<8x128xf32, #tpu.memory_space<hbm>>
      %dma_start3A_364 = arith.constant 0 : i32
      %dma_start3A_365 = arith.constant 0 : i32
      %dma_start3A_366 = tpu.memref_slice %arg4[%dma_start3A_356, %add3A_355, %dma_start3A_364, %dma_start3A_365] : memref<4x8192x8x128xf32, #tpu.memory_space<hbm>> -> memref<1x1x8x128xf32, #tpu.memory_space<hbm>>
      %dma_start3A_367 = tpu.memref_squeeze %dma_start3A_366 : memref<1x1x8x128xf32, #tpu.memory_space<hbm>> -> memref<8x128xf32, #tpu.memory_space<hbm>>
      %dma_start3A_368 = arith.constant 0 : i32
      %dma_start3A_369 = arith.constant 0 : i32
      %dma_start3A_370 = tpu.memref_slice %arg10[%dma_start3A_368, %dma_start3A_369] : memref<32x129xf32, #tpu.memory_space<vmem>> -> memref<8x128xf32, #tpu.memory_space<vmem>>
      tpu.enqueue_dma source(%dma_start3A_370 : memref<8x128xf32, #tpu.memory_space<vmem>>) target(%dma_start3A_367 : memref<8x128xf32, #tpu.memory_space<hbm>>) target_semaphore(%arg16 : memref<!tpu.dma_semaphore, #tpu.memory_space<semaphore_mem>>)
      %dma_start3A_371 = arith.constant 1 : i32
      %dma_start3A_372 = arith.constant 8 : i32
      %dma_start3A_373 = arith.constant 0 : i32
      %dma_start3A_374 = tpu.memref_slice %arg10[%dma_start3A_372, %dma_start3A_373] : memref<32x129xf32, #tpu.memory_space<vmem>> -> memref<8x128xf32, #tpu.memory_space<vmem>>
      %dma_start3A_375 = arith.constant 0 : i32
      %dma_start3A_376 = arith.constant 0 : i32
      %dma_start3A_377 = tpu.memref_slice %arg4[%dma_start3A_371, %add3A_355, %dma_start3A_375, %dma_start3A_376] : memref<4x8192x8x128xf32, #tpu.memory_space<hbm>> -> memref<1x1x8x128xf32, #tpu.memory_space<hbm>>
      %dma_start3A_378 = tpu.memref_squeeze %dma_start3A_377 : memref<1x1x8x128xf32, #tpu.memory_space<hbm>> -> memref<8x128xf32, #tpu.memory_space<hbm>>
      %dma_start3A_379 = arith.constant 0 : i32
      %dma_start3A_380 = arith.constant 0 : i32
      %dma_start3A_381 = tpu.memref_slice %arg4[%dma_start3A_371, %add3A_355, %dma_start3A_379, %dma_start3A_380] : memref<4x8192x8x128xf32, #tpu.memory_space<hbm>> -> memref<1x1x8x128xf32, #tpu.memory_space<hbm>>
      %dma_start3A_382 = tpu.memref_squeeze %dma_start3A_381 : memref<1x1x8x128xf32, #tpu.memory_space<hbm>> -> memref<8x128xf32, #tpu.memory_space<hbm>>
      %dma_start3A_383 = arith.constant 8 : i32
      %dma_start3A_384 = arith.constant 0 : i32
      %dma_start3A_385 = tpu.memref_slice %arg10[%dma_start3A_383, %dma_start3A_384] : memref<32x129xf32, #tpu.memory_space<vmem>> -> memref<8x128xf32, #tpu.memory_space<vmem>>
      tpu.enqueue_dma source(%dma_start3A_385 : memref<8x128xf32, #tpu.memory_space<vmem>>) target(%dma_start3A_382 : memref<8x128xf32, #tpu.memory_space<hbm>>) target_semaphore(%arg16 : memref<!tpu.dma_semaphore, #tpu.memory_space<semaphore_mem>>)
      %dma_start3A_386 = arith.constant 2 : i32
      %dma_start3A_387 = arith.constant 16 : i32
      %dma_start3A_388 = arith.constant 0 : i32
      %dma_start3A_389 = tpu.memref_slice %arg10[%dma_start3A_387, %dma_start3A_388] : memref<32x129xf32, #tpu.memory_space<vmem>> -> memref<8x128xf32, #tpu.memory_space<vmem>>
      %dma_start3A_390 = arith.constant 0 : i32
      %dma_start3A_391 = arith.constant 0 : i32
      %dma_start3A_392 = tpu.memref_slice %arg4[%dma_start3A_386, %add3A_355, %dma_start3A_390, %dma_start3A_391] : memref<4x8192x8x128xf32, #tpu.memory_space<hbm>> -> memref<1x1x8x128xf32, #tpu.memory_space<hbm>>
      %dma_start3A_393 = tpu.memref_squeeze %dma_start3A_392 : memref<1x1x8x128xf32, #tpu.memory_space<hbm>> -> memref<8x128xf32, #tpu.memory_space<hbm>>
      %dma_start3A_394 = arith.constant 0 : i32
      %dma_start3A_395 = arith.constant 0 : i32
      %dma_start3A_396 = tpu.memref_slice %arg4[%dma_start3A_386, %add3A_355, %dma_start3A_394, %dma_start3A_395] : memref<4x8192x8x128xf32, #tpu.memory_space<hbm>> -> memref<1x1x8x128xf32, #tpu.memory_space<hbm>>
      %dma_start3A_397 = tpu.memref_squeeze %dma_start3A_396 : memref<1x1x8x128xf32, #tpu.memory_space<hbm>> -> memref<8x128xf32, #tpu.memory_space<hbm>>
      %dma_start3A_398 = arith.constant 16 : i32
      %dma_start3A_399 = arith.constant 0 : i32
      %dma_start3A_400 = tpu.memref_slice %arg10[%dma_start3A_398, %dma_start3A_399] : memref<32x129xf32, #tpu.memory_space<vmem>> -> memref<8x128xf32, #tpu.memory_space<vmem>>
      tpu.enqueue_dma source(%dma_start3A_400 : memref<8x128xf32, #tpu.memory_space<vmem>>) target(%dma_start3A_397 : memref<8x128xf32, #tpu.memory_space<hbm>>) target_semaphore(%arg16 : memref<!tpu.dma_semaphore, #tpu.memory_space<semaphore_mem>>)
      %dma_start3A_401 = arith.constant 3 : i32
      %dma_start3A_402 = arith.constant 24 : i32
      %dma_start3A_403 = arith.constant 0 : i32
      %dma_start3A_404 = tpu.memref_slice %arg10[%dma_start3A_402, %dma_start3A_403] : memref<32x129xf32, #tpu.memory_space<vmem>> -> memref<8x128xf32, #tpu.memory_space<vmem>>
      %dma_start3A_405 = arith.constant 0 : i32
      %dma_start3A_406 = arith.constant 0 : i32
      %dma_start3A_407 = tpu.memref_slice %arg4[%dma_start3A_401, %add3A_355, %dma_start3A_405, %dma_start3A_406] : memref<4x8192x8x128xf32, #tpu.memory_space<hbm>> -> memref<1x1x8x128xf32, #tpu.memory_space<hbm>>
      %dma_start3A_408 = tpu.memref_squeeze %dma_start3A_407 : memref<1x1x8x128xf32, #tpu.memory_space<hbm>> -> memref<8x128xf32, #tpu.memory_space<hbm>>
      %dma_start3A_409 = arith.constant 0 : i32
      %dma_start3A_410 = arith.constant 0 : i32
      %dma_start3A_411 = tpu.memref_slice %arg4[%dma_start3A_401, %add3A_355, %dma_start3A_409, %dma_start3A_410] : memref<4x8192x8x128xf32, #tpu.memory_space<hbm>> -> memref<1x1x8x128xf32, #tpu.memory_space<hbm>>
      %dma_start3A_412 = tpu.memref_squeeze %dma_start3A_411 : memref<1x1x8x128xf32, #tpu.memory_space<hbm>> -> memref<8x128xf32, #tpu.memory_space<hbm>>
      %dma_start3A_413 = arith.constant 24 : i32
      %dma_start3A_414 = arith.constant 0 : i32
      %dma_start3A_415 = tpu.memref_slice %arg10[%dma_start3A_413, %dma_start3A_414] : memref<32x129xf32, #tpu.memory_space<vmem>> -> memref<8x128xf32, #tpu.memory_space<vmem>>
      tpu.enqueue_dma source(%dma_start3A_415 : memref<8x128xf32, #tpu.memory_space<vmem>>) target(%dma_start3A_412 : memref<8x128xf32, #tpu.memory_space<hbm>>) target_semaphore(%arg16 : memref<!tpu.dma_semaphore, #tpu.memory_space<semaphore_mem>>)
      %mul3A_416 = arith.constant 4 : i32
      %mul3A_417 = arith.muli %mul3A_416, %scan3A_162 : i32
      %add3A_418 = arith.constant 3 : i32
      %add3A_419 = arith.addi %mul3A_417, %add3A_418 : i32
      %add3A_420 = arith.constant 3 : i32
      %add3A_421 = arith.addi %add3A_419, %add3A_420 : i32
      %lt3A_422 = arith.constant 256 : i32
      %lt3A_423 = arith.cmpi slt, %add3A_421, %lt3A_422 : i32
      %convert_element_type3A_424 = arith.extui %lt3A_423 : i1 to i32
      %cond3A_425 = arith.constant 0 : i32
      %cond3A_426 = arith.cmpi ne, %convert_element_type3A_424, %cond3A_425 : i32
      scf.if %cond3A_426 {
        %add3A_502 = arith.constant 3 : i32
        %add3A_503 = arith.addi %add3A_419, %add3A_502 : i32
        %dma_start3A_504 = arith.constant 0 : i32
        %dma_start3A_505 = tpu.memref_slice %arg5[%add3A_503, %dma_start3A_504] : memref<256x128xi32, #tpu.memory_space<vmem>> -> memref<1x128xi32, #tpu.memory_space<vmem>>
        %dma_start3A_506 = tpu.memref_squeeze %dma_start3A_505 : memref<1x128xi32, #tpu.memory_space<vmem>> -> memref<128xi32, #tpu.memory_space<vmem>>
        %dma_start3A_507 = arith.constant 0 : i32
        %dma_start3A_508 = arith.constant 0 : i32
        %dma_start3A_509 = tpu.memref_slice %arg3[%dma_start3A_507, %dma_start3A_508] : memref<1000000x32xf32, #tpu.memory_space<hbm>> -> memref<1000000x32xf32, #tpu.memory_space<hbm>>
        tpu.enqueue_indirect_dma source(%dma_start3A_509 : memref<1000000x32xf32, #tpu.memory_space<hbm>>) target(%arg8 : memref<128x32xf32, #tpu.memory_space<vmem>>) offsets(%dma_start3A_506 : memref<128xi32, #tpu.memory_space<vmem>>) semaphore(%arg14 : memref<!tpu.dma_semaphore, #tpu.memory_space<semaphore_mem>>)
      } else {
      }
      %dma_wait3A_427 = arith.constant 0 : i32
      %dma_wait3A_428 = arith.constant 0 : i32
      %dma_wait3A_429 = tpu.memref_slice %arg3[%dma_wait3A_427, %dma_wait3A_428] : memref<1000000x32xf32, #tpu.memory_space<hbm>> -> memref<128x32xf32, #tpu.memory_space<hbm>>
      %dma_wait3A_430 = arith.constant 0 : i32
      %dma_wait3A_431 = arith.constant 0 : i32
      %dma_wait3A_432 = tpu.memref_slice %arg3[%dma_wait3A_430, %dma_wait3A_431] : memref<1000000x32xf32, #tpu.memory_space<hbm>> -> memref<128x32xf32, #tpu.memory_space<hbm>>
      tpu.wait_dma2 semaphore(%arg15 : memref<!tpu.dma_semaphore, #tpu.memory_space<semaphore_mem>>) src(%dma_wait3A_432 : memref<128x32xf32, #tpu.memory_space<hbm>>) dst(%arg9 : memref<128x32xf32, #tpu.memory_space<vmem>>)
      %ge3A_433 = arith.constant 2 : i32
      %ge3A_434 = arith.cmpi sge, %add3A_419, %ge3A_433 : i32
      %convert_element_type3A_435 = arith.extui %ge3A_434 : i1 to i32
      %cond3A_436 = arith.constant 0 : i32
      %cond3A_437 = arith.cmpi ne, %convert_element_type3A_435, %cond3A_436 : i32
      scf.if %cond3A_437 {
        %dma_wait3A_502 = arith.constant 0 : i32
        %dma_wait3A_503 = arith.constant 0 : i32
        %dma_wait3A_504 = arith.constant 0 : i32
        %dma_wait3A_505 = arith.constant 0 : i32
        %dma_wait3A_506 = tpu.memref_slice %arg11[%dma_wait3A_504, %dma_wait3A_505] : memref<32x129xf32, #tpu.memory_space<vmem>> -> memref<8x128xf32, #tpu.memory_space<vmem>>
        %dma_wait3A_507 = arith.constant 0 : i32
        %dma_wait3A_508 = arith.constant 0 : i32
        %dma_wait3A_509 = tpu.memref_slice %arg4[%dma_wait3A_502, %dma_wait3A_503, %dma_wait3A_507, %dma_wait3A_508] : memref<4x8192x8x128xf32, #tpu.memory_space<hbm>> -> memref<1x1x8x128xf32, #tpu.memory_space<hbm>>
        %dma_wait3A_510 = tpu.memref_squeeze %dma_wait3A_509 : memref<1x1x8x128xf32, #tpu.memory_space<hbm>> -> memref<8x128xf32, #tpu.memory_space<hbm>>
        %dma_wait3A_511 = arith.constant 0 : i32
        %dma_wait3A_512 = arith.constant 0 : i32
        %dma_wait3A_513 = tpu.memref_slice %arg4[%dma_wait3A_502, %dma_wait3A_503, %dma_wait3A_511, %dma_wait3A_512] : memref<4x8192x8x128xf32, #tpu.memory_space<hbm>> -> memref<1x1x8x128xf32, #tpu.memory_space<hbm>>
        %dma_wait3A_514 = tpu.memref_squeeze %dma_wait3A_513 : memref<1x1x8x128xf32, #tpu.memory_space<hbm>> -> memref<8x128xf32, #tpu.memory_space<hbm>>
        %dma_wait3A_515 = arith.constant 0 : i32
        %dma_wait3A_516 = arith.constant 0 : i32
        %dma_wait3A_517 = tpu.memref_slice %arg11[%dma_wait3A_515, %dma_wait3A_516] : memref<32x129xf32, #tpu.memory_space<vmem>> -> memref<8x128xf32, #tpu.memory_space<vmem>>
        tpu.wait_dma2 semaphore(%arg17 : memref<!tpu.dma_semaphore, #tpu.memory_space<semaphore_mem>>) src(%dma_wait3A_517 : memref<8x128xf32, #tpu.memory_space<vmem>>) dst(%dma_wait3A_514 : memref<8x128xf32, #tpu.memory_space<hbm>>)
        %dma_wait3A_518 = arith.constant 1 : i32
        %dma_wait3A_519 = arith.constant 0 : i32
        %dma_wait3A_520 = arith.constant 8 : i32
        %dma_wait3A_521 = arith.constant 0 : i32
        %dma_wait3A_522 = tpu.memref_slice %arg11[%dma_wait3A_520, %dma_wait3A_521] : memref<32x129xf32, #tpu.memory_space<vmem>> -> memref<8x128xf32, #tpu.memory_space<vmem>>
        %dma_wait3A_523 = arith.constant 0 : i32
        %dma_wait3A_524 = arith.constant 0 : i32
        %dma_wait3A_525 = tpu.memref_slice %arg4[%dma_wait3A_518, %dma_wait3A_519, %dma_wait3A_523, %dma_wait3A_524] : memref<4x8192x8x128xf32, #tpu.memory_space<hbm>> -> memref<1x1x8x128xf32, #tpu.memory_space<hbm>>
        %dma_wait3A_526 = tpu.memref_squeeze %dma_wait3A_525 : memref<1x1x8x128xf32, #tpu.memory_space<hbm>> -> memref<8x128xf32, #tpu.memory_space<hbm>>
        %dma_wait3A_527 = arith.constant 0 : i32
        %dma_wait3A_528 = arith.constant 0 : i32
        %dma_wait3A_529 = tpu.memref_slice %arg4[%dma_wait3A_518, %dma_wait3A_519, %dma_wait3A_527, %dma_wait3A_528] : memref<4x8192x8x128xf32, #tpu.memory_space<hbm>> -> memref<1x1x8x128xf32, #tpu.memory_space<hbm>>
        %dma_wait3A_530 = tpu.memref_squeeze %dma_wait3A_529 : memref<1x1x8x128xf32, #tpu.memory_space<hbm>> -> memref<8x128xf32, #tpu.memory_space<hbm>>
        %dma_wait3A_531 = arith.constant 8 : i32
        %dma_wait3A_532 = arith.constant 0 : i32
        %dma_wait3A_533 = tpu.memref_slice %arg11[%dma_wait3A_531, %dma_wait3A_532] : memref<32x129xf32, #tpu.memory_space<vmem>> -> memref<8x128xf32, #tpu.memory_space<vmem>>
        tpu.wait_dma2 semaphore(%arg17 : memref<!tpu.dma_semaphore, #tpu.memory_space<semaphore_mem>>) src(%dma_wait3A_533 : memref<8x128xf32, #tpu.memory_space<vmem>>) dst(%dma_wait3A_530 : memref<8x128xf32, #tpu.memory_space<hbm>>)
        %dma_wait3A_534 = arith.constant 2 : i32
        %dma_wait3A_535 = arith.constant 0 : i32
        %dma_wait3A_536 = arith.constant 16 : i32
        %dma_wait3A_537 = arith.constant 0 : i32
        %dma_wait3A_538 = tpu.memref_slice %arg11[%dma_wait3A_536, %dma_wait3A_537] : memref<32x129xf32, #tpu.memory_space<vmem>> -> memref<8x128xf32, #tpu.memory_space<vmem>>
        %dma_wait3A_539 = arith.constant 0 : i32
        %dma_wait3A_540 = arith.constant 0 : i32
        %dma_wait3A_541 = tpu.memref_slice %arg4[%dma_wait3A_534, %dma_wait3A_535, %dma_wait3A_539, %dma_wait3A_540] : memref<4x8192x8x128xf32, #tpu.memory_space<hbm>> -> memref<1x1x8x128xf32, #tpu.memory_space<hbm>>
        %dma_wait3A_542 = tpu.memref_squeeze %dma_wait3A_541 : memref<1x1x8x128xf32, #tpu.memory_space<hbm>> -> memref<8x128xf32, #tpu.memory_space<hbm>>
        %dma_wait3A_543 = arith.constant 0 : i32
        %dma_wait3A_544 = arith.constant 0 : i32
        %dma_wait3A_545 = tpu.memref_slice %arg4[%dma_wait3A_534, %dma_wait3A_535, %dma_wait3A_543, %dma_wait3A_544] : memref<4x8192x8x128xf32, #tpu.memory_space<hbm>> -> memref<1x1x8x128xf32, #tpu.memory_space<hbm>>
        %dma_wait3A_546 = tpu.memref_squeeze %dma_wait3A_545 : memref<1x1x8x128xf32, #tpu.memory_space<hbm>> -> memref<8x128xf32, #tpu.memory_space<hbm>>
        %dma_wait3A_547 = arith.constant 16 : i32
        %dma_wait3A_548 = arith.constant 0 : i32
        %dma_wait3A_549 = tpu.memref_slice %arg11[%dma_wait3A_547, %dma_wait3A_548] : memref<32x129xf32, #tpu.memory_space<vmem>> -> memref<8x128xf32, #tpu.memory_space<vmem>>
        tpu.wait_dma2 semaphore(%arg17 : memref<!tpu.dma_semaphore, #tpu.memory_space<semaphore_mem>>) src(%dma_wait3A_549 : memref<8x128xf32, #tpu.memory_space<vmem>>) dst(%dma_wait3A_546 : memref<8x128xf32, #tpu.memory_space<hbm>>)
        %dma_wait3A_550 = arith.constant 3 : i32
        %dma_wait3A_551 = arith.constant 0 : i32
        %dma_wait3A_552 = arith.constant 24 : i32
        %dma_wait3A_553 = arith.constant 0 : i32
        %dma_wait3A_554 = tpu.memref_slice %arg11[%dma_wait3A_552, %dma_wait3A_553] : memref<32x129xf32, #tpu.memory_space<vmem>> -> memref<8x128xf32, #tpu.memory_space<vmem>>
        %dma_wait3A_555 = arith.constant 0 : i32
        %dma_wait3A_556 = arith.constant 0 : i32
        %dma_wait3A_557 = tpu.memref_slice %arg4[%dma_wait3A_550, %dma_wait3A_551, %dma_wait3A_555, %dma_wait3A_556] : memref<4x8192x8x128xf32, #tpu.memory_space<hbm>> -> memref<1x1x8x128xf32, #tpu.memory_space<hbm>>
        %dma_wait3A_558 = tpu.memref_squeeze %dma_wait3A_557 : memref<1x1x8x128xf32, #tpu.memory_space<hbm>> -> memref<8x128xf32, #tpu.memory_space<hbm>>
        %dma_wait3A_559 = arith.constant 0 : i32
        %dma_wait3A_560 = arith.constant 0 : i32
        %dma_wait3A_561 = tpu.memref_slice %arg4[%dma_wait3A_550, %dma_wait3A_551, %dma_wait3A_559, %dma_wait3A_560] : memref<4x8192x8x128xf32, #tpu.memory_space<hbm>> -> memref<1x1x8x128xf32, #tpu.memory_space<hbm>>
        %dma_wait3A_562 = tpu.memref_squeeze %dma_wait3A_561 : memref<1x1x8x128xf32, #tpu.memory_space<hbm>> -> memref<8x128xf32, #tpu.memory_space<hbm>>
        %dma_wait3A_563 = arith.constant 24 : i32
        %dma_wait3A_564 = arith.constant 0 : i32
        %dma_wait3A_565 = tpu.memref_slice %arg11[%dma_wait3A_563, %dma_wait3A_564] : memref<32x129xf32, #tpu.memory_space<vmem>> -> memref<8x128xf32, #tpu.memory_space<vmem>>
        tpu.wait_dma2 semaphore(%arg17 : memref<!tpu.dma_semaphore, #tpu.memory_space<semaphore_mem>>) src(%dma_wait3A_565 : memref<8x128xf32, #tpu.memory_space<vmem>>) dst(%dma_wait3A_562 : memref<8x128xf32, #tpu.memory_space<hbm>>)
      } else {
      }
      %parallel_loop3A_438 = arith.constant 0 : i32
      %parallel_loop3A_439 = arith.constant 128 : i32
      %parallel_loop3A_440 = arith.constant 1 : i32
      scf.for %parallel_loop3A_502 = %parallel_loop3A_438 to %parallel_loop3A_439 step %parallel_loop3A_440  : i32 {
        %parallel_loop3A_503 = vector.broadcast %parallel_loop3A_502 : i32 to vector<16xi32>
        %parallel_loop3A_504 = arith.index_cast %parallel_loop3A_502 : i32 to index
        %parallel_loop3A_505 = arith.constant 0 : index
        %parallel_loop3A_506 = tpu.vector_load %arg9[%parallel_loop3A_504, %parallel_loop3A_505] {strides = array<i32>} : memref<128x32xf32, #tpu.memory_space<vmem>>, vector<16xf32>,
        tpu.vector_store_idx %arg11[%add3A_5, %parallel_loop3A_503], %parallel_loop3A_506 : memref<32x129xf32, #tpu.memory_space<vmem>>[vector<16xi32>, vector<16xi32>], vector<16xf32>,
        %parallel_loop3A_507 = arith.index_cast %parallel_loop3A_502 : i32 to index
        %parallel_loop3A_508 = arith.constant 16 : index
        %parallel_loop3A_509 = tpu.vector_load %arg9[%parallel_loop3A_507, %parallel_loop3A_508] {strides = array<i32>} : memref<128x32xf32, #tpu.memory_space<vmem>>, vector<16xf32>,
        tpu.vector_store_idx %arg11[%add3A_9, %parallel_loop3A_503], %parallel_loop3A_509 : memref<32x129xf32, #tpu.memory_space<vmem>>[vector<16xi32>, vector<16xi32>], vector<16xf32>,
      } {sc.loop_unroll_factor = 4 : i64, sc.parallel_access}
      %add3A_441 = arith.addi %mul3A_2, %add3A_419 : i32
      %dma_start3A_442 = arith.constant 0 : i32
      %dma_start3A_443 = arith.constant 0 : i32
      %dma_start3A_444 = arith.constant 0 : i32
      %dma_start3A_445 = tpu.memref_slice %arg11[%dma_start3A_443, %dma_start3A_444] : memref<32x129xf32, #tpu.memory_space<vmem>> -> memref<8x128xf32, #tpu.memory_space<vmem>>
      %dma_start3A_446 = arith.constant 0 : i32
      %dma_start3A_447 = arith.constant 0 : i32
      %dma_start3A_448 = tpu.memref_slice %arg4[%dma_start3A_442, %add3A_441, %dma_start3A_446, %dma_start3A_447] : memref<4x8192x8x128xf32, #tpu.memory_space<hbm>> -> memref<1x1x8x128xf32, #tpu.memory_space<hbm>>
      %dma_start3A_449 = tpu.memref_squeeze %dma_start3A_448 : memref<1x1x8x128xf32, #tpu.memory_space<hbm>> -> memref<8x128xf32, #tpu.memory_space<hbm>>
      %dma_start3A_450 = arith.constant 0 : i32
      %dma_start3A_451 = arith.constant 0 : i32
      %dma_start3A_452 = tpu.memref_slice %arg4[%dma_start3A_442, %add3A_441, %dma_start3A_450, %dma_start3A_451] : memref<4x8192x8x128xf32, #tpu.memory_space<hbm>> -> memref<1x1x8x128xf32, #tpu.memory_space<hbm>>
      %dma_start3A_453 = tpu.memref_squeeze %dma_start3A_452 : memref<1x1x8x128xf32, #tpu.memory_space<hbm>> -> memref<8x128xf32, #tpu.memory_space<hbm>>
      %dma_start3A_454 = arith.constant 0 : i32
      %dma_start3A_455 = arith.constant 0 : i32
      %dma_start3A_456 = tpu.memref_slice %arg11[%dma_start3A_454, %dma_start3A_455] : memref<32x129xf32, #tpu.memory_space<vmem>> -> memref<8x128xf32, #tpu.memory_space<vmem>>
      tpu.enqueue_dma source(%dma_start3A_456 : memref<8x128xf32, #tpu.memory_space<vmem>>) target(%dma_start3A_453 : memref<8x128xf32, #tpu.memory_space<hbm>>) target_semaphore(%arg17 : memref<!tpu.dma_semaphore, #tpu.memory_space<semaphore_mem>>)
      %dma_start3A_457 = arith.constant 1 : i32
      %dma_start3A_458 = arith.constant 8 : i32
      %dma_start3A_459 = arith.constant 0 : i32
      %dma_start3A_460 = tpu.memref_slice %arg11[%dma_start3A_458, %dma_start3A_459] : memref<32x129xf32, #tpu.memory_space<vmem>> -> memref<8x128xf32, #tpu.memory_space<vmem>>
      %dma_start3A_461 = arith.constant 0 : i32
      %dma_start3A_462 = arith.constant 0 : i32
      %dma_start3A_463 = tpu.memref_slice %arg4[%dma_start3A_457, %add3A_441, %dma_start3A_461, %dma_start3A_462] : memref<4x8192x8x128xf32, #tpu.memory_space<hbm>> -> memref<1x1x8x128xf32, #tpu.memory_space<hbm>>
      %dma_start3A_464 = tpu.memref_squeeze %dma_start3A_463 : memref<1x1x8x128xf32, #tpu.memory_space<hbm>> -> memref<8x128xf32, #tpu.memory_space<hbm>>
      %dma_start3A_465 = arith.constant 0 : i32
      %dma_start3A_466 = arith.constant 0 : i32
      %dma_start3A_467 = tpu.memref_slice %arg4[%dma_start3A_457, %add3A_441, %dma_start3A_465, %dma_start3A_466] : memref<4x8192x8x128xf32, #tpu.memory_space<hbm>> -> memref<1x1x8x128xf32, #tpu.memory_space<hbm>>
      %dma_start3A_468 = tpu.memref_squeeze %dma_start3A_467 : memref<1x1x8x128xf32, #tpu.memory_space<hbm>> -> memref<8x128xf32, #tpu.memory_space<hbm>>
      %dma_start3A_469 = arith.constant 8 : i32
      %dma_start3A_470 = arith.constant 0 : i32
      %dma_start3A_471 = tpu.memref_slice %arg11[%dma_start3A_469, %dma_start3A_470] : memref<32x129xf32, #tpu.memory_space<vmem>> -> memref<8x128xf32, #tpu.memory_space<vmem>>
      tpu.enqueue_dma source(%dma_start3A_471 : memref<8x128xf32, #tpu.memory_space<vmem>>) target(%dma_start3A_468 : memref<8x128xf32, #tpu.memory_space<hbm>>) target_semaphore(%arg17 : memref<!tpu.dma_semaphore, #tpu.memory_space<semaphore_mem>>)
      %dma_start3A_472 = arith.constant 2 : i32
      %dma_start3A_473 = arith.constant 16 : i32
      %dma_start3A_474 = arith.constant 0 : i32
      %dma_start3A_475 = tpu.memref_slice %arg11[%dma_start3A_473, %dma_start3A_474] : memref<32x129xf32, #tpu.memory_space<vmem>> -> memref<8x128xf32, #tpu.memory_space<vmem>>
      %dma_start3A_476 = arith.constant 0 : i32
      %dma_start3A_477 = arith.constant 0 : i32
      %dma_start3A_478 = tpu.memref_slice %arg4[%dma_start3A_472, %add3A_441, %dma_start3A_476, %dma_start3A_477] : memref<4x8192x8x128xf32, #tpu.memory_space<hbm>> -> memref<1x1x8x128xf32, #tpu.memory_space<hbm>>
      %dma_start3A_479 = tpu.memref_squeeze %dma_start3A_478 : memref<1x1x8x128xf32, #tpu.memory_space<hbm>> -> memref<8x128xf32, #tpu.memory_space<hbm>>
      %dma_start3A_480 = arith.constant 0 : i32
      %dma_start3A_481 = arith.constant 0 : i32
      %dma_start3A_482 = tpu.memref_slice %arg4[%dma_start3A_472, %add3A_441, %dma_start3A_480, %dma_start3A_481] : memref<4x8192x8x128xf32, #tpu.memory_space<hbm>> -> memref<1x1x8x128xf32, #tpu.memory_space<hbm>>
      %dma_start3A_483 = tpu.memref_squeeze %dma_start3A_482 : memref<1x1x8x128xf32, #tpu.memory_space<hbm>> -> memref<8x128xf32, #tpu.memory_space<hbm>>
      %dma_start3A_484 = arith.constant 16 : i32
      %dma_start3A_485 = arith.constant 0 : i32
      %dma_start3A_486 = tpu.memref_slice %arg11[%dma_start3A_484, %dma_start3A_485] : memref<32x129xf32, #tpu.memory_space<vmem>> -> memref<8x128xf32, #tpu.memory_space<vmem>>
      tpu.enqueue_dma source(%dma_start3A_486 : memref<8x128xf32, #tpu.memory_space<vmem>>) target(%dma_start3A_483 : memref<8x128xf32, #tpu.memory_space<hbm>>) target_semaphore(%arg17 : memref<!tpu.dma_semaphore, #tpu.memory_space<semaphore_mem>>)
      %dma_start3A_487 = arith.constant 3 : i32
      %dma_start3A_488 = arith.constant 24 : i32
      %dma_start3A_489 = arith.constant 0 : i32
      %dma_start3A_490 = tpu.memref_slice %arg11[%dma_start3A_488, %dma_start3A_489] : memref<32x129xf32, #tpu.memory_space<vmem>> -> memref<8x128xf32, #tpu.memory_space<vmem>>
      %dma_start3A_491 = arith.constant 0 : i32
      %dma_start3A_492 = arith.constant 0 : i32
      %dma_start3A_493 = tpu.memref_slice %arg4[%dma_start3A_487, %add3A_441, %dma_start3A_491, %dma_start3A_492] : memref<4x8192x8x128xf32, #tpu.memory_space<hbm>> -> memref<1x1x8x128xf32, #tpu.memory_space<hbm>>
      %dma_start3A_494 = tpu.memref_squeeze %dma_start3A_493 : memref<1x1x8x128xf32, #tpu.memory_space<hbm>> -> memref<8x128xf32, #tpu.memory_space<hbm>>
      %dma_start3A_495 = arith.constant 0 : i32
      %dma_start3A_496 = arith.constant 0 : i32
      %dma_start3A_497 = tpu.memref_slice %arg4[%dma_start3A_487, %add3A_441, %dma_start3A_495, %dma_start3A_496] : memref<4x8192x8x128xf32, #tpu.memory_space<hbm>> -> memref<1x1x8x128xf32, #tpu.memory_space<hbm>>
      %dma_start3A_498 = tpu.memref_squeeze %dma_start3A_497 : memref<1x1x8x128xf32, #tpu.memory_space<hbm>> -> memref<8x128xf32, #tpu.memory_space<hbm>>
      %dma_start3A_499 = arith.constant 24 : i32
      %dma_start3A_500 = arith.constant 0 : i32
      %dma_start3A_501 = tpu.memref_slice %arg11[%dma_start3A_499, %dma_start3A_500] : memref<32x129xf32, #tpu.memory_space<vmem>> -> memref<8x128xf32, #tpu.memory_space<vmem>>
      tpu.enqueue_dma source(%dma_start3A_501 : memref<8x128xf32, #tpu.memory_space<vmem>>) target(%dma_start3A_498 : memref<8x128xf32, #tpu.memory_space<hbm>>) target_semaphore(%arg17 : memref<!tpu.dma_semaphore, #tpu.memory_space<semaphore_mem>>)
    }
    %scan3A_34 = arith.constant 64 : i32
    %dma_wait3A = arith.constant 0 : i32
    %dma_wait3A_35 = arith.constant 0 : i32
    %dma_wait3A_36 = arith.constant 0 : i32
    %dma_wait3A_37 = arith.constant 0 : i32
    %dma_wait3A_38 = tpu.memref_slice %arg10[%dma_wait3A_36, %dma_wait3A_37] : memref<32x129xf32, #tpu.memory_space<vmem>> -> memref<8x128xf32, #tpu.memory_space<vmem>>
    %dma_wait3A_39 = arith.constant 0 : i32
    %dma_wait3A_40 = arith.constant 0 : i32
    %dma_wait3A_41 = tpu.memref_slice %arg4[%dma_wait3A, %dma_wait3A_35, %dma_wait3A_39, %dma_wait3A_40] : memref<4x8192x8x128xf32, #tpu.memory_space<hbm>> -> memref<1x1x8x128xf32, #tpu.memory_space<hbm>>
    %dma_wait3A_42 = tpu.memref_squeeze %dma_wait3A_41 : memref<1x1x8x128xf32, #tpu.memory_space<hbm>> -> memref<8x128xf32, #tpu.memory_space<hbm>>
    %dma_wait3A_43 = arith.constant 0 : i32
    %dma_wait3A_44 = arith.constant 0 : i32
    %dma_wait3A_45 = tpu.memref_slice %arg4[%dma_wait3A, %dma_wait3A_35, %dma_wait3A_43, %dma_wait3A_44] : memref<4x8192x8x128xf32, #tpu.memory_space<hbm>> -> memref<1x1x8x128xf32, #tpu.memory_space<hbm>>
    %dma_wait3A_46 = tpu.memref_squeeze %dma_wait3A_45 : memref<1x1x8x128xf32, #tpu.memory_space<hbm>> -> memref<8x128xf32, #tpu.memory_space<hbm>>
    %dma_wait3A_47 = arith.constant 0 : i32
    %dma_wait3A_48 = arith.constant 0 : i32
    %dma_wait3A_49 = tpu.memref_slice %arg10[%dma_wait3A_47, %dma_wait3A_48] : memref<32x129xf32, #tpu.memory_space<vmem>> -> memref<8x128xf32, #tpu.memory_space<vmem>>
    tpu.wait_dma2 semaphore(%arg16 : memref<!tpu.dma_semaphore, #tpu.memory_space<semaphore_mem>>) src(%dma_wait3A_49 : memref<8x128xf32, #tpu.memory_space<vmem>>) dst(%dma_wait3A_46 : memref<8x128xf32, #tpu.memory_space<hbm>>)
    %dma_wait3A_50 = arith.constant 1 : i32
    %dma_wait3A_51 = arith.constant 0 : i32
    %dma_wait3A_52 = arith.constant 8 : i32
    %dma_wait3A_53 = arith.constant 0 : i32
    %dma_wait3A_54 = tpu.memref_slice %arg10[%dma_wait3A_52, %dma_wait3A_53] : memref<32x129xf32, #tpu.memory_space<vmem>> -> memref<8x128xf32, #tpu.memory_space<vmem>>
    %dma_wait3A_55 = arith.constant 0 : i32
    %dma_wait3A_56 = arith.constant 0 : i32
    %dma_wait3A_57 = tpu.memref_slice %arg4[%dma_wait3A_50, %dma_wait3A_51, %dma_wait3A_55, %dma_wait3A_56] : memref<4x8192x8x128xf32, #tpu.memory_space<hbm>> -> memref<1x1x8x128xf32, #tpu.memory_space<hbm>>
    %dma_wait3A_58 = tpu.memref_squeeze %dma_wait3A_57 : memref<1x1x8x128xf32, #tpu.memory_space<hbm>> -> memref<8x128xf32, #tpu.memory_space<hbm>>
    %dma_wait3A_59 = arith.constant 0 : i32
    %dma_wait3A_60 = arith.constant 0 : i32
    %dma_wait3A_61 = tpu.memref_slice %arg4[%dma_wait3A_50, %dma_wait3A_51, %dma_wait3A_59, %dma_wait3A_60] : memref<4x8192x8x128xf32, #tpu.memory_space<hbm>> -> memref<1x1x8x128xf32, #tpu.memory_space<hbm>>
    %dma_wait3A_62 = tpu.memref_squeeze %dma_wait3A_61 : memref<1x1x8x128xf32, #tpu.memory_space<hbm>> -> memref<8x128xf32, #tpu.memory_space<hbm>>
    %dma_wait3A_63 = arith.constant 8 : i32
    %dma_wait3A_64 = arith.constant 0 : i32
    %dma_wait3A_65 = tpu.memref_slice %arg10[%dma_wait3A_63, %dma_wait3A_64] : memref<32x129xf32, #tpu.memory_space<vmem>> -> memref<8x128xf32, #tpu.memory_space<vmem>>
    tpu.wait_dma2 semaphore(%arg16 : memref<!tpu.dma_semaphore, #tpu.memory_space<semaphore_mem>>) src(%dma_wait3A_65 : memref<8x128xf32, #tpu.memory_space<vmem>>) dst(%dma_wait3A_62 : memref<8x128xf32, #tpu.memory_space<hbm>>)
    %dma_wait3A_66 = arith.constant 2 : i32
    %dma_wait3A_67 = arith.constant 0 : i32
    %dma_wait3A_68 = arith.constant 16 : i32
    %dma_wait3A_69 = arith.constant 0 : i32
    %dma_wait3A_70 = tpu.memref_slice %arg10[%dma_wait3A_68, %dma_wait3A_69] : memref<32x129xf32, #tpu.memory_space<vmem>> -> memref<8x128xf32, #tpu.memory_space<vmem>>
    %dma_wait3A_71 = arith.constant 0 : i32
    %dma_wait3A_72 = arith.constant 0 : i32
    %dma_wait3A_73 = tpu.memref_slice %arg4[%dma_wait3A_66, %dma_wait3A_67, %dma_wait3A_71, %dma_wait3A_72] : memref<4x8192x8x128xf32, #tpu.memory_space<hbm>> -> memref<1x1x8x128xf32, #tpu.memory_space<hbm>>
    %dma_wait3A_74 = tpu.memref_squeeze %dma_wait3A_73 : memref<1x1x8x128xf32, #tpu.memory_space<hbm>> -> memref<8x128xf32, #tpu.memory_space<hbm>>
    %dma_wait3A_75 = arith.constant 0 : i32
    %dma_wait3A_76 = arith.constant 0 : i32
    %dma_wait3A_77 = tpu.memref_slice %arg4[%dma_wait3A_66, %dma_wait3A_67, %dma_wait3A_75, %dma_wait3A_76] : memref<4x8192x8x128xf32, #tpu.memory_space<hbm>> -> memref<1x1x8x128xf32, #tpu.memory_space<hbm>>
    %dma_wait3A_78 = tpu.memref_squeeze %dma_wait3A_77 : memref<1x1x8x128xf32, #tpu.memory_space<hbm>> -> memref<8x128xf32, #tpu.memory_space<hbm>>
    %dma_wait3A_79 = arith.constant 16 : i32
    %dma_wait3A_80 = arith.constant 0 : i32
    %dma_wait3A_81 = tpu.memref_slice %arg10[%dma_wait3A_79, %dma_wait3A_80] : memref<32x129xf32, #tpu.memory_space<vmem>> -> memref<8x128xf32, #tpu.memory_space<vmem>>
    tpu.wait_dma2 semaphore(%arg16 : memref<!tpu.dma_semaphore, #tpu.memory_space<semaphore_mem>>) src(%dma_wait3A_81 : memref<8x128xf32, #tpu.memory_space<vmem>>) dst(%dma_wait3A_78 : memref<8x128xf32, #tpu.memory_space<hbm>>)
    %dma_wait3A_82 = arith.constant 3 : i32
    %dma_wait3A_83 = arith.constant 0 : i32
    %dma_wait3A_84 = arith.constant 24 : i32
    %dma_wait3A_85 = arith.constant 0 : i32
    %dma_wait3A_86 = tpu.memref_slice %arg10[%dma_wait3A_84, %dma_wait3A_85] : memref<32x129xf32, #tpu.memory_space<vmem>> -> memref<8x128xf32, #tpu.memory_space<vmem>>
    %dma_wait3A_87 = arith.constant 0 : i32
    %dma_wait3A_88 = arith.constant 0 : i32
    %dma_wait3A_89 = tpu.memref_slice %arg4[%dma_wait3A_82, %dma_wait3A_83, %dma_wait3A_87, %dma_wait3A_88] : memref<4x8192x8x128xf32, #tpu.memory_space<hbm>> -> memref<1x1x8x128xf32, #tpu.memory_space<hbm>>
    %dma_wait3A_90 = tpu.memref_squeeze %dma_wait3A_89 : memref<1x1x8x128xf32, #tpu.memory_space<hbm>> -> memref<8x128xf32, #tpu.memory_space<hbm>>
    %dma_wait3A_91 = arith.constant 0 : i32
    %dma_wait3A_92 = arith.constant 0 : i32
    %dma_wait3A_93 = tpu.memref_slice %arg4[%dma_wait3A_82, %dma_wait3A_83, %dma_wait3A_91, %dma_wait3A_92] : memref<4x8192x8x128xf32, #tpu.memory_space<hbm>> -> memref<1x1x8x128xf32, #tpu.memory_space<hbm>>
    %dma_wait3A_94 = tpu.memref_squeeze %dma_wait3A_93 : memref<1x1x8x128xf32, #tpu.memory_space<hbm>> -> memref<8x128xf32, #tpu.memory_space<hbm>>
    %dma_wait3A_95 = arith.constant 24 : i32
    %dma_wait3A_96 = arith.constant 0 : i32
    %dma_wait3A_97 = tpu.memref_slice %arg10[%dma_wait3A_95, %dma_wait3A_96] : memref<32x129xf32, #tpu.memory_space<vmem>> -> memref<8x128xf32, #tpu.memory_space<vmem>>
    tpu.wait_dma2 semaphore(%arg16 : memref<!tpu.dma_semaphore, #tpu.memory_space<semaphore_mem>>) src(%dma_wait3A_97 : memref<8x128xf32, #tpu.memory_space<vmem>>) dst(%dma_wait3A_94 : memref<8x128xf32, #tpu.memory_space<hbm>>)
    %dma_wait3A_98 = arith.constant 0 : i32
    %dma_wait3A_99 = arith.constant 0 : i32
    %dma_wait3A_100 = arith.constant 0 : i32
    %dma_wait3A_101 = arith.constant 0 : i32
    %dma_wait3A_102 = tpu.memref_slice %arg11[%dma_wait3A_100, %dma_wait3A_101] : memref<32x129xf32, #tpu.memory_space<vmem>> -> memref<8x128xf32, #tpu.memory_space<vmem>>
    %dma_wait3A_103 = arith.constant 0 : i32
    %dma_wait3A_104 = arith.constant 0 : i32
    %dma_wait3A_105 = tpu.memref_slice %arg4[%dma_wait3A_98, %dma_wait3A_99, %dma_wait3A_103, %dma_wait3A_104] : memref<4x8192x8x128xf32, #tpu.memory_space<hbm>> -> memref<1x1x8x128xf32, #tpu.memory_space<hbm>>
    %dma_wait3A_106 = tpu.memref_squeeze %dma_wait3A_105 : memref<1x1x8x128xf32, #tpu.memory_space<hbm>> -> memref<8x128xf32, #tpu.memory_space<hbm>>
    %dma_wait3A_107 = arith.constant 0 : i32
    %dma_wait3A_108 = arith.constant 0 : i32
    %dma_wait3A_109 = tpu.memref_slice %arg4[%dma_wait3A_98, %dma_wait3A_99, %dma_wait3A_107, %dma_wait3A_108] : memref<4x8192x8x128xf32, #tpu.memory_space<hbm>> -> memref<1x1x8x128xf32, #tpu.memory_space<hbm>>
    %dma_wait3A_110 = tpu.memref_squeeze %dma_wait3A_109 : memref<1x1x8x128xf32, #tpu.memory_space<hbm>> -> memref<8x128xf32, #tpu.memory_space<hbm>>
    %dma_wait3A_111 = arith.constant 0 : i32
    %dma_wait3A_112 = arith.constant 0 : i32
    %dma_wait3A_113 = tpu.memref_slice %arg11[%dma_wait3A_111, %dma_wait3A_112] : memref<32x129xf32, #tpu.memory_space<vmem>> -> memref<8x128xf32, #tpu.memory_space<vmem>>
    tpu.wait_dma2 semaphore(%arg17 : memref<!tpu.dma_semaphore, #tpu.memory_space<semaphore_mem>>) src(%dma_wait3A_113 : memref<8x128xf32, #tpu.memory_space<vmem>>) dst(%dma_wait3A_110 : memref<8x128xf32, #tpu.memory_space<hbm>>)
    %dma_wait3A_114 = arith.constant 1 : i32
    %dma_wait3A_115 = arith.constant 0 : i32
    %dma_wait3A_116 = arith.constant 8 : i32
    %dma_wait3A_117 = arith.constant 0 : i32
    %dma_wait3A_118 = tpu.memref_slice %arg11[%dma_wait3A_116, %dma_wait3A_117] : memref<32x129xf32, #tpu.memory_space<vmem>> -> memref<8x128xf32, #tpu.memory_space<vmem>>
    %dma_wait3A_119 = arith.constant 0 : i32
    %dma_wait3A_120 = arith.constant 0 : i32
    %dma_wait3A_121 = tpu.memref_slice %arg4[%dma_wait3A_114, %dma_wait3A_115, %dma_wait3A_119, %dma_wait3A_120] : memref<4x8192x8x128xf32, #tpu.memory_space<hbm>> -> memref<1x1x8x128xf32, #tpu.memory_space<hbm>>
    %dma_wait3A_122 = tpu.memref_squeeze %dma_wait3A_121 : memref<1x1x8x128xf32, #tpu.memory_space<hbm>> -> memref<8x128xf32, #tpu.memory_space<hbm>>
    %dma_wait3A_123 = arith.constant 0 : i32
    %dma_wait3A_124 = arith.constant 0 : i32
    %dma_wait3A_125 = tpu.memref_slice %arg4[%dma_wait3A_114, %dma_wait3A_115, %dma_wait3A_123, %dma_wait3A_124] : memref<4x8192x8x128xf32, #tpu.memory_space<hbm>> -> memref<1x1x8x128xf32, #tpu.memory_space<hbm>>
    %dma_wait3A_126 = tpu.memref_squeeze %dma_wait3A_125 : memref<1x1x8x128xf32, #tpu.memory_space<hbm>> -> memref<8x128xf32, #tpu.memory_space<hbm>>
    %dma_wait3A_127 = arith.constant 8 : i32
    %dma_wait3A_128 = arith.constant 0 : i32
    %dma_wait3A_129 = tpu.memref_slice %arg11[%dma_wait3A_127, %dma_wait3A_128] : memref<32x129xf32, #tpu.memory_space<vmem>> -> memref<8x128xf32, #tpu.memory_space<vmem>>
    tpu.wait_dma2 semaphore(%arg17 : memref<!tpu.dma_semaphore, #tpu.memory_space<semaphore_mem>>) src(%dma_wait3A_129 : memref<8x128xf32, #tpu.memory_space<vmem>>) dst(%dma_wait3A_126 : memref<8x128xf32, #tpu.memory_space<hbm>>)
    %dma_wait3A_130 = arith.constant 2 : i32
    %dma_wait3A_131 = arith.constant 0 : i32
    %dma_wait3A_132 = arith.constant 16 : i32
    %dma_wait3A_133 = arith.constant 0 : i32
    %dma_wait3A_134 = tpu.memref_slice %arg11[%dma_wait3A_132, %dma_wait3A_133] : memref<32x129xf32, #tpu.memory_space<vmem>> -> memref<8x128xf32, #tpu.memory_space<vmem>>
    %dma_wait3A_135 = arith.constant 0 : i32
    %dma_wait3A_136 = arith.constant 0 : i32
    %dma_wait3A_137 = tpu.memref_slice %arg4[%dma_wait3A_130, %dma_wait3A_131, %dma_wait3A_135, %dma_wait3A_136] : memref<4x8192x8x128xf32, #tpu.memory_space<hbm>> -> memref<1x1x8x128xf32, #tpu.memory_space<hbm>>
    %dma_wait3A_138 = tpu.memref_squeeze %dma_wait3A_137 : memref<1x1x8x128xf32, #tpu.memory_space<hbm>> -> memref<8x128xf32, #tpu.memory_space<hbm>>
    %dma_wait3A_139 = arith.constant 0 : i32
    %dma_wait3A_140 = arith.constant 0 : i32
    %dma_wait3A_141 = tpu.memref_slice %arg4[%dma_wait3A_130, %dma_wait3A_131, %dma_wait3A_139, %dma_wait3A_140] : memref<4x8192x8x128xf32, #tpu.memory_space<hbm>> -> memref<1x1x8x128xf32, #tpu.memory_space<hbm>>
    %dma_wait3A_142 = tpu.memref_squeeze %dma_wait3A_141 : memref<1x1x8x128xf32, #tpu.memory_space<hbm>> -> memref<8x128xf32, #tpu.memory_space<hbm>>
    %dma_wait3A_143 = arith.constant 16 : i32
    %dma_wait3A_144 = arith.constant 0 : i32
    %dma_wait3A_145 = tpu.memref_slice %arg11[%dma_wait3A_143, %dma_wait3A_144] : memref<32x129xf32, #tpu.memory_space<vmem>> -> memref<8x128xf32, #tpu.memory_space<vmem>>
    tpu.wait_dma2 semaphore(%arg17 : memref<!tpu.dma_semaphore, #tpu.memory_space<semaphore_mem>>) src(%dma_wait3A_145 : memref<8x128xf32, #tpu.memory_space<vmem>>) dst(%dma_wait3A_142 : memref<8x128xf32, #tpu.memory_space<hbm>>)
    %dma_wait3A_146 = arith.constant 3 : i32
    %dma_wait3A_147 = arith.constant 0 : i32
    %dma_wait3A_148 = arith.constant 24 : i32
    %dma_wait3A_149 = arith.constant 0 : i32
    %dma_wait3A_150 = tpu.memref_slice %arg11[%dma_wait3A_148, %dma_wait3A_149] : memref<32x129xf32, #tpu.memory_space<vmem>> -> memref<8x128xf32, #tpu.memory_space<vmem>>
    %dma_wait3A_151 = arith.constant 0 : i32
    %dma_wait3A_152 = arith.constant 0 : i32
    %dma_wait3A_153 = tpu.memref_slice %arg4[%dma_wait3A_146, %dma_wait3A_147, %dma_wait3A_151, %dma_wait3A_152] : memref<4x8192x8x128xf32, #tpu.memory_space<hbm>> -> memref<1x1x8x128xf32, #tpu.memory_space<hbm>>
    %dma_wait3A_154 = tpu.memref_squeeze %dma_wait3A_153 : memref<1x1x8x128xf32, #tpu.memory_space<hbm>> -> memref<8x128xf32, #tpu.memory_space<hbm>>
    %dma_wait3A_155 = arith.constant 0 : i32
    %dma_wait3A_156 = arith.constant 0 : i32
    %dma_wait3A_157 = tpu.memref_slice %arg4[%dma_wait3A_146, %dma_wait3A_147, %dma_wait3A_155, %dma_wait3A_156] : memref<4x8192x8x128xf32, #tpu.memory_space<hbm>> -> memref<1x1x8x128xf32, #tpu.memory_space<hbm>>
    %dma_wait3A_158 = tpu.memref_squeeze %dma_wait3A_157 : memref<1x1x8x128xf32, #tpu.memory_space<hbm>> -> memref<8x128xf32, #tpu.memory_space<hbm>>
    %dma_wait3A_159 = arith.constant 24 : i32
    %dma_wait3A_160 = arith.constant 0 : i32
    %dma_wait3A_161 = tpu.memref_slice %arg11[%dma_wait3A_159, %dma_wait3A_160] : memref<32x129xf32, #tpu.memory_space<vmem>> -> memref<8x128xf32, #tpu.memory_space<vmem>>
    tpu.wait_dma2 semaphore(%arg17 : memref<!tpu.dma_semaphore, #tpu.memory_space<semaphore_mem>>) src(%dma_wait3A_161 : memref<8x128xf32, #tpu.memory_space<vmem>>) dst(%dma_wait3A_158 : memref<8x128xf32, #tpu.memory_space<hbm>>)
    return
  }
}

</mosaic_0001>

<sc_bundles>
// kernel: kernel.11.cloned.1.call-start
scs
__scs_entry_jumppad:
0x0: {  	(pc) =	sbr.rel $0x88, $3  }
0x1: {  	(tag) =	ssettag $0x0;
	lr =	simm.s32 $0x1  }
0x2: {  	[smem:$0x3F9F] =	sst lr;
	_ =	strace $0xD0000000  }
0x3: {  	_ = 	snop  }
0x4: {  	_ = 	snop  }
0x5: {  	_ = 	snop  }
0x6: {  	_ = 	snop  }
0x7: {  	_ = 	snop  }
__scs_overlays_trampoline_lowered:
0x8: {  	[smem:$0x3FAE] =	sst s0  }
0x9: {  	[smem:$0x3FAF] =	sst s1  }
0xa: {  	[smem:$0x3FB0] =	sst s2  }
0xb: {  	[smem:$0x3FB1] =	sst s3  }
0xc: {  	[smem:$0x3FB2] =	sst s4  }
0xd: {  	[smem:$0x3FB3] =	sst s5  }
0xe: {  	[smem:$0x3FB4] =	sst s6  }
0xf: {  	[smem:$0x3FB5] =	sst s7  }
0x10: {  	[smem:$0x3FB6] =	sst s8  }
0x11: {  	[smem:$0x3FB7] =	sst s9;
	s0 =	simm.s32 @!p0 $0x0  }
0x12: {  	s1 =	sld [smem:$0x3F9D];
	s0 =	simm.s32 @p0 $0x1  }
0x13: {  	[smem:$0x3FB8] =	sst s0;
	s0 =	simm.s32 @!p1 $0x0  }
0x14: {  	s2 =	sld [smem:$0x3F9C];
	s0 =	simm.s32 @p1 $0x1  }
0x15: {  	[smem:$0x3FB9] =	sst s0;
	s0 =	simm.s32 @!p2 $0x0  }
0x16: {  	s3 =	sld [smem:$0x3FDB];
	s0 =	simm.s32 @p2 $0x1  }
0x17: {  	s4 =	simm.s32 $0x1BF5;
	[smem:$0x3FBB] =	sst s0  }
0x18: {  	s0 =	sld [smem:$0x3F9E];
	_ =	swait.ge [sflag:s4], $0x0  }
0x19: {  	s7 =	sld [smem:$0x3F9F]  }
0x1a: {  	s8 =	sadd.s32 $0xFFFFE003, lr  }
0x1b: {  	s9 =	sadd.s32 $0xFFFFFEF7, lr;
	s5 =	simm.s32 $0xFFFFFFFF;
	p2 =	slt.u32 s8, $0xFFFFF086  }
0x1c: {  	p1 =	slt.u32 s9, $0xF7A;
	s5 =	simm.s32 @!p2 $0x0  }
0x1d: {  	s5 =	simm.s32 @p1 $0x1;
	p0 =	seq.s32 s7, s2  }
0x1e: {  	s7 =	smul.u32 @!p0 $0xF7A, s2;
	p2 =	seq.s32 @!p0 s5, $0x0  }
0x1f: {  	s9 =	smul.u32 $0xF7A, s1;
	s8 =	simm.s32 @!p0 $0x1BF5;
	p2 =	por !p2, p0  }
0x20: {  	[sflag:s8] =	ssyncset.s32 @!p0 $0xFFFFF086;
	s6 =	sadd.s32 @!p0 s3, s7;
	s7 =	simm.s32 @!p0 $0x108  }
0x21: {  	s3 =	sadd.s32 s3, s9;
	s6 =	sadd.s32 @!p0 $0x88, s6;
	s7 =	simm.s32 @p2 $0x1082  }
0x22: {  	[simem:s7], [sflag:s8] =	dma.local @!p0 [hbm:s6], $0xF7A  }
0x23: {  	s9 =	sor.u32 $0xD0000000, s2;
	s6 =	simm.s32 $0x108;
	_ =	swait.ge @!p0 [sflag:s8], $0x0  }
0x24: {  	s3 =	sadd.s32 $0x88, s3;
	s6 =	simm.s32 @!p1 $0x1082;
	[sflag:s4] =	ssyncset.s32 $0xFFFFF086  }
0x25: {  	[simem:s6], [sflag:s4] =	dma.local [hbm:s3], $0xF7A  }
0x26: {  	[smem:$0x3F9F] =	sst s1;
	(tag) =	ssettag s2;
	_ =	strace s9  }
0x27: {  	s1 =	sld [smem:$0x3FAF]  }
0x28: {  	s2 =	sld [smem:$0x3FB0]  }
0x29: {  	s4 =	sld [smem:$0x3FB2]  }
0x2a: {  	p0 =	seq.s32 s5, $0x0;
	s5 =	sld [smem:$0x3FB3]  }
0x2b: {  	s6 =	sld [smem:$0x3FB4]  }
0x2c: {  	s7 =	sld [smem:$0x3FB5]  }
0x2d: {  	s3 =	simm.s32 $0x108;
	s8 =	sld [smem:$0x3FB6]  }
0x2e: {  	s3 =	simm.s32 @!p0 $0x1082;
	s9 =	sld [smem:$0x3FB7]  }
0x2f: {  	lr =	sadd.s32 s0, s3;
	s0 =	sld [smem:$0x3FAE]  }
0x30: {  	s3 =	sld [smem:$0x3FB1]  }
0x31: {  	[smem:$0x3FBA] =	sst s10  }
0x32: {  	s10 =	sld [smem:$0x3FB8];
	_ =	sdelay $0x3  }
0x33: {  	p0 =	seq.s32 s10, $0x1;
	s10 =	sld [smem:$0x3FBA];
	_ =	sdelay $0x3  }
0x34: {  	[smem:$0x3FBA] =	sst s10  }
0x35: {  	s10 =	sld [smem:$0x3FB9];
	_ =	sdelay $0x3  }
0x36: {  	p1 =	seq.s32 s10, $0x1;
	s10 =	sld [smem:$0x3FBA];
	_ =	sdelay $0x3  }
0x37: {  	[smem:$0x3FBA] =	sst s10  }
0x38: {  	s10 =	sld [smem:$0x3FBB]  }
0x39: {  	_ = 	snop;
	(pc) =	sbr.ind lr, $3  }
0x3a: {  	_ = 	snop  }
0x3b: {  	_ = 	snop  }
0x3c: {  	p2 =	seq.s32 s10, $0x1;
	s10 =	sld [smem:$0x3FBA]  }
0x3d: {  	_ =	shalt  }
0x3e: {  	_ =	shalt  }
0x3f: {  	_ =	shalt  }
0x40: {  	_ =	shalt  }
0x41: {  	_ =	shalt  }
0x42: {  	_ =	shalt  }
0x43: {  	_ =	shalt  }
0x44: {  	_ =	shalt  }
0x45: {  	_ =	shalt  }
0x46: {  	_ =	shalt  }
0x47: {  	_ =	shalt  }
0x48: {  	_ =	shalt  }
0x49: {  	_ =	shalt  }
0x4a: {  	_ =	shalt  }
0x4b: {  	_ =	shalt  }
0x4c: {  	_ =	shalt  }
0x4d: {  	_ =	shalt  }
0x4e: {  	_ =	shalt  }
0x4f: {  	_ =	shalt  }
0x50: {  	_ =	shalt  }
0x51: {  	_ =	shalt  }
0x52: {  	_ =	shalt  }
0x53: {  	_ =	shalt  }
0x54: {  	_ =	shalt  }
0x55: {  	_ =	shalt  }
0x56: {  	_ =	shalt  }
0x57: {  	_ =	shalt  }
0x58: {  	_ =	shalt  }
0x59: {  	_ =	shalt  }
0x5a: {  	_ =	shalt  }
0x5b: {  	_ =	shalt  }
0x5c: {  	_ =	shalt  }
0x5d: {  	_ =	shalt  }
0x5e: {  	_ =	shalt  }
0x5f: {  	_ =	shalt  }
0x60: {  	_ =	shalt  }
0x61: {  	_ =	shalt  }
0x62: {  	_ =	shalt  }
0x63: {  	_ =	shalt  }
0x64: {  	_ =	shalt  }
0x65: {  	_ =	shalt  }
0x66: {  	_ =	shalt  }
0x67: {  	_ =	shalt  }
0x68: {  	_ =	shalt  }
0x69: {  	_ =	shalt  }
0x6a: {  	_ =	shalt  }
0x6b: {  	_ =	shalt  }
0x6c: {  	_ =	shalt  }
0x6d: {  	_ =	shalt  }
0x6e: {  	_ =	shalt  }
0x6f: {  	_ =	shalt  }
0x70: {  	_ =	shalt  }
0x71: {  	_ =	shalt  }
0x72: {  	_ =	shalt  }
0x73: {  	_ =	shalt  }
0x74: {  	_ =	shalt  }
0x75: {  	_ =	shalt  }
0x76: {  	_ =	shalt  }
0x77: {  	_ =	shalt  }
0x78: {  	_ =	shalt  }
0x79: {  	_ =	shalt  }
0x7a: {  	_ =	shalt  }
0x7b: {  	_ =	shalt  }
0x7c: {  	_ =	shalt  }
0x7d: {  	_ =	shalt  }
0x7e: {  	_ =	shalt  }
0x7f: {  	_ =	shalt  }
0x80: {  	_ =	shalt  }
0x81: {  	_ =	shalt  }
0x82: {  	_ =	shalt  }
0x83: {  	_ =	shalt  }
0x84: {  	_ =	shalt  }
0x85: {  	_ =	shalt  }
0x86: {  	_ =	shalt  }
0x87: {  	_ =	shalt  }
.Lfunc_end0:
.L_simem_size_0:
called_computation.2_lowered:
.L_overlay_start_0:
0x88: {  	s2 =	sld [smem:$0x3FD9]  }
0x89: {  	s3 =	sld [smem:$0x3FFE];
	_ =	sdelay $0x1  }
0x8a: {  	s1 =	srdreg.scid  }
0x8b: {  	s0 =	sand.u32 $0x1, s1  }
0x8c: {  	s17 =	sshll.u32 s0, $0xA;
	s2 =	sadd.s32 s3, s2  }
0x8d: {  	s2 =	sadd.s32 s2, s17  }
0x8e: {  	[smem:$0x3FC6] =	sst s2  }
0x8f: {  	_ = 	snop  }
0x90: {  	s2 =	sld [smem:$0x3FC9]  }
0x91: {  	s18 =	sld [smem:$0x3FD0];
	(tm) =	ssettm $0x1  }
0x92: {  	s4 =	sld [smem:$0x3FFB];
	_ =	sdelay $0x3  }
0x93: {  	_ =	strace s4  }
0x94: {  	s4 =	sld [smem:$0x3FFC];
	_ =	sdelay $0x3  }
0x95: {  	_ =	strace s4  }
0x96: {  	s4 =	sld [smem:$0x3FFD];
	_ =	sdelay $0x3  }
0x97: {  	_ =	strace s4  }
0x98: {  	_ =	strace $0x8FFFFFFF  }
0x99: {  	s19 =	sld [smem:$0x3FDB];
	_ =	sdelay $0x1  }
0x9a: {  	s5 =	simm.s32 $_scs_section_size  }
0x9b: {  	s6 =	simm.s32 $_size__tile_overlayer_lowered;
	s7 =	simm.s32 $_tile_overlayer_lowered  }
0x9c: {  	s22 =	simm.s32 $0x1BFF;
	s21 =	sshll.u32 s7, $0x1;
	s4 =	sadd.s32 s5, s19  }
0x9d: {  	s8 =	simm.s32 $0x0;
	s20 =	sshll.u32 s6, $0x1;
	s6 =	sadd.s32 s21, s4  }
0x9e: {  	[timem:s8], [sflag:s22] =	dma.local [hbm:s6], s20  }
0x9f: {  	_ =	swait.ge [sflag:s22], s20  }
0xa0: {  	s5 =	ssub.s32 $0x0, s20;
	[sflag:s22] =	ssyncset.done $0x0  }
0xa1: {  	[sflag:s22] =	ssyncadd.s32 s5;
	_ =	sdelay $0x1  }
0xa2: {  	s23 =	simm.s32 $0x1B8B  }
0xa3: {  	_ =	swait.ge [sflag:s23], $0x1  }
0xa4: {  	[sflag:s23] =	ssyncset.done $0x0  }
0xa5: {  	s25 =	simm.s32 $0x1B8E;
	s24 =	sld [smem:$0x3FFE];
	[sflag:s23] =	ssyncadd.s32 $0xFFFFFFFF  }
0xa6: {  	s26 =	simm.s32 $execute0_lowered;
	[smem:$0x3FD2] =	sst s25  }
0xa7: {  	s6 =	sshll.u32 s26, $0x1;
	_ =	strace $0x8000004C;
	[dreg:$0x1] =	wrdreg $0xFFFFFFFF  }
0xa8: {  	s28 =	simm.s32 $_size_execute0_lowered;
	s4 =	sadd.s32 s4, s6;
	[dreg:$0x0] =	wrdreg $0x0  }
0xa9: {  	s6 =	sshll.u32 s28, $0x1;
	[dreg:$0x2] =	wrdreg s4  }
0xaa: {  	[dreg:$0x3] =	wrdreg s6  }
0xab: {  	[dreg:$0x4] =	wrdreg $0xC0  }
0xac: {  	_ =	task [dreg:s8], $0x5FFFF  }
0xad: {  	[dreg:$0x1] =	wrdreg $0xFFFFFFFF  }
0xae: {  	[dreg:$0x0] =	wrdreg $0x60  }
0xaf: {  	[dreg:$0x2] =	wrdreg s2  }
0xb0: {  	[dreg:$0x3] =	wrdreg s24  }
0xb1: {  	[dreg:$0x4] =	wrdreg s18  }
0xb2: {  	[dreg:$0x5] =	wrdreg $0x9  }
0xb3: {  	_ =	task.clear_ibuf [dreg:s8], $0x6FFFF;
	_ =	strace $0x9000004C  }
0xb4: {  	s29 =	simm.s32 $0x9;
	_ =	strace $0x8000004E  }
0xb5: {  	_ =	swait.ge [sflag:s29], $0x1  }
0xb6: {  	[sflag:s29] =	ssyncadd.s32 $0xFFFFFFFF  }
0xb7: {  	_ =	strace $0x9000004E  }
0xb8: {  	_ =	sfence  }
0xb9: {  	s30 =	sld [smem:$0x0];
	_ =	sdelay $0x2  }
0xba: {  	s31 =	sshll.u32 s1, $0xD;
	s1 =	sshrl.u32 s1, $0x2  }
0xbb: {  	s3 =	sand.u32 $0x4000, s31;
	s1 =	sadd.s32 s1, s30  }
0xbc: {  	s0 =	sor.u32 s3, s0;
	s1 =	sshll.u32 s1, $0x11  }
0xbd: {  	s0 =	sor.u32 s1, s0  }
0xbe: {  	s0 =	sadd.s32 $0x8F2B, s0  }
0xbf: {  	[sflag:s0] =	ssyncadd.remote.s32 $0x1  }
0xc0: {  	_ =	sfence.sel $0xFFFF  }
0xc1: {  	[dreg:$0x0] =	wrdreg $0xFFFFFFFF;
	(pc) =	sbr.abs _section_cstart, $3  }
0xc2: {  	[dreg:$0x1] =	wrdreg $0xFFFFFFFF  }
0xc3: {  	_ =	task.clear_ibuf [dreg:s8], $0x2FFFF;
	_ =	strace $0x9FFFFFFF  }
0xc4: {  	(tm) =	ssettm $0x7FFFFFFF  }
0xc5: {  	_ =	shalt  }
tec
execute0_lowered:
.L_overlay_start_1:
0x0: {  	(tag) =	ssettag $0x1  }
0x1: {  	s0 =	rddreg [dreg:$0x0]  }
0x2: {  	s1 =	rddreg [dreg:$0x1]  }
0x3: {  	s2 =	rddreg [dreg:$0x2];
	s4 =	srdreg.scid  }
0x4: {  	s3 =	simm.s32 $0x0;
	s5 =	stileid.u32;
	s18 =	simm.s32 $0x1  }
0x5: {  	s19 =	simm.s32 $0xC000;
	s30 =	simm.s32 $0x2;
	s31 =	simm.s32 $0x6  }
0x6: {  	s10 =	simm.s32 $0xDE48;
	s11 =	simm.s32 $0xDED0;
	s13 =	simm.s32 $0xDF58  }
0x7: {  	s17 =	simm.s32 $0xDFE0;
	s12 =	simm.s32 $0xE068;
	s20 =	simm.s32 $0xE0F0  }
0x8: {  	s21 =	simm.s32 $0xE178;
	s22 =	simm.s32 $0x3;
	s23 =	simm.s32 $0x5  }
0x9: {  	s24 =	simm.s32 $0x4;
	s4 =	sand.u32 $0x1, s4;
	[smem:$0x7FF] =	sst s3  }
0xa: {  	s5 =	sshll.u32 s5, $0x9;
	s8 =	sadd.s32 $0x200000, s2;
	s6 =	sshll.u32 s4, $0x8  }
0xb: {  	s9 =	sadd.s32 $0x300000, s2;
	s7 =	ssub.s32 $0x2, s4;
	s4 =	sor.u32 s6, s5  }
0xc: {  	v0 =	vlaneseq.u32;
	_ =	strace $0x8000004D;
	s28 =	sshrl.u32 s7, $0x1;
	s6 =	sshll.u32 s4, $0x4  }
0xd: {  	v0 =	vmul.u32 $0x88, v0;
	s5 =	sadd.s32 $0xE00, s1;
	s1 =	ssub.s32 s7, s28;
	s0 =	sadd.s32 s0, s6  }
0xe: {  	s7 =	sadd.s32 $0x100000, s2;
	s29 =	smax.u32 s1, $0x1;
	[dreg:$0x4] =	wrdreg s0  }
0xf: {  	v1 =	vadd.s32 $0x880, v0;
	s6 =	simm.s32 $0x0;
	[dreg:$0x5] =	wrdreg s29;
	s0 =	simm.s32 $0xD100  }
.LBB2_1:
0x10: {  	[dreg:$0x6] =	wrdreg s6  }
0x11: {  	s1 =	rddreg [dreg:$0x4];
	s16 =	simm.s32 $0x7  }
0x12: {  	[tilespmem:s3], [sflag:$0x7] =	stream.linear.gather [hbm4b:s1+s3], $0x8000, $0x38;
	[tilespmem:$0xE200] =	vst v63  }
0x13: {  	_ =	swait.ge [sflag:s16], $0x8000  }
0x14: {  	[sflag:s16] =	ssyncset.done $0x0  }
0x15: {  	s25 =	simm.s32 $0x80;
	s26 =	simm.s32 $0x8000;
	[sflag:s16] =	ssyncadd.s32 $0xFFFF8000  }
0x16: {  	[tilespmem:s26], [sflag:$0x1] =	stream.indirect.gather [hbm4b:s5+s25], $0x20, s3, s25, $0xb8;
	[tilespmem:$0xE200] =	vst v63  }
0x17: {  	s28 =	simm.s32 $0x9000  }
0x18: {  	[tilespmem:s28], [sflag:$0x2] =	stream.indirect.gather [hbm4b:s5+s25], $0x20, s25, s25, $0xb8;
	[tilespmem:$0xE200] =	vst v63  }
0x19: {  	s29 =	simm.s32 $0x100;
	s14 =	simm.s32 $0xA000  }
0x1a: {  	[tilespmem:s14], [sflag:$0x3] =	stream.indirect.gather [hbm4b:s5+s25], $0x20, s29, s25, $0xb8;
	[tilespmem:$0xE200] =	vst v63  }
0x1b: {  	s25 =	simm.s32 $0x0  }
.LBB2_2:
0x1c: {  	s26 =	sshllo.u32 s25, $0x2  }
0x1d: {  	s1 =	sshll.u32 s26, $0x7  }
0x1e: {  	s6 =	simm.s32 $0x80;
	s14 =	simm.s32 $0xB000;
	s1 =	sand.u32 $0x3FFFFF80, s1  }
0x1f: {  	[tilespmem:s14], [sflag:$0x4] =	stream.indirect.gather [hbm4b:s5+s6], $0x20, s1, s6, $0xb8;
	[tilespmem:$0xE200] =	vst v63  }
0x20: {  	_ =	swait.ge [sflag:s18], $0x1000  }
0x21: {  	p0 =	seq.s32 s25, $0x0;
	[sflag:s18] =	ssyncset.done $0x0  }
0x22: {  	s1 =	simm.s32 @!p0 $0x5;
	[sflag:s18] =	ssyncadd.s32 $0xFFFFF000  }
0x23: {  	_ =	swait.ge @!p0 [sflag:s1], $0x400  }
0x24: {  	[sflag:s1] =	ssyncset.done @!p0 $0x0  }
0x25: {  	[sflag:s1] =	ssyncadd.s32 @!p0 $0xFFFFFC00  }
0x26: {  	_ =	swait.ge @!p0 [sflag:s1], $0x400  }
0x27: {  	[sflag:s1] =	ssyncset.done @!p0 $0x0  }
0x28: {  	[sflag:s1] =	ssyncadd.s32 @!p0 $0xFFFFFC00  }
0x29: {  	_ =	swait.ge @!p0 [sflag:s1], $0x400  }
0x2a: {  	[sflag:s1] =	ssyncset.done @!p0 $0x0  }
0x2b: {  	[sflag:s1] =	ssyncadd.s32 @!p0 $0xFFFFFC00  }
0x2c: {  	s15 =	simm.s32 $0x3;
	_ =	swait.ge @!p0 [sflag:s1], $0x400  }
0x2d: {  	s16 =	simm.s32 $0x0;
	v2 =	vmov s15;
	[sflag:s1] =	ssyncset.done @!p0 $0x0  }
0x2e: {  	v3 =	vmov s16;
	v2 =	vand.u32 $0x7F, v2;
	[sflag:s1] =	ssyncadd.s32 @!p0 $0xFFFFFC00;
	s1 =	simm.s32 $0x8040  }
0x2f: {  	v3 =	vand.u32 $0x7C, v3;
	v5 =	vadd.s32 v0, v2;
	v4 =	vld [tilespmem:s1+$0x20]  }
0x30: {  	v7 =	vadd.s32 v0, v3;
	v6 =	vld [tilespmem:s1+$0xFFFFFFC0]  }
0x31: {  	s14 =	simm.s32 $0x1  }
0x32: {  	v8 =	vmov s14  }
0x33: {  	s15 =	simm.s32 $0x2;
	v8 =	vand.u32 $0x7D, v8  }
0x34: {  	v9 =	vmov s15;
	v11 =	vadd.s32 v0, v8;
	v10 =	vld [tilespmem:s1+$0xFFFFFFE0];
	[tilespmem:v5+s19+$0x0] =	vst.idx.msk $0xffff, v4  }
0x35: {  	s16 =	simm.s32 $0x7;
	v16 =	vand.u32 $0x7E, v9;
	v14 =	vadd.s32 v1, v2;
	[tilespmem:v7+s19+$0x0] =	vst.idx.msk $0xffff, v6;
	v7 =	vld [tilespmem:s1+$0x30]  }
0x36: {  	v12 =	vadd.s32 v0, v16;
	s14 =	simm.s32 $0x4;
	v9 =	vld [tilespmem:s1+$0x0];
	v4 =	vmov s16  }
0x37: {  	s29 =	simm.s32 $0x80C0;
	s15 =	simm.s32 $0x5;
	v18 =	vadd.s32 v1, v3;
	v2 =	vmov s14;
	v4 =	vand.u32 $0x7F, v4;
	v17 =	vld [tilespmem:s1+$0xFFFFFFD0]  }
0x38: {  	v19 =	vld [tilespmem:s29+$0x20];
	s16 =	simm.s32 $0x6;
	v5 =	vand.u32 $0x7C, v2;
	v2 =	vmov s15;
	v20 =	vadd.s32 v0, v4  }
0x39: {  	v13 =	vld [tilespmem:s29+$0xFFFFFFC0];
	[tilespmem:v11+s19+$0x0] =	vst.idx.msk $0xffff, v10;
	v6 =	vmov s16;
	v15 =	vadd.s32 v0, v5;
	v3 =	vand.u32 $0x7D, v2  }
0x3a: {  	v11 =	vld [tilespmem:s29+$0xFFFFFFE0];
	v2 =	vand.u32 $0x7E, v6;
	[tilespmem:v14+s19+$0x0] =	vst.idx.msk $0xffff, v7;
	v14 =	vadd.s32 v0, v3  }
0x3b: {  	[tilespmem:v12+s19+$0x0] =	vst.idx.msk $0xffff, v9;
	v6 =	vld [tilespmem:s29+$0x0];
	v12 =	vadd.s32 v0, v2  }
0x3c: {  	s28 =	sshll.u32 s25, $0x2;
	s14 =	simm.s32 $0x8;
	v8 =	vadd.s32 v1, v8;
	[tilespmem:v18+s19+$0x0] =	vst.idx.msk $0xffff, v17;
	v7 =	vld [tilespmem:s1+$0xFFFFFFF0]  }
0x3d: {  	s15 =	simm.s32 $0xC;
	v10 =	vadd.s32 v1, v16;
	s16 =	simm.s32 $0xB;
	v9 =	vld [tilespmem:s1+$0x10];
	s1 =	simm.s32 $0x80C0;
	[tilespmem:v20+s19+$0x0] =	vst.idx.msk $0xffff, v19  }
.LBB2_3:
0x3e: {  	p1 =	slt.u32 s15, $0x7C;
	v16 =	vmov s16;
	[tilespmem:v15+s19+$0x0] =	vst.idx.msk $0xffff, v13;
	v17 =	vld [tilespmem:s29+$0x30];
	v18 =	vadd.s32 v1, v4  }
0x3f: {  	v13 =	vmov s14;
	s6 =	sadd.s32 $0x1, s14;
	v19 =	vadd.s32 v1, v5;
	s29 =	sadd.s32 $0x80, s29;
	v4 =	vand.u32 $0x7F, v16;
	v16 =	vld [tilespmem:s1+$0xFFFFFFD0];
	[tilespmem:v14+s19+$0x0] =	vst.idx.msk $0xffff, v11  }
0x40: {  	v5 =	vand.u32 $0x7C, v13;
	v11 =	vmov s6;
	s6 =	sadd.s32 $0x2, s14;
	s14 =	smov.u32 s15;
	v20 =	vld [tilespmem:s29+$0x20];
	v21 =	vadd.s32 v0, v4;
	[tilespmem:v12+s19+$0x0] =	vst.idx.msk $0xffff, v6  }
.Ltmp0:
0x41: {  	v15 =	vadd.s32 v0, v5;
	v22 =	vand.u32 $0x7D, v11;
	v6 =	vmov s6;
	v13 =	vld [tilespmem:s29+$0xFFFFFFC0];
	[tilespmem:v8+s19+$0x0] =	vst.idx.msk $0xffff, v7;
	(pc) =	sbr.rel @p1 .LBB2_3-.Ltmp0, $4  }
0x42: {  	v14 =	vadd.s32 v0, v22;
	v23 =	vand.u32 $0x7E, v6;
	v11 =	vld [tilespmem:s29+$0xFFFFFFE0];
	[tilespmem:v10+s19+$0x0] =	vst.idx.msk $0xffff, v9  }
0x43: {  	v12 =	vadd.s32 v0, v23;
	v6 =	vld [tilespmem:s29+$0x0];
	[tilespmem:v18+s19+$0x0] =	vst.idx.msk $0xffff, v17  }
0x44: {  	v8 =	vadd.s32 v1, v3;
	v3 =	vmov v22;
	[tilespmem:v19+s19+$0x0] =	vst.idx.msk $0xffff, v16;
	v7 =	vld [tilespmem:s1+$0xFFFFFFF0]  }
0x45: {  	s15 =	sadd.s32 $0x4, s15;
	s16 =	sadd.s32 $0x3, s14;
	v10 =	vadd.s32 v1, v2;
	v2 =	vmov v23;
	[tilespmem:v21+s19+$0x0] =	vst.idx.msk $0xffff, v20;
	v9 =	vld [tilespmem:s1+$0x10];
	s1 =	smov.u32 s29  }
0x46: {  	_ =	sdelay $0x3  }
0x47: {  	v16 =	vmov s16;
	[tilespmem:v15+s19+$0x0] =	vst.idx.msk $0xffff, v13;
	v46 =	vld [tilespmem:s29+$0x30];
	v4 =	vadd.s32 v1, v4  }
0x48: {  	v47 =	vmov s14;
	s6 =	sadd.s32 $0x1, s14;
	v5 =	vadd.s32 v1, v5;
	s15 =	sadd.s32 $0x80, s29;
	v16 =	vand.u32 $0x7F, v16;
	v17 =	vld [tilespmem:s1+$0xFFFFFFD0];
	[tilespmem:v14+s19+$0x0] =	vst.idx.msk $0xffff, v11  }
0x49: {  	s29 =	sadd.s32 $0x2, s14;
	v48 =	vmov s6;
	v49 =	vand.u32 $0x7C, v47;
	v50 =	vld [tilespmem:s15+$0x20];
	v18 =	vadd.s32 v0, v16;
	[tilespmem:v12+s19+$0x0] =	vst.idx.msk $0xffff, v6  }
0x4a: {  	v51 =	vmov s29;
	v52 =	vld [tilespmem:s15+$0xFFFFFFC0];
	v19 =	vadd.s32 v0, v49;
	v11 =	vand.u32 $0x7D, v48;
	[tilespmem:v8+s19+$0x0] =	vst.idx.msk $0xffff, v7  }
0x4b: {  	v53 =	vld [tilespmem:s15+$0xFFFFFFE0];
	v6 =	vand.u32 $0x7E, v51;
	v54 =	vadd.s32 v0, v11;
	[tilespmem:v10+s19+$0x0] =	vst.idx.msk $0xffff, v9  }
0x4c: {  	v55 =	vld [tilespmem:s15+$0x0];
	v56 =	vadd.s32 v0, v6;
	[tilespmem:v4+s19+$0x0] =	vst.idx.msk $0xffff, v46  }
0x4d: {  	v3 =	vadd.s32 v1, v3;
	v57 =	vld [tilespmem:s1+$0xFFFFFFF0];
	[tilespmem:v5+s19+$0x0] =	vst.idx.msk $0xffff, v17  }
0x4e: {  	v2 =	vadd.s32 v1, v2;
	v58 =	vld [tilespmem:s1+$0x10];
	[tilespmem:v18+s19+$0x0] =	vst.idx.msk $0xffff, v50  }
0x4f: {  	v60 =	vadd.s32 v1, v16;
	[tilespmem:v19+s19+$0x0] =	vst.idx.msk $0xffff, v52;
	v59 =	vld [tilespmem:s15+$0x30]  }
0x50: {  	v14 =	vadd.s32 v1, v49;
	v61 =	vld [tilespmem:s15+$0xFFFFFFD0];
	[tilespmem:v54+s19+$0x0] =	vst.idx.msk $0xffff, v53  }
0x51: {  	v62 =	vadd.s32 v1, v11;
	[tilespmem:v56+s19+$0x0] =	vst.idx.msk $0xffff, v55;
	v7 =	vld [tilespmem:s15+$0xFFFFFFF0]  }
0x52: {  	v63 =	vadd.s32 v1, v6;
	[tilespmem:v3+s19+$0x0] =	vst.idx.msk $0xffff, v57;
	v3 =	vld [tilespmem:s15+$0x10]  }
0x53: {  	[tilespmem:v2+s19+$0x0] =	vst.idx.msk $0xffff, v58  }
0x54: {  	[tilespmem:v60+s19+$0x0] =	vst.idx.msk $0xffff, v59  }
0x55: {  	s6 =	sor.u32 s4, s28;
	[tilespmem:v14+s19+$0x0] =	vst.idx.msk $0xffff, v61  }
0x56: {  	s28 =	sshll.u32 s6, $0x7;
	[tilespmem:v62+s19+$0x0] =	vst.idx.msk $0xffff, v7  }
0x57: {  	s1 =	sadd.s32 s2, s28;
	[tilespmem:v63+s19+$0x0] =	vst.idx.msk $0xffff, v3  }
0x58: {  	[hbm4b:s1+s3] =	stream.linear.scatter [tilespmem:s19], [sflag:$0x5], $0x80, $0x38;
	[tilespmem:$0xE200] =	vst v63  }
0x59: {  	s14 =	sadd.s32 $0x10, s1;
	s15 =	simm.s32 $0xC088  }
0x5a: {  	[hbm4b:s14+s3] =	stream.linear.scatter [tilespmem:s15], [sflag:$0x5], $0x80, $0x38;
	[tilespmem:$0xE200] =	vst v63  }
0x5b: {  	s29 =	simm.s32 $0xC110;
	s16 =	sadd.s32 $0x20, s1  }
0x5c: {  	[hbm4b:s16+s3] =	stream.linear.scatter [tilespmem:s29], [sflag:$0x5], $0x80, $0x38;
	[tilespmem:$0xE200] =	vst v63  }
0x5d: {  	s14 =	sadd.s32 $0x30, s1;
	s15 =	simm.s32 $0xC198  }
0x5e: {  	[hbm4b:s14+s3] =	stream.linear.scatter [tilespmem:s15], [sflag:$0x5], $0x80, $0x38;
	[tilespmem:$0xE200] =	vst v63  }
0x5f: {  	s16 =	sadd.s32 $0x40, s1;
	s29 =	simm.s32 $0xC220  }
0x60: {  	[hbm4b:s16+s3] =	stream.linear.scatter [tilespmem:s29], [sflag:$0x5], $0x80, $0x38;
	[tilespmem:$0xE200] =	vst v63  }
0x61: {  	s14 =	sadd.s32 $0x50, s1;
	s15 =	simm.s32 $0xC2A8  }
0x62: {  	[hbm4b:s14+s3] =	stream.linear.scatter [tilespmem:s15], [sflag:$0x5], $0x80, $0x38;
	[tilespmem:$0xE200] =	vst v63  }
0x63: {  	s16 =	sadd.s32 $0x60, s1;
	s29 =	simm.s32 $0xC330  }
0x64: {  	[hbm4b:s16+s3] =	stream.linear.scatter [tilespmem:s29], [sflag:$0x5], $0x80, $0x38;
	[tilespmem:$0xE200] =	vst v63  }
0x65: {  	s1 =	sadd.s32 $0x70, s1;
	s14 =	simm.s32 $0xC3B8  }
0x66: {  	[hbm4b:s1+s3] =	stream.linear.scatter [tilespmem:s14], [sflag:$0x5], $0x80, $0x38;
	[tilespmem:$0xE200] =	vst v63  }
0x67: {  	s15 =	simm.s32 $0xC440;
	s1 =	sadd.s32 s28, s7  }
0x68: {  	[hbm4b:s1+s3] =	stream.linear.scatter [tilespmem:s15], [sflag:$0x5], $0x80, $0x38;
	[tilespmem:$0xE200] =	vst v63  }
0x69: {  	s29 =	simm.s32 $0xC4C8;
	s16 =	sadd.s32 $0x10, s1  }
0x6a: {  	[hbm4b:s16+s3] =	stream.linear.scatter [tilespmem:s29], [sflag:$0x5], $0x80, $0x38;
	[tilespmem:$0xE200] =	vst v63  }
0x6b: {  	s14 =	sadd.s32 $0x20, s1;
	s15 =	simm.s32 $0xC550  }
0x6c: {  	[hbm4b:s14+s3] =	stream.linear.scatter [tilespmem:s15], [sflag:$0x5], $0x80, $0x38;
	[tilespmem:$0xE200] =	vst v63  }
0x6d: {  	s16 =	sadd.s32 $0x30, s1;
	s29 =	simm.s32 $0xC5D8  }
0x6e: {  	[hbm4b:s16+s3] =	stream.linear.scatter [tilespmem:s29], [sflag:$0x5], $0x80, $0x38;
	[tilespmem:$0xE200] =	vst v63  }
0x6f: {  	s14 =	sadd.s32 $0x40, s1;
	s15 =	simm.s32 $0xC660  }
0x70: {  	[hbm4b:s14+s3] =	stream.linear.scatter [tilespmem:s15], [sflag:$0x5], $0x80, $0x38;
	[tilespmem:$0xE200] =	vst v63  }
0x71: {  	s16 =	sadd.s32 $0x50, s1;
	s29 =	simm.s32 $0xC6E8  }
0x72: {  	[hbm4b:s16+s3] =	stream.linear.scatter [tilespmem:s29], [sflag:$0x5], $0x80, $0x38;
	[tilespmem:$0xE200] =	vst v63  }
0x73: {  	s14 =	sadd.s32 $0x60, s1;
	s15 =	simm.s32 $0xC770  }
0x74: {  	[hbm4b:s14+s3] =	stream.linear.scatter [tilespmem:s15], [sflag:$0x5], $0x80, $0x38;
	[tilespmem:$0xE200] =	vst v63  }
0x75: {  	s1 =	sadd.s32 $0x70, s1;
	s16 =	simm.s32 $0xC7F8  }
0x76: {  	[hbm4b:s1+s3] =	stream.linear.scatter [tilespmem:s16], [sflag:$0x5], $0x80, $0x38;
	[tilespmem:$0xE200] =	vst v63  }
0x77: {  	s29 =	simm.s32 $0xC880;
	s1 =	sadd.s32 s28, s8  }
0x78: {  	[hbm4b:s1+s3] =	stream.linear.scatter [tilespmem:s29], [sflag:$0x5], $0x80, $0x38;
	[tilespmem:$0xE200] =	vst v63  }
0x79: {  	s15 =	simm.s32 $0xC908;
	s14 =	sadd.s32 $0x10, s1  }
0x7a: {  	[hbm4b:s14+s3] =	stream.linear.scatter [tilespmem:s15], [sflag:$0x5], $0x80, $0x38;
	[tilespmem:$0xE200] =	vst v63  }
0x7b: {  	s16 =	sadd.s32 $0x20, s1;
	s29 =	simm.s32 $0xC990  }
0x7c: {  	[hbm4b:s16+s3] =	stream.linear.scatter [tilespmem:s29], [sflag:$0x5], $0x80, $0x38;
	[tilespmem:$0xE200] =	vst v63  }
0x7d: {  	s14 =	sadd.s32 $0x30, s1;
	s15 =	simm.s32 $0xCA18  }
0x7e: {  	[hbm4b:s14+s3] =	stream.linear.scatter [tilespmem:s15], [sflag:$0x5], $0x80, $0x38;
	[tilespmem:$0xE200] =	vst v63  }
0x7f: {  	s16 =	sadd.s32 $0x40, s1;
	s29 =	simm.s32 $0xCAA0  }
0x80: {  	[hbm4b:s16+s3] =	stream.linear.scatter [tilespmem:s29], [sflag:$0x5], $0x80, $0x38;
	[tilespmem:$0xE200] =	vst v63  }
0x81: {  	s14 =	sadd.s32 $0x50, s1;
	s15 =	simm.s32 $0xCB28  }
0x82: {  	[hbm4b:s14+s3] =	stream.linear.scatter [tilespmem:s15], [sflag:$0x5], $0x80, $0x38;
	[tilespmem:$0xE200] =	vst v63  }
0x83: {  	s16 =	sadd.s32 $0x60, s1;
	s29 =	simm.s32 $0xCBB0  }
0x84: {  	[hbm4b:s16+s3] =	stream.linear.scatter [tilespmem:s29], [sflag:$0x5], $0x80, $0x38;
	[tilespmem:$0xE200] =	vst v63  }
0x85: {  	s1 =	sadd.s32 $0x70, s1;
	s14 =	simm.s32 $0xCC38  }
0x86: {  	[hbm4b:s1+s3] =	stream.linear.scatter [tilespmem:s14], [sflag:$0x5], $0x80, $0x38;
	[tilespmem:$0xE200] =	vst v63  }
0x87: {  	s15 =	simm.s32 $0xCCC0;
	s1 =	sadd.s32 s28, s9  }
0x88: {  	[hbm4b:s1+s3] =	stream.linear.scatter [tilespmem:s15], [sflag:$0x5], $0x80, $0x38;
	[tilespmem:$0xE200] =	vst v63  }
0x89: {  	s29 =	simm.s32 $0xCD48;
	s16 =	sadd.s32 $0x10, s1  }
0x8a: {  	[hbm4b:s16+s3] =	stream.linear.scatter [tilespmem:s29], [sflag:$0x5], $0x80, $0x38;
	[tilespmem:$0xE200] =	vst v63  }
0x8b: {  	s14 =	sadd.s32 $0x20, s1;
	s15 =	simm.s32 $0xCDD0  }
0x8c: {  	[hbm4b:s14+s3] =	stream.linear.scatter [tilespmem:s15], [sflag:$0x5], $0x80, $0x38;
	[tilespmem:$0xE200] =	vst v63  }
0x8d: {  	s16 =	sadd.s32 $0x30, s1;
	s29 =	simm.s32 $0xCE58  }
0x8e: {  	[hbm4b:s16+s3] =	stream.linear.scatter [tilespmem:s29], [sflag:$0x5], $0x80, $0x38;
	[tilespmem:$0xE200] =	vst v63  }
0x8f: {  	s14 =	sadd.s32 $0x40, s1;
	s15 =	simm.s32 $0xCEE0  }
0x90: {  	[hbm4b:s14+s3] =	stream.linear.scatter [tilespmem:s15], [sflag:$0x5], $0x80, $0x38;
	[tilespmem:$0xE200] =	vst v63  }
0x91: {  	p1 =	sne.s32 s25, $0x3F;
	s16 =	sadd.s32 $0x50, s1;
	s29 =	simm.s32 $0xCF68  }
0x92: {  	[hbm4b:s16+s3] =	stream.linear.scatter [tilespmem:s29], [sflag:$0x5], $0x80, $0x38;
	[tilespmem:$0xE200] =	vst v63  }
.Ltmp1:
0x93: {  	_ = 	snop;
	(pc) =	sbr.rel @p1 .LBB2_6-.Ltmp1, $4  }
0x94: {  	s15 =	sadd.s32 $0x60, s1;
	s16 =	simm.s32 $0xCFF0  }
0x95: {  	[hbm4b:s15+s3] =	stream.linear.scatter [tilespmem:s16], [sflag:$0x5], $0x80, $0x38;
	[tilespmem:$0xE200] =	vst v63  }
0x96: {  	s1 =	sadd.s32 $0x70, s1;
	s29 =	simm.s32 $0xD078  }
0x97: {  	[hbm4b:s1+s3] =	stream.linear.scatter [tilespmem:s29], [sflag:$0x5], $0x80, $0x38;
	[tilespmem:$0xE200] =	vst v63  }
.Ltmp2:
0x98: {  	(pc) =	sbr.rel .LBB2_7-.Ltmp2, $4  }
0x99: {  	_ = 	snop  }
0x9a: {  	_ =	swait.ge [sflag:s30], $0x1000  }
0x9b: {  	[sflag:s30] =	ssyncset.done $0x0  }
0x9c: {  	[sflag:s30] =	ssyncadd.s32 $0xFFFFF000  }
.LBB2_6:
0x9d: {  	s1 =	sshll.u32 s25, $0x9  }
0x9e: {  	s6 =	simm.s32 $0x80;
	s1 =	sand.u32 $0x3FFFFE00, s1  }
.Ltmp3:
0x9f: {  	s14 =	simm.s32 $0x8000;
	s1 =	sadd.s32 $0x200, s1;
	(pc) =	sbr.rel @p0 .LBB2_8-.Ltmp3, $4  }
0xa0: {  	[tilespmem:s14], [sflag:$0x1] =	stream.indirect.gather [hbm4b:s5+s6], $0x20, s1, s6, $0xb8;
	[tilespmem:$0xE200] =	vst v63  }
0xa1: {  	_ =	swait.ge [sflag:s30], $0x1000  }
0xa2: {  	[sflag:s30] =	ssyncset.done $0x0  }
0xa3: {  	[sflag:s30] =	ssyncadd.s32 $0xFFFFF000  }
.LBB2_7:
0xa4: {  	_ =	swait.ge [sflag:s31], $0x400  }
0xa5: {  	[sflag:s31] =	ssyncset.done $0x0  }
0xa6: {  	[sflag:s31] =	ssyncadd.s32 $0xFFFFFC00  }
0xa7: {  	_ =	swait.ge [sflag:s31], $0x400  }
0xa8: {  	[sflag:s31] =	ssyncset.done $0x0  }
0xa9: {  	[sflag:s31] =	ssyncadd.s32 $0xFFFFFC00  }
0xaa: {  	_ =	swait.ge [sflag:s31], $0x400  }
0xab: {  	[sflag:s31] =	ssyncset.done $0x0  }
0xac: {  	[sflag:s31] =	ssyncadd.s32 $0xFFFFFC00  }
0xad: {  	_ =	swait.ge [sflag:s31], $0x400  }
0xae: {  	[sflag:s31] =	ssyncset.done $0x0  }
0xaf: {  	[sflag:s31] =	ssyncadd.s32 $0xFFFFFC00  }
.LBB2_8:
0xb0: {  	s1 =	simm.s32 $0x3  }
0xb1: {  	s6 =	simm.s32 $0x0;
	v2 =	vmov s1  }
0xb2: {  	s1 =	simm.s32 $0x9040;
	v3 =	vmov s6;
	v2 =	vand.u32 $0x7F, v2  }
0xb3: {  	v3 =	vand.u32 $0x7C, v3;
	v4 =	vld [tilespmem:s1+$0x20];
	v5 =	vadd.s32 v0, v2  }
0xb4: {  	v6 =	vld [tilespmem:s1+$0xFFFFFFC0];
	v7 =	vadd.s32 v0, v3  }
0xb5: {  	s16 =	simm.s32 $0x2  }
0xb6: {  	v9 =	vmov s16  }
0xb7: {  	s15 =	simm.s32 $0x1;
	v16 =	vand.u32 $0x7E, v9  }
0xb8: {  	v8 =	vmov s15;
	v9 =	vld [tilespmem:s1+$0x0];
	v12 =	vadd.s32 v0, v16;
	[tilespmem:v5+s0+$0x0] =	vst.idx.msk $0xffff, v4  }
0xb9: {  	s14 =	simm.s32 $0x7;
	v8 =	vand.u32 $0x7D, v8;
	v14 =	vadd.s32 v1, v2;
	[tilespmem:v7+s0+$0x0] =	vst.idx.msk $0xffff, v6;
	v6 =	vld [tilespmem:s1+$0x30]  }
0xba: {  	s15 =	simm.s32 $0x4;
	v10 =	vld [tilespmem:s1+$0xFFFFFFE0];
	v11 =	vadd.s32 v0, v8;
	v4 =	vmov s14  }
0xbb: {  	s29 =	simm.s32 $0x90C0;
	s16 =	simm.s32 $0x5;
	v18 =	vadd.s32 v1, v3;
	v2 =	vmov s15;
	v4 =	vand.u32 $0x7F, v4;
	v17 =	vld [tilespmem:s1+$0xFFFFFFD0]  }
0xbc: {  	v19 =	vld [tilespmem:s29+$0x20];
	s14 =	simm.s32 $0x6;
	v5 =	vand.u32 $0x7C, v2;
	v2 =	vmov s16;
	v20 =	vadd.s32 v0, v4  }
0xbd: {  	v13 =	vld [tilespmem:s29+$0xFFFFFFC0];
	[tilespmem:v12+s0+$0x0] =	vst.idx.msk $0xffff, v9;
	v7 =	vmov s14;
	v15 =	vadd.s32 v0, v5;
	v3 =	vand.u32 $0x7D, v2  }
0xbe: {  	v12 =	vld [tilespmem:s29+$0xFFFFFFE0];
	v2 =	vand.u32 $0x7E, v7;
	[tilespmem:v14+s0+$0x0] =	vst.idx.msk $0xffff, v6;
	v14 =	vadd.s32 v0, v3  }
0xbf: {  	[tilespmem:v11+s0+$0x0] =	vst.idx.msk $0xffff, v10;
	v7 =	vld [tilespmem:s29+$0x0];
	v11 =	vadd.s32 v0, v2  }
0xc0: {  	v8 =	vadd.s32 v1, v8;
	s15 =	simm.s32 $0xC;
	[tilespmem:v18+s0+$0x0] =	vst.idx.msk $0xffff, v17;
	v6 =	vld [tilespmem:s1+$0xFFFFFFF0]  }
0xc1: {  	s16 =	simm.s32 $0xB;
	v10 =	vadd.s32 v1, v16;
	s14 =	simm.s32 $0x8;
	v9 =	vld [tilespmem:s1+$0x10];
	s1 =	simm.s32 $0x90C0;
	[tilespmem:v20+s0+$0x0] =	vst.idx.msk $0xffff, v19  }
.LBB2_9:
0xc2: {  	p0 =	slt.u32 s15, $0x7C;
	v16 =	vmov s16;
	[tilespmem:v15+s0+$0x0] =	vst.idx.msk $0xffff, v13;
	v17 =	vld [tilespmem:s29+$0x30];
	v18 =	vadd.s32 v1, v4  }
0xc3: {  	v13 =	vmov s14;
	s6 =	sadd.s32 $0x1, s14;
	v19 =	vadd.s32 v1, v5;
	s29 =	sadd.s32 $0x80, s29;
	v4 =	vand.u32 $0x7F, v16;
	v16 =	vld [tilespmem:s1+$0xFFFFFFD0];
	[tilespmem:v14+s0+$0x0] =	vst.idx.msk $0xffff, v12  }
0xc4: {  	v5 =	vand.u32 $0x7C, v13;
	v12 =	vmov s6;
	s6 =	sadd.s32 $0x2, s14;
	s14 =	smov.u32 s15;
	v20 =	vld [tilespmem:s29+$0x20];
	v21 =	vadd.s32 v0, v4;
	[tilespmem:v11+s0+$0x0] =	vst.idx.msk $0xffff, v7  }
.Ltmp4:
0xc5: {  	v15 =	vadd.s32 v0, v5;
	v22 =	vand.u32 $0x7D, v12;
	v7 =	vmov s6;
	v13 =	vld [tilespmem:s29+$0xFFFFFFC0];
	[tilespmem:v8+s0+$0x0] =	vst.idx.msk $0xffff, v6;
	(pc) =	sbr.rel @p0 .LBB2_9-.Ltmp4, $4  }
0xc6: {  	v14 =	vadd.s32 v0, v22;
	v23 =	vand.u32 $0x7E, v7;
	v12 =	vld [tilespmem:s29+$0xFFFFFFE0];
	[tilespmem:v10+s0+$0x0] =	vst.idx.msk $0xffff, v9  }
0xc7: {  	v11 =	vadd.s32 v0, v23;
	v7 =	vld [tilespmem:s29+$0x0];
	[tilespmem:v18+s0+$0x0] =	vst.idx.msk $0xffff, v17  }
0xc8: {  	v8 =	vadd.s32 v1, v3;
	v3 =	vmov v22;
	[tilespmem:v19+s0+$0x0] =	vst.idx.msk $0xffff, v16;
	v6 =	vld [tilespmem:s1+$0xFFFFFFF0]  }
0xc9: {  	s15 =	sadd.s32 $0x4, s15;
	s16 =	sadd.s32 $0x3, s14;
	v10 =	vadd.s32 v1, v2;
	v2 =	vmov v23;
	[tilespmem:v21+s0+$0x0] =	vst.idx.msk $0xffff, v20;
	v9 =	vld [tilespmem:s1+$0x10];
	s1 =	smov.u32 s29  }
0xca: {  	_ =	sdelay $0x3  }
0xcb: {  	v16 =	vmov s16;
	[tilespmem:v15+s0+$0x0] =	vst.idx.msk $0xffff, v13;
	v13 =	vld [tilespmem:s29+$0x30];
	v4 =	vadd.s32 v1, v4  }
0xcc: {  	v15 =	vmov s14;
	s6 =	sadd.s32 $0x1, s14;
	v5 =	vadd.s32 v1, v5;
	s15 =	sadd.s32 $0x80, s29;
	v16 =	vand.u32 $0x7F, v16;
	v17 =	vld [tilespmem:s1+$0xFFFFFFD0];
	[tilespmem:v14+s0+$0x0] =	vst.idx.msk $0xffff, v12  }
0xcd: {  	s14 =	sadd.s32 $0x2, s14;
	v12 =	vand.u32 $0x7C, v15;
	v14 =	vmov s6;
	v15 =	vld [tilespmem:s15+$0x20];
	v18 =	vadd.s32 v0, v16;
	[tilespmem:v11+s0+$0x0] =	vst.idx.msk $0xffff, v7  }
0xce: {  	v19 =	vmov s14;
	v7 =	vld [tilespmem:s15+$0xFFFFFFC0];
	v11 =	vadd.s32 v0, v12;
	v14 =	vand.u32 $0x7D, v14;
	[tilespmem:v8+s0+$0x0] =	vst.idx.msk $0xffff, v6  }
0xcf: {  	v19 =	vand.u32 $0x7E, v19;
	v6 =	vld [tilespmem:s15+$0xFFFFFFE0];
	v8 =	vadd.s32 v0, v14;
	[tilespmem:v10+s0+$0x0] =	vst.idx.msk $0xffff, v9  }
0xd0: {  	v9 =	vld [tilespmem:s15+$0x0];
	v10 =	vadd.s32 v0, v19;
	[tilespmem:v4+s0+$0x0] =	vst.idx.msk $0xffff, v13  }
0xd1: {  	v3 =	vadd.s32 v1, v3;
	v4 =	vld [tilespmem:s1+$0xFFFFFFF0];
	[tilespmem:v5+s0+$0x0] =	vst.idx.msk $0xffff, v17  }
0xd2: {  	v2 =	vadd.s32 v1, v2;
	v5 =	vld [tilespmem:s1+$0x10];
	[tilespmem:v18+s0+$0x0] =	vst.idx.msk $0xffff, v15  }
0xd3: {  	[tilespmem:v11+s0+$0x0] =	vst.idx.msk $0xffff, v7;
	v11 =	vadd.s32 v1, v16;
	v7 =	vld [tilespmem:s15+$0x30]  }
0xd4: {  	v12 =	vadd.s32 v1, v12;
	v13 =	vld [tilespmem:s15+$0xFFFFFFD0];
	[tilespmem:v8+s0+$0x0] =	vst.idx.msk $0xffff, v6  }
0xd5: {  	v8 =	vadd.s32 v1, v14;
	[tilespmem:v10+s0+$0x0] =	vst.idx.msk $0xffff, v9;
	v6 =	vld [tilespmem:s15+$0xFFFFFFF0]  }
0xd6: {  	[tilespmem:v3+s0+$0x0] =	vst.idx.msk $0xffff, v4;
	v3 =	vld [tilespmem:s15+$0x10];
	v4 =	vadd.s32 v1, v19  }
0xd7: {  	[tilespmem:v2+s0+$0x0] =	vst.idx.msk $0xffff, v5  }
0xd8: {  	[tilespmem:v11+s0+$0x0] =	vst.idx.msk $0xffff, v7  }
0xd9: {  	[tilespmem:v12+s0+$0x0] =	vst.idx.msk $0xffff, v13  }
0xda: {  	s1 =	sor.u32 $0x80, s28;
	[tilespmem:v8+s0+$0x0] =	vst.idx.msk $0xffff, v6  }
0xdb: {  	s6 =	sadd.s32 s2, s1;
	[tilespmem:v4+s0+$0x0] =	vst.idx.msk $0xffff, v3  }
0xdc: {  	[hbm4b:s6+s3] =	stream.linear.scatter [tilespmem:s0], [sflag:$0x6], $0x80, $0x38;
	[tilespmem:$0xE200] =	vst v63  }
0xdd: {  	s16 =	simm.s32 $0xD188;
	s15 =	sadd.s32 $0x10, s6  }
0xde: {  	[hbm4b:s15+s3] =	stream.linear.scatter [tilespmem:s16], [sflag:$0x6], $0x80, $0x38;
	[tilespmem:$0xE200] =	vst v63  }
0xdf: {  	s15 =	sadd.s32 $0x20, s6;
	s16 =	simm.s32 $0xD210  }
0xe0: {  	[hbm4b:s15+s3] =	stream.linear.scatter [tilespmem:s16], [sflag:$0x6], $0x80, $0x38;
	[tilespmem:$0xE200] =	vst v63  }
0xe1: {  	s15 =	sadd.s32 $0x30, s6;
	s16 =	simm.s32 $0xD298  }
0xe2: {  	[hbm4b:s15+s3] =	stream.linear.scatter [tilespmem:s16], [sflag:$0x6], $0x80, $0x38;
	[tilespmem:$0xE200] =	vst v63  }
0xe3: {  	s15 =	sadd.s32 $0x40, s6;
	s16 =	simm.s32 $0xD320  }
0xe4: {  	[hbm4b:s15+s3] =	stream.linear.scatter [tilespmem:s16], [sflag:$0x6], $0x80, $0x38;
	[tilespmem:$0xE200] =	vst v63  }
0xe5: {  	s15 =	sadd.s32 $0x50, s6;
	s16 =	simm.s32 $0xD3A8  }
0xe6: {  	[hbm4b:s15+s3] =	stream.linear.scatter [tilespmem:s16], [sflag:$0x6], $0x80, $0x38;
	[tilespmem:$0xE200] =	vst v63  }
0xe7: {  	s15 =	sadd.s32 $0x60, s6;
	s16 =	simm.s32 $0xD430  }
0xe8: {  	[hbm4b:s15+s3] =	stream.linear.scatter [tilespmem:s16], [sflag:$0x6], $0x80, $0x38;
	[tilespmem:$0xE200] =	vst v63  }
0xe9: {  	s6 =	sadd.s32 $0x70, s6;
	s15 =	simm.s32 $0xD4B8  }
0xea: {  	[hbm4b:s6+s3] =	stream.linear.scatter [tilespmem:s15], [sflag:$0x6], $0x80, $0x38;
	[tilespmem:$0xE200] =	vst v63  }
0xeb: {  	s16 =	simm.s32 $0xD540;
	s6 =	sadd.s32 s1, s7  }
0xec: {  	[hbm4b:s6+s3] =	stream.linear.scatter [tilespmem:s16], [sflag:$0x6], $0x80, $0x38;
	[tilespmem:$0xE200] =	vst v63  }
0xed: {  	s15 =	sadd.s32 $0x10, s6;
	s16 =	simm.s32 $0xD5C8  }
0xee: {  	[hbm4b:s15+s3] =	stream.linear.scatter [tilespmem:s16], [sflag:$0x6], $0x80, $0x38;
	[tilespmem:$0xE200] =	vst v63  }
0xef: {  	s15 =	sadd.s32 $0x20, s6;
	s16 =	simm.s32 $0xD650  }
0xf0: {  	[hbm4b:s15+s3] =	stream.linear.scatter [tilespmem:s16], [sflag:$0x6], $0x80, $0x38;
	[tilespmem:$0xE200] =	vst v63  }
0xf1: {  	s15 =	sadd.s32 $0x30, s6;
	s16 =	simm.s32 $0xD6D8  }
0xf2: {  	[hbm4b:s15+s3] =	stream.linear.scatter [tilespmem:s16], [sflag:$0x6], $0x80, $0x38;
	[tilespmem:$0xE200] =	vst v63  }
0xf3: {  	s15 =	sadd.s32 $0x40, s6;
	s16 =	simm.s32 $0xD760  }
0xf4: {  	[hbm4b:s15+s3] =	stream.linear.scatter [tilespmem:s16], [sflag:$0x6], $0x80, $0x38;
	[tilespmem:$0xE200] =	vst v63  }
0xf5: {  	s15 =	sadd.s32 $0x50, s6;
	s16 =	simm.s32 $0xD7E8  }
0xf6: {  	[hbm4b:s15+s3] =	stream.linear.scatter [tilespmem:s16], [sflag:$0x6], $0x80, $0x38;
	[tilespmem:$0xE200] =	vst v63  }
0xf7: {  	s15 =	sadd.s32 $0x60, s6;
	s16 =	simm.s32 $0xD870  }
0xf8: {  	[hbm4b:s15+s3] =	stream.linear.scatter [tilespmem:s16], [sflag:$0x6], $0x80, $0x38;
	[tilespmem:$0xE200] =	vst v63  }
0xf9: {  	s6 =	sadd.s32 $0x70, s6;
	s15 =	simm.s32 $0xD8F8  }
0xfa: {  	[hbm4b:s6+s3] =	stream.linear.scatter [tilespmem:s15], [sflag:$0x6], $0x80, $0x38;
	[tilespmem:$0xE200] =	vst v63  }
0xfb: {  	s16 =	simm.s32 $0xD980;
	s6 =	sadd.s32 s1, s8  }
0xfc: {  	[hbm4b:s6+s3] =	stream.linear.scatter [tilespmem:s16], [sflag:$0x6], $0x80, $0x38;
	[tilespmem:$0xE200] =	vst v63  }
0xfd: {  	s15 =	sadd.s32 $0x10, s6;
	s16 =	simm.s32 $0xDA08  }
0xfe: {  	[hbm4b:s15+s3] =	stream.linear.scatter [tilespmem:s16], [sflag:$0x6], $0x80, $0x38;
	[tilespmem:$0xE200] =	vst v63  }
0xff: {  	s15 =	sadd.s32 $0x20, s6;
	s16 =	simm.s32 $0xDA90  }
0x100: {  	[hbm4b:s15+s3] =	stream.linear.scatter [tilespmem:s16], [sflag:$0x6], $0x80, $0x38;
	[tilespmem:$0xE200] =	vst v63  }
0x101: {  	s15 =	sadd.s32 $0x30, s6;
	s16 =	simm.s32 $0xDB18  }
0x102: {  	[hbm4b:s15+s3] =	stream.linear.scatter [tilespmem:s16], [sflag:$0x6], $0x80, $0x38;
	[tilespmem:$0xE200] =	vst v63  }
0x103: {  	s15 =	sadd.s32 $0x40, s6;
	s16 =	simm.s32 $0xDBA0  }
0x104: {  	[hbm4b:s15+s3] =	stream.linear.scatter [tilespmem:s16], [sflag:$0x6], $0x80, $0x38;
	[tilespmem:$0xE200] =	vst v63  }
0x105: {  	s15 =	sadd.s32 $0x50, s6;
	s16 =	simm.s32 $0xDC28  }
0x106: {  	[hbm4b:s15+s3] =	stream.linear.scatter [tilespmem:s16], [sflag:$0x6], $0x80, $0x38;
	[tilespmem:$0xE200] =	vst v63  }
0x107: {  	s15 =	sadd.s32 $0x60, s6;
	s16 =	simm.s32 $0xDCB0  }
0x108: {  	[hbm4b:s15+s3] =	stream.linear.scatter [tilespmem:s16], [sflag:$0x6], $0x80, $0x38;
	[tilespmem:$0xE200] =	vst v63  }
0x109: {  	s6 =	sadd.s32 $0x70, s6;
	s15 =	simm.s32 $0xDD38  }
0x10a: {  	[hbm4b:s6+s3] =	stream.linear.scatter [tilespmem:s15], [sflag:$0x6], $0x80, $0x38;
	[tilespmem:$0xE200] =	vst v63  }
0x10b: {  	s1 =	sadd.s32 s1, s9;
	s16 =	simm.s32 $0xDDC0  }
0x10c: {  	[hbm4b:s1+s3] =	stream.linear.scatter [tilespmem:s16], [sflag:$0x6], $0x80, $0x38;
	[tilespmem:$0xE200] =	vst v63  }
0x10d: {  	s14 =	sadd.s32 $0x10, s1  }
0x10e: {  	[hbm4b:s14+s3] =	stream.linear.scatter [tilespmem:s10], [sflag:$0x6], $0x80, $0x38;
	[tilespmem:$0xE200] =	vst v63  }
0x10f: {  	s15 =	sadd.s32 $0x20, s1  }
0x110: {  	[hbm4b:s15+s3] =	stream.linear.scatter [tilespmem:s11], [sflag:$0x6], $0x80, $0x38;
	[tilespmem:$0xE200] =	vst v63  }
0x111: {  	s16 =	sadd.s32 $0x30, s1  }
0x112: {  	[hbm4b:s16+s3] =	stream.linear.scatter [tilespmem:s13], [sflag:$0x6], $0x80, $0x38;
	[tilespmem:$0xE200] =	vst v63  }
0x113: {  	s14 =	sadd.s32 $0x40, s1  }
0x114: {  	[hbm4b:s14+s3] =	stream.linear.scatter [tilespmem:s17], [sflag:$0x6], $0x80, $0x38;
	[tilespmem:$0xE200] =	vst v63  }
0x115: {  	s15 =	sadd.s32 $0x50, s1  }
0x116: {  	[hbm4b:s15+s3] =	stream.linear.scatter [tilespmem:s12], [sflag:$0x6], $0x80, $0x38;
	[tilespmem:$0xE200] =	vst v63  }
0x117: {  	s16 =	sadd.s32 $0x60, s1  }
0x118: {  	[hbm4b:s16+s3] =	stream.linear.scatter [tilespmem:s20], [sflag:$0x6], $0x80, $0x38;
	[tilespmem:$0xE200] =	vst v63  }
0x119: {  	p0 =	seq.s32 s25, $0x3F;
	s1 =	sadd.s32 $0x70, s1  }
0x11a: {  	[hbm4b:s1+s3] =	stream.linear.scatter [tilespmem:s21], [sflag:$0x6], $0x80, $0x38;
	[tilespmem:$0xE200] =	vst v63  }
0x11b: {  	s1 =	sshll.u32 @!p0 s25, $0x9  }
0x11c: {  	s29 =	sand.u32 @!p0 $0x3FFFFE00, s1  }
0x11d: {  	s6 =	simm.s32 @!p0 $0x80;
	s14 =	simm.s32 @!p0 $0x9000;
	s1 =	sadd.s32 @!p0 $0x280, s29  }
0x11e: {  	[tilespmem:s14], [sflag:$0x2] =	stream.indirect.gather @!p0 [hbm4b:s5+s6], $0x20, s1, s6, $0xb8;
	[tilespmem:$0xE200] =	vst v63  }
0x11f: {  	_ =	swait.ge [sflag:s22], $0x1000  }
0x120: {  	[sflag:s22] =	ssyncset.done $0x0  }
0x121: {  	[sflag:s22] =	ssyncadd.s32 $0xFFFFF000  }
0x122: {  	_ =	swait.ge [sflag:s23], $0x400  }
0x123: {  	[sflag:s23] =	ssyncset.done $0x0  }
0x124: {  	[sflag:s23] =	ssyncadd.s32 $0xFFFFFC00  }
0x125: {  	_ =	swait.ge [sflag:s23], $0x400  }
0x126: {  	[sflag:s23] =	ssyncset.done $0x0  }
0x127: {  	[sflag:s23] =	ssyncadd.s32 $0xFFFFFC00  }
0x128: {  	_ =	swait.ge [sflag:s23], $0x400  }
0x129: {  	[sflag:s23] =	ssyncset.done $0x0  }
0x12a: {  	[sflag:s23] =	ssyncadd.s32 $0xFFFFFC00  }
0x12b: {  	s14 =	simm.s32 $0x3;
	_ =	swait.ge [sflag:s23], $0x400  }
0x12c: {  	s15 =	simm.s32 $0x0;
	v2 =	vmov s14;
	[sflag:s23] =	ssyncset.done $0x0  }
0x12d: {  	v3 =	vmov s15;
	s14 =	simm.s32 $0xA040;
	v2 =	vand.u32 $0x7F, v2;
	[sflag:s23] =	ssyncadd.s32 $0xFFFFFC00  }
0x12e: {  	v3 =	vand.u32 $0x7C, v3;
	v5 =	vadd.s32 v0, v2;
	v4 =	vld [tilespmem:s14+$0x20]  }
0x12f: {  	v7 =	vadd.s32 v0, v3;
	v6 =	vld [tilespmem:s14+$0xFFFFFFC0]  }
0x130: {  	s6 =	simm.s32 $0x2  }
0x131: {  	v9 =	vmov s6  }
0x132: {  	s16 =	simm.s32 $0x1;
	v16 =	vand.u32 $0x7E, v9  }
0x133: {  	v8 =	vmov s16;
	v12 =	vadd.s32 v0, v16;
	v9 =	vld [tilespmem:s14+$0x0];
	[tilespmem:v5+s19+$0x0] =	vst.idx.msk $0xffff, v4  }
0x134: {  	s15 =	simm.s32 $0x7;
	v8 =	vand.u32 $0x7D, v8;
	v14 =	vadd.s32 v1, v2;
	[tilespmem:v7+s19+$0x0] =	vst.idx.msk $0xffff, v6;
	v6 =	vld [tilespmem:s14+$0x30]  }
0x135: {  	s16 =	simm.s32 $0x4;
	v11 =	vadd.s32 v0, v8;
	v10 =	vld [tilespmem:s14+$0xFFFFFFE0];
	v4 =	vmov s15  }
0x136: {  	v62 =	vadd.s32 v1, v3;
	s1 =	simm.s32 $0xA0C0;
	v2 =	vmov s16;
	s15 =	simm.s32 $0x5;
	v4 =	vand.u32 $0x7F, v4;
	v17 =	vld [tilespmem:s14+$0xFFFFFFD0]  }
0x137: {  	s16 =	simm.s32 $0x6;
	v63 =	vld [tilespmem:s1+$0x20];
	v5 =	vand.u32 $0x7C, v2;
	v2 =	vmov s15;
	v20 =	vadd.s32 v0, v4  }
0x138: {  	v13 =	vld [tilespmem:s1+$0xFFFFFFC0];
	[tilespmem:v12+s19+$0x0] =	vst.idx.msk $0xffff, v9;
	v7 =	vmov s16;
	v15 =	vadd.s32 v0, v5;
	v3 =	vand.u32 $0x7D, v2  }
0x139: {  	v12 =	vld [tilespmem:s1+$0xFFFFFFE0];
	v2 =	vand.u32 $0x7E, v7;
	[tilespmem:v14+s19+$0x0] =	vst.idx.msk $0xffff, v6;
	v14 =	vadd.s32 v0, v3  }
0x13a: {  	[tilespmem:v11+s19+$0x0] =	vst.idx.msk $0xffff, v10;
	v7 =	vld [tilespmem:s1+$0x0];
	v11 =	vadd.s32 v0, v2  }
0x13b: {  	v8 =	vadd.s32 v1, v8;
	s6 =	simm.s32 $0xB;
	[tilespmem:v62+s19+$0x0] =	vst.idx.msk $0xffff, v17;
	v6 =	vld [tilespmem:s14+$0xFFFFFFF0]  }
0x13c: {  	s16 =	simm.s32 $0xC;
	v10 =	vadd.s32 v1, v16;
	s15 =	simm.s32 $0x8;
	v9 =	vld [tilespmem:s14+$0x10];
	s14 =	simm.s32 $0xA0C0;
	[tilespmem:v20+s19+$0x0] =	vst.idx.msk $0xffff, v63  }
.LBB2_11:
0x13d: {  	p1 =	slt.u32 s16, $0x7C;
	v16 =	vmov s6;
	[tilespmem:v15+s19+$0x0] =	vst.idx.msk $0xffff, v13;
	v17 =	vld [tilespmem:s1+$0x30];
	v18 =	vadd.s32 v1, v4  }
0x13e: {  	v13 =	vmov s15;
	s6 =	sadd.s32 $0x1, s15;
	v19 =	vadd.s32 v1, v5;
	s1 =	sadd.s32 $0x80, s1;
	v4 =	vand.u32 $0x7F, v16;
	v16 =	vld [tilespmem:s14+$0xFFFFFFD0];
	[tilespmem:v14+s19+$0x0] =	vst.idx.msk $0xffff, v12  }
0x13f: {  	v5 =	vand.u32 $0x7C, v13;
	v12 =	vmov s6;
	s6 =	sadd.s32 $0x2, s15;
	s15 =	smov.u32 s16;
	v20 =	vld [tilespmem:s1+$0x20];
	v21 =	vadd.s32 v0, v4;
	[tilespmem:v11+s19+$0x0] =	vst.idx.msk $0xffff, v7  }
.Ltmp5:
0x140: {  	v15 =	vadd.s32 v0, v5;
	v22 =	vand.u32 $0x7D, v12;
	v7 =	vmov s6;
	v13 =	vld [tilespmem:s1+$0xFFFFFFC0];
	[tilespmem:v8+s19+$0x0] =	vst.idx.msk $0xffff, v6;
	(pc) =	sbr.rel @p1 .LBB2_11-.Ltmp5, $4  }
0x141: {  	v14 =	vadd.s32 v0, v22;
	v23 =	vand.u32 $0x7E, v7;
	v12 =	vld [tilespmem:s1+$0xFFFFFFE0];
	[tilespmem:v10+s19+$0x0] =	vst.idx.msk $0xffff, v9  }
0x142: {  	v11 =	vadd.s32 v0, v23;
	v7 =	vld [tilespmem:s1+$0x0];
	[tilespmem:v18+s19+$0x0] =	vst.idx.msk $0xffff, v17  }
0x143: {  	v8 =	vadd.s32 v1, v3;
	v3 =	vmov v22;
	[tilespmem:v19+s19+$0x0] =	vst.idx.msk $0xffff, v16;
	v6 =	vld [tilespmem:s14+$0xFFFFFFF0]  }
0x144: {  	s16 =	sadd.s32 $0x4, s16;
	s6 =	sadd.s32 $0x3, s15;
	v10 =	vadd.s32 v1, v2;
	v2 =	vmov v23;
	[tilespmem:v21+s19+$0x0] =	vst.idx.msk $0xffff, v20;
	v9 =	vld [tilespmem:s14+$0x10];
	s14 =	smov.u32 s1  }
0x145: {  	_ =	sdelay $0x3  }
0x146: {  	v16 =	vmov s6;
	[tilespmem:v15+s19+$0x0] =	vst.idx.msk $0xffff, v13;
	v13 =	vld [tilespmem:s1+$0x30];
	v4 =	vadd.s32 v1, v4  }
0x147: {  	v15 =	vmov s15;
	s6 =	sadd.s32 $0x1, s15;
	v5 =	vadd.s32 v1, v5;
	s16 =	sadd.s32 $0x80, s1;
	v16 =	vand.u32 $0x7F, v16;
	v17 =	vld [tilespmem:s14+$0xFFFFFFD0];
	[tilespmem:v14+s19+$0x0] =	vst.idx.msk $0xffff, v12  }
0x148: {  	s15 =	sadd.s32 $0x2, s15;
	v12 =	vmov s6;
	v14 =	vand.u32 $0x7C, v15;
	v15 =	vld [tilespmem:s16+$0x20];
	v18 =	vadd.s32 v0, v16;
	[tilespmem:v11+s19+$0x0] =	vst.idx.msk $0xffff, v7  }
0x149: {  	v19 =	vmov s15;
	v7 =	vld [tilespmem:s16+$0xFFFFFFC0];
	v11 =	vadd.s32 v0, v14;
	v12 =	vand.u32 $0x7D, v12;
	[tilespmem:v8+s19+$0x0] =	vst.idx.msk $0xffff, v6  }
0x14a: {  	v19 =	vand.u32 $0x7E, v19;
	v6 =	vld [tilespmem:s16+$0xFFFFFFE0];
	v8 =	vadd.s32 v0, v12;
	[tilespmem:v10+s19+$0x0] =	vst.idx.msk $0xffff, v9  }
0x14b: {  	v9 =	vld [tilespmem:s16+$0x0];
	v10 =	vadd.s32 v0, v19;
	[tilespmem:v4+s19+$0x0] =	vst.idx.msk $0xffff, v13  }
0x14c: {  	v3 =	vadd.s32 v1, v3;
	v4 =	vld [tilespmem:s14+$0xFFFFFFF0];
	[tilespmem:v5+s19+$0x0] =	vst.idx.msk $0xffff, v17  }
0x14d: {  	v2 =	vadd.s32 v1, v2;
	v5 =	vld [tilespmem:s14+$0x10];
	[tilespmem:v18+s19+$0x0] =	vst.idx.msk $0xffff, v15  }
0x14e: {  	[tilespmem:v11+s19+$0x0] =	vst.idx.msk $0xffff, v7;
	v11 =	vadd.s32 v1, v16;
	v7 =	vld [tilespmem:s16+$0x30]  }
0x14f: {  	v14 =	vadd.s32 v1, v14;
	v13 =	vld [tilespmem:s16+$0xFFFFFFD0];
	[tilespmem:v8+s19+$0x0] =	vst.idx.msk $0xffff, v6  }
0x150: {  	v8 =	vadd.s32 v1, v12;
	[tilespmem:v10+s19+$0x0] =	vst.idx.msk $0xffff, v9;
	v6 =	vld [tilespmem:s16+$0xFFFFFFF0]  }
0x151: {  	[tilespmem:v3+s19+$0x0] =	vst.idx.msk $0xffff, v4;
	v3 =	vld [tilespmem:s16+$0x10];
	v4 =	vadd.s32 v1, v19  }
0x152: {  	[tilespmem:v2+s19+$0x0] =	vst.idx.msk $0xffff, v5  }
0x153: {  	[tilespmem:v11+s19+$0x0] =	vst.idx.msk $0xffff, v7  }
0x154: {  	[tilespmem:v14+s19+$0x0] =	vst.idx.msk $0xffff, v13  }
0x155: {  	s1 =	sor.u32 $0x100, s28;
	[tilespmem:v8+s19+$0x0] =	vst.idx.msk $0xffff, v6  }
0x156: {  	s6 =	sadd.s32 s2, s1;
	[tilespmem:v4+s19+$0x0] =	vst.idx.msk $0xffff, v3  }
0x157: {  	[hbm4b:s6+s3] =	stream.linear.scatter [tilespmem:s19], [sflag:$0x5], $0x80, $0x38;
	[tilespmem:$0xE200] =	vst v63  }
0x158: {  	s28 =	simm.s32 $0xC088;
	s16 =	sadd.s32 $0x10, s6  }
0x159: {  	[hbm4b:s16+s3] =	stream.linear.scatter [tilespmem:s28], [sflag:$0x5], $0x80, $0x38;
	[tilespmem:$0xE200] =	vst v63  }
0x15a: {  	s16 =	sadd.s32 $0x20, s6;
	s28 =	simm.s32 $0xC110  }
0x15b: {  	[hbm4b:s16+s3] =	stream.linear.scatter [tilespmem:s28], [sflag:$0x5], $0x80, $0x38;
	[tilespmem:$0xE200] =	vst v63  }
0x15c: {  	s16 =	sadd.s32 $0x30, s6;
	s28 =	simm.s32 $0xC198  }
0x15d: {  	[hbm4b:s16+s3] =	stream.linear.scatter [tilespmem:s28], [sflag:$0x5], $0x80, $0x38;
	[tilespmem:$0xE200] =	vst v63  }
0x15e: {  	s16 =	sadd.s32 $0x40, s6;
	s28 =	simm.s32 $0xC220  }
0x15f: {  	[hbm4b:s16+s3] =	stream.linear.scatter [tilespmem:s28], [sflag:$0x5], $0x80, $0x38;
	[tilespmem:$0xE200] =	vst v63  }
0x160: {  	s16 =	sadd.s32 $0x50, s6;
	s28 =	simm.s32 $0xC2A8  }
0x161: {  	[hbm4b:s16+s3] =	stream.linear.scatter [tilespmem:s28], [sflag:$0x5], $0x80, $0x38;
	[tilespmem:$0xE200] =	vst v63  }
0x162: {  	s15 =	sadd.s32 $0x60, s6;
	s16 =	simm.s32 $0xC330  }
0x163: {  	[hbm4b:s15+s3] =	stream.linear.scatter [tilespmem:s16], [sflag:$0x5], $0x80, $0x38;
	[tilespmem:$0xE200] =	vst v63  }
0x164: {  	s6 =	sadd.s32 $0x70, s6;
	s28 =	simm.s32 $0xC3B8  }
0x165: {  	[hbm4b:s6+s3] =	stream.linear.scatter [tilespmem:s28], [sflag:$0x5], $0x80, $0x38;
	[tilespmem:$0xE200] =	vst v63  }
0x166: {  	s15 =	simm.s32 $0xC440;
	s6 =	sadd.s32 s1, s7  }
0x167: {  	[hbm4b:s6+s3] =	stream.linear.scatter [tilespmem:s15], [sflag:$0x5], $0x80, $0x38;
	[tilespmem:$0xE200] =	vst v63  }
0x168: {  	s28 =	simm.s32 $0xC4C8;
	s16 =	sadd.s32 $0x10, s6  }
0x169: {  	[hbm4b:s16+s3] =	stream.linear.scatter [tilespmem:s28], [sflag:$0x5], $0x80, $0x38;
	[tilespmem:$0xE200] =	vst v63  }
0x16a: {  	s16 =	sadd.s32 $0x20, s6;
	s28 =	simm.s32 $0xC550  }
0x16b: {  	[hbm4b:s16+s3] =	stream.linear.scatter [tilespmem:s28], [sflag:$0x5], $0x80, $0x38;
	[tilespmem:$0xE200] =	vst v63  }
0x16c: {  	s16 =	sadd.s32 $0x30, s6;
	s28 =	simm.s32 $0xC5D8  }
0x16d: {  	[hbm4b:s16+s3] =	stream.linear.scatter [tilespmem:s28], [sflag:$0x5], $0x80, $0x38;
	[tilespmem:$0xE200] =	vst v63  }
0x16e: {  	s16 =	sadd.s32 $0x40, s6;
	s28 =	simm.s32 $0xC660  }
0x16f: {  	[hbm4b:s16+s3] =	stream.linear.scatter [tilespmem:s28], [sflag:$0x5], $0x80, $0x38;
	[tilespmem:$0xE200] =	vst v63  }
0x170: {  	s16 =	sadd.s32 $0x50, s6;
	s28 =	simm.s32 $0xC6E8  }
0x171: {  	[hbm4b:s16+s3] =	stream.linear.scatter [tilespmem:s28], [sflag:$0x5], $0x80, $0x38;
	[tilespmem:$0xE200] =	vst v63  }
0x172: {  	s15 =	sadd.s32 $0x60, s6;
	s16 =	simm.s32 $0xC770  }
0x173: {  	[hbm4b:s15+s3] =	stream.linear.scatter [tilespmem:s16], [sflag:$0x5], $0x80, $0x38;
	[tilespmem:$0xE200] =	vst v63  }
0x174: {  	s6 =	sadd.s32 $0x70, s6;
	s28 =	simm.s32 $0xC7F8  }
0x175: {  	[hbm4b:s6+s3] =	stream.linear.scatter [tilespmem:s28], [sflag:$0x5], $0x80, $0x38;
	[tilespmem:$0xE200] =	vst v63  }
0x176: {  	s15 =	simm.s32 $0xC880;
	s6 =	sadd.s32 s1, s8  }
0x177: {  	[hbm4b:s6+s3] =	stream.linear.scatter [tilespmem:s15], [sflag:$0x5], $0x80, $0x38;
	[tilespmem:$0xE200] =	vst v63  }
0x178: {  	s28 =	simm.s32 $0xC908;
	s16 =	sadd.s32 $0x10, s6  }
0x179: {  	[hbm4b:s16+s3] =	stream.linear.scatter [tilespmem:s28], [sflag:$0x5], $0x80, $0x38;
	[tilespmem:$0xE200] =	vst v63  }
0x17a: {  	s16 =	sadd.s32 $0x20, s6;
	s28 =	simm.s32 $0xC990  }
0x17b: {  	[hbm4b:s16+s3] =	stream.linear.scatter [tilespmem:s28], [sflag:$0x5], $0x80, $0x38;
	[tilespmem:$0xE200] =	vst v63  }
0x17c: {  	s16 =	sadd.s32 $0x30, s6;
	s28 =	simm.s32 $0xCA18  }
0x17d: {  	[hbm4b:s16+s3] =	stream.linear.scatter [tilespmem:s28], [sflag:$0x5], $0x80, $0x38;
	[tilespmem:$0xE200] =	vst v63  }
0x17e: {  	s16 =	sadd.s32 $0x40, s6;
	s28 =	simm.s32 $0xCAA0  }
0x17f: {  	[hbm4b:s16+s3] =	stream.linear.scatter [tilespmem:s28], [sflag:$0x5], $0x80, $0x38;
	[tilespmem:$0xE200] =	vst v63  }
0x180: {  	s16 =	sadd.s32 $0x50, s6;
	s28 =	simm.s32 $0xCB28  }
0x181: {  	[hbm4b:s16+s3] =	stream.linear.scatter [tilespmem:s28], [sflag:$0x5], $0x80, $0x38;
	[tilespmem:$0xE200] =	vst v63  }
0x182: {  	s16 =	sadd.s32 $0x60, s6;
	s28 =	simm.s32 $0xCBB0  }
0x183: {  	[hbm4b:s16+s3] =	stream.linear.scatter [tilespmem:s28], [sflag:$0x5], $0x80, $0x38;
	[tilespmem:$0xE200] =	vst v63  }
0x184: {  	s6 =	sadd.s32 $0x70, s6;
	s16 =	simm.s32 $0xCC38  }
0x185: {  	[hbm4b:s6+s3] =	stream.linear.scatter [tilespmem:s16], [sflag:$0x5], $0x80, $0x38;
	[tilespmem:$0xE200] =	vst v63  }
0x186: {  	s1 =	sadd.s32 s1, s9;
	s28 =	simm.s32 $0xCCC0  }
0x187: {  	[hbm4b:s1+s3] =	stream.linear.scatter [tilespmem:s28], [sflag:$0x5], $0x80, $0x38;
	[tilespmem:$0xE200] =	vst v63  }
0x188: {  	s14 =	sadd.s32 $0x10, s1;
	s15 =	simm.s32 $0xCD48  }
0x189: {  	[hbm4b:s14+s3] =	stream.linear.scatter [tilespmem:s15], [sflag:$0x5], $0x80, $0x38;
	[tilespmem:$0xE200] =	vst v63  }
0x18a: {  	s16 =	sadd.s32 $0x20, s1;
	s28 =	simm.s32 $0xCDD0  }
0x18b: {  	[hbm4b:s16+s3] =	stream.linear.scatter [tilespmem:s28], [sflag:$0x5], $0x80, $0x38;
	[tilespmem:$0xE200] =	vst v63  }
0x18c: {  	s14 =	sadd.s32 $0x30, s1;
	s15 =	simm.s32 $0xCE58  }
0x18d: {  	[hbm4b:s14+s3] =	stream.linear.scatter [tilespmem:s15], [sflag:$0x5], $0x80, $0x38;
	[tilespmem:$0xE200] =	vst v63  }
0x18e: {  	s16 =	sadd.s32 $0x40, s1;
	s28 =	simm.s32 $0xCEE0  }
0x18f: {  	[hbm4b:s16+s3] =	stream.linear.scatter [tilespmem:s28], [sflag:$0x5], $0x80, $0x38;
	[tilespmem:$0xE200] =	vst v63  }
0x190: {  	s14 =	sadd.s32 $0x50, s1;
	s15 =	simm.s32 $0xCF68  }
0x191: {  	[hbm4b:s14+s3] =	stream.linear.scatter [tilespmem:s15], [sflag:$0x5], $0x80, $0x38;
	[tilespmem:$0xE200] =	vst v63  }
0x192: {  	s16 =	sadd.s32 $0x60, s1;
	s28 =	simm.s32 $0xCFF0  }
0x193: {  	[hbm4b:s16+s3] =	stream.linear.scatter [tilespmem:s28], [sflag:$0x5], $0x80, $0x38;
	[tilespmem:$0xE200] =	vst v63  }
0x194: {  	s1 =	sadd.s32 $0x70, s1;
	s15 =	simm.s32 $0xD078  }
0x195: {  	[hbm4b:s1+s3] =	stream.linear.scatter [tilespmem:s15], [sflag:$0x5], $0x80, $0x38;
	[tilespmem:$0xE200] =	vst v63  }
0x196: {  	s6 =	simm.s32 @!p0 $0x80;
	s14 =	simm.s32 @!p0 $0xA000;
	s1 =	sadd.s32 @!p0 $0x300, s29  }
0x197: {  	[tilespmem:s14], [sflag:$0x3] =	stream.indirect.gather @!p0 [hbm4b:s5+s6], $0x20, s1, s6, $0xb8;
	[tilespmem:$0xE200] =	vst v63  }
0x198: {  	_ =	swait.ge [sflag:s24], $0x1000  }
0x199: {  	[sflag:s24] =	ssyncset.done $0x0  }
0x19a: {  	[sflag:s24] =	ssyncadd.s32 $0xFFFFF000  }
0x19b: {  	_ =	swait.ge [sflag:s31], $0x400  }
0x19c: {  	[sflag:s31] =	ssyncset.done $0x0  }
0x19d: {  	[sflag:s31] =	ssyncadd.s32 $0xFFFFFC00  }
0x19e: {  	_ =	swait.ge [sflag:s31], $0x400  }
0x19f: {  	[sflag:s31] =	ssyncset.done $0x0  }
0x1a0: {  	[sflag:s31] =	ssyncadd.s32 $0xFFFFFC00  }
0x1a1: {  	_ =	swait.ge [sflag:s31], $0x400  }
0x1a2: {  	[sflag:s31] =	ssyncset.done $0x0  }
0x1a3: {  	[sflag:s31] =	ssyncadd.s32 $0xFFFFFC00  }
0x1a4: {  	s16 =	simm.s32 $0x3;
	_ =	swait.ge [sflag:s31], $0x400  }
0x1a5: {  	s28 =	simm.s32 $0x0;
	v2 =	vmov s16;
	[sflag:s31] =	ssyncset.done $0x0  }
0x1a6: {  	v3 =	vmov s28;
	v2 =	vand.u32 $0x7F, v2;
	s14 =	simm.s32 $0xB040;
	[sflag:s31] =	ssyncadd.s32 $0xFFFFFC00  }
0x1a7: {  	v3 =	vand.u32 $0x7C, v3;
	v5 =	vadd.s32 v0, v2;
	v4 =	vld [tilespmem:s14+$0x20]  }
0x1a8: {  	v7 =	vadd.s32 v0, v3;
	v6 =	vld [tilespmem:s14+$0xFFFFFFC0]  }
0x1a9: {  	s6 =	simm.s32 $0x2  }
0x1aa: {  	v9 =	vmov s6  }
0x1ab: {  	s29 =	simm.s32 $0x1;
	v16 =	vand.u32 $0x7E, v9  }
0x1ac: {  	v8 =	vmov s29;
	v12 =	vadd.s32 v0, v16;
	v9 =	vld [tilespmem:s14+$0x0];
	[tilespmem:v5+s0+$0x0] =	vst.idx.msk $0xffff, v4  }
0x1ad: {  	s15 =	simm.s32 $0x7;
	v14 =	vadd.s32 v1, v2;
	v8 =	vand.u32 $0x7D, v8;
	[tilespmem:v7+s0+$0x0] =	vst.idx.msk $0xffff, v6;
	v6 =	vld [tilespmem:s14+$0x30]  }
0x1ae: {  	s16 =	simm.s32 $0x4;
	v11 =	vadd.s32 v0, v8;
	v10 =	vld [tilespmem:s14+$0xFFFFFFE0];
	v4 =	vmov s15  }
0x1af: {  	s28 =	simm.s32 $0x5;
	v62 =	vadd.s32 v1, v3;
	v2 =	vmov s16;
	s1 =	simm.s32 $0xB0C0;
	v4 =	vand.u32 $0x7F, v4;
	v17 =	vld [tilespmem:s14+$0xFFFFFFD0]  }
0x1b0: {  	s29 =	simm.s32 $0x6;
	v63 =	vld [tilespmem:s1+$0x20];
	v5 =	vand.u32 $0x7C, v2;
	v2 =	vmov s28;
	v20 =	vadd.s32 v0, v4  }
0x1b1: {  	v13 =	vld [tilespmem:s1+$0xFFFFFFC0];
	[tilespmem:v12+s0+$0x0] =	vst.idx.msk $0xffff, v9;
	v7 =	vmov s29;
	v15 =	vadd.s32 v0, v5;
	v3 =	vand.u32 $0x7D, v2  }
0x1b2: {  	v12 =	vld [tilespmem:s1+$0xFFFFFFE0];
	v2 =	vand.u32 $0x7E, v7;
	[tilespmem:v14+s0+$0x0] =	vst.idx.msk $0xffff, v6;
	v14 =	vadd.s32 v0, v3  }
0x1b3: {  	[tilespmem:v11+s0+$0x0] =	vst.idx.msk $0xffff, v10;
	v7 =	vld [tilespmem:s1+$0x0];
	v11 =	vadd.s32 v0, v2  }
0x1b4: {  	s16 =	simm.s32 $0xC;
	v8 =	vadd.s32 v1, v8;
	[tilespmem:v62+s0+$0x0] =	vst.idx.msk $0xffff, v17;
	v6 =	vld [tilespmem:s14+$0xFFFFFFF0]  }
0x1b5: {  	s6 =	simm.s32 $0xB;
	s15 =	simm.s32 $0x8;
	v10 =	vadd.s32 v1, v16;
	v9 =	vld [tilespmem:s14+$0x10];
	s14 =	simm.s32 $0xB0C0;
	[tilespmem:v20+s0+$0x0] =	vst.idx.msk $0xffff, v63  }
.LBB2_13:
0x1b6: {  	p0 =	slt.u32 s16, $0x7C;
	v16 =	vmov s6;
	[tilespmem:v15+s0+$0x0] =	vst.idx.msk $0xffff, v13;
	v17 =	vld [tilespmem:s1+$0x30];
	v18 =	vadd.s32 v1, v4  }
0x1b7: {  	v13 =	vmov s15;
	s6 =	sadd.s32 $0x1, s15;
	v19 =	vadd.s32 v1, v5;
	s1 =	sadd.s32 $0x80, s1;
	v4 =	vand.u32 $0x7F, v16;
	v16 =	vld [tilespmem:s14+$0xFFFFFFD0];
	[tilespmem:v14+s0+$0x0] =	vst.idx.msk $0xffff, v12  }
0x1b8: {  	v5 =	vand.u32 $0x7C, v13;
	v12 =	vmov s6;
	s6 =	sadd.s32 $0x2, s15;
	s15 =	smov.u32 s16;
	v20 =	vld [tilespmem:s1+$0x20];
	v21 =	vadd.s32 v0, v4;
	[tilespmem:v11+s0+$0x0] =	vst.idx.msk $0xffff, v7  }
.Ltmp6:
0x1b9: {  	v15 =	vadd.s32 v0, v5;
	v22 =	vand.u32 $0x7D, v12;
	v7 =	vmov s6;
	v13 =	vld [tilespmem:s1+$0xFFFFFFC0];
	[tilespmem:v8+s0+$0x0] =	vst.idx.msk $0xffff, v6;
	(pc) =	sbr.rel @p0 .LBB2_13-.Ltmp6, $4  }
0x1ba: {  	v14 =	vadd.s32 v0, v22;
	v23 =	vand.u32 $0x7E, v7;
	v12 =	vld [tilespmem:s1+$0xFFFFFFE0];
	[tilespmem:v10+s0+$0x0] =	vst.idx.msk $0xffff, v9  }
0x1bb: {  	v11 =	vadd.s32 v0, v23;
	v7 =	vld [tilespmem:s1+$0x0];
	[tilespmem:v18+s0+$0x0] =	vst.idx.msk $0xffff, v17  }
0x1bc: {  	v8 =	vadd.s32 v1, v3;
	v3 =	vmov v22;
	[tilespmem:v19+s0+$0x0] =	vst.idx.msk $0xffff, v16;
	v6 =	vld [tilespmem:s14+$0xFFFFFFF0]  }
0x1bd: {  	s16 =	sadd.s32 $0x4, s16;
	s6 =	sadd.s32 $0x3, s15;
	v10 =	vadd.s32 v1, v2;
	v2 =	vmov v23;
	[tilespmem:v21+s0+$0x0] =	vst.idx.msk $0xffff, v20;
	v9 =	vld [tilespmem:s14+$0x10];
	s14 =	smov.u32 s1  }
0x1be: {  	_ =	sdelay $0x3  }
0x1bf: {  	v16 =	vmov s6;
	[tilespmem:v15+s0+$0x0] =	vst.idx.msk $0xffff, v13;
	v46 =	vld [tilespmem:s1+$0x30];
	v4 =	vadd.s32 v1, v4  }
0x1c0: {  	v47 =	vmov s15;
	s16 =	sadd.s32 $0x1, s15;
	v5 =	vadd.s32 v1, v5;
	s28 =	sadd.s32 $0x80, s1;
	v16 =	vand.u32 $0x7F, v16;
	v17 =	vld [tilespmem:s14+$0xFFFFFFD0];
	[tilespmem:v14+s0+$0x0] =	vst.idx.msk $0xffff, v12  }
0x1c1: {  	s29 =	sadd.s32 $0x2, s15;
	v48 =	vmov s16;
	v49 =	vand.u32 $0x7C, v47;
	v50 =	vld [tilespmem:s28+$0x20];
	v18 =	vadd.s32 v0, v16;
	[tilespmem:v11+s0+$0x0] =	vst.idx.msk $0xffff, v7  }
0x1c2: {  	v51 =	vmov s29;
	v52 =	vld [tilespmem:s28+$0xFFFFFFC0];
	v19 =	vadd.s32 v0, v49;
	v12 =	vand.u32 $0x7D, v48;
	[tilespmem:v8+s0+$0x0] =	vst.idx.msk $0xffff, v6  }
0x1c3: {  	v53 =	vld [tilespmem:s28+$0xFFFFFFE0];
	v7 =	vand.u32 $0x7E, v51;
	v54 =	vadd.s32 v0, v12;
	[tilespmem:v10+s0+$0x0] =	vst.idx.msk $0xffff, v9  }
0x1c4: {  	v55 =	vld [tilespmem:s28+$0x0];
	v56 =	vadd.s32 v0, v7;
	[tilespmem:v4+s0+$0x0] =	vst.idx.msk $0xffff, v46  }
0x1c5: {  	v3 =	vadd.s32 v1, v3;
	v57 =	vld [tilespmem:s14+$0xFFFFFFF0];
	[tilespmem:v5+s0+$0x0] =	vst.idx.msk $0xffff, v17  }
0x1c6: {  	v2 =	vadd.s32 v1, v2;
	v58 =	vld [tilespmem:s14+$0x10];
	[tilespmem:v18+s0+$0x0] =	vst.idx.msk $0xffff, v50  }
0x1c7: {  	v60 =	vadd.s32 v1, v16;
	[tilespmem:v19+s0+$0x0] =	vst.idx.msk $0xffff, v52;
	v59 =	vld [tilespmem:s28+$0x30]  }
0x1c8: {  	v14 =	vadd.s32 v1, v49;
	v61 =	vld [tilespmem:s28+$0xFFFFFFD0];
	[tilespmem:v54+s0+$0x0] =	vst.idx.msk $0xffff, v53  }
0x1c9: {  	v62 =	vadd.s32 v1, v12;
	[tilespmem:v56+s0+$0x0] =	vst.idx.msk $0xffff, v55;
	v6 =	vld [tilespmem:s28+$0xFFFFFFF0]  }
0x1ca: {  	v63 =	vadd.s32 v1, v7;
	[tilespmem:v3+s0+$0x0] =	vst.idx.msk $0xffff, v57;
	v3 =	vld [tilespmem:s28+$0x10]  }
0x1cb: {  	[tilespmem:v2+s0+$0x0] =	vst.idx.msk $0xffff, v58  }
0x1cc: {  	[tilespmem:v60+s0+$0x0] =	vst.idx.msk $0xffff, v59  }
0x1cd: {  	s15 =	sor.u32 s4, s26;
	[tilespmem:v14+s0+$0x0] =	vst.idx.msk $0xffff, v61  }
0x1ce: {  	s1 =	sshll.u32 s15, $0x7;
	[tilespmem:v62+s0+$0x0] =	vst.idx.msk $0xffff, v6  }
0x1cf: {  	s6 =	sadd.s32 s2, s1;
	[tilespmem:v63+s0+$0x0] =	vst.idx.msk $0xffff, v3  }
0x1d0: {  	[hbm4b:s6+s3] =	stream.linear.scatter [tilespmem:s0], [sflag:$0x6], $0x80, $0x38;
	[tilespmem:$0xE200] =	vst v63  }
0x1d1: {  	s26 =	simm.s32 $0xD188;
	s16 =	sadd.s32 $0x10, s6  }
0x1d2: {  	[hbm4b:s16+s3] =	stream.linear.scatter [tilespmem:s26], [sflag:$0x6], $0x80, $0x38;
	[tilespmem:$0xE200] =	vst v63  }
0x1d3: {  	s29 =	simm.s32 $0xD210;
	s28 =	sadd.s32 $0x20, s6  }
0x1d4: {  	[hbm4b:s28+s3] =	stream.linear.scatter [tilespmem:s29], [sflag:$0x6], $0x80, $0x38;
	[tilespmem:$0xE200] =	vst v63  }
0x1d5: {  	s16 =	sadd.s32 $0x30, s6;
	s26 =	simm.s32 $0xD298  }
0x1d6: {  	[hbm4b:s16+s3] =	stream.linear.scatter [tilespmem:s26], [sflag:$0x6], $0x80, $0x38;
	[tilespmem:$0xE200] =	vst v63  }
0x1d7: {  	s28 =	sadd.s32 $0x40, s6;
	s29 =	simm.s32 $0xD320  }
0x1d8: {  	[hbm4b:s28+s3] =	stream.linear.scatter [tilespmem:s29], [sflag:$0x6], $0x80, $0x38;
	[tilespmem:$0xE200] =	vst v63  }
0x1d9: {  	s15 =	sadd.s32 $0x50, s6;
	s16 =	simm.s32 $0xD3A8  }
0x1da: {  	[hbm4b:s15+s3] =	stream.linear.scatter [tilespmem:s16], [sflag:$0x6], $0x80, $0x38;
	[tilespmem:$0xE200] =	vst v63  }
0x1db: {  	s26 =	sadd.s32 $0x60, s6;
	s28 =	simm.s32 $0xD430  }
0x1dc: {  	[hbm4b:s26+s3] =	stream.linear.scatter [tilespmem:s28], [sflag:$0x6], $0x80, $0x38;
	[tilespmem:$0xE200] =	vst v63  }
0x1dd: {  	s6 =	sadd.s32 $0x70, s6;
	s29 =	simm.s32 $0xD4B8  }
0x1de: {  	[hbm4b:s6+s3] =	stream.linear.scatter [tilespmem:s29], [sflag:$0x6], $0x80, $0x38;
	[tilespmem:$0xE200] =	vst v63  }
0x1df: {  	s15 =	simm.s32 $0xD540;
	s6 =	sadd.s32 s1, s7  }
0x1e0: {  	[hbm4b:s6+s3] =	stream.linear.scatter [tilespmem:s15], [sflag:$0x6], $0x80, $0x38;
	[tilespmem:$0xE200] =	vst v63  }
0x1e1: {  	s26 =	simm.s32 $0xD5C8;
	s16 =	sadd.s32 $0x10, s6  }
0x1e2: {  	[hbm4b:s16+s3] =	stream.linear.scatter [tilespmem:s26], [sflag:$0x6], $0x80, $0x38;
	[tilespmem:$0xE200] =	vst v63  }
0x1e3: {  	s29 =	simm.s32 $0xD650;
	s28 =	sadd.s32 $0x20, s6  }
0x1e4: {  	[hbm4b:s28+s3] =	stream.linear.scatter [tilespmem:s29], [sflag:$0x6], $0x80, $0x38;
	[tilespmem:$0xE200] =	vst v63  }
0x1e5: {  	s16 =	sadd.s32 $0x30, s6;
	s26 =	simm.s32 $0xD6D8  }
0x1e6: {  	[hbm4b:s16+s3] =	stream.linear.scatter [tilespmem:s26], [sflag:$0x6], $0x80, $0x38;
	[tilespmem:$0xE200] =	vst v63  }
0x1e7: {  	s28 =	sadd.s32 $0x40, s6;
	s29 =	simm.s32 $0xD760  }
0x1e8: {  	[hbm4b:s28+s3] =	stream.linear.scatter [tilespmem:s29], [sflag:$0x6], $0x80, $0x38;
	[tilespmem:$0xE200] =	vst v63  }
0x1e9: {  	s16 =	sadd.s32 $0x50, s6;
	s26 =	simm.s32 $0xD7E8  }
0x1ea: {  	[hbm4b:s16+s3] =	stream.linear.scatter [tilespmem:s26], [sflag:$0x6], $0x80, $0x38;
	[tilespmem:$0xE200] =	vst v63  }
0x1eb: {  	s28 =	sadd.s32 $0x60, s6;
	s29 =	simm.s32 $0xD870  }
0x1ec: {  	[hbm4b:s28+s3] =	stream.linear.scatter [tilespmem:s29], [sflag:$0x6], $0x80, $0x38;
	[tilespmem:$0xE200] =	vst v63  }
0x1ed: {  	s6 =	sadd.s32 $0x70, s6;
	s16 =	simm.s32 $0xD8F8  }
0x1ee: {  	[hbm4b:s6+s3] =	stream.linear.scatter [tilespmem:s16], [sflag:$0x6], $0x80, $0x38;
	[tilespmem:$0xE200] =	vst v63  }
0x1ef: {  	s26 =	simm.s32 $0xD980;
	s6 =	sadd.s32 s1, s8  }
0x1f0: {  	[hbm4b:s6+s3] =	stream.linear.scatter [tilespmem:s26], [sflag:$0x6], $0x80, $0x38;
	[tilespmem:$0xE200] =	vst v63  }
0x1f1: {  	s29 =	simm.s32 $0xDA08;
	s28 =	sadd.s32 $0x10, s6  }
0x1f2: {  	[hbm4b:s28+s3] =	stream.linear.scatter [tilespmem:s29], [sflag:$0x6], $0x80, $0x38;
	[tilespmem:$0xE200] =	vst v63  }
0x1f3: {  	s16 =	sadd.s32 $0x20, s6;
	s26 =	simm.s32 $0xDA90  }
0x1f4: {  	[hbm4b:s16+s3] =	stream.linear.scatter [tilespmem:s26], [sflag:$0x6], $0x80, $0x38;
	[tilespmem:$0xE200] =	vst v63  }
0x1f5: {  	s28 =	sadd.s32 $0x30, s6;
	s29 =	simm.s32 $0xDB18  }
0x1f6: {  	[hbm4b:s28+s3] =	stream.linear.scatter [tilespmem:s29], [sflag:$0x6], $0x80, $0x38;
	[tilespmem:$0xE200] =	vst v63  }
0x1f7: {  	s16 =	sadd.s32 $0x40, s6;
	s26 =	simm.s32 $0xDBA0  }
0x1f8: {  	[hbm4b:s16+s3] =	stream.linear.scatter [tilespmem:s26], [sflag:$0x6], $0x80, $0x38;
	[tilespmem:$0xE200] =	vst v63  }
0x1f9: {  	s28 =	sadd.s32 $0x50, s6;
	s29 =	simm.s32 $0xDC28  }
0x1fa: {  	[hbm4b:s28+s3] =	stream.linear.scatter [tilespmem:s29], [sflag:$0x6], $0x80, $0x38;
	[tilespmem:$0xE200] =	vst v63  }
0x1fb: {  	s16 =	sadd.s32 $0x60, s6;
	s26 =	simm.s32 $0xDCB0  }
0x1fc: {  	[hbm4b:s16+s3] =	stream.linear.scatter [tilespmem:s26], [sflag:$0x6], $0x80, $0x38;
	[tilespmem:$0xE200] =	vst v63  }
0x1fd: {  	s6 =	sadd.s32 $0x70, s6;
	s28 =	simm.s32 $0xDD38  }
0x1fe: {  	[hbm4b:s6+s3] =	stream.linear.scatter [tilespmem:s28], [sflag:$0x6], $0x80, $0x38;
	[tilespmem:$0xE200] =	vst v63  }
0x1ff: {  	s1 =	sadd.s32 s1, s9;
	s29 =	simm.s32 $0xDDC0  }
0x200: {  	[hbm4b:s1+s3] =	stream.linear.scatter [tilespmem:s29], [sflag:$0x6], $0x80, $0x38;
	[tilespmem:$0xE200] =	vst v63  }
0x201: {  	s14 =	sadd.s32 $0x10, s1  }
0x202: {  	[hbm4b:s14+s3] =	stream.linear.scatter [tilespmem:s10], [sflag:$0x6], $0x80, $0x38;
	[tilespmem:$0xE200] =	vst v63  }
0x203: {  	s15 =	sadd.s32 $0x20, s1  }
0x204: {  	[hbm4b:s15+s3] =	stream.linear.scatter [tilespmem:s11], [sflag:$0x6], $0x80, $0x38;
	[tilespmem:$0xE200] =	vst v63  }
0x205: {  	s16 =	sadd.s32 $0x30, s1  }
0x206: {  	[hbm4b:s16+s3] =	stream.linear.scatter [tilespmem:s13], [sflag:$0x6], $0x80, $0x38;
	[tilespmem:$0xE200] =	vst v63  }
0x207: {  	s25 =	sadd.s32 $0x1, s25;
	s26 =	sadd.s32 $0x40, s1  }
0x208: {  	[hbm4b:s26+s3] =	stream.linear.scatter [tilespmem:s17], [sflag:$0x6], $0x80, $0x38;
	[tilespmem:$0xE200] =	vst v63  }
0x209: {  	p0 =	sne.s32 s25, $0x40;
	s28 =	sadd.s32 $0x50, s1  }
0x20a: {  	[hbm4b:s28+s3] =	stream.linear.scatter [tilespmem:s12], [sflag:$0x6], $0x80, $0x38;
	[tilespmem:$0xE200] =	vst v63  }
.Ltmp7:
0x20b: {  	_ = 	snop;
	(pc) =	sbr.rel @p0 .LBB2_2-.Ltmp7, $4  }
0x20c: {  	s29 =	sadd.s32 $0x60, s1  }
0x20d: {  	[hbm4b:s29+s3] =	stream.linear.scatter [tilespmem:s20], [sflag:$0x6], $0x80, $0x38;
	[tilespmem:$0xE200] =	vst v63  }
0x20e: {  	s1 =	sadd.s32 $0x70, s1  }
0x20f: {  	[hbm4b:s1+s3] =	stream.linear.scatter [tilespmem:s21], [sflag:$0x6], $0x80, $0x38;
	[tilespmem:$0xE200] =	vst v63  }
0x210: {  	_ =	swait.ge [sflag:s23], $0x400  }
0x211: {  	[sflag:s23] =	ssyncset.done $0x0  }
0x212: {  	[sflag:s23] =	ssyncadd.s32 $0xFFFFFC00  }
0x213: {  	_ =	swait.ge [sflag:s23], $0x400  }
0x214: {  	[sflag:s23] =	ssyncset.done $0x0  }
0x215: {  	[sflag:s23] =	ssyncadd.s32 $0xFFFFFC00  }
0x216: {  	_ =	swait.ge [sflag:s23], $0x400  }
0x217: {  	[sflag:s23] =	ssyncset.done $0x0  }
0x218: {  	[sflag:s23] =	ssyncadd.s32 $0xFFFFFC00  }
0x219: {  	_ =	swait.ge [sflag:s23], $0x400  }
0x21a: {  	[sflag:s23] =	ssyncset.done $0x0  }
0x21b: {  	[sflag:s23] =	ssyncadd.s32 $0xFFFFFC00  }
0x21c: {  	_ =	swait.ge [sflag:s31], $0x400  }
0x21d: {  	[sflag:s31] =	ssyncset.done $0x0  }
0x21e: {  	[sflag:s31] =	ssyncadd.s32 $0xFFFFFC00  }
0x21f: {  	_ =	swait.ge [sflag:s31], $0x400  }
0x220: {  	[sflag:s31] =	ssyncset.done $0x0  }
0x221: {  	[sflag:s31] =	ssyncadd.s32 $0xFFFFFC00  }
0x222: {  	_ =	swait.ge [sflag:s31], $0x400  }
0x223: {  	[sflag:s31] =	ssyncset.done $0x0  }
0x224: {  	[sflag:s31] =	ssyncadd.s32 $0xFFFFFC00  }
0x225: {  	_ =	swait.ge [sflag:s31], $0x400  }
0x226: {  	s6 =	rddreg [dreg:$0x6]  }
0x227: {  	s1 =	rddreg [dreg:$0x5];
	s6 =	sadd.s32 $0x1, s6  }
0x228: {  	p0 =	sne.s32 s6, s1  }
.Ltmp8:
0x229: {  	_ = 	snop;
	(pc) =	sbr.rel @p0 .LBB2_1-.Ltmp8, $3  }
0x22a: {  	_ =	sdelay $0x1  }
0x22b: {  	[sflag:s31] =	ssyncset.done $0x0  }
0x22c: {  	[sflag:s31] =	ssyncadd.s32 $0xFFFFFC00  }
0x22d: {  	_ =	sfence.sel $0x180000  }
0x22e: {  	[bflag:$0x0] =	sbarrier.arrive $0xFFFF  }
0x22f: {  	_ =	strace $0x9000004D  }
0x230: {  	s0 =	stileid.u32;
	[bflag:$0x2] =	sbarrier.arrive $0xFFFF  }
0x231: {  	p0 =	sne.s32 s0, $0x0;
	s0 =	rddreg [dreg:$0x3]  }
0x232: {  	s0 =	sadd.s32 @!p0 $0x100000, s0  }
0x233: {  	[sflag:s0] =	ssyncadd.tile.s32 @!p0 $0x1;
	_ =	shalt  }
.Lfunc_end2:
_tile_overlayer_lowered:
.L_overlay_start_2:
0x234: {  	(tag) =	ssettag $0x2  }
0x235: {  	s0 =	rddreg [dreg:$0x0];
	s2 =	stileid.u32  }
0x236: {  	s1 =	rddreg [dreg:$0x1];
	p0 =	sne.s32 s2, $0x0  }
0x237: {  	s3 =	rddreg [dreg:$0x2];
	[bflag:$0x3] =	sbarrier.arrive $0xFFFF;
	s2 =	simm.s32 @!p0 $0x1C07  }
0x238: {  	[timem:s3], [sflag:s2] =	dma.local @!p0 [hbm:s0], s1  }
0x239: {  	s0 =	simm.s32 @!p0 $0x7  }
0x23a: {  	_ =	swait.ge @!p0 [sflag:s0], s1  }
0x23b: {  	s1 =	ssub.s32 @!p0 $0x0, s1;
	[sflag:s0] =	ssyncset.done @!p0 $0x0  }
0x23c: {  	[sflag:s0] =	ssyncadd.s32 @!p0 s1  }
0x23d: {  	[bflag:$0x3] =	sbarrier.arrive $0xFFFF  }
0x23e: {  	_ =	shalt  }

// kernel: kernel.5.cloned.1.call-start
scs
__scs_entry_jumppad:
0x0: {  	(pc) =	sbr.rel $0x88, $3  }
0x1: {  	(tag) =	ssettag $0x0;
	lr =	simm.s32 $0x1  }
0x2: {  	[smem:$0x3F9F] =	sst lr;
	_ =	strace $0xD0000000  }
0x3: {  	_ = 	snop  }
0x4: {  	_ = 	snop  }
0x5: {  	_ = 	snop  }
0x6: {  	_ = 	snop  }
0x7: {  	_ = 	snop  }
__scs_overlays_trampoline_lowered:
0x8: {  	[smem:$0x3FAE] =	sst s0  }
0x9: {  	[smem:$0x3FAF] =	sst s1  }
0xa: {  	[smem:$0x3FB0] =	sst s2  }
0xb: {  	[smem:$0x3FB1] =	sst s3  }
0xc: {  	[smem:$0x3FB2] =	sst s4  }
0xd: {  	[smem:$0x3FB3] =	sst s5  }
0xe: {  	[smem:$0x3FB4] =	sst s6  }
0xf: {  	[smem:$0x3FB5] =	sst s7  }
0x10: {  	[smem:$0x3FB6] =	sst s8  }
0x11: {  	[smem:$0x3FB7] =	sst s9;
	s0 =	simm.s32 @!p0 $0x0  }
0x12: {  	s1 =	sld [smem:$0x3F9D];
	s0 =	simm.s32 @p0 $0x1  }
0x13: {  	[smem:$0x3FB8] =	sst s0;
	s0 =	simm.s32 @!p1 $0x0  }
0x14: {  	s2 =	sld [smem:$0x3F9C];
	s0 =	simm.s32 @p1 $0x1  }
0x15: {  	[smem:$0x3FB9] =	sst s0;
	s0 =	simm.s32 @!p2 $0x0  }
0x16: {  	s3 =	sld [smem:$0x3FDB];
	s0 =	simm.s32 @p2 $0x1  }
0x17: {  	s4 =	simm.s32 $0x1BF5;
	[smem:$0x3FBB] =	sst s0  }
0x18: {  	s0 =	sld [smem:$0x3F9E];
	_ =	swait.ge [sflag:s4], $0x0  }
0x19: {  	s7 =	sld [smem:$0x3F9F]  }
0x1a: {  	s8 =	sadd.s32 $0xFFFFE003, lr  }
0x1b: {  	s9 =	sadd.s32 $0xFFFFFEF7, lr;
	s5 =	simm.s32 $0xFFFFFFFF;
	p2 =	slt.u32 s8, $0xFFFFF086  }
0x1c: {  	p1 =	slt.u32 s9, $0xF7A;
	s5 =	simm.s32 @!p2 $0x0  }
0x1d: {  	s5 =	simm.s32 @p1 $0x1;
	p0 =	seq.s32 s7, s2  }
0x1e: {  	s7 =	smul.u32 @!p0 $0xF7A, s2;
	p2 =	seq.s32 @!p0 s5, $0x0  }
0x1f: {  	s9 =	smul.u32 $0xF7A, s1;
	s8 =	simm.s32 @!p0 $0x1BF5;
	p2 =	por !p2, p0  }
0x20: {  	[sflag:s8] =	ssyncset.s32 @!p0 $0xFFFFF086;
	s6 =	sadd.s32 @!p0 s3, s7;
	s7 =	simm.s32 @!p0 $0x108  }
0x21: {  	s3 =	sadd.s32 s3, s9;
	s6 =	sadd.s32 @!p0 $0x88, s6;
	s7 =	simm.s32 @p2 $0x1082  }
0x22: {  	[simem:s7], [sflag:s8] =	dma.local @!p0 [hbm:s6], $0xF7A  }
0x23: {  	s9 =	sor.u32 $0xD0000000, s2;
	s6 =	simm.s32 $0x108;
	_ =	swait.ge @!p0 [sflag:s8], $0x0  }
0x24: {  	s3 =	sadd.s32 $0x88, s3;
	s6 =	simm.s32 @!p1 $0x1082;
	[sflag:s4] =	ssyncset.s32 $0xFFFFF086  }
0x25: {  	[simem:s6], [sflag:s4] =	dma.local [hbm:s3], $0xF7A  }
0x26: {  	[smem:$0x3F9F] =	sst s1;
	(tag) =	ssettag s2;
	_ =	strace s9  }
0x27: {  	s1 =	sld [smem:$0x3FAF]  }
0x28: {  	s2 =	sld [smem:$0x3FB0]  }
0x29: {  	s4 =	sld [smem:$0x3FB2]  }
0x2a: {  	p0 =	seq.s32 s5, $0x0;
	s5 =	sld [smem:$0x3FB3]  }
0x2b: {  	s6 =	sld [smem:$0x3FB4]  }
0x2c: {  	s7 =	sld [smem:$0x3FB5]  }
0x2d: {  	s3 =	simm.s32 $0x108;
	s8 =	sld [smem:$0x3FB6]  }
0x2e: {  	s3 =	simm.s32 @!p0 $0x1082;
	s9 =	sld [smem:$0x3FB7]  }
0x2f: {  	lr =	sadd.s32 s0, s3;
	s0 =	sld [smem:$0x3FAE]  }
0x30: {  	s3 =	sld [smem:$0x3FB1]  }
0x31: {  	[smem:$0x3FBA] =	sst s10  }
0x32: {  	s10 =	sld [smem:$0x3FB8];
	_ =	sdelay $0x3  }
0x33: {  	p0 =	seq.s32 s10, $0x1;
	s10 =	sld [smem:$0x3FBA];
	_ =	sdelay $0x3  }
0x34: {  	[smem:$0x3FBA] =	sst s10  }
0x35: {  	s10 =	sld [smem:$0x3FB9];
	_ =	sdelay $0x3  }
0x36: {  	p1 =	seq.s32 s10, $0x1;
	s10 =	sld [smem:$0x3FBA];
	_ =	sdelay $0x3  }
0x37: {  	[smem:$0x3FBA] =	sst s10  }
0x38: {  	s10 =	sld [smem:$0x3FBB]  }
0x39: {  	_ = 	snop;
	(pc) =	sbr.ind lr, $3  }
0x3a: {  	_ = 	snop  }
0x3b: {  	_ = 	snop  }
0x3c: {  	p2 =	seq.s32 s10, $0x1;
	s10 =	sld [smem:$0x3FBA]  }
0x3d: {  	_ =	shalt  }
0x3e: {  	_ =	shalt  }
0x3f: {  	_ =	shalt  }
0x40: {  	_ =	shalt  }
0x41: {  	_ =	shalt  }
0x42: {  	_ =	shalt  }
0x43: {  	_ =	shalt  }
0x44: {  	_ =	shalt  }
0x45: {  	_ =	shalt  }
0x46: {  	_ =	shalt  }
0x47: {  	_ =	shalt  }
0x48: {  	_ =	shalt  }
0x49: {  	_ =	shalt  }
0x4a: {  	_ =	shalt  }
0x4b: {  	_ =	shalt  }
0x4c: {  	_ =	shalt  }
0x4d: {  	_ =	shalt  }
0x4e: {  	_ =	shalt  }
0x4f: {  	_ =	shalt  }
0x50: {  	_ =	shalt  }
0x51: {  	_ =	shalt  }
0x52: {  	_ =	shalt  }
0x53: {  	_ =	shalt  }
0x54: {  	_ =	shalt  }
0x55: {  	_ =	shalt  }
0x56: {  	_ =	shalt  }
0x57: {  	_ =	shalt  }
0x58: {  	_ =	shalt  }
0x59: {  	_ =	shalt  }
0x5a: {  	_ =	shalt  }
0x5b: {  	_ =	shalt  }
0x5c: {  	_ =	shalt  }
0x5d: {  	_ =	shalt  }
0x5e: {  	_ =	shalt  }
0x5f: {  	_ =	shalt  }
0x60: {  	_ =	shalt  }
0x61: {  	_ =	shalt  }
0x62: {  	_ =	shalt  }
0x63: {  	_ =	shalt  }
0x64: {  	_ =	shalt  }
0x65: {  	_ =	shalt  }
0x66: {  	_ =	shalt  }
0x67: {  	_ =	shalt  }
0x68: {  	_ =	shalt  }
0x69: {  	_ =	shalt  }
0x6a: {  	_ =	shalt  }
0x6b: {  	_ =	shalt  }
0x6c: {  	_ =	shalt  }
0x6d: {  	_ =	shalt  }
0x6e: {  	_ =	shalt  }
0x6f: {  	_ =	shalt  }
0x70: {  	_ =	shalt  }
0x71: {  	_ =	shalt  }
0x72: {  	_ =	shalt  }
0x73: {  	_ =	shalt  }
0x74: {  	_ =	shalt  }
0x75: {  	_ =	shalt  }
0x76: {  	_ =	shalt  }
0x77: {  	_ =	shalt  }
0x78: {  	_ =	shalt  }
0x79: {  	_ =	shalt  }
0x7a: {  	_ =	shalt  }
0x7b: {  	_ =	shalt  }
0x7c: {  	_ =	shalt  }
0x7d: {  	_ =	shalt  }
0x7e: {  	_ =	shalt  }
0x7f: {  	_ =	shalt  }
0x80: {  	_ =	shalt  }
0x81: {  	_ =	shalt  }
0x82: {  	_ =	shalt  }
0x83: {  	_ =	shalt  }
0x84: {  	_ =	shalt  }
0x85: {  	_ =	shalt  }
0x86: {  	_ =	shalt  }
0x87: {  	_ =	shalt  }
.Lfunc_end0:
.L_simem_size_0:
called_computation_lowered:
.L_overlay_start_0:
0x88: {  	s2 =	sld [smem:$0x3FD9]  }
0x89: {  	s3 =	sld [smem:$0x3FFE];
	_ =	sdelay $0x1  }
0x8a: {  	s1 =	srdreg.scid  }
0x8b: {  	s0 =	sand.u32 $0x1, s1  }
0x8c: {  	s18 =	sshll.u32 s0, $0xA;
	s2 =	sadd.s32 s3, s2  }
0x8d: {  	s2 =	sadd.s32 s2, s18  }
0x8e: {  	[smem:$0x3FC6] =	sst s2  }
0x8f: {  	_ = 	snop  }
0x90: {  	s2 =	sld [smem:$0x3FC8]  }
0x91: {  	s19 =	sld [smem:$0x3FD0];
	(tm) =	ssettm $0x1  }
0x92: {  	s4 =	sld [smem:$0x3FFB];
	_ =	sdelay $0x3  }
0x93: {  	_ =	strace s4  }
0x94: {  	s4 =	sld [smem:$0x3FFC];
	_ =	sdelay $0x3  }
0x95: {  	_ =	strace s4  }
0x96: {  	s4 =	sld [smem:$0x3FFD];
	_ =	sdelay $0x3  }
0x97: {  	_ =	strace s4  }
0x98: {  	_ =	strace $0x8FFFFFFF  }
0x99: {  	s20 =	sld [smem:$0x3FDB];
	_ =	sdelay $0x1  }
0x9a: {  	s5 =	simm.s32 $_scs_section_size  }
0x9b: {  	s6 =	simm.s32 $_size__tile_overlayer_lowered;
	s7 =	simm.s32 $_tile_overlayer_lowered  }
0x9c: {  	s23 =	simm.s32 $0x1BFF;
	s22 =	sshll.u32 s7, $0x1;
	s4 =	sadd.s32 s5, s20  }
0x9d: {  	s8 =	simm.s32 $0x0;
	s21 =	sshll.u32 s6, $0x1;
	s6 =	sadd.s32 s22, s4  }
0x9e: {  	[timem:s8], [sflag:s23] =	dma.local [hbm:s6], s21  }
0x9f: {  	_ =	swait.ge [sflag:s23], s21  }
0xa0: {  	s5 =	ssub.s32 $0x0, s21;
	[sflag:s23] =	ssyncset.done $0x0  }
0xa1: {  	[sflag:s23] =	ssyncadd.s32 s5;
	_ =	sdelay $0x1  }
0xa2: {  	s24 =	simm.s32 $0x1B8B  }
0xa3: {  	_ =	swait.ge [sflag:s24], $0x1  }
0xa4: {  	[sflag:s24] =	ssyncset.done $0x0  }
0xa5: {  	s25 =	simm.s32 $0x1B8E;
	[sflag:s24] =	ssyncadd.s32 $0xFFFFFFFF  }
0xa6: {  	s26 =	simm.s32 $execute0_lowered;
	[smem:$0x3FD2] =	sst s25  }
0xa7: {  	s5 =	sshll.u32 s26, $0x1;
	_ =	strace $0x80000046;
	[dreg:$0x1] =	wrdreg $0xFFFFFFFF  }
0xa8: {  	s28 =	simm.s32 $_size_execute0_lowered;
	s4 =	sadd.s32 s4, s5;
	[dreg:$0x0] =	wrdreg $0x0  }
0xa9: {  	s5 =	sshll.u32 s28, $0x1;
	[dreg:$0x2] =	wrdreg s4  }
0xaa: {  	[dreg:$0x3] =	wrdreg s5  }
0xab: {  	[dreg:$0x4] =	wrdreg $0xC0  }
0xac: {  	_ =	task [dreg:s8], $0x5FFFF  }
0xad: {  	[dreg:$0x1] =	wrdreg $0xFFFFFFFF  }
0xae: {  	[dreg:$0x0] =	wrdreg $0x60  }
0xaf: {  	[dreg:$0x2] =	wrdreg s2  }
0xb0: {  	[dreg:$0x3] =	wrdreg s19  }
0xb1: {  	[dreg:$0x4] =	wrdreg $0x9  }
0xb2: {  	_ =	task.clear_ibuf [dreg:s8], $0x5FFFF;
	_ =	strace $0x90000046  }
0xb3: {  	s29 =	simm.s32 $0x9;
	_ =	strace $0x80000048  }
0xb4: {  	_ =	swait.ge [sflag:s29], $0x1  }
0xb5: {  	[sflag:s29] =	ssyncadd.s32 $0xFFFFFFFF  }
0xb6: {  	_ =	strace $0x90000048  }
0xb7: {  	_ =	sfence  }
0xb8: {  	s30 =	sld [smem:$0x0];
	_ =	sdelay $0x2  }
0xb9: {  	s31 =	sshll.u32 s1, $0xD;
	s1 =	sshrl.u32 s1, $0x2  }
0xba: {  	s3 =	sand.u32 $0x4000, s31;
	s1 =	sadd.s32 s1, s30  }
0xbb: {  	s0 =	sor.u32 s3, s0;
	s1 =	sshll.u32 s1, $0x11  }
0xbc: {  	s0 =	sor.u32 s1, s0  }
0xbd: {  	s0 =	sadd.s32 $0x8F2B, s0  }
0xbe: {  	[sflag:s0] =	ssyncadd.remote.s32 $0x1  }
0xbf: {  	_ =	sfence.sel $0xFFFF  }
0xc0: {  	[dreg:$0x0] =	wrdreg $0xFFFFFFFF;
	(pc) =	sbr.abs _section_cstart, $3  }
0xc1: {  	[dreg:$0x1] =	wrdreg $0xFFFFFFFF  }
0xc2: {  	_ =	task.clear_ibuf [dreg:s8], $0x2FFFF;
	_ =	strace $0x9FFFFFFF  }
0xc3: {  	(tm) =	ssettm $0x7FFFFFFF  }
tec
execute0_lowered:
.L_overlay_start_1:
0x0: {  	(tag) =	ssettag $0x1  }
0x1: {  	s6 =	rddreg [dreg:$0x0]  }
0x2: {  	s7 =	rddreg [dreg:$0x1];
	s2 =	srdreg.scid  }
0x3: {  	s0 =	stileid.u32;
	s14 =	simm.s32 $0x1;
	s15 =	simm.s32 $0x4  }
0x4: {  	s16 =	simm.s32 $0x5;
	s17 =	simm.s32 $0x6;
	s18 =	simm.s32 $0x0  }
0x5: {  	s8 =	sand.u32 $0x1, s2;
	s3 =	sshll.u32 s0, $0x1;
	s28 =	smul.u32 $0x1E8, s0  }
0x6: {  	s2 =	simm.s32 $0x0;
	p0 =	slt.u32 s0, $0x2;
	s30 =	smul.u32 $0xF400, s0  }
0x7: {  	s4 =	ssub.s32 $0x2, s8;
	s3 =	sor.u32 s8, s3;
	s13 =	smul.u32 $0xF4, s8  }
0x8: {  	[smem:$0x7FF] =	sst s2;
	s8 =	smul.u32 $0x7A00, s8;
	s5 =	sshrl.u32 s4, $0x1  }
0x9: {  	s9 =	smul.u32 $0xF4, s3;
	s11 =	smin.u32 s3, $0x4;
	s3 =	simm.s32 $0xF5  }
0xa: {  	_ =	strace $0x80000047;
	s10 =	ssub.s32 s4, s5;
	s3 =	simm.s32 @!p0 $0xF4  }
0xb: {  	s26 =	sadd.s32 s11, s9;
	s12 =	sadd.s32 $0xFFFFFFFE, s3;
	s29 =	sadd.s32 $0xFFFFFFFD, s3  }
0xc: {  	s9 =	sadd.s32 s13, s28;
	s31 =	sadd.s32 $0xFFFFFFFC, s3;
	[dreg:$0x3] =	wrdreg s12  }
0xd: {  	s13 =	simm.s32 $0x1000;
	s4 =	sshll.u32 s26, $0x7;
	[dreg:$0x4] =	wrdreg s29  }
0xe: {  	s9 =	sadd.s32 s11, s9;
	[dreg:$0x5] =	wrdreg s31;
	s11 =	sshll.u32 s11, $0x7  }
0xf: {  	s12 =	simm.s32 $0x7A1400;
	s4 =	sadd.s32 s6, s4;
	s6 =	sadd.s32 s30, s6  }
0x10: {  	s9 =	sshll.u32 s9, $0x9;
	s5 =	sadd.s32 $0x80, s4;
	s8 =	sadd.s32 s8, s6  }
0x11: {  	s6 =	sadd.s32 s9, s7;
	s7 =	smax.u32 s10, $0x1;
	s8 =	sadd.s32 s11, s8  }
0x12: {  	s9 =	sadd.s32 $0x400, s6;
	s10 =	sadd.s32 $0x200, s6;
	s11 =	simm.s32 $0x400  }
.LBB2_1:
0x13: {  	[tilespmem:s2], [sflag:$0x1] =	stream.strided.gather [hbm4b:s4+s11], $0x1000, s12, s11, $0x38;
	[tilespmem:$0x3000] =	vst v63  }
0x14: {  	s19 =	rddreg [dreg:$0x3]  }
0x15: {  	p0 =	sle.u32 s19, $0x0  }
0x16: {  	[tilespmem:s13], [sflag:$0x2] =	stream.strided.gather [hbm4b:s5+s11], $0x1000, s12, s11, $0x38;
	[tilespmem:$0x3000] =	vst v63  }
0x17: {  	s19 =	sadd.s32 @!p0 $0x0, s8;
	s20 =	simm.s32 @!p0 $0x2000  }
0x18: {  	s21 =	simm.s32 @!p0 $0x400;
	s22 =	simm.s32 @!p0 $0x7A1400;
	s19 =	sadd.s32 @!p0 $0x100, s19  }
0x19: {  	[tilespmem:s20], [sflag:$0x3] =	stream.strided.gather @!p0 [hbm4b:s19+s21], $0x1000, s22, s21, $0x38;
	[tilespmem:$0x3000] =	vst v63  }
0x1a: {  	_ =	swait.ge [sflag:s14], $0x1000  }
0x1b: {  	p0 =	por $0x1, $0x1;
	[sflag:s14] =	ssyncset.done $0x0  }
0x1c: {  	s19 =	simm.s32 @!p0 $0x4;
	[sflag:s14] =	ssyncadd.s32 $0xFFFFF000  }
0x1d: {  	_ =	swait.ge @!p0 [sflag:s19], $0x1000  }
0x1e: {  	[sflag:s19] =	ssyncset.done @!p0 $0x0  }
0x1f: {  	s20 =	rddreg [dreg:$0x4];
	[sflag:s19] =	ssyncadd.s32 @!p0 $0xFFFFF000;
	p0 =	sle.u32 s3, $0x1  }
0x20: {  	[hbm4b:s6+s2] =	stream.linear.scatter [tilespmem:s2], [sflag:$0x4], $0x1000, $0x38;
	[tilespmem:$0x3000] =	vst v63  }
0x21: {  	p1 =	sle.u32 @!p0 s20, $0x0  }
0x22: {  	p1 =	por p1, p0  }
0x23: {  	s21 =	simm.s32 @!p0 $0x2;
	s19 =	sadd.s32 @!p1 $0x0, s8;
	s20 =	simm.s32 @!p1 $0x0  }
0x24: {  	s22 =	simm.s32 @!p1 $0x400;
	s23 =	simm.s32 @!p1 $0x7A1400;
	s19 =	sadd.s32 @!p1 $0x180, s19  }
0x25: {  	[tilespmem:s20], [sflag:$0x1] =	stream.strided.gather @!p1 [hbm4b:s19+s22], $0x1000, s23, s22, $0x38;
	[tilespmem:$0x3000] =	vst v63  }
0x26: {  	p1 =	por @!p0 $0x1, $0x1;
	_ =	swait.ge @!p0 [sflag:s21], $0x1000  }
0x27: {  	p2 =	por p1, p0;
	[sflag:s21] =	ssyncset.done @!p0 $0x0  }
0x28: {  	s20 =	simm.s32 @!p2 $0x5;
	[sflag:s21] =	ssyncadd.s32 @!p0 $0xFFFFF000  }
0x29: {  	s24 =	simm.s32 $0x6;
	p1 =	sle.u32 s3, $0x2;
	_ =	swait.ge @!p2 [sflag:s20], $0x1000  }
0x2a: {  	s19 =	simm.s32 $0x3;
	s29 =	simm.s32 @!p1 $0x3;
	s22 =	rddreg [dreg:$0x5]  }
0x2b: {  	[sflag:s20] =	ssyncset.done @!p2 $0x0;
	p3 =	sle.u32 @!p1 s22, $0x0;
	s22 =	simm.s32 @!p0 $0x1000  }
0x2c: {  	[sflag:s20] =	ssyncadd.s32 @!p2 $0xFFFFF000;
	s20 =	simm.s32 @!p0 $0x0;
	p2 =	por p3, p1  }
0x2d: {  	[hbm4b:s10+s20] =	stream.linear.scatter @!p0 [tilespmem:s22], [sflag:$0x5], $0x1000, $0x38;
	[tilespmem:$0x3000] =	vst v63  }
0x2e: {  	s21 =	sadd.s32 $0x600, s10;
	s23 =	sadd.s32 @!p2 $0x0, s8;
	s25 =	simm.s32 @!p2 $0x400  }
0x2f: {  	s20 =	simm.s32 @!p2 $0x7A1400;
	s22 =	sadd.s32 @!p2 $0x200, s23;
	s23 =	simm.s32 @!p2 $0x1000  }
0x30: {  	[tilespmem:s23], [sflag:$0x2] =	stream.strided.gather @!p2 [hbm4b:s22+s25], $0x1000, s20, s25, $0x38;
	[tilespmem:$0x3000] =	vst v63  }
0x31: {  	s23 =	sadd.s32 $0x600, s6;
	s20 =	sadd.s32 $0x600, s9;
	p2 =	por @!p1 $0x1, $0x1  }
0x32: {  	s22 =	simm.s32 $0x180;
	s25 =	smov.u32 s9;
	_ =	swait.ge @!p1 [sflag:s29], $0x1000  }
.LBB2_2:
0x33: {  	[sflag:s29] =	ssyncset.done @!p1 $0x0;
	p2 =	por p2, p1  }
0x34: {  	[sflag:s29] =	ssyncadd.s32 @!p1 $0xFFFFF000;
	s29 =	simm.s32 @!p2 $0x6  }
0x35: {  	_ =	swait.ge @!p2 [sflag:s29], $0x1000  }
0x36: {  	s26 =	smov.u32 s19;
	s31 =	simm.s32 @!p1 $0x2000;
	[sflag:s29] =	ssyncset.done @!p2 $0x0  }
0x37: {  	s30 =	rddreg [dreg:$0x3];
	[sflag:s29] =	ssyncadd.s32 @!p2 $0xFFFFF000;
	s29 =	simm.s32 @!p1 $0x0  }
0x38: {  	[hbm4b:s25+s29] =	stream.linear.scatter @!p1 [tilespmem:s31], [sflag:$0x6], $0x1000, $0x38;
	[tilespmem:$0x3000] =	vst v63  }
0x39: {  	p1 =	sge.u32 s26, s30  }
0x3a: {  	s29 =	sadd.s32 @!p1 s22, s8;
	s30 =	simm.s32 @!p1 $0x2000  }
0x3b: {  	s31 =	simm.s32 @!p1 $0x400;
	s0 =	simm.s32 @!p1 $0x7A1400;
	s29 =	sadd.s32 @!p1 $0x100, s29  }
0x3c: {  	[tilespmem:s30], [sflag:$0x3] =	stream.strided.gather @!p1 [hbm4b:s29+s31], $0x1000, s0, s31, $0x38;
	[tilespmem:$0x3000] =	vst v63  }
0x3d: {  	_ =	swait.ge [sflag:s14], $0x1000  }
0x3e: {  	p1 =	seq.s32 s26, $0x0;
	[sflag:s14] =	ssyncset.done $0x0  }
0x3f: {  	s0 =	simm.s32 @!p1 $0x4;
	[sflag:s14] =	ssyncadd.s32 $0xFFFFF000  }
0x40: {  	s19 =	smov.u32 s24;
	s29 =	sadd.s32 $0x1, s26;
	_ =	swait.ge @!p1 [sflag:s0], $0x1000  }
0x41: {  	p2 =	sge.u32 s29, s3;
	[sflag:s0] =	ssyncset.done @!p1 $0x0;
	s30 =	rddreg [dreg:$0x4]  }
0x42: {  	s24 =	sadd.s32 $0x3, s24;
	[sflag:s0] =	ssyncadd.s32 @!p1 $0xFFFFF000;
	p3 =	sge.u32 @!p2 s26, s30  }
0x43: {  	[hbm4b:s23+s2] =	stream.linear.scatter [tilespmem:s2], [sflag:$0x4], $0x1000, $0x38;
	[tilespmem:$0x3000] =	vst v63  }
0x44: {  	s28 =	smov.u32 s21;
	s21 =	sadd.s32 $0x600, s21;
	p3 =	por p3, p2  }
0x45: {  	s30 =	simm.s32 @!p2 $0x2;
	s0 =	sadd.s32 @!p3 s22, s8;
	s29 =	simm.s32 @!p3 $0x0  }
0x46: {  	s31 =	simm.s32 @!p3 $0x400;
	s1 =	simm.s32 @!p3 $0x7A1400;
	s0 =	sadd.s32 @!p3 $0x180, s0  }
0x47: {  	[tilespmem:s29], [sflag:$0x1] =	stream.strided.gather @!p3 [hbm4b:s0+s31], $0x1000, s1, s31, $0x38;
	[tilespmem:$0x3000] =	vst v63  }
0x48: {  	p0 =	sne.s32 s24, $0xF6;
	p1 =	seq.s32 @!p2 s26, $0x0;
	_ =	swait.ge @!p2 [sflag:s30], $0x1000  }
0x49: {  	s25 =	smov.u32 s20;
	p3 =	por p1, p2;
	[sflag:s30] =	ssyncset.done @!p2 $0x0  }
0x4a: {  	s29 =	sadd.s32 $0x2, s26;
	s0 =	simm.s32 @!p3 $0x5;
	[sflag:s30] =	ssyncadd.s32 @!p2 $0xFFFFF000  }
0x4b: {  	s20 =	sadd.s32 $0x600, s20;
	p1 =	sge.u32 s29, s3;
	_ =	swait.ge @!p3 [sflag:s0], $0x1000  }
0x4c: {  	s29 =	simm.s32 @!p2 $0x1000;
	s1 =	rddreg [dreg:$0x5];
	[sflag:s0] =	ssyncset.done @!p3 $0x0  }
0x4d: {  	p4 =	sge.u32 @!p1 s26, s1;
	[sflag:s0] =	ssyncadd.s32 @!p3 $0xFFFFF000;
	s0 =	simm.s32 @!p2 $0x0  }
0x4e: {  	[hbm4b:s28+s0] =	stream.linear.scatter @!p2 [tilespmem:s29], [sflag:$0x5], $0x1000, $0x38;
	[tilespmem:$0x3000] =	vst v63  }
.Ltmp0:
0x4f: {  	s23 =	sadd.s32 $0x600, s23;
	p3 =	por p4, p1;
	(pc) =	sbr.rel @p0 .LBB2_2-.Ltmp0, $4  }
0x50: {  	s29 =	simm.s32 @!p1 $0x3;
	s1 =	sadd.s32 @!p3 s22, s8;
	s30 =	simm.s32 @!p3 $0x400  }
0x51: {  	s31 =	simm.s32 @!p3 $0x7A1400;
	s0 =	sadd.s32 @!p3 $0x200, s1;
	s1 =	simm.s32 @!p3 $0x1000  }
0x52: {  	[tilespmem:s1], [sflag:$0x2] =	stream.strided.gather @!p3 [hbm4b:s0+s30], $0x1000, s31, s30, $0x38;
	[tilespmem:$0x3000] =	vst v63  }
0x53: {  	p2 =	seq.s32 @!p1 s26, $0x0;
	s22 =	sadd.s32 $0x180, s22;
	_ =	swait.ge @!p1 [sflag:s29], $0x1000  }
0x54: {  	[sflag:s29] =	ssyncset.done @!p1 $0x0;
	p0 =	por p2, p1  }
0x55: {  	[sflag:s29] =	ssyncadd.s32 @!p1 $0xFFFFF000;
	s0 =	simm.s32 @!p0 $0x6  }
0x56: {  	_ =	swait.ge @!p0 [sflag:s0], $0x1000  }
0x57: {  	s24 =	simm.s32 @!p1 $0x2000;
	s1 =	rddreg [dreg:$0x3];
	[sflag:s0] =	ssyncset.done @!p0 $0x0  }
0x58: {  	[sflag:s0] =	ssyncadd.s32 @!p0 $0xFFFFF000;
	s0 =	simm.s32 @!p1 $0x0;
	p0 =	sge.u32 s19, s1  }
0x59: {  	[hbm4b:s25+s0] =	stream.linear.scatter @!p1 [tilespmem:s24], [sflag:$0x6], $0x1000, $0x38;
	[tilespmem:$0x3000] =	vst v63  }
0x5a: {  	s0 =	sadd.s32 @!p0 s22, s8;
	s1 =	simm.s32 @!p0 $0x2000  }
0x5b: {  	s24 =	simm.s32 @!p0 $0x400;
	s25 =	simm.s32 @!p0 $0x7A1400;
	s0 =	sadd.s32 @!p0 $0x100, s0  }
0x5c: {  	[tilespmem:s1], [sflag:$0x3] =	stream.strided.gather @!p0 [hbm4b:s0+s24], $0x1000, s25, s24, $0x38;
	[tilespmem:$0x3000] =	vst v63  }
0x5d: {  	_ =	swait.ge [sflag:s14], $0x1000  }
0x5e: {  	p0 =	seq.s32 s19, $0x0;
	[sflag:s14] =	ssyncset.done $0x0  }
0x5f: {  	s0 =	simm.s32 @!p0 $0x4;
	[sflag:s14] =	ssyncadd.s32 $0xFFFFF000  }
0x60: {  	_ =	swait.ge @!p0 [sflag:s0], $0x1000  }
0x61: {  	s30 =	sadd.s32 $0x1, s19;
	[sflag:s0] =	ssyncset.done @!p0 $0x0  }
0x62: {  	s24 =	rddreg [dreg:$0x4];
	[sflag:s0] =	ssyncadd.s32 @!p0 $0xFFFFF000;
	p0 =	sge.u32 s30, s3  }
0x63: {  	[hbm4b:s23+s2] =	stream.linear.scatter [tilespmem:s2], [sflag:$0x4], $0x1000, $0x38;
	[tilespmem:$0x3000] =	vst v63  }
0x64: {  	p1 =	sge.u32 @!p0 s19, s24  }
0x65: {  	p1 =	por p1, p0  }
0x66: {  	s23 =	simm.s32 @!p0 $0x2;
	s0 =	sadd.s32 @!p1 s22, s8;
	s1 =	simm.s32 @!p1 $0x0  }
0x67: {  	s24 =	simm.s32 @!p1 $0x400;
	s25 =	simm.s32 @!p1 $0x7A1400;
	s0 =	sadd.s32 @!p1 $0x180, s0  }
0x68: {  	[tilespmem:s1], [sflag:$0x1] =	stream.strided.gather @!p1 [hbm4b:s0+s24], $0x1000, s25, s24, $0x38;
	[tilespmem:$0x3000] =	vst v63  }
0x69: {  	p1 =	seq.s32 @!p0 s19, $0x0;
	_ =	swait.ge @!p0 [sflag:s23], $0x1000  }
0x6a: {  	p2 =	por p1, p0;
	[sflag:s23] =	ssyncset.done @!p0 $0x0  }
0x6b: {  	s0 =	simm.s32 @!p2 $0x5;
	[sflag:s23] =	ssyncadd.s32 @!p0 $0xFFFFF000  }
0x6c: {  	s31 =	sadd.s32 $0x2, s19;
	_ =	swait.ge @!p2 [sflag:s0], $0x1000  }
0x6d: {  	p1 =	sge.u32 s31, s3;
	s1 =	rddreg [dreg:$0x5]  }
0x6e: {  	s23 =	simm.s32 @!p0 $0x1000;
	[sflag:s0] =	ssyncset.done @!p2 $0x0;
	p3 =	sge.u32 @!p1 s19, s1  }
0x6f: {  	[sflag:s0] =	ssyncadd.s32 @!p2 $0xFFFFF000;
	s0 =	simm.s32 @!p0 $0x0;
	p2 =	por p3, p1  }
0x70: {  	[hbm4b:s21+s0] =	stream.linear.scatter @!p0 [tilespmem:s23], [sflag:$0x5], $0x1000, $0x38;
	[tilespmem:$0x3000] =	vst v63  }
0x71: {  	s21 =	simm.s32 @!p1 $0x3;
	s1 =	sadd.s32 @!p2 s22, s8;
	s22 =	simm.s32 @!p2 $0x400  }
0x72: {  	s24 =	simm.s32 @!p2 $0x7A1400;
	s0 =	sadd.s32 @!p2 $0x200, s1;
	s1 =	simm.s32 @!p2 $0x1000  }
0x73: {  	[tilespmem:s1], [sflag:$0x2] =	stream.strided.gather @!p2 [hbm4b:s0+s22], $0x1000, s24, s22, $0x38;
	[tilespmem:$0x3000] =	vst v63  }
0x74: {  	p0 =	seq.s32 @!p1 s19, $0x0;
	_ =	swait.ge @!p1 [sflag:s21], $0x1000  }
0x75: {  	p0 =	por p0, p1;
	[sflag:s21] =	ssyncset.done @!p1 $0x0  }
0x76: {  	s0 =	simm.s32 @!p0 $0x6;
	[sflag:s21] =	ssyncadd.s32 @!p1 $0xFFFFF000  }
0x77: {  	_ =	swait.ge @!p0 [sflag:s0], $0x1000  }
0x78: {  	[sflag:s0] =	ssyncset.done @!p0 $0x0  }
0x79: {  	s1 =	simm.s32 @!p1 $0x2000;
	[sflag:s0] =	ssyncadd.s32 @!p0 $0xFFFFF000;
	s0 =	simm.s32 @!p1 $0x0  }
0x7a: {  	[hbm4b:s20+s0] =	stream.linear.scatter @!p1 [tilespmem:s1], [sflag:$0x6], $0x1000, $0x38;
	[tilespmem:$0x3000] =	vst v63  }
0x7b: {  	_ =	swait.ge [sflag:s15], $0x1000  }
0x7c: {  	[sflag:s15] =	ssyncset.done $0x0  }
0x7d: {  	s18 =	sadd.s32 $0x1, s18;
	[sflag:s15] =	ssyncadd.s32 $0xFFFFF000  }
0x7e: {  	p0 =	sne.s32 s18, s7;
	_ =	swait.ge [sflag:s16], $0x1000  }
.Ltmp1:
0x7f: {  	[sflag:s16] =	ssyncset.done $0x0;
	(pc) =	sbr.rel @p0 .LBB2_1-.Ltmp1, $4  }
0x80: {  	[sflag:s16] =	ssyncadd.s32 $0xFFFFF000  }
0x81: {  	_ =	swait.ge [sflag:s17], $0x1000  }
0x82: {  	[sflag:s17] =	ssyncset.done $0x0  }
0x83: {  	[sflag:s17] =	ssyncadd.s32 $0xFFFFF000  }
0x84: {  	_ =	sfence.sel $0x180000  }
0x85: {  	[bflag:$0x0] =	sbarrier.arrive $0xFFFF  }
0x86: {  	_ =	strace $0x90000047  }
0x87: {  	s0 =	stileid.u32;
	[bflag:$0x2] =	sbarrier.arrive $0xFFFF  }
0x88: {  	p0 =	sne.s32 s0, $0x0;
	s0 =	rddreg [dreg:$0x2]  }
0x89: {  	s0 =	sadd.s32 @!p0 $0x100000, s0  }
0x8a: {  	[sflag:s0] =	ssyncadd.tile.s32 @!p0 $0x1;
	_ =	shalt  }
.Lfunc_end2:
_tile_overlayer_lowered:
.L_overlay_start_2:
0x8b: {  	(tag) =	ssettag $0x2  }
0x8c: {  	s0 =	rddreg [dreg:$0x0];
	s2 =	stileid.u32  }
0x8d: {  	s1 =	rddreg [dreg:$0x1];
	p0 =	sne.s32 s2, $0x0  }
0x8e: {  	s3 =	rddreg [dreg:$0x2];
	[bflag:$0x3] =	sbarrier.arrive $0xFFFF;
	s2 =	simm.s32 @!p0 $0x1C07  }
0x8f: {  	[timem:s3], [sflag:s2] =	dma.local @!p0 [hbm:s0], s1  }
0x90: {  	s0 =	simm.s32 @!p0 $0x7  }
0x91: {  	_ =	swait.ge @!p0 [sflag:s0], s1  }
0x92: {  	s1 =	ssub.s32 @!p0 $0x0, s1;
	[sflag:s0] =	ssyncset.done @!p0 $0x0  }
0x93: {  	[sflag:s0] =	ssyncadd.s32 @!p0 s1  }
0x94: {  	[bflag:$0x3] =	sbarrier.arrive $0xFFFF  }
0x95: {  	_ =	shalt  }

// kernel: kernel.8.cloned.1.call-start
scs
__scs_entry_jumppad:
0x0: {  	(pc) =	sbr.rel $0x88, $3  }
0x1: {  	(tag) =	ssettag $0x0;
	lr =	simm.s32 $0x1  }
0x2: {  	[smem:$0x3F9F] =	sst lr;
	_ =	strace $0xD0000000  }
0x3: {  	_ = 	snop  }
0x4: {  	_ = 	snop  }
0x5: {  	_ = 	snop  }
0x6: {  	_ = 	snop  }
0x7: {  	_ = 	snop  }
__scs_overlays_trampoline_lowered:
0x8: {  	[smem:$0x3FAE] =	sst s0  }
0x9: {  	[smem:$0x3FAF] =	sst s1  }
0xa: {  	[smem:$0x3FB0] =	sst s2  }
0xb: {  	[smem:$0x3FB1] =	sst s3  }
0xc: {  	[smem:$0x3FB2] =	sst s4  }
0xd: {  	[smem:$0x3FB3] =	sst s5  }
0xe: {  	[smem:$0x3FB4] =	sst s6  }
0xf: {  	[smem:$0x3FB5] =	sst s7  }
0x10: {  	[smem:$0x3FB6] =	sst s8  }
0x11: {  	[smem:$0x3FB7] =	sst s9;
	s0 =	simm.s32 @!p0 $0x0  }
0x12: {  	s1 =	sld [smem:$0x3F9D];
	s0 =	simm.s32 @p0 $0x1  }
0x13: {  	[smem:$0x3FB8] =	sst s0;
	s0 =	simm.s32 @!p1 $0x0  }
0x14: {  	s2 =	sld [smem:$0x3F9C];
	s0 =	simm.s32 @p1 $0x1  }
0x15: {  	[smem:$0x3FB9] =	sst s0;
	s0 =	simm.s32 @!p2 $0x0  }
0x16: {  	s3 =	sld [smem:$0x3FDB];
	s0 =	simm.s32 @p2 $0x1  }
0x17: {  	s4 =	simm.s32 $0x1BF5;
	[smem:$0x3FBB] =	sst s0  }
0x18: {  	s0 =	sld [smem:$0x3F9E];
	_ =	swait.ge [sflag:s4], $0x0  }
0x19: {  	s7 =	sld [smem:$0x3F9F]  }
0x1a: {  	s8 =	sadd.s32 $0xFFFFE003, lr  }
0x1b: {  	s9 =	sadd.s32 $0xFFFFFEF7, lr;
	s5 =	simm.s32 $0xFFFFFFFF;
	p2 =	slt.u32 s8, $0xFFFFF086  }
0x1c: {  	p1 =	slt.u32 s9, $0xF7A;
	s5 =	simm.s32 @!p2 $0x0  }
0x1d: {  	s5 =	simm.s32 @p1 $0x1;
	p0 =	seq.s32 s7, s2  }
0x1e: {  	s7 =	smul.u32 @!p0 $0xF7A, s2;
	p2 =	seq.s32 @!p0 s5, $0x0  }
0x1f: {  	s9 =	smul.u32 $0xF7A, s1;
	s8 =	simm.s32 @!p0 $0x1BF5;
	p2 =	por !p2, p0  }
0x20: {  	[sflag:s8] =	ssyncset.s32 @!p0 $0xFFFFF086;
	s6 =	sadd.s32 @!p0 s3, s7;
	s7 =	simm.s32 @!p0 $0x108  }
0x21: {  	s3 =	sadd.s32 s3, s9;
	s6 =	sadd.s32 @!p0 $0x88, s6;
	s7 =	simm.s32 @p2 $0x1082  }
0x22: {  	[simem:s7], [sflag:s8] =	dma.local @!p0 [hbm:s6], $0xF7A  }
0x23: {  	s9 =	sor.u32 $0xD0000000, s2;
	s6 =	simm.s32 $0x108;
	_ =	swait.ge @!p0 [sflag:s8], $0x0  }
0x24: {  	s3 =	sadd.s32 $0x88, s3;
	s6 =	simm.s32 @!p1 $0x1082;
	[sflag:s4] =	ssyncset.s32 $0xFFFFF086  }
0x25: {  	[simem:s6], [sflag:s4] =	dma.local [hbm:s3], $0xF7A  }
0x26: {  	[smem:$0x3F9F] =	sst s1;
	(tag) =	ssettag s2;
	_ =	strace s9  }
0x27: {  	s1 =	sld [smem:$0x3FAF]  }
0x28: {  	s2 =	sld [smem:$0x3FB0]  }
0x29: {  	s4 =	sld [smem:$0x3FB2]  }
0x2a: {  	p0 =	seq.s32 s5, $0x0;
	s5 =	sld [smem:$0x3FB3]  }
0x2b: {  	s6 =	sld [smem:$0x3FB4]  }
0x2c: {  	s7 =	sld [smem:$0x3FB5]  }
0x2d: {  	s3 =	simm.s32 $0x108;
	s8 =	sld [smem:$0x3FB6]  }
0x2e: {  	s3 =	simm.s32 @!p0 $0x1082;
	s9 =	sld [smem:$0x3FB7]  }
0x2f: {  	lr =	sadd.s32 s0, s3;
	s0 =	sld [smem:$0x3FAE]  }
0x30: {  	s3 =	sld [smem:$0x3FB1]  }
0x31: {  	[smem:$0x3FBA] =	sst s10  }
0x32: {  	s10 =	sld [smem:$0x3FB8];
	_ =	sdelay $0x3  }
0x33: {  	p0 =	seq.s32 s10, $0x1;
	s10 =	sld [smem:$0x3FBA];
	_ =	sdelay $0x3  }
0x34: {  	[smem:$0x3FBA] =	sst s10  }
0x35: {  	s10 =	sld [smem:$0x3FB9];
	_ =	sdelay $0x3  }
0x36: {  	p1 =	seq.s32 s10, $0x1;
	s10 =	sld [smem:$0x3FBA];
	_ =	sdelay $0x3  }
0x37: {  	[smem:$0x3FBA] =	sst s10  }
0x38: {  	s10 =	sld [smem:$0x3FBB]  }
0x39: {  	_ = 	snop;
	(pc) =	sbr.ind lr, $3  }
0x3a: {  	_ = 	snop  }
0x3b: {  	_ = 	snop  }
0x3c: {  	p2 =	seq.s32 s10, $0x1;
	s10 =	sld [smem:$0x3FBA]  }
0x3d: {  	_ =	shalt  }
0x3e: {  	_ =	shalt  }
0x3f: {  	_ =	shalt  }
0x40: {  	_ =	shalt  }
0x41: {  	_ =	shalt  }
0x42: {  	_ =	shalt  }
0x43: {  	_ =	shalt  }
0x44: {  	_ =	shalt  }
0x45: {  	_ =	shalt  }
0x46: {  	_ =	shalt  }
0x47: {  	_ =	shalt  }
0x48: {  	_ =	shalt  }
0x49: {  	_ =	shalt  }
0x4a: {  	_ =	shalt  }
0x4b: {  	_ =	shalt  }
0x4c: {  	_ =	shalt  }
0x4d: {  	_ =	shalt  }
0x4e: {  	_ =	shalt  }
0x4f: {  	_ =	shalt  }
0x50: {  	_ =	shalt  }
0x51: {  	_ =	shalt  }
0x52: {  	_ =	shalt  }
0x53: {  	_ =	shalt  }
0x54: {  	_ =	shalt  }
0x55: {  	_ =	shalt  }
0x56: {  	_ =	shalt  }
0x57: {  	_ =	shalt  }
0x58: {  	_ =	shalt  }
0x59: {  	_ =	shalt  }
0x5a: {  	_ =	shalt  }
0x5b: {  	_ =	shalt  }
0x5c: {  	_ =	shalt  }
0x5d: {  	_ =	shalt  }
0x5e: {  	_ =	shalt  }
0x5f: {  	_ =	shalt  }
0x60: {  	_ =	shalt  }
0x61: {  	_ =	shalt  }
0x62: {  	_ =	shalt  }
0x63: {  	_ =	shalt  }
0x64: {  	_ =	shalt  }
0x65: {  	_ =	shalt  }
0x66: {  	_ =	shalt  }
0x67: {  	_ =	shalt  }
0x68: {  	_ =	shalt  }
0x69: {  	_ =	shalt  }
0x6a: {  	_ =	shalt  }
0x6b: {  	_ =	shalt  }
0x6c: {  	_ =	shalt  }
0x6d: {  	_ =	shalt  }
0x6e: {  	_ =	shalt  }
0x6f: {  	_ =	shalt  }
0x70: {  	_ =	shalt  }
0x71: {  	_ =	shalt  }
0x72: {  	_ =	shalt  }
0x73: {  	_ =	shalt  }
0x74: {  	_ =	shalt  }
0x75: {  	_ =	shalt  }
0x76: {  	_ =	shalt  }
0x77: {  	_ =	shalt  }
0x78: {  	_ =	shalt  }
0x79: {  	_ =	shalt  }
0x7a: {  	_ =	shalt  }
0x7b: {  	_ =	shalt  }
0x7c: {  	_ =	shalt  }
0x7d: {  	_ =	shalt  }
0x7e: {  	_ =	shalt  }
0x7f: {  	_ =	shalt  }
0x80: {  	_ =	shalt  }
0x81: {  	_ =	shalt  }
0x82: {  	_ =	shalt  }
0x83: {  	_ =	shalt  }
0x84: {  	_ =	shalt  }
0x85: {  	_ =	shalt  }
0x86: {  	_ =	shalt  }
0x87: {  	_ =	shalt  }
.Lfunc_end0:
.L_simem_size_0:
called_computation.1_lowered:
.L_overlay_start_0:
0x88: {  	s2 =	sld [smem:$0x3FD9]  }
0x89: {  	s3 =	sld [smem:$0x3FFE];
	_ =	sdelay $0x1  }
0x8a: {  	s1 =	srdreg.scid  }
0x8b: {  	s0 =	sand.u32 $0x1, s1  }
0x8c: {  	s17 =	sshll.u32 s0, $0xA;
	s2 =	sadd.s32 s3, s2  }
0x8d: {  	s2 =	sadd.s32 s2, s17  }
0x8e: {  	[smem:$0x3FC6] =	sst s2  }
0x8f: {  	_ = 	snop  }
0x90: {  	s2 =	sld [smem:$0x3FD0];
	(tm) =	ssettm $0x1  }
0x91: {  	s18 =	sld [smem:$0x3FFB];
	_ =	sdelay $0x3  }
0x92: {  	_ =	strace s18  }
0x93: {  	s3 =	sld [smem:$0x3FFC];
	_ =	sdelay $0x3  }
0x94: {  	_ =	strace s3  }
0x95: {  	s3 =	sld [smem:$0x3FFD];
	_ =	sdelay $0x3  }
0x96: {  	_ =	strace s3  }
0x97: {  	_ =	strace $0x8FFFFFFF  }
0x98: {  	s19 =	sld [smem:$0x3FDB];
	_ =	sdelay $0x1  }
0x99: {  	s4 =	simm.s32 $_scs_section_size  }
0x9a: {  	s5 =	simm.s32 $_size__tile_overlayer_lowered;
	s6 =	simm.s32 $_tile_overlayer_lowered  }
0x9b: {  	s22 =	simm.s32 $0x1BFF;
	s21 =	sshll.u32 s6, $0x1;
	s3 =	sadd.s32 s4, s19  }
0x9c: {  	s7 =	simm.s32 $0x0;
	s20 =	sshll.u32 s5, $0x1;
	s5 =	sadd.s32 s21, s3  }
0x9d: {  	[timem:s7], [sflag:s22] =	dma.local [hbm:s5], s20  }
0x9e: {  	_ =	swait.ge [sflag:s22], s20  }
0x9f: {  	s4 =	ssub.s32 $0x0, s20;
	[sflag:s22] =	ssyncset.done $0x0  }
0xa0: {  	[sflag:s22] =	ssyncadd.s32 s4;
	_ =	sdelay $0x1  }
0xa1: {  	s23 =	simm.s32 $0x1B8B  }
0xa2: {  	_ =	swait.ge [sflag:s23], $0x1  }
0xa3: {  	[sflag:s23] =	ssyncset.done $0x0  }
0xa4: {  	s25 =	simm.s32 $0x1B8E;
	s24 =	sld [smem:$0x3FFE];
	[sflag:s23] =	ssyncadd.s32 $0xFFFFFFFF  }
0xa5: {  	s26 =	simm.s32 $execute0_lowered;
	[smem:$0x3FD2] =	sst s25  }
0xa6: {  	s5 =	sshll.u32 s26, $0x1;
	_ =	strace $0x80000049;
	[dreg:$0x1] =	wrdreg $0xFFFFFFFF  }
0xa7: {  	s28 =	simm.s32 $_size_execute0_lowered;
	s3 =	sadd.s32 s3, s5;
	[dreg:$0x0] =	wrdreg $0x0  }
0xa8: {  	s5 =	sshll.u32 s28, $0x1;
	[dreg:$0x2] =	wrdreg s3  }
0xa9: {  	[dreg:$0x3] =	wrdreg s5  }
0xaa: {  	[dreg:$0x4] =	wrdreg $0xC0  }
0xab: {  	_ =	task [dreg:s7], $0x5FFFF  }
0xac: {  	[dreg:$0x1] =	wrdreg $0xFFFFFFFF  }
0xad: {  	[dreg:$0x0] =	wrdreg $0x60  }
0xae: {  	[dreg:$0x2] =	wrdreg s2  }
0xaf: {  	[dreg:$0x3] =	wrdreg s24  }
0xb0: {  	[dreg:$0x4] =	wrdreg $0x9  }
0xb1: {  	_ =	task.clear_ibuf [dreg:s7], $0x5FFFF;
	_ =	strace $0x90000049  }
0xb2: {  	s29 =	simm.s32 $0x9;
	_ =	strace $0x8000004B  }
0xb3: {  	_ =	swait.ge [sflag:s29], $0x1  }
0xb4: {  	[sflag:s29] =	ssyncadd.s32 $0xFFFFFFFF  }
0xb5: {  	_ =	strace $0x9000004B  }
0xb6: {  	_ =	sfence  }
0xb7: {  	s30 =	sld [smem:$0x0];
	_ =	sdelay $0x2  }
0xb8: {  	s31 =	sshll.u32 s1, $0xD;
	s1 =	sshrl.u32 s1, $0x2  }
0xb9: {  	s3 =	sand.u32 $0x4000, s31;
	s1 =	sadd.s32 s1, s30  }
0xba: {  	s0 =	sor.u32 s3, s0;
	s1 =	sshll.u32 s1, $0x11  }
0xbb: {  	s0 =	sor.u32 s1, s0  }
0xbc: {  	s0 =	sadd.s32 $0x8F2B, s0  }
0xbd: {  	[sflag:s0] =	ssyncadd.remote.s32 $0x1  }
0xbe: {  	_ =	sfence.sel $0xFFFF  }
0xbf: {  	[dreg:$0x0] =	wrdreg $0xFFFFFFFF;
	(pc) =	sbr.abs _section_cstart, $3  }
0xc0: {  	[dreg:$0x1] =	wrdreg $0xFFFFFFFF  }
0xc1: {  	_ =	task.clear_ibuf [dreg:s7], $0x2FFFF;
	_ =	strace $0x9FFFFFFF  }
0xc2: {  	(tm) =	ssettm $0x7FFFFFFF  }
0xc3: {  	_ =	shalt  }
tec
execute0_lowered:
.L_overlay_start_1:
0x0: {  	(tag) =	ssettag $0x1  }
0x1: {  	s0 =	rddreg [dreg:$0x0]  }
0x2: {  	s1 =	rddreg [dreg:$0x1]  }
0x3: {  	s3 =	srdreg.scid;
	s8 =	stileid.u32;
	s2 =	simm.s32 $0x0  }
0x4: {  	s16 =	simm.s32 $0x1;
	s17 =	simm.s32 $0x3300;
	s18 =	simm.s32 $0x2  }
0x5: {  	s19 =	simm.s32 $0x1100;
	s20 =	simm.s32 $0x4300;
	s21 =	simm.s32 $0x3  }
0x6: {  	s22 =	simm.s32 $0x4;
	s23 =	simm.s32 $0x2200;
	s24 =	simm.s32 $0x5  }
0x7: {  	s28 =	simm.s32 $0x0;
	s3 =	sand.u32 $0x1, s3;
	s4 =	sshll.u32 s8, $0x1  }
0x8: {  	[smem:$0x7FF] =	sst s2;
	s26 =	sadd.s32 $0xC00, s1;
	p0 =	slt.u32 s8, $0x2  }
0x9: {  	s13 =	sadd.s32 $0x400, s0;
	s30 =	sadd.s32 $0x3D1600, s1;
	s14 =	sor.u32 s3, s4  }
0xa: {  	v0 =	vlaneseq.u32;
	_ =	strace $0x8000004A;
	[dreg:$0x3] =	wrdreg s26;
	s3 =	ssub.s32 $0x2, s3  }
0xb: {  	v1 =	vimm.s32 $0x0;
	vm0 =	vcmask $0x300;
	v0 =	vmul.u32 $0x88, v0;
	s4 =	sadd.s32 $0xE00, s1;
	[dreg:$0x4] =	wrdreg s30;
	s5 =	smul.u32 $0xF4, s14  }
0xc: {  	v1 =	vsel vm0, $0x3, v1;
	s26 =	simm.s32 $0x6;
	s6 =	smin.u32 s14, $0x4;
	s7 =	sshrl.u32 s3, $0x1  }
.Ltmp0:
0xd: {  	v2 =	vadd.s32 $0x880, v0;
	v3 =	vor.u32 $0x1, v0;
	v4 =	vadd.s32 $0x881, v0;
	s3 =	ssub.s32 s3, s7;
	s5 =	sadd.s32 s6, s5;
	(pc) =	sbr.rel .LBB2_1-.Ltmp0, $4  }
0xe: {  	v5 =	vor.u32 $0x2, v0;
	v6 =	vadd.s32 $0x882, v0;
	v7 =	vor.u32 $0x3, v0;
	s6 =	simm.s32 $0xF5;
	s31 =	smax.u32 s3, $0x1;
	s29 =	sshll.u32 s5, $0x9  }
0xf: {  	v8 =	vadd.s32 $0x883, v0;
	v9 =	vor.u32 $0x4, v0;
	v10 =	vadd.s32 $0x884, v0;
	s6 =	simm.s32 @!p0 $0xF4;
	[dreg:$0x5] =	wrdreg s31;
	p0 =	sne.s32 s14, $0x1F  }
0x10: {  	v11 =	vor.u32 $0x5, v0;
	v12 =	vadd.s32 $0x885, v0;
	v13 =	vor.u32 $0x6, v0;
	s7 =	sadd.s32 s0, s29;
	s9 =	sadd.s32 $0xFFFFFFFC, s6;
	s10 =	sadd.s32 $0xFFFFFFFB, s6  }
0x11: {  	v14 =	vadd.s32 $0x886, v0;
	v15 =	vor.u32 $0x7, v0;
	v16 =	vadd.s32 $0x887, v0;
	s11 =	sadd.s32 $0xFFFFFFFA, s6;
	s12 =	sadd.s32 $0xFFFFFFF9, s6;
	s8 =	sadd.s32 $0x200, s7  }
.LBB2_47:
0x12: {  	s28 =	sadd.s32 $0x1, s28;
	s0 =	rddreg [dreg:$0x5]  }
0x13: {  	p1 =	sne.s32 s28, s0  }
.Ltmp1:
0x14: {  	_ = 	snop;
	(pc) =	sbr.rel @!p1 .LBB2_48-.Ltmp1, $1  }
0x15: {  	_ =	sdelay $0x3  }
.LBB2_1:
0x16: {  	s0 =	simm.s32 $0x10  }
0x17: {  	s14 =	sadd.s32 $0x0, s7;
	s1 =	simm.s32 $0x88;
	s3 =	simm.s32 $0x0  }
.LBB2_2:
0x18: {  	[tilespmem:s3], [sflag:$0x1] =	stream.linear.gather [hbm4b:s14+s2], $0x80, $0x38;
	[tilespmem:$0x5B00] =	vst v63  }
0x19: {  	s14 =	smov.u32 s0;
	s3 =	smov.u32 s1;
	p1 =	sne.s32 s0, $0x1F0  }
.Ltmp2:
0x1a: {  	s0 =	sadd.s32 $0x10, s0;
	(pc) =	sbr.rel @p1 .LBB2_2-.Ltmp2, $2  }
0x1b: {  	_ =	sdelay $0x2  }
0x1c: {  	s1 =	sadd.s32 $0x88, s1;
	s14 =	sadd.s32 s14, s7  }
0x1d: {  	[tilespmem:s3], [sflag:$0x1] =	stream.linear.gather [hbm4b:s14+s2], $0x80, $0x38;
	[tilespmem:$0x5B00] =	vst v63  }
0x1e: {  	s29 =	simm.s32 $0x0;
	s0 =	simm.s32 $0x1100  }
0x1f: {  	s1 =	simm.s32 $0x10;
	s14 =	sadd.s32 $0x0, s8;
	s3 =	simm.s32 $0x1188  }
.LBB2_4:
0x20: {  	[tilespmem:s0], [sflag:$0x2] =	stream.linear.gather [hbm4b:s14+s29], $0x80, $0x38;
	[tilespmem:$0x5B00] =	vst v63  }
0x21: {  	s14 =	smov.u32 s1;
	s0 =	smov.u32 s3;
	p1 =	sne.s32 s1, $0x1F0  }
.Ltmp3:
0x22: {  	s1 =	sadd.s32 $0x10, s1;
	(pc) =	sbr.rel @p1 .LBB2_4-.Ltmp3, $2  }
0x23: {  	_ =	sdelay $0x2  }
0x24: {  	s3 =	sadd.s32 $0x88, s3;
	s14 =	sadd.s32 s14, s8  }
.Ltmp4:
0x25: {  	(pc) =	sbr.rel .LBB2_6-.Ltmp4, $2  }
0x26: {  	_ =	sdelay $0x2  }
0x27: {  	[tilespmem:s0], [sflag:$0x2] =	stream.linear.gather [hbm4b:s14+s29], $0x80, $0x38;
	[tilespmem:$0x5B00] =	vst v63  }
.LBB2_42:
0x28: {  	s29 =	sadd.s32 $0x1, s29  }
0x29: {  	p1 =	sne.s32 s29, $0x29  }
.Ltmp5:
0x2a: {  	_ = 	snop;
	(pc) =	sbr.rel @!p1 .LBB2_43-.Ltmp5, $1  }
0x2b: {  	_ =	sdelay $0x3  }
.LBB2_6:
0x2c: {  	s30 =	smul.u32 $0x6, s29;
	_ =	sdelay $0x1  }
0x2d: {  	s0 =	sadd.s32 s5, s30  }
0x2e: {  	s31 =	sshll.u32 s0, $0x9  }
0x2f: {  	s3 =	simm.s32 $0x10;
	s1 =	sadd.s32 s31, s13  }
0x30: {  	s14 =	simm.s32 $0x2288;
	s0 =	simm.s32 $0x2200;
	s25 =	sadd.s32 $0x0, s1  }
.LBB2_7:
0x31: {  	[tilespmem:s0], [sflag:$0x3] =	stream.linear.gather [hbm4b:s25+s2], $0x80, $0x38;
	[tilespmem:$0x5B00] =	vst v63  }
0x32: {  	s25 =	smov.u32 s3;
	s0 =	smov.u32 s14;
	p1 =	sne.s32 s3, $0x1F0  }
.Ltmp6:
0x33: {  	s3 =	sadd.s32 $0x10, s3;
	(pc) =	sbr.rel @p1 .LBB2_7-.Ltmp6, $2  }
0x34: {  	_ =	sdelay $0x2  }
0x35: {  	s14 =	sadd.s32 $0x88, s14;
	s25 =	sadd.s32 s25, s1  }
0x36: {  	s1 =	simm.s32 $0x8  }
0x37: {  	v17 =	vmov s1  }
0x38: {  	s15 =	simm.s32 $0x0;
	v17 =	vshrl.u32 v17, $0x3  }
0x39: {  	v18 =	vmov s15;
	v17 =	vshll.u32 v17, v1  }
0x3a: {  	[tilespmem:s0], [sflag:$0x3] =	stream.linear.gather [hbm4b:s25+s2], $0x80, $0x38;
	v23 =	vbroadcast v17, $0x0;
	v17 =	vshrl.u32 v18, $0x3;
	[tilespmem:$0x5B00] =	vst v63  }
0x3b: {  	s3 =	simm.s32 $0x4;
	_ =	swait.ge [sflag:s16], $0x1000;
	v17 =	vshll.u32 v17, v1  }
0x3c: {  	p1 =	seq.s32 s29, $0x0;
	[sflag:s16] =	ssyncset.done $0x0;
	v18 =	vmov s3;
	v19 =	vadd.s32 v0, v23;
	v21 =	vbroadcast v17, $0x0  }
0x3d: {  	s0 =	simm.s32 @!p1 $0x4;
	[sflag:s16] =	ssyncadd.s32 $0xFFFFF000;
	v17 =	vshrl.u32 v18, $0x3  }
0x3e: {  	_ =	swait.ge @!p1 [sflag:s0], $0x1000;
	v17 =	vshll.u32 v17, v1;
	v18 =	vadd.s32 v0, v21  }
0x3f: {  	[sflag:s0] =	ssyncset.done @!p1 $0x0;
	v24 =	vbroadcast v17, $0x0  }
0x40: {  	[sflag:s0] =	ssyncadd.s32 @!p1 $0xFFFFF000  }
0x41: {  	v17 =	vadd.s32 v9, v24;
	v19 =	vld.idx.msk [tilespmem:v19+s2+$0x0], $0xffff  }
0x42: {  	v20 =	vadd.s32 v2, v23  }
0x43: {  	v18 =	vld.idx.msk [tilespmem:v18+s2+$0x0], $0xffff  }
0x44: {  	v22 =	vadd.s32 v2, v21  }
0x45: {  	s1 =	simm.s32 $0x3400  }
0x46: {  	s14 =	simm.s32 $0xC;
	v17 =	vld.idx.msk [tilespmem:v17+s2+$0x0], $0xffff;
	[tilespmem:s1+$0x0] =	vst v19  }
0x47: {  	v25 =	vmov s14;
	v19 =	vadd.s32 v10, v24;
	v20 =	vld.idx.msk [tilespmem:v20+s2+$0x0], $0xffff  }
0x48: {  	v25 =	vshrl.u32 v25, $0x3;
	[tilespmem:s1+$0xFFFFFF00] =	vst v18;
	v18 =	vadd.s32 v3, v23  }
0x49: {  	v25 =	vshll.u32 v25, v1;
	v22 =	vld.idx.msk [tilespmem:v22+s2+$0x0], $0xffff  }
0x4a: {  	v25 =	vbroadcast v25, $0x0;
	v26 =	vadd.s32 v3, v21  }
0x4b: {  	s15 =	simm.s32 $0x14;
	[tilespmem:s1+$0xFFFFFF80] =	vst v17  }
0x4c: {  	s25 =	simm.s32 $0x18;
	v28 =	vadd.s32 v4, v23;
	v30 =	vadd.s32 v9, v25;
	v17 =	vmov s15;
	v19 =	vld.idx.msk [tilespmem:v19+s2+$0x0], $0xffff;
	[tilespmem:s1+$0x10] =	vst v20  }
0x4d: {  	s3 =	simm.s32 $0x10;
	v27 =	vadd.s32 v11, v24;
	v17 =	vshrl.u32 v17, $0x3;
	v29 =	vld.idx.msk [tilespmem:v18+s2+$0x0], $0xffff;
	v18 =	vmov s25  }
0x4e: {  	v17 =	vshll.u32 v17, v1;
	v20 =	vmov s3;
	[tilespmem:s1+$0xFFFFFF10] =	vst v22;
	v18 =	vshrl.u32 v18, $0x3  }
0x4f: {  	v17 =	vbroadcast v17, $0x0;
	v20 =	vshrl.u32 v20, $0x3;
	v22 =	vld.idx.msk [tilespmem:v26+s2+$0x0], $0xffff;
	v18 =	vshll.u32 v18, v1  }
0x50: {  	v20 =	vshll.u32 v20, v1;
	v26 =	vadd.s32 v4, v21;
	v18 =	vbroadcast v18, $0x0  }
0x51: {  	v20 =	vbroadcast v20, $0x0;
	[tilespmem:s1+$0xFFFFFF90] =	vst v19;
	v19 =	vadd.s32 v9, v17  }
0x52: {  	v30 =	vld.idx.msk [tilespmem:v30+s2+$0x0], $0xffff;
	[tilespmem:s1+$0x20] =	vst v29;
	v29 =	vadd.s32 v0, v18  }
0x53: {  	v31 =	vadd.s32 v0, v20;
	v28 =	vld.idx.msk [tilespmem:v28+s2+$0x0], $0xffff  }
0x54: {  	v32 =	vadd.s32 v5, v23;
	v27 =	vld.idx.msk [tilespmem:v27+s2+$0x0], $0xffff;
	[tilespmem:s1+$0xFFFFFF20] =	vst v22  }
0x55: {  	v22 =	vld.idx.msk [tilespmem:v26+s2+$0x0], $0xffff;
	v26 =	vadd.s32 v10, v25  }
0x56: {  	v33 =	vadd.s32 v5, v21;
	v19 =	vld.idx.msk [tilespmem:v19+s2+$0x0], $0xffff  }
0x57: {  	v34 =	vadd.s32 v10, v17;
	v29 =	vld.idx.msk [tilespmem:v29+s2+$0x0], $0xffff  }
0x58: {  	[tilespmem:s1+$0x30] =	vst v28;
	v28 =	vld.idx.msk [tilespmem:v31+s2+$0x0], $0xffff;
	v31 =	vadd.s32 v2, v18  }
0x59: {  	[tilespmem:s1+$0x80] =	vst v30;
	v30 =	vadd.s32 v2, v20;
	v32 =	vld.idx.msk [tilespmem:v32+s2+$0x0], $0xffff  }
0x5a: {  	v35 =	vadd.s32 v6, v23;
	s0 =	simm.s32 $0x3600;
	[tilespmem:s1+$0xFFFFFF30] =	vst v22;
	v22 =	vld.idx.msk [tilespmem:v26+s2+$0x0], $0xffff  }
0x5b: {  	v41 =	vadd.s32 v12, v24;
	[tilespmem:s0+$0xFFFFFF80] =	vst v19;
	v26 =	vld.idx.msk [tilespmem:v33+s2+$0x0], $0xffff  }
0x5c: {  	v19 =	vadd.s32 v11, v25;
	[tilespmem:s0+$0x0] =	vst v29;
	v29 =	vld.idx.msk [tilespmem:v34+s2+$0x0], $0xffff  }
0x5d: {  	v39 =	vadd.s32 v6, v21;
	v31 =	vld.idx.msk [tilespmem:v31+s2+$0x0], $0xffff;
	[tilespmem:s0+$0xFFFFFF00] =	vst v28  }
0x5e: {  	v40 =	vadd.s32 v11, v17;
	[tilespmem:s1+$0x40] =	vst v32;
	v28 =	vld.idx.msk [tilespmem:v30+s2+$0x0], $0xffff  }
0x5f: {  	[tilespmem:s1+$0xFFFFFFA0] =	vst v27;
	v30 =	vadd.s32 v3, v18;
	v32 =	vld.idx.msk [tilespmem:v35+s2+$0x0], $0xffff  }
0x60: {  	s14 =	simm.s32 $0x1C;
	[tilespmem:s1+$0x90] =	vst v22;
	v22 =	vadd.s32 v3, v20;
	v35 =	vld.idx.msk [tilespmem:v41+s2+$0x0], $0xffff  }
0x61: {  	v36 =	vadd.s32 v13, v24;
	[tilespmem:s1+$0xFFFFFF40] =	vst v26;
	v26 =	vld.idx.msk [tilespmem:v19+s2+$0x0], $0xffff;
	v19 =	vmov s14  }
0x62: {  	v33 =	vld.idx.msk [tilespmem:v39+s2+$0x0], $0xffff;
	[tilespmem:s0+$0xFFFFFF90] =	vst v29;
	v29 =	vadd.s32 v12, v25;
	v19 =	vshrl.u32 v19, $0x3  }
0x63: {  	v34 =	vld.idx.msk [tilespmem:v40+s2+$0x0], $0xffff;
	[tilespmem:s0+$0x10] =	vst v31;
	v31 =	vadd.s32 v7, v21;
	v19 =	vshll.u32 v19, v1  }
0x64: {  	v30 =	vld.idx.msk [tilespmem:v30+s2+$0x0], $0xffff;
	[tilespmem:s0+$0xFFFFFF10] =	vst v28;
	v28 =	vadd.s32 v7, v23;
	v19 =	vbroadcast v19, $0x0  }
0x65: {  	s14 =	simm.s32 $0x20;
	v27 =	vld.idx.msk [tilespmem:v22+s2+$0x0], $0xffff;
	v22 =	vadd.s32 v4, v18;
	[tilespmem:s1+$0xFFFFFFB0] =	vst v35  }
0x66: {  	v46 =	vadd.s32 v8, v23;
	v23 =	vmov s14;
	[tilespmem:s1+$0xA0] =	vst v26;
	v26 =	vadd.s32 v9, v19;
	v35 =	vld.idx.msk [tilespmem:v36+s2+$0x0], $0xffff  }
0x67: {  	v37 =	vadd.s32 v4, v20;
	v23 =	vshrl.u32 v23, $0x3;
	[tilespmem:s1+$0xFFFFFF50] =	vst v33;
	v29 =	vld.idx.msk [tilespmem:v29+s2+$0x0], $0xffff  }
0x68: {  	v47 =	vadd.s32 v14, v24;
	s15 =	simm.s32 $0x24;
	[tilespmem:s1+$0x50] =	vst v32;
	v23 =	vshll.u32 v23, v1;
	v31 =	vld.idx.msk [tilespmem:v31+s2+$0x0], $0xffff  }
0x69: {  	v43 =	vadd.s32 v13, v25;
	v42 =	vmov s15;
	v23 =	vbroadcast v23, $0x0;
	[tilespmem:s0+$0x20] =	vst v30;
	v28 =	vld.idx.msk [tilespmem:v28+s2+$0x0], $0xffff  }
0x6a: {  	v45 =	vadd.s32 v8, v21;
	s25 =	simm.s32 $0x28;
	v30 =	vshrl.u32 v42, $0x3;
	v38 =	vld.idx.msk [tilespmem:v22+s2+$0x0], $0xffff  }
0x6b: {  	v44 =	vmov s25;
	v49 =	vadd.s32 v0, v23;
	v22 =	vshll.u32 v30, v1;
	[tilespmem:s0+$0xFFFFFF20] =	vst v27;
	v26 =	vld.idx.msk [tilespmem:v26+s2+$0x0], $0xffff  }
0x6c: {  	v30 =	vshrl.u32 v44, $0x3;
	v21 =	vbroadcast v22, $0x0;
	v37 =	vld.idx.msk [tilespmem:v37+s2+$0x0], $0xffff;
	[tilespmem:s1+$0xFFFFFFC0] =	vst v35  }
0x6d: {  	v22 =	vshll.u32 v30, v1;
	v30 =	vadd.s32 v5, v18;
	[tilespmem:s1+$0xB0] =	vst v29;
	v32 =	vld.idx.msk [tilespmem:v47+s2+$0x0], $0xffff  }
0x6e: {  	v22 =	vbroadcast v22, $0x0;
	v29 =	vadd.s32 v9, v21;
	v33 =	vld.idx.msk [tilespmem:v43+s2+$0x0], $0xffff;
	[tilespmem:s1+$0xFFFFFF60] =	vst v31  }
0x6f: {  	v52 =	vadd.s32 v10, v19;
	[tilespmem:s0+$0xFFFFFFA0] =	vst v34;
	v31 =	vld.idx.msk [tilespmem:v45+s2+$0x0], $0xffff  }
0x70: {  	v39 =	vadd.s32 v0, v22;
	[tilespmem:s1+$0x60] =	vst v28;
	v54 =	vld.idx.msk [tilespmem:v49+s2+$0x0], $0xffff  }
0x71: {  	v28 =	vadd.s32 v14, v25;
	[tilespmem:s0+$0x30] =	vst v38;
	v27 =	vld.idx.msk [tilespmem:v46+s2+$0x0], $0xffff  }
0x72: {  	v48 =	vadd.s32 v5, v20;
	v30 =	vld.idx.msk [tilespmem:v30+s2+$0x0], $0xffff;
	[tilespmem:s0+$0xFFFFFF30] =	vst v37  }
0x73: {  	v56 =	vadd.s32 v2, v23;
	[tilespmem:s0+$0x80] =	vst v26;
	v29 =	vld.idx.msk [tilespmem:v29+s2+$0x0], $0xffff  }
0x74: {  	v51 =	vadd.s32 v6, v18;
	[tilespmem:s1+$0xC0] =	vst v33;
	v33 =	vld.idx.msk [tilespmem:v52+s2+$0x0], $0xffff  }
0x75: {  	s25 =	simm.s32 $0x3800;
	v53 =	vadd.s32 v10, v21;
	v50 =	vld.idx.msk [tilespmem:v39+s2+$0x0], $0xffff;
	[tilespmem:s1+$0xFFFFFF70] =	vst v31  }
0x76: {  	v59 =	vadd.s32 v11, v19;
	v28 =	vld.idx.msk [tilespmem:v28+s2+$0x0], $0xffff;
	[tilespmem:s25+$0xFFFFFF00] =	vst v54  }
0x77: {  	v31 =	vld.idx.msk [tilespmem:v48+s2+$0x0], $0xffff;
	[tilespmem:s0+$0x40] =	vst v30;
	v30 =	vadd.s32 v15, v24  }
0x78: {  	v55 =	vadd.s32 v2, v22;
	[tilespmem:s1+$0xFFFFFFD0] =	vst v32;
	v34 =	vld.idx.msk [tilespmem:v56+s2+$0x0], $0xffff  }
0x79: {  	v58 =	vadd.s32 v6, v20;
	v26 =	vld.idx.msk [tilespmem:v51+s2+$0x0], $0xffff;
	[tilespmem:s25+$0xFFFFFF80] =	vst v29  }
0x7a: {  	v29 =	vadd.s32 v15, v25;
	[tilespmem:s0+$0x90] =	vst v33;
	v57 =	vld.idx.msk [tilespmem:v53+s2+$0x0], $0xffff  }
0x7b: {  	[tilespmem:s1+$0xD0] =	vst v28;
	v28 =	vadd.s32 v11, v21;
	v62 =	vld.idx.msk [tilespmem:v59+s2+$0x0], $0xffff  }
0x7c: {  	v61 =	vadd.s32 v3, v23;
	[tilespmem:s25+$0x0] =	vst v50;
	v30 =	vld.idx.msk [tilespmem:v30+s2+$0x0], $0xffff  }
0x7d: {  	v24 =	vadd.s32 v16, v24;
	[tilespmem:s0+$0xFFFFFF40] =	vst v31;
	v36 =	vld.idx.msk [tilespmem:v55+s2+$0x0], $0xffff  }
0x7e: {  	v60 =	vadd.s32 v3, v22;
	v37 =	vld.idx.msk [tilespmem:v58+s2+$0x0], $0xffff;
	[tilespmem:s25+$0xFFFFFF10] =	vst v34  }
0x7f: {  	v41 =	vadd.s32 v12, v19;
	v31 =	vld.idx.msk [tilespmem:v29+s2+$0x0], $0xffff;
	[tilespmem:s25+$0xFFFFFF90] =	vst v57  }
0x80: {  	s15 =	simm.s32 $0x2C;
	v25 =	vadd.s32 v16, v25;
	[tilespmem:s0+$0x50] =	vst v26;
	v63 =	vld.idx.msk [tilespmem:v28+s2+$0x0], $0xffff  }
0x81: {  	v40 =	vadd.s32 v12, v17;
	v26 =	vmov s15;
	v28 =	vld.idx.msk [tilespmem:v61+s2+$0x0], $0xffff;
	[tilespmem:s1+$0xFFFFFFE0] =	vst v30  }
0x82: {  	[tilespmem:s25+$0x10] =	vst v36;
	v36 =	vadd.s32 v7, v20;
	v29 =	vld.idx.msk [tilespmem:v24+s2+$0x0], $0xffff;
	v24 =	vshrl.u32 v26, $0x3  }
0x83: {  	v34 =	vadd.s32 v7, v18;
	[tilespmem:s0+$0xA0] =	vst v62;
	v32 =	vld.idx.msk [tilespmem:v60+s2+$0x0], $0xffff;
	v24 =	vshll.u32 v24, v1  }
0x84: {  	v35 =	vadd.s32 v4, v22;
	v33 =	vld.idx.msk [tilespmem:v41+s2+$0x0], $0xffff;
	[tilespmem:s1+$0xE0] =	vst v31;
	v24 =	vbroadcast v24, $0x0  }
0x85: {  	[tilespmem:s0+$0xFFFFFF50] =	vst v37;
	v26 =	vadd.s32 v13, v17;
	v30 =	vld.idx.msk [tilespmem:v25+s2+$0x0], $0xffff  }
0x86: {  	s3 =	simm.s32 $0x8;
	s14 =	simm.s32 $0x30;
	v31 =	vld.idx.msk [tilespmem:v40+s2+$0x0], $0xffff;
	v25 =	vadd.s32 v13, v21;
	[tilespmem:s25+$0xFFFFFFA0] =	vst v63;
	v37 =	vadd.s32 v9, v24  }
.LBB2_9:
0x87: {  	s15 =	sadd.s32 $0x4, s14;
	s3 =	sadd.s32 $0x4, s3;
	v36 =	vld.idx.msk [tilespmem:v36+s2+$0x0], $0xffff;
	[tilespmem:s1+$0x70] =	vst v27  }
0x88: {  	v27 =	vmov s15;
	s15 =	sadd.s32 $0x8, s14;
	p2 =	slt.u32 s3, $0x1C;
	[tilespmem:s25+$0x20] =	vst v32;
	v32 =	vld.idx.msk [tilespmem:v34+s2+$0x0], $0xffff;
	v34 =	vadd.s32 v13, v19  }
0x89: {  	v39 =	vadd.s32 v4, v23;
	v27 =	vshrl.u32 v27, $0x3;
	v38 =	vmov s15;
	v35 =	vld.idx.msk [tilespmem:v35+s2+$0x0], $0xffff;
	[tilespmem:s1+$0xFFFFFFF0] =	vst v29  }
0x8a: {  	v27 =	vshll.u32 v27, v1;
	v29 =	vshrl.u32 v38, $0x3;
	v38 =	vadd.s32 v8, v20;
	[tilespmem:s1+$0xF0] =	vst v30;
	v20 =	vmovc v23;
	s1 =	smov.u32 s0;
	s0 =	smov.u32 s25  }
0x8b: {  	v30 =	vbroadcast v27, $0x0;
	v23 =	vshll.u32 v29, v1;
	v27 =	vadd.s32 v5, v22;
	v29 =	vld.idx.msk [tilespmem:v37+s2+$0x0], $0xffff;
	[tilespmem:s1+$0xFFFFFFB0] =	vst v31  }
0x8c: {  	v40 =	vadd.s32 v8, v18;
	v18 =	vmovc v22;
	v31 =	vmov s14;
	v37 =	vld.idx.msk [tilespmem:v26+s2+$0x0], $0xffff;
	[tilespmem:s1+$0xB0] =	vst v33;
	v22 =	vbroadcast v23, $0x0;
	v26 =	vmovc v25  }
0x8d: {  	v23 =	vshrl.u32 v31, $0x3;
	v31 =	vadd.s32 v9, v30;
	v25 =	vadd.s32 v13, v30;
	[tilespmem:s25+$0xFFFFFF20] =	vst v28;
	v28 =	vld.idx.msk [tilespmem:v34+s2+$0x0], $0xffff  }
0x8e: {  	v23 =	vshll.u32 v23, v1;
	v33 =	vadd.s32 v0, v22;
	v34 =	vld.idx.msk [tilespmem:v39+s2+$0x0], $0xffff;
	[tilespmem:s1+$0xFFFFFF60] =	vst v36  }
0x8f: {  	v23 =	vbroadcast v23, $0x0;
	v36 =	vadd.s32 v14, v17;
	[tilespmem:s25+$0x30] =	vst v35;
	v35 =	vld.idx.msk [tilespmem:v38+s2+$0x0], $0xffff  }
0x90: {  	v38 =	vld.idx.msk [tilespmem:v27+s2+$0x0], $0xffff;
	[tilespmem:s1+$0x60] =	vst v32;
	v32 =	vadd.s32 v14, v19  }
0x91: {  	v41 =	vadd.s32 v5, v20;
	v39 =	vadd.s32 v0, v23;
	v27 =	vld.idx.msk [tilespmem:v40+s2+$0x0], $0xffff  }
0x92: {  	v31 =	vld.idx.msk [tilespmem:v31+s2+$0x0], $0xffff;
	[tilespmem:s1+$0xFFFFFFC0] =	vst v37  }
0x93: {  	v37 =	vadd.s32 v6, v18;
	v33 =	vld.idx.msk [tilespmem:v33+s2+$0x0], $0xffff;
	[tilespmem:s1+$0xC0] =	vst v28  }
0x94: {  	v28 =	vadd.s32 v10, v30;
	[tilespmem:s25+$0xFFFFFF30] =	vst v34;
	v34 =	vadd.s32 v10, v24;
	v36 =	vld.idx.msk [tilespmem:v36+s2+$0x0], $0xffff  }
0x95: {  	[tilespmem:s1+$0xFFFFFF70] =	vst v35;
	v32 =	vld.idx.msk [tilespmem:v32+s2+$0x0], $0xffff  }
0x96: {  	v35 =	vld.idx.msk [tilespmem:v41+s2+$0x0], $0xffff;
	[tilespmem:s25+$0x40] =	vst v38;
	v38 =	vadd.s32 v15, v17  }
0x97: {  	v40 =	vadd.s32 v2, v22;
	s25 =	sadd.s32 $0x200, s25;
	v39 =	vld.idx.msk [tilespmem:v39+s2+$0x0], $0xffff;
	[tilespmem:s0+$0x80] =	vst v29  }
0x98: {  	v29 =	vadd.s32 v2, v23;
	[tilespmem:s25+$0xFFFFFF80] =	vst v31;
	v31 =	vld.idx.msk [tilespmem:v37+s2+$0x0], $0xffff;
	v37 =	vadd.s32 v15, v19  }
0x99: {  	[tilespmem:s25+$0x0] =	vst v33;
	v33 =	vld.idx.msk [tilespmem:v34+s2+$0x0], $0xffff  }
0x9a: {  	v34 =	vadd.s32 v6, v20;
	v28 =	vld.idx.msk [tilespmem:v28+s2+$0x0], $0xffff;
	[tilespmem:s1+$0xFFFFFFD0] =	vst v36  }
0x9b: {  	v36 =	vadd.s32 v11, v24;
	v38 =	vld.idx.msk [tilespmem:v38+s2+$0x0], $0xffff;
	[tilespmem:s1+$0xD0] =	vst v32  }
0x9c: {  	v32 =	vadd.s32 v11, v30;
	v40 =	vld.idx.msk [tilespmem:v40+s2+$0x0], $0xffff;
	[tilespmem:s0+$0xFFFFFF40] =	vst v35  }
0x9d: {  	v35 =	vadd.s32 v16, v17;
	v17 =	vmov v21;
	v21 =	vmov v30;
	[tilespmem:s25+$0xFFFFFF00] =	vst v39;
	v37 =	vld.idx.msk [tilespmem:v37+s2+$0x0], $0xffff  }
0x9e: {  	v39 =	vadd.s32 v3, v22;
	v30 =	vld.idx.msk [tilespmem:v29+s2+$0x0], $0xffff;
	[tilespmem:s0+$0x50] =	vst v31  }
0x9f: {  	v31 =	vld.idx.msk [tilespmem:v34+s2+$0x0], $0xffff;
	[tilespmem:s0+$0x90] =	vst v33;
	v33 =	vadd.s32 v16, v19;
	v19 =	vmov v24  }
0xa0: {  	v24 =	vadd.s32 v3, v23;
	[tilespmem:s25+$0xFFFFFF90] =	vst v28;
	v41 =	vld.idx.msk [tilespmem:v36+s2+$0x0], $0xffff  }
0xa1: {  	s15 =	sadd.s32 $0xC, s14;
	v43 =	vadd.s32 v12, v17;
	v42 =	vld.idx.msk [tilespmem:v32+s2+$0x0], $0xffff;
	[tilespmem:s1+$0xFFFFFFE0] =	vst v38  }
0xa2: {  	v28 =	vmov s15;
	v38 =	vadd.s32 v12, v19;
	[tilespmem:s25+$0x10] =	vst v40;
	v29 =	vld.idx.msk [tilespmem:v35+s2+$0x0], $0xffff  }
.Ltmp7:
0xa3: {  	v36 =	vadd.s32 v7, v20;
	v28 =	vshrl.u32 v28, $0x3;
	v32 =	vld.idx.msk [tilespmem:v39+s2+$0x0], $0xffff;
	[tilespmem:s1+$0xE0] =	vst v37;
	(pc) =	sbr.rel @p2 .LBB2_9-.Ltmp7, $4  }
0xa4: {  	v34 =	vadd.s32 v7, v18;
	v37 =	vshll.u32 v28, v1;
	[tilespmem:s25+$0xFFFFFF10] =	vst v30;
	v30 =	vld.idx.msk [tilespmem:v33+s2+$0x0], $0xffff  }
0xa5: {  	v35 =	vadd.s32 v4, v22;
	v28 =	vld.idx.msk [tilespmem:v24+s2+$0x0], $0xffff;
	v24 =	vbroadcast v37, $0x0;
	[tilespmem:s0+$0xFFFFFF50] =	vst v31  }
0xa6: {  	v31 =	vld.idx.msk [tilespmem:v43+s2+$0x0], $0xffff;
	[tilespmem:s0+$0xA0] =	vst v41  }
0xa7: {  	s14 =	sadd.s32 $0x10, s14;
	[tilespmem:s25+$0xFFFFFFA0] =	vst v42;
	v37 =	vadd.s32 v9, v24;
	v33 =	vld.idx.msk [tilespmem:v38+s2+$0x0], $0xffff  }
0xa8: {  	_ =	sdelay $0x3  }
0xa9: {  	v37 =	vld.idx.msk [tilespmem:v37+s2+$0x0], $0xffff  }
0xaa: {  	v38 =	vadd.s32 v10, v24;
	_ =	sdelay $0x3  }
0xab: {  	[tilespmem:s25+$0x80] =	vst v37  }
0xac: {  	v37 =	vld.idx.msk [tilespmem:v38+s2+$0x0], $0xffff  }
0xad: {  	[tilespmem:s1+$0x70] =	vst v27;
	v59 =	vadd.s32 v11, v24  }
0xae: {  	[tilespmem:s25+$0x20] =	vst v32  }
0xaf: {  	[tilespmem:s1+$0xFFFFFFF0] =	vst v29  }
0xb0: {  	v60 =	vld.idx.msk [tilespmem:v36+s2+$0x0], $0xffff;
	v61 =	vadd.s32 v4, v23;
	[tilespmem:s1+$0xF0] =	vst v30  }
0xb1: {  	v63 =	vadd.s32 v12, v21;
	v34 =	vld.idx.msk [tilespmem:v34+s2+$0x0], $0xffff;
	[tilespmem:s25+$0x90] =	vst v37  }
0xb2: {  	v62 =	vadd.s32 v13, v19;
	[tilespmem:s25+$0xFFFFFF20] =	vst v28;
	v27 =	vld.idx.msk [tilespmem:v59+s2+$0x0], $0xffff  }
0xb3: {  	v36 =	vadd.s32 v12, v24;
	v35 =	vld.idx.msk [tilespmem:v35+s2+$0x0], $0xffff;
	[tilespmem:s0+$0xFFFFFFB0] =	vst v31  }
0xb4: {  	v20 =	vadd.s32 v8, v20;
	[tilespmem:s0+$0xB0] =	vst v33;
	v26 =	vld.idx.msk [tilespmem:v26+s2+$0x0], $0xffff  }
0xb5: {  	v18 =	vadd.s32 v8, v18;
	v32 =	vld.idx.msk [tilespmem:v61+s2+$0x0], $0xffff;
	[tilespmem:s0+$0xFFFFFF60] =	vst v60  }
0xb6: {  	v39 =	vadd.s32 v5, v23;
	v31 =	vld.idx.msk [tilespmem:v63+s2+$0x0], $0xffff;
	[tilespmem:s0+$0x60] =	vst v34  }
0xb7: {  	v38 =	vld.idx.msk [tilespmem:v62+s2+$0x0], $0xffff;
	[tilespmem:s25+$0xA0] =	vst v27  }
0xb8: {  	[tilespmem:s25+$0x30] =	vst v35;
	v37 =	vadd.s32 v5, v22;
	v27 =	vld.idx.msk [tilespmem:v36+s2+$0x0], $0xffff  }
0xb9: {  	v41 =	vadd.s32 v13, v24;
	v20 =	vld.idx.msk [tilespmem:v20+s2+$0x0], $0xffff;
	[tilespmem:s0+$0xFFFFFFC0] =	vst v26  }
0xba: {  	v40 =	vadd.s32 v14, v17;
	v18 =	vld.idx.msk [tilespmem:v18+s2+$0x0], $0xffff;
	[tilespmem:s25+$0xFFFFFF30] =	vst v32  }
0xbb: {  	v42 =	vadd.s32 v14, v19;
	[tilespmem:s25+$0xFFFFFFB0] =	vst v31;
	v44 =	vld.idx.msk [tilespmem:v39+s2+$0x0], $0xffff  }
0xbc: {  	v46 =	vadd.s32 v6, v23;
	[tilespmem:s0+$0xC0] =	vst v38;
	v25 =	vld.idx.msk [tilespmem:v25+s2+$0x0], $0xffff  }
0xbd: {  	v49 =	vadd.s32 v14, v21;
	v28 =	vld.idx.msk [tilespmem:v37+s2+$0x0], $0xffff;
	[tilespmem:s25+$0xB0] =	vst v27  }
0xbe: {  	v43 =	vadd.s32 v6, v22;
	[tilespmem:s0+$0xFFFFFF70] =	vst v20;
	v48 =	vld.idx.msk [tilespmem:v41+s2+$0x0], $0xffff  }
0xbf: {  	v51 =	vadd.s32 v14, v24;
	v45 =	vld.idx.msk [tilespmem:v40+s2+$0x0], $0xffff;
	[tilespmem:s0+$0x70] =	vst v18  }
0xc0: {  	v47 =	vadd.s32 v15, v17;
	v50 =	vld.idx.msk [tilespmem:v42+s2+$0x0], $0xffff;
	[tilespmem:s25+$0xFFFFFF40] =	vst v44  }
0xc1: {  	v52 =	vadd.s32 v15, v19;
	[tilespmem:s25+$0xFFFFFFC0] =	vst v25;
	v29 =	vld.idx.msk [tilespmem:v46+s2+$0x0], $0xffff  }
0xc2: {  	v53 =	vadd.s32 v7, v23;
	v55 =	vld.idx.msk [tilespmem:v49+s2+$0x0], $0xffff;
	[tilespmem:s25+$0x40] =	vst v28  }
0xc3: {  	v57 =	vadd.s32 v15, v21;
	v32 =	vld.idx.msk [tilespmem:v43+s2+$0x0], $0xffff;
	[tilespmem:s25+$0xC0] =	vst v48  }
0xc4: {  	v54 =	vadd.s32 v7, v22;
	[tilespmem:s0+$0xFFFFFFD0] =	vst v45;
	v56 =	vld.idx.msk [tilespmem:v51+s2+$0x0], $0xffff  }
0xc5: {  	v59 =	vadd.s32 v15, v24;
	v30 =	vld.idx.msk [tilespmem:v47+s2+$0x0], $0xffff;
	[tilespmem:s0+$0xD0] =	vst v50  }
0xc6: {  	v17 =	vadd.s32 v16, v17;
	v58 =	vld.idx.msk [tilespmem:v52+s2+$0x0], $0xffff;
	[tilespmem:s25+$0xFFFFFF50] =	vst v29  }
0xc7: {  	v19 =	vadd.s32 v16, v19;
	[tilespmem:s25+$0xFFFFFFD0] =	vst v55;
	v29 =	vld.idx.msk [tilespmem:v53+s2+$0x0], $0xffff  }
0xc8: {  	v60 =	vadd.s32 v8, v23;
	v62 =	vld.idx.msk [tilespmem:v57+s2+$0x0], $0xffff;
	[tilespmem:s25+$0x50] =	vst v32  }
0xc9: {  	v63 =	vadd.s32 v16, v21;
	v25 =	vld.idx.msk [tilespmem:v54+s2+$0x0], $0xffff;
	[tilespmem:s25+$0xD0] =	vst v56  }
0xca: {  	v61 =	vadd.s32 v8, v22;
	[tilespmem:s0+$0xFFFFFFE0] =	vst v30;
	v26 =	vld.idx.msk [tilespmem:v59+s2+$0x0], $0xffff  }
0xcb: {  	v18 =	vadd.s32 v16, v24;
	v17 =	vld.idx.msk [tilespmem:v17+s2+$0x0], $0xffff;
	[tilespmem:s0+$0xE0] =	vst v58  }
0xcc: {  	v19 =	vld.idx.msk [tilespmem:v19+s2+$0x0], $0xffff;
	[tilespmem:s25+$0xFFFFFF60] =	vst v29  }
0xcd: {  	[tilespmem:s25+$0xFFFFFFE0] =	vst v62;
	v23 =	vld.idx.msk [tilespmem:v60+s2+$0x0], $0xffff  }
0xce: {  	v21 =	vld.idx.msk [tilespmem:v63+s2+$0x0], $0xffff;
	[tilespmem:s25+$0x60] =	vst v25  }
0xcf: {  	v20 =	vld.idx.msk [tilespmem:v61+s2+$0x0], $0xffff;
	[tilespmem:s25+$0xE0] =	vst v26  }
0xd0: {  	[tilespmem:s0+$0xFFFFFFF0] =	vst v17;
	v17 =	vld.idx.msk [tilespmem:v18+s2+$0x0], $0xffff  }
0xd1: {  	[tilespmem:s0+$0xF0] =	vst v19  }
0xd2: {  	[tilespmem:s25+$0xFFFFFF70] =	vst v23  }
0xd3: {  	[tilespmem:s25+$0xFFFFFFF0] =	vst v21  }
0xd4: {  	s14 =	sand.u32 $0x1FFFFE00, s31;
	[tilespmem:s25+$0x70] =	vst v20  }
0xd5: {  	s15 =	sadd.s32 s4, s14;
	s0 =	simm.s32 $0x0;
	[tilespmem:s25+$0xF0] =	vst v17;
	s25 =	sadd.s32 s30, s5  }
0xd6: {  	[hbm4b:s15+s0] =	stream.linear.scatter [tilespmem:s17], [sflag:$0x4], $0x1000, $0x38;
	[tilespmem:$0x5B00] =	vst v63  }
0xd7: {  	s1 =	sshll.u32 s25, $0x9  }
0xd8: {  	s31 =	sadd.s32 $0x200, s1  }
0xd9: {  	s1 =	sadd.s32 s31, s13  }
0xda: {  	s3 =	simm.s32 $0x10;
	s14 =	simm.s32 $0x88;
	s25 =	sadd.s32 $0x0, s1  }
.LBB2_11:
0xdb: {  	[tilespmem:s0], [sflag:$0x1] =	stream.linear.gather [hbm4b:s25+s2], $0x80, $0x38;
	[tilespmem:$0x5B00] =	vst v63  }
0xdc: {  	s15 =	smov.u32 s3;
	s0 =	smov.u32 s14;
	p2 =	sne.s32 s3, $0x1F0  }
.Ltmp8:
0xdd: {  	s3 =	sadd.s32 $0x10, s3;
	(pc) =	sbr.rel @p2 .LBB2_11-.Ltmp8, $2  }
0xde: {  	_ =	sdelay $0x2  }
0xdf: {  	s14 =	sadd.s32 $0x88, s14;
	s25 =	sadd.s32 s15, s1  }
0xe0: {  	s1 =	simm.s32 $0x8  }
0xe1: {  	v17 =	vmov s1  }
0xe2: {  	s15 =	simm.s32 $0x0;
	v17 =	vshrl.u32 v17, $0x3  }
0xe3: {  	v18 =	vmov s15;
	v17 =	vshll.u32 v17, v1  }
0xe4: {  	[tilespmem:s0], [sflag:$0x1] =	stream.linear.gather [hbm4b:s25+s2], $0x80, $0x38;
	v23 =	vbroadcast v17, $0x0;
	v17 =	vshrl.u32 v18, $0x3;
	[tilespmem:$0x5B00] =	vst v63  }
0xe5: {  	s3 =	simm.s32 $0x4;
	_ =	swait.ge [sflag:s18], $0x1000;
	v17 =	vshll.u32 v17, v1  }
0xe6: {  	[sflag:s18] =	ssyncset.done $0x0;
	v18 =	vmov s3;
	v19 =	vadd.s32 v0, v23;
	v21 =	vbroadcast v17, $0x0  }
0xe7: {  	s0 =	simm.s32 @!p1 $0x5;
	[sflag:s18] =	ssyncadd.s32 $0xFFFFF000;
	v17 =	vshrl.u32 v18, $0x3  }
0xe8: {  	_ =	swait.ge @!p1 [sflag:s0], $0x1000;
	v17 =	vshll.u32 v17, v1;
	v18 =	vadd.s32 v0, v21  }
0xe9: {  	[sflag:s0] =	ssyncset.done @!p1 $0x0;
	v24 =	vbroadcast v17, $0x0  }
0xea: {  	[sflag:s0] =	ssyncadd.s32 @!p1 $0xFFFFF000  }
0xeb: {  	v17 =	vadd.s32 v9, v24;
	v19 =	vld.idx.msk [tilespmem:v19+s19+$0x0], $0xffff  }
0xec: {  	v20 =	vadd.s32 v2, v23  }
0xed: {  	v18 =	vld.idx.msk [tilespmem:v18+s19+$0x0], $0xffff  }
0xee: {  	v22 =	vadd.s32 v2, v21  }
0xef: {  	s1 =	simm.s32 $0x4400  }
0xf0: {  	s14 =	simm.s32 $0xC;
	v17 =	vld.idx.msk [tilespmem:v17+s19+$0x0], $0xffff;
	[tilespmem:s1+$0x0] =	vst v19  }
0xf1: {  	v25 =	vmov s14;
	v19 =	vadd.s32 v10, v24;
	v20 =	vld.idx.msk [tilespmem:v20+s19+$0x0], $0xffff  }
0xf2: {  	v25 =	vshrl.u32 v25, $0x3;
	[tilespmem:s1+$0xFFFFFF00] =	vst v18;
	v18 =	vadd.s32 v3, v23  }
0xf3: {  	v25 =	vshll.u32 v25, v1;
	v22 =	vld.idx.msk [tilespmem:v22+s19+$0x0], $0xffff  }
0xf4: {  	v25 =	vbroadcast v25, $0x0;
	v26 =	vadd.s32 v3, v21  }
0xf5: {  	s15 =	simm.s32 $0x14;
	[tilespmem:s1+$0xFFFFFF80] =	vst v17  }
0xf6: {  	s25 =	simm.s32 $0x18;
	v28 =	vadd.s32 v4, v23;
	v30 =	vadd.s32 v9, v25;
	v17 =	vmov s15;
	v19 =	vld.idx.msk [tilespmem:v19+s19+$0x0], $0xffff;
	[tilespmem:s1+$0x10] =	vst v20  }
0xf7: {  	s3 =	simm.s32 $0x10;
	v27 =	vadd.s32 v11, v24;
	v17 =	vshrl.u32 v17, $0x3;
	v29 =	vld.idx.msk [tilespmem:v18+s19+$0x0], $0xffff;
	v18 =	vmov s25  }
0xf8: {  	v17 =	vshll.u32 v17, v1;
	v20 =	vmov s3;
	[tilespmem:s1+$0xFFFFFF10] =	vst v22;
	v18 =	vshrl.u32 v18, $0x3  }
0xf9: {  	v17 =	vbroadcast v17, $0x0;
	v20 =	vshrl.u32 v20, $0x3;
	v22 =	vld.idx.msk [tilespmem:v26+s19+$0x0], $0xffff;
	v18 =	vshll.u32 v18, v1  }
0xfa: {  	v20 =	vshll.u32 v20, v1;
	v26 =	vadd.s32 v4, v21;
	v18 =	vbroadcast v18, $0x0  }
0xfb: {  	v20 =	vbroadcast v20, $0x0;
	[tilespmem:s1+$0xFFFFFF90] =	vst v19;
	v19 =	vadd.s32 v9, v17  }
0xfc: {  	v30 =	vld.idx.msk [tilespmem:v30+s19+$0x0], $0xffff;
	[tilespmem:s1+$0x20] =	vst v29;
	v29 =	vadd.s32 v0, v18  }
0xfd: {  	v31 =	vadd.s32 v0, v20;
	v28 =	vld.idx.msk [tilespmem:v28+s19+$0x0], $0xffff  }
0xfe: {  	v32 =	vadd.s32 v5, v23;
	v27 =	vld.idx.msk [tilespmem:v27+s19+$0x0], $0xffff;
	[tilespmem:s1+$0xFFFFFF20] =	vst v22  }
0xff: {  	v22 =	vld.idx.msk [tilespmem:v26+s19+$0x0], $0xffff;
	v26 =	vadd.s32 v10, v25  }
0x100: {  	v33 =	vadd.s32 v5, v21;
	v19 =	vld.idx.msk [tilespmem:v19+s19+$0x0], $0xffff  }
0x101: {  	v34 =	vadd.s32 v10, v17;
	v29 =	vld.idx.msk [tilespmem:v29+s19+$0x0], $0xffff  }
0x102: {  	[tilespmem:s1+$0x30] =	vst v28;
	v28 =	vld.idx.msk [tilespmem:v31+s19+$0x0], $0xffff;
	v31 =	vadd.s32 v2, v18  }
0x103: {  	[tilespmem:s1+$0x80] =	vst v30;
	v30 =	vadd.s32 v2, v20;
	v32 =	vld.idx.msk [tilespmem:v32+s19+$0x0], $0xffff  }
0x104: {  	v35 =	vadd.s32 v6, v23;
	s0 =	simm.s32 $0x4600;
	[tilespmem:s1+$0xFFFFFF30] =	vst v22;
	v22 =	vld.idx.msk [tilespmem:v26+s19+$0x0], $0xffff  }
0x105: {  	v41 =	vadd.s32 v12, v24;
	[tilespmem:s0+$0xFFFFFF80] =	vst v19;
	v26 =	vld.idx.msk [tilespmem:v33+s19+$0x0], $0xffff  }
0x106: {  	v19 =	vadd.s32 v11, v25;
	[tilespmem:s0+$0x0] =	vst v29;
	v29 =	vld.idx.msk [tilespmem:v34+s19+$0x0], $0xffff  }
0x107: {  	v39 =	vadd.s32 v6, v21;
	v31 =	vld.idx.msk [tilespmem:v31+s19+$0x0], $0xffff;
	[tilespmem:s0+$0xFFFFFF00] =	vst v28  }
0x108: {  	v40 =	vadd.s32 v11, v17;
	[tilespmem:s1+$0x40] =	vst v32;
	v28 =	vld.idx.msk [tilespmem:v30+s19+$0x0], $0xffff  }
0x109: {  	[tilespmem:s1+$0xFFFFFFA0] =	vst v27;
	v30 =	vadd.s32 v3, v18;
	v32 =	vld.idx.msk [tilespmem:v35+s19+$0x0], $0xffff  }
0x10a: {  	s14 =	simm.s32 $0x1C;
	[tilespmem:s1+$0x90] =	vst v22;
	v22 =	vadd.s32 v3, v20;
	v35 =	vld.idx.msk [tilespmem:v41+s19+$0x0], $0xffff  }
0x10b: {  	v36 =	vadd.s32 v13, v24;
	[tilespmem:s1+$0xFFFFFF40] =	vst v26;
	v26 =	vld.idx.msk [tilespmem:v19+s19+$0x0], $0xffff;
	v19 =	vmov s14  }
0x10c: {  	v33 =	vld.idx.msk [tilespmem:v39+s19+$0x0], $0xffff;
	[tilespmem:s0+$0xFFFFFF90] =	vst v29;
	v29 =	vadd.s32 v12, v25;
	v19 =	vshrl.u32 v19, $0x3  }
0x10d: {  	v34 =	vld.idx.msk [tilespmem:v40+s19+$0x0], $0xffff;
	[tilespmem:s0+$0x10] =	vst v31;
	v31 =	vadd.s32 v7, v21;
	v19 =	vshll.u32 v19, v1  }
0x10e: {  	v30 =	vld.idx.msk [tilespmem:v30+s19+$0x0], $0xffff;
	[tilespmem:s0+$0xFFFFFF10] =	vst v28;
	v28 =	vadd.s32 v7, v23;
	v19 =	vbroadcast v19, $0x0  }
0x10f: {  	s14 =	simm.s32 $0x20;
	v27 =	vld.idx.msk [tilespmem:v22+s19+$0x0], $0xffff;
	v22 =	vadd.s32 v4, v18;
	[tilespmem:s1+$0xFFFFFFB0] =	vst v35  }
0x110: {  	v46 =	vadd.s32 v8, v23;
	v23 =	vmov s14;
	[tilespmem:s1+$0xA0] =	vst v26;
	v26 =	vadd.s32 v9, v19;
	v35 =	vld.idx.msk [tilespmem:v36+s19+$0x0], $0xffff  }
0x111: {  	v37 =	vadd.s32 v4, v20;
	v23 =	vshrl.u32 v23, $0x3;
	[tilespmem:s1+$0xFFFFFF50] =	vst v33;
	v29 =	vld.idx.msk [tilespmem:v29+s19+$0x0], $0xffff  }
0x112: {  	v47 =	vadd.s32 v14, v24;
	s15 =	simm.s32 $0x24;
	[tilespmem:s1+$0x50] =	vst v32;
	v23 =	vshll.u32 v23, v1;
	v31 =	vld.idx.msk [tilespmem:v31+s19+$0x0], $0xffff  }
0x113: {  	v43 =	vadd.s32 v13, v25;
	v42 =	vmov s15;
	v23 =	vbroadcast v23, $0x0;
	[tilespmem:s0+$0x20] =	vst v30;
	v28 =	vld.idx.msk [tilespmem:v28+s19+$0x0], $0xffff  }
0x114: {  	v45 =	vadd.s32 v8, v21;
	s25 =	simm.s32 $0x28;
	v30 =	vshrl.u32 v42, $0x3;
	v38 =	vld.idx.msk [tilespmem:v22+s19+$0x0], $0xffff  }
0x115: {  	v44 =	vmov s25;
	v49 =	vadd.s32 v0, v23;
	v22 =	vshll.u32 v30, v1;
	[tilespmem:s0+$0xFFFFFF20] =	vst v27;
	v26 =	vld.idx.msk [tilespmem:v26+s19+$0x0], $0xffff  }
0x116: {  	v30 =	vshrl.u32 v44, $0x3;
	v21 =	vbroadcast v22, $0x0;
	v37 =	vld.idx.msk [tilespmem:v37+s19+$0x0], $0xffff;
	[tilespmem:s1+$0xFFFFFFC0] =	vst v35  }
0x117: {  	v22 =	vshll.u32 v30, v1;
	v30 =	vadd.s32 v5, v18;
	[tilespmem:s1+$0xB0] =	vst v29;
	v32 =	vld.idx.msk [tilespmem:v47+s19+$0x0], $0xffff  }
0x118: {  	v22 =	vbroadcast v22, $0x0;
	v29 =	vadd.s32 v9, v21;
	v33 =	vld.idx.msk [tilespmem:v43+s19+$0x0], $0xffff;
	[tilespmem:s1+$0xFFFFFF60] =	vst v31  }
0x119: {  	v52 =	vadd.s32 v10, v19;
	[tilespmem:s0+$0xFFFFFFA0] =	vst v34;
	v31 =	vld.idx.msk [tilespmem:v45+s19+$0x0], $0xffff  }
0x11a: {  	v39 =	vadd.s32 v0, v22;
	[tilespmem:s1+$0x60] =	vst v28;
	v54 =	vld.idx.msk [tilespmem:v49+s19+$0x0], $0xffff  }
0x11b: {  	v28 =	vadd.s32 v14, v25;
	[tilespmem:s0+$0x30] =	vst v38;
	v27 =	vld.idx.msk [tilespmem:v46+s19+$0x0], $0xffff  }
0x11c: {  	v48 =	vadd.s32 v5, v20;
	v30 =	vld.idx.msk [tilespmem:v30+s19+$0x0], $0xffff;
	[tilespmem:s0+$0xFFFFFF30] =	vst v37  }
0x11d: {  	v56 =	vadd.s32 v2, v23;
	[tilespmem:s0+$0x80] =	vst v26;
	v29 =	vld.idx.msk [tilespmem:v29+s19+$0x0], $0xffff  }
0x11e: {  	v51 =	vadd.s32 v6, v18;
	[tilespmem:s1+$0xC0] =	vst v33;
	v33 =	vld.idx.msk [tilespmem:v52+s19+$0x0], $0xffff  }
0x11f: {  	s25 =	simm.s32 $0x4800;
	v53 =	vadd.s32 v10, v21;
	v50 =	vld.idx.msk [tilespmem:v39+s19+$0x0], $0xffff;
	[tilespmem:s1+$0xFFFFFF70] =	vst v31  }
0x120: {  	v59 =	vadd.s32 v11, v19;
	v28 =	vld.idx.msk [tilespmem:v28+s19+$0x0], $0xffff;
	[tilespmem:s25+$0xFFFFFF00] =	vst v54  }
0x121: {  	v31 =	vld.idx.msk [tilespmem:v48+s19+$0x0], $0xffff;
	[tilespmem:s0+$0x40] =	vst v30;
	v30 =	vadd.s32 v15, v24  }
0x122: {  	v55 =	vadd.s32 v2, v22;
	[tilespmem:s1+$0xFFFFFFD0] =	vst v32;
	v34 =	vld.idx.msk [tilespmem:v56+s19+$0x0], $0xffff  }
0x123: {  	v58 =	vadd.s32 v6, v20;
	v26 =	vld.idx.msk [tilespmem:v51+s19+$0x0], $0xffff;
	[tilespmem:s25+$0xFFFFFF80] =	vst v29  }
0x124: {  	v29 =	vadd.s32 v15, v25;
	[tilespmem:s0+$0x90] =	vst v33;
	v57 =	vld.idx.msk [tilespmem:v53+s19+$0x0], $0xffff  }
0x125: {  	[tilespmem:s1+$0xD0] =	vst v28;
	v28 =	vadd.s32 v11, v21;
	v62 =	vld.idx.msk [tilespmem:v59+s19+$0x0], $0xffff  }
0x126: {  	v61 =	vadd.s32 v3, v23;
	[tilespmem:s25+$0x0] =	vst v50;
	v30 =	vld.idx.msk [tilespmem:v30+s19+$0x0], $0xffff  }
0x127: {  	v24 =	vadd.s32 v16, v24;
	[tilespmem:s0+$0xFFFFFF40] =	vst v31;
	v36 =	vld.idx.msk [tilespmem:v55+s19+$0x0], $0xffff  }
0x128: {  	v60 =	vadd.s32 v3, v22;
	v37 =	vld.idx.msk [tilespmem:v58+s19+$0x0], $0xffff;
	[tilespmem:s25+$0xFFFFFF10] =	vst v34  }
0x129: {  	v41 =	vadd.s32 v12, v19;
	v31 =	vld.idx.msk [tilespmem:v29+s19+$0x0], $0xffff;
	[tilespmem:s25+$0xFFFFFF90] =	vst v57  }
0x12a: {  	s15 =	simm.s32 $0x2C;
	v25 =	vadd.s32 v16, v25;
	[tilespmem:s0+$0x50] =	vst v26;
	v63 =	vld.idx.msk [tilespmem:v28+s19+$0x0], $0xffff  }
0x12b: {  	v40 =	vadd.s32 v12, v17;
	v26 =	vmov s15;
	v28 =	vld.idx.msk [tilespmem:v61+s19+$0x0], $0xffff;
	[tilespmem:s1+$0xFFFFFFE0] =	vst v30  }
0x12c: {  	[tilespmem:s25+$0x10] =	vst v36;
	v36 =	vadd.s32 v7, v20;
	v29 =	vld.idx.msk [tilespmem:v24+s19+$0x0], $0xffff;
	v24 =	vshrl.u32 v26, $0x3  }
0x12d: {  	v34 =	vadd.s32 v7, v18;
	[tilespmem:s0+$0xA0] =	vst v62;
	v32 =	vld.idx.msk [tilespmem:v60+s19+$0x0], $0xffff;
	v24 =	vshll.u32 v24, v1  }
0x12e: {  	v35 =	vadd.s32 v4, v22;
	v33 =	vld.idx.msk [tilespmem:v41+s19+$0x0], $0xffff;
	[tilespmem:s1+$0xE0] =	vst v31;
	v24 =	vbroadcast v24, $0x0  }
0x12f: {  	[tilespmem:s0+$0xFFFFFF50] =	vst v37;
	v26 =	vadd.s32 v13, v17;
	v30 =	vld.idx.msk [tilespmem:v25+s19+$0x0], $0xffff  }
0x130: {  	s3 =	simm.s32 $0x8;
	s14 =	simm.s32 $0x30;
	v31 =	vld.idx.msk [tilespmem:v40+s19+$0x0], $0xffff;
	v25 =	vadd.s32 v13, v21;
	[tilespmem:s25+$0xFFFFFFA0] =	vst v63;
	v37 =	vadd.s32 v9, v24  }
.LBB2_13:
0x131: {  	s15 =	sadd.s32 $0x4, s14;
	s3 =	sadd.s32 $0x4, s3;
	v36 =	vld.idx.msk [tilespmem:v36+s19+$0x0], $0xffff;
	[tilespmem:s1+$0x70] =	vst v27  }
0x132: {  	v27 =	vmov s15;
	s15 =	sadd.s32 $0x8, s14;
	p1 =	slt.u32 s3, $0x1C;
	[tilespmem:s25+$0x20] =	vst v32;
	v32 =	vld.idx.msk [tilespmem:v34+s19+$0x0], $0xffff;
	v34 =	vadd.s32 v13, v19  }
0x133: {  	v39 =	vadd.s32 v4, v23;
	v27 =	vshrl.u32 v27, $0x3;
	v38 =	vmov s15;
	v35 =	vld.idx.msk [tilespmem:v35+s19+$0x0], $0xffff;
	[tilespmem:s1+$0xFFFFFFF0] =	vst v29  }
0x134: {  	v27 =	vshll.u32 v27, v1;
	v29 =	vshrl.u32 v38, $0x3;
	v38 =	vadd.s32 v8, v20;
	[tilespmem:s1+$0xF0] =	vst v30;
	v20 =	vmovc v23;
	s1 =	smov.u32 s0;
	s0 =	smov.u32 s25  }
0x135: {  	v30 =	vbroadcast v27, $0x0;
	v23 =	vshll.u32 v29, v1;
	v27 =	vadd.s32 v5, v22;
	v29 =	vld.idx.msk [tilespmem:v37+s19+$0x0], $0xffff;
	[tilespmem:s1+$0xFFFFFFB0] =	vst v31  }
0x136: {  	v40 =	vadd.s32 v8, v18;
	v18 =	vmovc v22;
	v31 =	vmov s14;
	v37 =	vld.idx.msk [tilespmem:v26+s19+$0x0], $0xffff;
	[tilespmem:s1+$0xB0] =	vst v33;
	v22 =	vbroadcast v23, $0x0;
	v26 =	vmovc v25  }
0x137: {  	v23 =	vshrl.u32 v31, $0x3;
	v31 =	vadd.s32 v9, v30;
	v25 =	vadd.s32 v13, v30;
	[tilespmem:s25+$0xFFFFFF20] =	vst v28;
	v28 =	vld.idx.msk [tilespmem:v34+s19+$0x0], $0xffff  }
0x138: {  	v23 =	vshll.u32 v23, v1;
	v33 =	vadd.s32 v0, v22;
	v34 =	vld.idx.msk [tilespmem:v39+s19+$0x0], $0xffff;
	[tilespmem:s1+$0xFFFFFF60] =	vst v36  }
0x139: {  	v23 =	vbroadcast v23, $0x0;
	v36 =	vadd.s32 v14, v17;
	[tilespmem:s25+$0x30] =	vst v35;
	v35 =	vld.idx.msk [tilespmem:v38+s19+$0x0], $0xffff  }
0x13a: {  	v38 =	vld.idx.msk [tilespmem:v27+s19+$0x0], $0xffff;
	[tilespmem:s1+$0x60] =	vst v32;
	v32 =	vadd.s32 v14, v19  }
0x13b: {  	v41 =	vadd.s32 v5, v20;
	v39 =	vadd.s32 v0, v23;
	v27 =	vld.idx.msk [tilespmem:v40+s19+$0x0], $0xffff  }
0x13c: {  	v31 =	vld.idx.msk [tilespmem:v31+s19+$0x0], $0xffff;
	[tilespmem:s1+$0xFFFFFFC0] =	vst v37  }
0x13d: {  	v37 =	vadd.s32 v6, v18;
	v33 =	vld.idx.msk [tilespmem:v33+s19+$0x0], $0xffff;
	[tilespmem:s1+$0xC0] =	vst v28  }
0x13e: {  	v28 =	vadd.s32 v10, v30;
	[tilespmem:s25+$0xFFFFFF30] =	vst v34;
	v34 =	vadd.s32 v10, v24;
	v36 =	vld.idx.msk [tilespmem:v36+s19+$0x0], $0xffff  }
0x13f: {  	[tilespmem:s1+$0xFFFFFF70] =	vst v35;
	v32 =	vld.idx.msk [tilespmem:v32+s19+$0x0], $0xffff  }
0x140: {  	v35 =	vld.idx.msk [tilespmem:v41+s19+$0x0], $0xffff;
	[tilespmem:s25+$0x40] =	vst v38;
	v38 =	vadd.s32 v15, v17  }
0x141: {  	v40 =	vadd.s32 v2, v22;
	s25 =	sadd.s32 $0x200, s25;
	v39 =	vld.idx.msk [tilespmem:v39+s19+$0x0], $0xffff;
	[tilespmem:s0+$0x80] =	vst v29  }
0x142: {  	v29 =	vadd.s32 v2, v23;
	[tilespmem:s25+$0xFFFFFF80] =	vst v31;
	v31 =	vld.idx.msk [tilespmem:v37+s19+$0x0], $0xffff;
	v37 =	vadd.s32 v15, v19  }
0x143: {  	[tilespmem:s25+$0x0] =	vst v33;
	v33 =	vld.idx.msk [tilespmem:v34+s19+$0x0], $0xffff  }
0x144: {  	v34 =	vadd.s32 v6, v20;
	v28 =	vld.idx.msk [tilespmem:v28+s19+$0x0], $0xffff;
	[tilespmem:s1+$0xFFFFFFD0] =	vst v36  }
0x145: {  	v36 =	vadd.s32 v11, v24;
	v38 =	vld.idx.msk [tilespmem:v38+s19+$0x0], $0xffff;
	[tilespmem:s1+$0xD0] =	vst v32  }
0x146: {  	v32 =	vadd.s32 v11, v30;
	v40 =	vld.idx.msk [tilespmem:v40+s19+$0x0], $0xffff;
	[tilespmem:s0+$0xFFFFFF40] =	vst v35  }
0x147: {  	v35 =	vadd.s32 v16, v17;
	v17 =	vmov v21;
	v21 =	vmov v30;
	[tilespmem:s25+$0xFFFFFF00] =	vst v39;
	v37 =	vld.idx.msk [tilespmem:v37+s19+$0x0], $0xffff  }
0x148: {  	v39 =	vadd.s32 v3, v22;
	v30 =	vld.idx.msk [tilespmem:v29+s19+$0x0], $0xffff;
	[tilespmem:s0+$0x50] =	vst v31  }
0x149: {  	v31 =	vld.idx.msk [tilespmem:v34+s19+$0x0], $0xffff;
	[tilespmem:s0+$0x90] =	vst v33;
	v33 =	vadd.s32 v16, v19;
	v19 =	vmov v24  }
0x14a: {  	v24 =	vadd.s32 v3, v23;
	[tilespmem:s25+$0xFFFFFF90] =	vst v28;
	v41 =	vld.idx.msk [tilespmem:v36+s19+$0x0], $0xffff  }
0x14b: {  	s15 =	sadd.s32 $0xC, s14;
	v43 =	vadd.s32 v12, v17;
	v42 =	vld.idx.msk [tilespmem:v32+s19+$0x0], $0xffff;
	[tilespmem:s1+$0xFFFFFFE0] =	vst v38  }
0x14c: {  	v28 =	vmov s15;
	v38 =	vadd.s32 v12, v19;
	[tilespmem:s25+$0x10] =	vst v40;
	v29 =	vld.idx.msk [tilespmem:v35+s19+$0x0], $0xffff  }
.Ltmp9:
0x14d: {  	v36 =	vadd.s32 v7, v20;
	v28 =	vshrl.u32 v28, $0x3;
	v32 =	vld.idx.msk [tilespmem:v39+s19+$0x0], $0xffff;
	[tilespmem:s1+$0xE0] =	vst v37;
	(pc) =	sbr.rel @p1 .LBB2_13-.Ltmp9, $4  }
0x14e: {  	v34 =	vadd.s32 v7, v18;
	v37 =	vshll.u32 v28, v1;
	[tilespmem:s25+$0xFFFFFF10] =	vst v30;
	v30 =	vld.idx.msk [tilespmem:v33+s19+$0x0], $0xffff  }
0x14f: {  	v35 =	vadd.s32 v4, v22;
	v28 =	vld.idx.msk [tilespmem:v24+s19+$0x0], $0xffff;
	v24 =	vbroadcast v37, $0x0;
	[tilespmem:s0+$0xFFFFFF50] =	vst v31  }
0x150: {  	v31 =	vld.idx.msk [tilespmem:v43+s19+$0x0], $0xffff;
	[tilespmem:s0+$0xA0] =	vst v41  }
0x151: {  	s14 =	sadd.s32 $0x10, s14;
	[tilespmem:s25+$0xFFFFFFA0] =	vst v42;
	v37 =	vadd.s32 v9, v24;
	v33 =	vld.idx.msk [tilespmem:v38+s19+$0x0], $0xffff  }
0x152: {  	_ =	sdelay $0x3  }
0x153: {  	v37 =	vld.idx.msk [tilespmem:v37+s19+$0x0], $0xffff  }
0x154: {  	v38 =	vadd.s32 v10, v24;
	_ =	sdelay $0x3  }
0x155: {  	[tilespmem:s25+$0x80] =	vst v37  }
0x156: {  	v37 =	vld.idx.msk [tilespmem:v38+s19+$0x0], $0xffff  }
0x157: {  	[tilespmem:s1+$0x70] =	vst v27;
	v59 =	vadd.s32 v11, v24  }
0x158: {  	[tilespmem:s25+$0x20] =	vst v32  }
0x159: {  	[tilespmem:s1+$0xFFFFFFF0] =	vst v29  }
0x15a: {  	v60 =	vld.idx.msk [tilespmem:v36+s19+$0x0], $0xffff;
	v61 =	vadd.s32 v4, v23;
	[tilespmem:s1+$0xF0] =	vst v30  }
0x15b: {  	v63 =	vadd.s32 v12, v21;
	v34 =	vld.idx.msk [tilespmem:v34+s19+$0x0], $0xffff;
	[tilespmem:s25+$0x90] =	vst v37  }
0x15c: {  	v62 =	vadd.s32 v13, v19;
	[tilespmem:s25+$0xFFFFFF20] =	vst v28;
	v27 =	vld.idx.msk [tilespmem:v59+s19+$0x0], $0xffff  }
0x15d: {  	v36 =	vadd.s32 v12, v24;
	v35 =	vld.idx.msk [tilespmem:v35+s19+$0x0], $0xffff;
	[tilespmem:s0+$0xFFFFFFB0] =	vst v31  }
0x15e: {  	v20 =	vadd.s32 v8, v20;
	[tilespmem:s0+$0xB0] =	vst v33;
	v26 =	vld.idx.msk [tilespmem:v26+s19+$0x0], $0xffff  }
0x15f: {  	v18 =	vadd.s32 v8, v18;
	v32 =	vld.idx.msk [tilespmem:v61+s19+$0x0], $0xffff;
	[tilespmem:s0+$0xFFFFFF60] =	vst v60  }
0x160: {  	v39 =	vadd.s32 v5, v23;
	v31 =	vld.idx.msk [tilespmem:v63+s19+$0x0], $0xffff;
	[tilespmem:s0+$0x60] =	vst v34  }
0x161: {  	v38 =	vld.idx.msk [tilespmem:v62+s19+$0x0], $0xffff;
	[tilespmem:s25+$0xA0] =	vst v27  }
0x162: {  	[tilespmem:s25+$0x30] =	vst v35;
	v37 =	vadd.s32 v5, v22;
	v27 =	vld.idx.msk [tilespmem:v36+s19+$0x0], $0xffff  }
0x163: {  	v41 =	vadd.s32 v13, v24;
	v20 =	vld.idx.msk [tilespmem:v20+s19+$0x0], $0xffff;
	[tilespmem:s0+$0xFFFFFFC0] =	vst v26  }
0x164: {  	v40 =	vadd.s32 v14, v17;
	v18 =	vld.idx.msk [tilespmem:v18+s19+$0x0], $0xffff;
	[tilespmem:s25+$0xFFFFFF30] =	vst v32  }
0x165: {  	v42 =	vadd.s32 v14, v19;
	[tilespmem:s25+$0xFFFFFFB0] =	vst v31;
	v44 =	vld.idx.msk [tilespmem:v39+s19+$0x0], $0xffff  }
0x166: {  	v46 =	vadd.s32 v6, v23;
	[tilespmem:s0+$0xC0] =	vst v38;
	v25 =	vld.idx.msk [tilespmem:v25+s19+$0x0], $0xffff  }
0x167: {  	v49 =	vadd.s32 v14, v21;
	v28 =	vld.idx.msk [tilespmem:v37+s19+$0x0], $0xffff;
	[tilespmem:s25+$0xB0] =	vst v27  }
0x168: {  	v43 =	vadd.s32 v6, v22;
	[tilespmem:s0+$0xFFFFFF70] =	vst v20;
	v48 =	vld.idx.msk [tilespmem:v41+s19+$0x0], $0xffff  }
0x169: {  	v51 =	vadd.s32 v14, v24;
	v45 =	vld.idx.msk [tilespmem:v40+s19+$0x0], $0xffff;
	[tilespmem:s0+$0x70] =	vst v18  }
0x16a: {  	v47 =	vadd.s32 v15, v17;
	v50 =	vld.idx.msk [tilespmem:v42+s19+$0x0], $0xffff;
	[tilespmem:s25+$0xFFFFFF40] =	vst v44  }
0x16b: {  	v52 =	vadd.s32 v15, v19;
	[tilespmem:s25+$0xFFFFFFC0] =	vst v25;
	v29 =	vld.idx.msk [tilespmem:v46+s19+$0x0], $0xffff  }
0x16c: {  	v53 =	vadd.s32 v7, v23;
	v55 =	vld.idx.msk [tilespmem:v49+s19+$0x0], $0xffff;
	[tilespmem:s25+$0x40] =	vst v28  }
0x16d: {  	v57 =	vadd.s32 v15, v21;
	v32 =	vld.idx.msk [tilespmem:v43+s19+$0x0], $0xffff;
	[tilespmem:s25+$0xC0] =	vst v48  }
0x16e: {  	v54 =	vadd.s32 v7, v22;
	[tilespmem:s0+$0xFFFFFFD0] =	vst v45;
	v56 =	vld.idx.msk [tilespmem:v51+s19+$0x0], $0xffff  }
0x16f: {  	v59 =	vadd.s32 v15, v24;
	v30 =	vld.idx.msk [tilespmem:v47+s19+$0x0], $0xffff;
	[tilespmem:s0+$0xD0] =	vst v50  }
0x170: {  	v17 =	vadd.s32 v16, v17;
	v58 =	vld.idx.msk [tilespmem:v52+s19+$0x0], $0xffff;
	[tilespmem:s25+$0xFFFFFF50] =	vst v29  }
0x171: {  	v19 =	vadd.s32 v16, v19;
	[tilespmem:s25+$0xFFFFFFD0] =	vst v55;
	v29 =	vld.idx.msk [tilespmem:v53+s19+$0x0], $0xffff  }
0x172: {  	v60 =	vadd.s32 v8, v23;
	v62 =	vld.idx.msk [tilespmem:v57+s19+$0x0], $0xffff;
	[tilespmem:s25+$0x50] =	vst v32  }
0x173: {  	v63 =	vadd.s32 v16, v21;
	v25 =	vld.idx.msk [tilespmem:v54+s19+$0x0], $0xffff;
	[tilespmem:s25+$0xD0] =	vst v56  }
0x174: {  	v61 =	vadd.s32 v8, v22;
	[tilespmem:s0+$0xFFFFFFE0] =	vst v30;
	v26 =	vld.idx.msk [tilespmem:v59+s19+$0x0], $0xffff  }
0x175: {  	v18 =	vadd.s32 v16, v24;
	v17 =	vld.idx.msk [tilespmem:v17+s19+$0x0], $0xffff;
	[tilespmem:s0+$0xE0] =	vst v58  }
0x176: {  	v19 =	vld.idx.msk [tilespmem:v19+s19+$0x0], $0xffff;
	[tilespmem:s25+$0xFFFFFF60] =	vst v29  }
0x177: {  	[tilespmem:s25+$0xFFFFFFE0] =	vst v62;
	v23 =	vld.idx.msk [tilespmem:v60+s19+$0x0], $0xffff  }
0x178: {  	v21 =	vld.idx.msk [tilespmem:v63+s19+$0x0], $0xffff;
	[tilespmem:s25+$0x60] =	vst v25  }
0x179: {  	v20 =	vld.idx.msk [tilespmem:v61+s19+$0x0], $0xffff;
	[tilespmem:s25+$0xE0] =	vst v26  }
0x17a: {  	[tilespmem:s0+$0xFFFFFFF0] =	vst v17;
	v17 =	vld.idx.msk [tilespmem:v18+s19+$0x0], $0xffff  }
0x17b: {  	[tilespmem:s0+$0xF0] =	vst v19  }
0x17c: {  	[tilespmem:s25+$0xFFFFFF70] =	vst v23  }
0x17d: {  	p1 =	sge.u32 s30, s9;
	[tilespmem:s25+$0xFFFFFFF0] =	vst v21  }
.Ltmp10:
0x17e: {  	s15 =	sand.u32 $0x1FFFFE00, s31;
	[tilespmem:s25+$0x70] =	vst v20;
	(pc) =	sbr.rel @p1 .LBB2_18-.Ltmp10, $4  }
0x17f: {  	s0 =	sadd.s32 s4, s15;
	[tilespmem:s25+$0xF0] =	vst v17;
	s25 =	sadd.s32 $0x2, s30  }
0x180: {  	[hbm4b:s0+s2] =	stream.linear.scatter [tilespmem:s20], [sflag:$0x5], $0x1000, $0x38;
	[tilespmem:$0x5B00] =	vst v63  }
0x181: {  	s0 =	sadd.s32 s5, s25  }
0x182: {  	s31 =	sshll.u32 s0, $0x9  }
0x183: {  	s0 =	sadd.s32 s31, s13;
	s1 =	simm.s32 $0x1100  }
0x184: {  	s3 =	simm.s32 $0x10;
	s14 =	simm.s32 $0x1188;
	s25 =	sadd.s32 $0x0, s0  }
.LBB2_16:
0x185: {  	[tilespmem:s1], [sflag:$0x2] =	stream.linear.gather [hbm4b:s25+s2], $0x80, $0x38;
	[tilespmem:$0x5B00] =	vst v63  }
0x186: {  	s15 =	smov.u32 s3;
	s1 =	smov.u32 s14;
	p1 =	sne.s32 s3, $0x1F0  }
.Ltmp11:
0x187: {  	s3 =	sadd.s32 $0x10, s3;
	(pc) =	sbr.rel @p1 .LBB2_16-.Ltmp11, $2  }
0x188: {  	_ =	sdelay $0x2  }
0x189: {  	s14 =	sadd.s32 $0x88, s14;
	s25 =	sadd.s32 s15, s0  }
0x18a: {  	[tilespmem:s1], [sflag:$0x2] =	stream.linear.gather [hbm4b:s25+s2], $0x80, $0x38;
	[tilespmem:$0x5B00] =	vst v63  }
.LBB2_18:
0x18b: {  	s0 =	simm.s32 $0x8  }
0x18c: {  	v17 =	vmov s0  }
0x18d: {  	s1 =	simm.s32 $0x0;
	v17 =	vshrl.u32 v17, $0x3  }
0x18e: {  	v18 =	vmov s1;
	v17 =	vshll.u32 v17, v1  }
0x18f: {  	v23 =	vbroadcast v17, $0x0;
	v17 =	vshrl.u32 v18, $0x3  }
0x190: {  	_ =	swait.ge [sflag:s21], $0x1000;
	s3 =	simm.s32 $0x4;
	v17 =	vshll.u32 v17, v1  }
0x191: {  	[sflag:s21] =	ssyncset.done $0x0;
	v18 =	vmov s3;
	v19 =	vadd.s32 v0, v23;
	v21 =	vbroadcast v17, $0x0  }
0x192: {  	[sflag:s21] =	ssyncadd.s32 $0xFFFFF000;
	v17 =	vshrl.u32 v18, $0x3  }
0x193: {  	_ =	swait.ge [sflag:s22], $0x1000;
	v17 =	vshll.u32 v17, v1;
	v18 =	vadd.s32 v0, v21  }
0x194: {  	[sflag:s22] =	ssyncset.done $0x0;
	v24 =	vbroadcast v17, $0x0  }
0x195: {  	[sflag:s22] =	ssyncadd.s32 $0xFFFFF000  }
0x196: {  	v17 =	vadd.s32 v9, v24;
	v19 =	vld.idx.msk [tilespmem:v19+s23+$0x0], $0xffff  }
0x197: {  	v20 =	vadd.s32 v2, v23  }
0x198: {  	v18 =	vld.idx.msk [tilespmem:v18+s23+$0x0], $0xffff  }
0x199: {  	v22 =	vadd.s32 v2, v21  }
0x19a: {  	s1 =	simm.s32 $0x3400  }
0x19b: {  	s14 =	simm.s32 $0xC;
	v17 =	vld.idx.msk [tilespmem:v17+s23+$0x0], $0xffff;
	[tilespmem:s1+$0x0] =	vst v19  }
0x19c: {  	v25 =	vmov s14;
	v19 =	vadd.s32 v10, v24;
	v20 =	vld.idx.msk [tilespmem:v20+s23+$0x0], $0xffff  }
0x19d: {  	v25 =	vshrl.u32 v25, $0x3;
	[tilespmem:s1+$0xFFFFFF00] =	vst v18;
	v18 =	vadd.s32 v3, v23  }
0x19e: {  	v25 =	vshll.u32 v25, v1;
	v22 =	vld.idx.msk [tilespmem:v22+s23+$0x0], $0xffff  }
0x19f: {  	v25 =	vbroadcast v25, $0x0;
	v26 =	vadd.s32 v3, v21  }
0x1a0: {  	s15 =	simm.s32 $0x14;
	[tilespmem:s1+$0xFFFFFF80] =	vst v17  }
0x1a1: {  	s25 =	simm.s32 $0x18;
	v28 =	vadd.s32 v4, v23;
	v30 =	vadd.s32 v9, v25;
	v17 =	vmov s15;
	v19 =	vld.idx.msk [tilespmem:v19+s23+$0x0], $0xffff;
	[tilespmem:s1+$0x10] =	vst v20  }
0x1a2: {  	s3 =	simm.s32 $0x10;
	v27 =	vadd.s32 v11, v24;
	v17 =	vshrl.u32 v17, $0x3;
	v29 =	vld.idx.msk [tilespmem:v18+s23+$0x0], $0xffff;
	v18 =	vmov s25  }
0x1a3: {  	v17 =	vshll.u32 v17, v1;
	v20 =	vmov s3;
	[tilespmem:s1+$0xFFFFFF10] =	vst v22;
	v18 =	vshrl.u32 v18, $0x3  }
0x1a4: {  	v17 =	vbroadcast v17, $0x0;
	v20 =	vshrl.u32 v20, $0x3;
	v22 =	vld.idx.msk [tilespmem:v26+s23+$0x0], $0xffff;
	v18 =	vshll.u32 v18, v1  }
0x1a5: {  	v20 =	vshll.u32 v20, v1;
	v26 =	vadd.s32 v4, v21;
	v18 =	vbroadcast v18, $0x0  }
0x1a6: {  	v20 =	vbroadcast v20, $0x0;
	[tilespmem:s1+$0xFFFFFF90] =	vst v19;
	v19 =	vadd.s32 v9, v17  }
0x1a7: {  	v30 =	vld.idx.msk [tilespmem:v30+s23+$0x0], $0xffff;
	[tilespmem:s1+$0x20] =	vst v29;
	v29 =	vadd.s32 v0, v18  }
0x1a8: {  	v31 =	vadd.s32 v0, v20;
	v28 =	vld.idx.msk [tilespmem:v28+s23+$0x0], $0xffff  }
0x1a9: {  	v32 =	vadd.s32 v5, v23;
	v27 =	vld.idx.msk [tilespmem:v27+s23+$0x0], $0xffff;
	[tilespmem:s1+$0xFFFFFF20] =	vst v22  }
0x1aa: {  	v22 =	vld.idx.msk [tilespmem:v26+s23+$0x0], $0xffff;
	v26 =	vadd.s32 v10, v25  }
0x1ab: {  	v33 =	vadd.s32 v5, v21;
	v19 =	vld.idx.msk [tilespmem:v19+s23+$0x0], $0xffff  }
0x1ac: {  	v34 =	vadd.s32 v10, v17;
	v29 =	vld.idx.msk [tilespmem:v29+s23+$0x0], $0xffff  }
0x1ad: {  	[tilespmem:s1+$0x30] =	vst v28;
	v28 =	vld.idx.msk [tilespmem:v31+s23+$0x0], $0xffff;
	v31 =	vadd.s32 v2, v18  }
0x1ae: {  	[tilespmem:s1+$0x80] =	vst v30;
	v30 =	vadd.s32 v2, v20;
	v32 =	vld.idx.msk [tilespmem:v32+s23+$0x0], $0xffff  }
0x1af: {  	s0 =	simm.s32 $0x3600;
	v35 =	vadd.s32 v6, v23;
	[tilespmem:s1+$0xFFFFFF30] =	vst v22;
	v22 =	vld.idx.msk [tilespmem:v26+s23+$0x0], $0xffff  }
0x1b0: {  	v41 =	vadd.s32 v12, v24;
	[tilespmem:s0+$0xFFFFFF80] =	vst v19;
	v26 =	vld.idx.msk [tilespmem:v33+s23+$0x0], $0xffff  }
0x1b1: {  	v19 =	vadd.s32 v11, v25;
	[tilespmem:s0+$0x0] =	vst v29;
	v29 =	vld.idx.msk [tilespmem:v34+s23+$0x0], $0xffff  }
0x1b2: {  	v39 =	vadd.s32 v6, v21;
	v31 =	vld.idx.msk [tilespmem:v31+s23+$0x0], $0xffff;
	[tilespmem:s0+$0xFFFFFF00] =	vst v28  }
0x1b3: {  	v40 =	vadd.s32 v11, v17;
	[tilespmem:s1+$0x40] =	vst v32;
	v28 =	vld.idx.msk [tilespmem:v30+s23+$0x0], $0xffff  }
0x1b4: {  	[tilespmem:s1+$0xFFFFFFA0] =	vst v27;
	v30 =	vadd.s32 v3, v18;
	v32 =	vld.idx.msk [tilespmem:v35+s23+$0x0], $0xffff  }
0x1b5: {  	s14 =	simm.s32 $0x1C;
	[tilespmem:s1+$0x90] =	vst v22;
	v22 =	vadd.s32 v3, v20;
	v35 =	vld.idx.msk [tilespmem:v41+s23+$0x0], $0xffff  }
0x1b6: {  	v36 =	vadd.s32 v13, v24;
	[tilespmem:s1+$0xFFFFFF40] =	vst v26;
	v26 =	vld.idx.msk [tilespmem:v19+s23+$0x0], $0xffff;
	v19 =	vmov s14  }
0x1b7: {  	v33 =	vld.idx.msk [tilespmem:v39+s23+$0x0], $0xffff;
	[tilespmem:s0+$0xFFFFFF90] =	vst v29;
	v29 =	vadd.s32 v12, v25;
	v19 =	vshrl.u32 v19, $0x3  }
0x1b8: {  	v34 =	vld.idx.msk [tilespmem:v40+s23+$0x0], $0xffff;
	[tilespmem:s0+$0x10] =	vst v31;
	v31 =	vadd.s32 v7, v21;
	v19 =	vshll.u32 v19, v1  }
0x1b9: {  	v30 =	vld.idx.msk [tilespmem:v30+s23+$0x0], $0xffff;
	[tilespmem:s0+$0xFFFFFF10] =	vst v28;
	v28 =	vadd.s32 v7, v23;
	v19 =	vbroadcast v19, $0x0  }
0x1ba: {  	s14 =	simm.s32 $0x20;
	v27 =	vld.idx.msk [tilespmem:v22+s23+$0x0], $0xffff;
	v22 =	vadd.s32 v4, v18;
	[tilespmem:s1+$0xFFFFFFB0] =	vst v35  }
0x1bb: {  	v46 =	vadd.s32 v8, v23;
	v23 =	vmov s14;
	[tilespmem:s1+$0xA0] =	vst v26;
	v26 =	vadd.s32 v9, v19;
	v35 =	vld.idx.msk [tilespmem:v36+s23+$0x0], $0xffff  }
0x1bc: {  	v37 =	vadd.s32 v4, v20;
	v23 =	vshrl.u32 v23, $0x3;
	[tilespmem:s1+$0xFFFFFF50] =	vst v33;
	v29 =	vld.idx.msk [tilespmem:v29+s23+$0x0], $0xffff  }
0x1bd: {  	v47 =	vadd.s32 v14, v24;
	s15 =	simm.s32 $0x24;
	[tilespmem:s1+$0x50] =	vst v32;
	v23 =	vshll.u32 v23, v1;
	v31 =	vld.idx.msk [tilespmem:v31+s23+$0x0], $0xffff  }
0x1be: {  	v43 =	vadd.s32 v13, v25;
	v42 =	vmov s15;
	v23 =	vbroadcast v23, $0x0;
	[tilespmem:s0+$0x20] =	vst v30;
	v28 =	vld.idx.msk [tilespmem:v28+s23+$0x0], $0xffff  }
0x1bf: {  	v45 =	vadd.s32 v8, v21;
	s25 =	simm.s32 $0x28;
	v30 =	vshrl.u32 v42, $0x3;
	v38 =	vld.idx.msk [tilespmem:v22+s23+$0x0], $0xffff  }
0x1c0: {  	v44 =	vmov s25;
	v49 =	vadd.s32 v0, v23;
	v22 =	vshll.u32 v30, v1;
	[tilespmem:s0+$0xFFFFFF20] =	vst v27;
	v26 =	vld.idx.msk [tilespmem:v26+s23+$0x0], $0xffff  }
0x1c1: {  	v30 =	vshrl.u32 v44, $0x3;
	v21 =	vbroadcast v22, $0x0;
	v37 =	vld.idx.msk [tilespmem:v37+s23+$0x0], $0xffff;
	[tilespmem:s1+$0xFFFFFFC0] =	vst v35  }
0x1c2: {  	v22 =	vshll.u32 v30, v1;
	v30 =	vadd.s32 v5, v18;
	[tilespmem:s1+$0xB0] =	vst v29;
	v32 =	vld.idx.msk [tilespmem:v47+s23+$0x0], $0xffff  }
0x1c3: {  	v22 =	vbroadcast v22, $0x0;
	v29 =	vadd.s32 v9, v21;
	v33 =	vld.idx.msk [tilespmem:v43+s23+$0x0], $0xffff;
	[tilespmem:s1+$0xFFFFFF60] =	vst v31  }
0x1c4: {  	v52 =	vadd.s32 v10, v19;
	[tilespmem:s0+$0xFFFFFFA0] =	vst v34;
	v31 =	vld.idx.msk [tilespmem:v45+s23+$0x0], $0xffff  }
0x1c5: {  	v39 =	vadd.s32 v0, v22;
	[tilespmem:s1+$0x60] =	vst v28;
	v54 =	vld.idx.msk [tilespmem:v49+s23+$0x0], $0xffff  }
0x1c6: {  	v28 =	vadd.s32 v14, v25;
	[tilespmem:s0+$0x30] =	vst v38;
	v27 =	vld.idx.msk [tilespmem:v46+s23+$0x0], $0xffff  }
0x1c7: {  	v48 =	vadd.s32 v5, v20;
	v30 =	vld.idx.msk [tilespmem:v30+s23+$0x0], $0xffff;
	[tilespmem:s0+$0xFFFFFF30] =	vst v37  }
0x1c8: {  	v56 =	vadd.s32 v2, v23;
	[tilespmem:s0+$0x80] =	vst v26;
	v29 =	vld.idx.msk [tilespmem:v29+s23+$0x0], $0xffff  }
0x1c9: {  	v51 =	vadd.s32 v6, v18;
	[tilespmem:s1+$0xC0] =	vst v33;
	v33 =	vld.idx.msk [tilespmem:v52+s23+$0x0], $0xffff  }
0x1ca: {  	s25 =	simm.s32 $0x3800;
	v53 =	vadd.s32 v10, v21;
	v50 =	vld.idx.msk [tilespmem:v39+s23+$0x0], $0xffff;
	[tilespmem:s1+$0xFFFFFF70] =	vst v31  }
0x1cb: {  	v59 =	vadd.s32 v11, v19;
	v28 =	vld.idx.msk [tilespmem:v28+s23+$0x0], $0xffff;
	[tilespmem:s25+$0xFFFFFF00] =	vst v54  }
0x1cc: {  	v31 =	vld.idx.msk [tilespmem:v48+s23+$0x0], $0xffff;
	[tilespmem:s0+$0x40] =	vst v30;
	v30 =	vadd.s32 v15, v24  }
0x1cd: {  	v55 =	vadd.s32 v2, v22;
	[tilespmem:s1+$0xFFFFFFD0] =	vst v32;
	v34 =	vld.idx.msk [tilespmem:v56+s23+$0x0], $0xffff  }
0x1ce: {  	v58 =	vadd.s32 v6, v20;
	v26 =	vld.idx.msk [tilespmem:v51+s23+$0x0], $0xffff;
	[tilespmem:s25+$0xFFFFFF80] =	vst v29  }
0x1cf: {  	v29 =	vadd.s32 v15, v25;
	[tilespmem:s0+$0x90] =	vst v33;
	v57 =	vld.idx.msk [tilespmem:v53+s23+$0x0], $0xffff  }
0x1d0: {  	[tilespmem:s1+$0xD0] =	vst v28;
	v28 =	vadd.s32 v11, v21;
	v62 =	vld.idx.msk [tilespmem:v59+s23+$0x0], $0xffff  }
0x1d1: {  	v61 =	vadd.s32 v3, v23;
	[tilespmem:s25+$0x0] =	vst v50;
	v30 =	vld.idx.msk [tilespmem:v30+s23+$0x0], $0xffff  }
0x1d2: {  	v24 =	vadd.s32 v16, v24;
	[tilespmem:s0+$0xFFFFFF40] =	vst v31;
	v36 =	vld.idx.msk [tilespmem:v55+s23+$0x0], $0xffff  }
0x1d3: {  	v60 =	vadd.s32 v3, v22;
	v37 =	vld.idx.msk [tilespmem:v58+s23+$0x0], $0xffff;
	[tilespmem:s25+$0xFFFFFF10] =	vst v34  }
0x1d4: {  	v41 =	vadd.s32 v12, v19;
	v31 =	vld.idx.msk [tilespmem:v29+s23+$0x0], $0xffff;
	[tilespmem:s25+$0xFFFFFF90] =	vst v57  }
0x1d5: {  	s15 =	simm.s32 $0x2C;
	v25 =	vadd.s32 v16, v25;
	[tilespmem:s0+$0x50] =	vst v26;
	v63 =	vld.idx.msk [tilespmem:v28+s23+$0x0], $0xffff  }
0x1d6: {  	v40 =	vadd.s32 v12, v17;
	v26 =	vmov s15;
	v28 =	vld.idx.msk [tilespmem:v61+s23+$0x0], $0xffff;
	[tilespmem:s1+$0xFFFFFFE0] =	vst v30  }
0x1d7: {  	[tilespmem:s25+$0x10] =	vst v36;
	v36 =	vadd.s32 v7, v20;
	v29 =	vld.idx.msk [tilespmem:v24+s23+$0x0], $0xffff;
	v24 =	vshrl.u32 v26, $0x3  }
0x1d8: {  	v34 =	vadd.s32 v7, v18;
	[tilespmem:s0+$0xA0] =	vst v62;
	v32 =	vld.idx.msk [tilespmem:v60+s23+$0x0], $0xffff;
	v24 =	vshll.u32 v24, v1  }
0x1d9: {  	v35 =	vadd.s32 v4, v22;
	v33 =	vld.idx.msk [tilespmem:v41+s23+$0x0], $0xffff;
	[tilespmem:s1+$0xE0] =	vst v31;
	v24 =	vbroadcast v24, $0x0  }
0x1da: {  	[tilespmem:s0+$0xFFFFFF50] =	vst v37;
	v26 =	vadd.s32 v13, v17;
	v30 =	vld.idx.msk [tilespmem:v25+s23+$0x0], $0xffff  }
0x1db: {  	s3 =	simm.s32 $0x8;
	s14 =	simm.s32 $0x30;
	v31 =	vld.idx.msk [tilespmem:v40+s23+$0x0], $0xffff;
	v25 =	vadd.s32 v13, v21;
	[tilespmem:s25+$0xFFFFFFA0] =	vst v63;
	v37 =	vadd.s32 v9, v24  }
.LBB2_19:
0x1dc: {  	s15 =	sadd.s32 $0x4, s14;
	s3 =	sadd.s32 $0x4, s3;
	v36 =	vld.idx.msk [tilespmem:v36+s23+$0x0], $0xffff;
	[tilespmem:s1+$0x70] =	vst v27  }
0x1dd: {  	v27 =	vmov s15;
	s15 =	sadd.s32 $0x8, s14;
	p1 =	slt.u32 s3, $0x1C;
	[tilespmem:s25+$0x20] =	vst v32;
	v32 =	vld.idx.msk [tilespmem:v34+s23+$0x0], $0xffff;
	v34 =	vadd.s32 v13, v19  }
0x1de: {  	v39 =	vadd.s32 v4, v23;
	v27 =	vshrl.u32 v27, $0x3;
	v38 =	vmov s15;
	v35 =	vld.idx.msk [tilespmem:v35+s23+$0x0], $0xffff;
	[tilespmem:s1+$0xFFFFFFF0] =	vst v29  }
0x1df: {  	v27 =	vshll.u32 v27, v1;
	v29 =	vshrl.u32 v38, $0x3;
	v38 =	vadd.s32 v8, v20;
	[tilespmem:s1+$0xF0] =	vst v30;
	v20 =	vmovc v23;
	s1 =	smov.u32 s0;
	s0 =	smov.u32 s25  }
0x1e0: {  	v30 =	vbroadcast v27, $0x0;
	v23 =	vshll.u32 v29, v1;
	v27 =	vadd.s32 v5, v22;
	v29 =	vld.idx.msk [tilespmem:v37+s23+$0x0], $0xffff;
	[tilespmem:s1+$0xFFFFFFB0] =	vst v31  }
0x1e1: {  	v40 =	vadd.s32 v8, v18;
	v18 =	vmovc v22;
	v31 =	vmov s14;
	v37 =	vld.idx.msk [tilespmem:v26+s23+$0x0], $0xffff;
	[tilespmem:s1+$0xB0] =	vst v33;
	v22 =	vbroadcast v23, $0x0;
	v26 =	vmovc v25  }
0x1e2: {  	v23 =	vshrl.u32 v31, $0x3;
	v31 =	vadd.s32 v9, v30;
	v25 =	vadd.s32 v13, v30;
	[tilespmem:s25+$0xFFFFFF20] =	vst v28;
	v28 =	vld.idx.msk [tilespmem:v34+s23+$0x0], $0xffff  }
0x1e3: {  	v23 =	vshll.u32 v23, v1;
	v33 =	vadd.s32 v0, v22;
	v34 =	vld.idx.msk [tilespmem:v39+s23+$0x0], $0xffff;
	[tilespmem:s1+$0xFFFFFF60] =	vst v36  }
0x1e4: {  	v23 =	vbroadcast v23, $0x0;
	v36 =	vadd.s32 v14, v17;
	[tilespmem:s25+$0x30] =	vst v35;
	v35 =	vld.idx.msk [tilespmem:v38+s23+$0x0], $0xffff  }
0x1e5: {  	v38 =	vld.idx.msk [tilespmem:v27+s23+$0x0], $0xffff;
	[tilespmem:s1+$0x60] =	vst v32;
	v32 =	vadd.s32 v14, v19  }
0x1e6: {  	v41 =	vadd.s32 v5, v20;
	v39 =	vadd.s32 v0, v23;
	v27 =	vld.idx.msk [tilespmem:v40+s23+$0x0], $0xffff  }
0x1e7: {  	v31 =	vld.idx.msk [tilespmem:v31+s23+$0x0], $0xffff;
	[tilespmem:s1+$0xFFFFFFC0] =	vst v37  }
0x1e8: {  	v37 =	vadd.s32 v6, v18;
	v33 =	vld.idx.msk [tilespmem:v33+s23+$0x0], $0xffff;
	[tilespmem:s1+$0xC0] =	vst v28  }
0x1e9: {  	v28 =	vadd.s32 v10, v30;
	[tilespmem:s25+$0xFFFFFF30] =	vst v34;
	v34 =	vadd.s32 v10, v24;
	v36 =	vld.idx.msk [tilespmem:v36+s23+$0x0], $0xffff  }
0x1ea: {  	[tilespmem:s1+$0xFFFFFF70] =	vst v35;
	v32 =	vld.idx.msk [tilespmem:v32+s23+$0x0], $0xffff  }
0x1eb: {  	v35 =	vld.idx.msk [tilespmem:v41+s23+$0x0], $0xffff;
	[tilespmem:s25+$0x40] =	vst v38;
	v38 =	vadd.s32 v15, v17  }
0x1ec: {  	v40 =	vadd.s32 v2, v22;
	s25 =	sadd.s32 $0x200, s25;
	v39 =	vld.idx.msk [tilespmem:v39+s23+$0x0], $0xffff;
	[tilespmem:s0+$0x80] =	vst v29  }
0x1ed: {  	v29 =	vadd.s32 v2, v23;
	[tilespmem:s25+$0xFFFFFF80] =	vst v31;
	v31 =	vld.idx.msk [tilespmem:v37+s23+$0x0], $0xffff;
	v37 =	vadd.s32 v15, v19  }
0x1ee: {  	[tilespmem:s25+$0x0] =	vst v33;
	v33 =	vld.idx.msk [tilespmem:v34+s23+$0x0], $0xffff  }
0x1ef: {  	v34 =	vadd.s32 v6, v20;
	v28 =	vld.idx.msk [tilespmem:v28+s23+$0x0], $0xffff;
	[tilespmem:s1+$0xFFFFFFD0] =	vst v36  }
0x1f0: {  	v36 =	vadd.s32 v11, v24;
	v38 =	vld.idx.msk [tilespmem:v38+s23+$0x0], $0xffff;
	[tilespmem:s1+$0xD0] =	vst v32  }
0x1f1: {  	v32 =	vadd.s32 v11, v30;
	v40 =	vld.idx.msk [tilespmem:v40+s23+$0x0], $0xffff;
	[tilespmem:s0+$0xFFFFFF40] =	vst v35  }
0x1f2: {  	v35 =	vadd.s32 v16, v17;
	v17 =	vmov v21;
	v21 =	vmov v30;
	[tilespmem:s25+$0xFFFFFF00] =	vst v39;
	v37 =	vld.idx.msk [tilespmem:v37+s23+$0x0], $0xffff  }
0x1f3: {  	v39 =	vadd.s32 v3, v22;
	v30 =	vld.idx.msk [tilespmem:v29+s23+$0x0], $0xffff;
	[tilespmem:s0+$0x50] =	vst v31  }
0x1f4: {  	v31 =	vld.idx.msk [tilespmem:v34+s23+$0x0], $0xffff;
	[tilespmem:s0+$0x90] =	vst v33;
	v33 =	vadd.s32 v16, v19;
	v19 =	vmov v24  }
0x1f5: {  	v24 =	vadd.s32 v3, v23;
	[tilespmem:s25+$0xFFFFFF90] =	vst v28;
	v41 =	vld.idx.msk [tilespmem:v36+s23+$0x0], $0xffff  }
0x1f6: {  	s15 =	sadd.s32 $0xC, s14;
	v43 =	vadd.s32 v12, v17;
	v42 =	vld.idx.msk [tilespmem:v32+s23+$0x0], $0xffff;
	[tilespmem:s1+$0xFFFFFFE0] =	vst v38  }
0x1f7: {  	v28 =	vmov s15;
	v38 =	vadd.s32 v12, v19;
	[tilespmem:s25+$0x10] =	vst v40;
	v29 =	vld.idx.msk [tilespmem:v35+s23+$0x0], $0xffff  }
.Ltmp12:
0x1f8: {  	v36 =	vadd.s32 v7, v20;
	v28 =	vshrl.u32 v28, $0x3;
	v32 =	vld.idx.msk [tilespmem:v39+s23+$0x0], $0xffff;
	[tilespmem:s1+$0xE0] =	vst v37;
	(pc) =	sbr.rel @p1 .LBB2_19-.Ltmp12, $4  }
0x1f9: {  	v34 =	vadd.s32 v7, v18;
	v37 =	vshll.u32 v28, v1;
	[tilespmem:s25+$0xFFFFFF10] =	vst v30;
	v30 =	vld.idx.msk [tilespmem:v33+s23+$0x0], $0xffff  }
0x1fa: {  	v35 =	vadd.s32 v4, v22;
	v28 =	vld.idx.msk [tilespmem:v24+s23+$0x0], $0xffff;
	v24 =	vbroadcast v37, $0x0;
	[tilespmem:s0+$0xFFFFFF50] =	vst v31  }
0x1fb: {  	v31 =	vld.idx.msk [tilespmem:v43+s23+$0x0], $0xffff;
	[tilespmem:s0+$0xA0] =	vst v41  }
0x1fc: {  	s14 =	sadd.s32 $0x10, s14;
	[tilespmem:s25+$0xFFFFFFA0] =	vst v42;
	v37 =	vadd.s32 v9, v24;
	v33 =	vld.idx.msk [tilespmem:v38+s23+$0x0], $0xffff  }
0x1fd: {  	_ =	sdelay $0x3  }
0x1fe: {  	v37 =	vld.idx.msk [tilespmem:v37+s23+$0x0], $0xffff  }
0x1ff: {  	v38 =	vadd.s32 v10, v24;
	_ =	sdelay $0x3  }
0x200: {  	[tilespmem:s25+$0x80] =	vst v37  }
0x201: {  	v37 =	vld.idx.msk [tilespmem:v38+s23+$0x0], $0xffff  }
0x202: {  	[tilespmem:s1+$0x70] =	vst v27;
	v59 =	vadd.s32 v11, v24  }
0x203: {  	[tilespmem:s25+$0x20] =	vst v32  }
0x204: {  	[tilespmem:s1+$0xFFFFFFF0] =	vst v29  }
0x205: {  	v60 =	vld.idx.msk [tilespmem:v36+s23+$0x0], $0xffff;
	v61 =	vadd.s32 v4, v23;
	[tilespmem:s1+$0xF0] =	vst v30  }
0x206: {  	v63 =	vadd.s32 v12, v21;
	v34 =	vld.idx.msk [tilespmem:v34+s23+$0x0], $0xffff;
	[tilespmem:s25+$0x90] =	vst v37  }
0x207: {  	v62 =	vadd.s32 v13, v19;
	[tilespmem:s25+$0xFFFFFF20] =	vst v28;
	v27 =	vld.idx.msk [tilespmem:v59+s23+$0x0], $0xffff  }
0x208: {  	v36 =	vadd.s32 v12, v24;
	v35 =	vld.idx.msk [tilespmem:v35+s23+$0x0], $0xffff;
	[tilespmem:s0+$0xFFFFFFB0] =	vst v31  }
0x209: {  	v20 =	vadd.s32 v8, v20;
	[tilespmem:s0+$0xB0] =	vst v33;
	v26 =	vld.idx.msk [tilespmem:v26+s23+$0x0], $0xffff  }
0x20a: {  	v18 =	vadd.s32 v8, v18;
	v32 =	vld.idx.msk [tilespmem:v61+s23+$0x0], $0xffff;
	[tilespmem:s0+$0xFFFFFF60] =	vst v60  }
0x20b: {  	v39 =	vadd.s32 v5, v23;
	v31 =	vld.idx.msk [tilespmem:v63+s23+$0x0], $0xffff;
	[tilespmem:s0+$0x60] =	vst v34  }
0x20c: {  	v38 =	vld.idx.msk [tilespmem:v62+s23+$0x0], $0xffff;
	[tilespmem:s25+$0xA0] =	vst v27  }
0x20d: {  	[tilespmem:s25+$0x30] =	vst v35;
	v37 =	vadd.s32 v5, v22;
	v27 =	vld.idx.msk [tilespmem:v36+s23+$0x0], $0xffff  }
0x20e: {  	v41 =	vadd.s32 v13, v24;
	v20 =	vld.idx.msk [tilespmem:v20+s23+$0x0], $0xffff;
	[tilespmem:s0+$0xFFFFFFC0] =	vst v26  }
0x20f: {  	v40 =	vadd.s32 v14, v17;
	v18 =	vld.idx.msk [tilespmem:v18+s23+$0x0], $0xffff;
	[tilespmem:s25+$0xFFFFFF30] =	vst v32  }
0x210: {  	v42 =	vadd.s32 v14, v19;
	[tilespmem:s25+$0xFFFFFFB0] =	vst v31;
	v44 =	vld.idx.msk [tilespmem:v39+s23+$0x0], $0xffff  }
0x211: {  	v46 =	vadd.s32 v6, v23;
	[tilespmem:s0+$0xC0] =	vst v38;
	v25 =	vld.idx.msk [tilespmem:v25+s23+$0x0], $0xffff  }
0x212: {  	v49 =	vadd.s32 v14, v21;
	v28 =	vld.idx.msk [tilespmem:v37+s23+$0x0], $0xffff;
	[tilespmem:s25+$0xB0] =	vst v27  }
0x213: {  	v43 =	vadd.s32 v6, v22;
	[tilespmem:s0+$0xFFFFFF70] =	vst v20;
	v48 =	vld.idx.msk [tilespmem:v41+s23+$0x0], $0xffff  }
0x214: {  	v51 =	vadd.s32 v14, v24;
	v45 =	vld.idx.msk [tilespmem:v40+s23+$0x0], $0xffff;
	[tilespmem:s0+$0x70] =	vst v18  }
0x215: {  	v47 =	vadd.s32 v15, v17;
	v50 =	vld.idx.msk [tilespmem:v42+s23+$0x0], $0xffff;
	[tilespmem:s25+$0xFFFFFF40] =	vst v44  }
0x216: {  	v52 =	vadd.s32 v15, v19;
	[tilespmem:s25+$0xFFFFFFC0] =	vst v25;
	v29 =	vld.idx.msk [tilespmem:v46+s23+$0x0], $0xffff  }
0x217: {  	v53 =	vadd.s32 v7, v23;
	v55 =	vld.idx.msk [tilespmem:v49+s23+$0x0], $0xffff;
	[tilespmem:s25+$0x40] =	vst v28  }
0x218: {  	v57 =	vadd.s32 v15, v21;
	v32 =	vld.idx.msk [tilespmem:v43+s23+$0x0], $0xffff;
	[tilespmem:s25+$0xC0] =	vst v48  }
0x219: {  	v54 =	vadd.s32 v7, v22;
	[tilespmem:s0+$0xFFFFFFD0] =	vst v45;
	v56 =	vld.idx.msk [tilespmem:v51+s23+$0x0], $0xffff  }
0x21a: {  	v59 =	vadd.s32 v15, v24;
	v30 =	vld.idx.msk [tilespmem:v47+s23+$0x0], $0xffff;
	[tilespmem:s0+$0xD0] =	vst v50  }
0x21b: {  	v17 =	vadd.s32 v16, v17;
	v58 =	vld.idx.msk [tilespmem:v52+s23+$0x0], $0xffff;
	[tilespmem:s25+$0xFFFFFF50] =	vst v29  }
0x21c: {  	v19 =	vadd.s32 v16, v19;
	[tilespmem:s25+$0xFFFFFFD0] =	vst v55;
	v29 =	vld.idx.msk [tilespmem:v53+s23+$0x0], $0xffff  }
0x21d: {  	v60 =	vadd.s32 v8, v23;
	v62 =	vld.idx.msk [tilespmem:v57+s23+$0x0], $0xffff;
	[tilespmem:s25+$0x50] =	vst v32  }
0x21e: {  	v63 =	vadd.s32 v16, v21;
	v25 =	vld.idx.msk [tilespmem:v54+s23+$0x0], $0xffff;
	[tilespmem:s25+$0xD0] =	vst v56  }
0x21f: {  	v61 =	vadd.s32 v8, v22;
	[tilespmem:s0+$0xFFFFFFE0] =	vst v30;
	v26 =	vld.idx.msk [tilespmem:v59+s23+$0x0], $0xffff  }
0x220: {  	v18 =	vadd.s32 v16, v24;
	v17 =	vld.idx.msk [tilespmem:v17+s23+$0x0], $0xffff;
	[tilespmem:s0+$0xE0] =	vst v58  }
0x221: {  	v19 =	vld.idx.msk [tilespmem:v19+s23+$0x0], $0xffff;
	[tilespmem:s25+$0xFFFFFF60] =	vst v29  }
0x222: {  	[tilespmem:s25+$0xFFFFFFE0] =	vst v62;
	v23 =	vld.idx.msk [tilespmem:v60+s23+$0x0], $0xffff  }
0x223: {  	v21 =	vld.idx.msk [tilespmem:v63+s23+$0x0], $0xffff;
	[tilespmem:s25+$0x60] =	vst v25  }
0x224: {  	v20 =	vld.idx.msk [tilespmem:v61+s23+$0x0], $0xffff;
	[tilespmem:s25+$0xE0] =	vst v26  }
0x225: {  	[tilespmem:s0+$0xFFFFFFF0] =	vst v17;
	v17 =	vld.idx.msk [tilespmem:v18+s23+$0x0], $0xffff  }
0x226: {  	[tilespmem:s0+$0xF0] =	vst v19  }
0x227: {  	[tilespmem:s25+$0xFFFFFF70] =	vst v23  }
0x228: {  	p1 =	sge.u32 s30, s10;
	[tilespmem:s25+$0xFFFFFFF0] =	vst v21  }
.Ltmp13:
0x229: {  	s15 =	sand.u32 $0x1FFFFE00, s31;
	[tilespmem:s25+$0x70] =	vst v20;
	(pc) =	sbr.rel @p1 .LBB2_24-.Ltmp13, $4  }
0x22a: {  	s0 =	sadd.s32 s4, s15;
	[tilespmem:s25+$0xF0] =	vst v17;
	s25 =	sadd.s32 $0x3, s30  }
0x22b: {  	[hbm4b:s0+s2] =	stream.linear.scatter [tilespmem:s17], [sflag:$0x4], $0x1000, $0x38;
	[tilespmem:$0x5B00] =	vst v63  }
0x22c: {  	s0 =	sadd.s32 s5, s25  }
0x22d: {  	s31 =	sshll.u32 s0, $0x9  }
0x22e: {  	s0 =	sadd.s32 s31, s13;
	s1 =	simm.s32 $0x2200  }
0x22f: {  	s3 =	simm.s32 $0x10;
	s14 =	simm.s32 $0x2288;
	s25 =	sadd.s32 $0x0, s0  }
.LBB2_22:
0x230: {  	[tilespmem:s1], [sflag:$0x3] =	stream.linear.gather [hbm4b:s25+s2], $0x80, $0x38;
	[tilespmem:$0x5B00] =	vst v63  }
0x231: {  	s15 =	smov.u32 s3;
	s1 =	smov.u32 s14;
	p1 =	sne.s32 s3, $0x1F0  }
.Ltmp14:
0x232: {  	s3 =	sadd.s32 $0x10, s3;
	(pc) =	sbr.rel @p1 .LBB2_22-.Ltmp14, $2  }
0x233: {  	_ =	sdelay $0x2  }
0x234: {  	s14 =	sadd.s32 $0x88, s14;
	s25 =	sadd.s32 s15, s0  }
0x235: {  	[tilespmem:s1], [sflag:$0x3] =	stream.linear.gather [hbm4b:s25+s2], $0x80, $0x38;
	[tilespmem:$0x5B00] =	vst v63  }
.LBB2_24:
0x236: {  	s0 =	simm.s32 $0x8  }
0x237: {  	v17 =	vmov s0  }
0x238: {  	s1 =	simm.s32 $0x0;
	v17 =	vshrl.u32 v17, $0x3  }
0x239: {  	v18 =	vmov s1;
	v17 =	vshll.u32 v17, v1  }
0x23a: {  	v23 =	vbroadcast v17, $0x0;
	v17 =	vshrl.u32 v18, $0x3  }
0x23b: {  	_ =	swait.ge [sflag:s16], $0x1000;
	s3 =	simm.s32 $0x4;
	v17 =	vshll.u32 v17, v1  }
0x23c: {  	[sflag:s16] =	ssyncset.done $0x0;
	v18 =	vmov s3;
	v19 =	vadd.s32 v0, v23;
	v21 =	vbroadcast v17, $0x0  }
0x23d: {  	[sflag:s16] =	ssyncadd.s32 $0xFFFFF000;
	v17 =	vshrl.u32 v18, $0x3  }
0x23e: {  	_ =	swait.ge [sflag:s24], $0x1000;
	v17 =	vshll.u32 v17, v1;
	v18 =	vadd.s32 v0, v21  }
0x23f: {  	[sflag:s24] =	ssyncset.done $0x0;
	v24 =	vbroadcast v17, $0x0  }
0x240: {  	[sflag:s24] =	ssyncadd.s32 $0xFFFFF000  }
0x241: {  	v17 =	vadd.s32 v9, v24;
	v19 =	vld.idx.msk [tilespmem:v19+s2+$0x0], $0xffff  }
0x242: {  	v20 =	vadd.s32 v2, v23  }
0x243: {  	v18 =	vld.idx.msk [tilespmem:v18+s2+$0x0], $0xffff  }
0x244: {  	v22 =	vadd.s32 v2, v21  }
0x245: {  	s1 =	simm.s32 $0x4400  }
0x246: {  	s14 =	simm.s32 $0xC;
	v17 =	vld.idx.msk [tilespmem:v17+s2+$0x0], $0xffff;
	[tilespmem:s1+$0x0] =	vst v19  }
0x247: {  	v25 =	vmov s14;
	v19 =	vadd.s32 v10, v24;
	v20 =	vld.idx.msk [tilespmem:v20+s2+$0x0], $0xffff  }
0x248: {  	v25 =	vshrl.u32 v25, $0x3;
	[tilespmem:s1+$0xFFFFFF00] =	vst v18;
	v18 =	vadd.s32 v3, v23  }
0x249: {  	v25 =	vshll.u32 v25, v1;
	v22 =	vld.idx.msk [tilespmem:v22+s2+$0x0], $0xffff  }
0x24a: {  	v25 =	vbroadcast v25, $0x0;
	v26 =	vadd.s32 v3, v21  }
0x24b: {  	s15 =	simm.s32 $0x14;
	[tilespmem:s1+$0xFFFFFF80] =	vst v17  }
0x24c: {  	s25 =	simm.s32 $0x18;
	v28 =	vadd.s32 v4, v23;
	v30 =	vadd.s32 v9, v25;
	v17 =	vmov s15;
	v19 =	vld.idx.msk [tilespmem:v19+s2+$0x0], $0xffff;
	[tilespmem:s1+$0x10] =	vst v20  }
0x24d: {  	s3 =	simm.s32 $0x10;
	v27 =	vadd.s32 v11, v24;
	v17 =	vshrl.u32 v17, $0x3;
	v29 =	vld.idx.msk [tilespmem:v18+s2+$0x0], $0xffff;
	v18 =	vmov s25  }
0x24e: {  	v17 =	vshll.u32 v17, v1;
	v20 =	vmov s3;
	[tilespmem:s1+$0xFFFFFF10] =	vst v22;
	v18 =	vshrl.u32 v18, $0x3  }
0x24f: {  	v17 =	vbroadcast v17, $0x0;
	v20 =	vshrl.u32 v20, $0x3;
	v22 =	vld.idx.msk [tilespmem:v26+s2+$0x0], $0xffff;
	v18 =	vshll.u32 v18, v1  }
0x250: {  	v20 =	vshll.u32 v20, v1;
	v26 =	vadd.s32 v4, v21;
	v18 =	vbroadcast v18, $0x0  }
0x251: {  	v20 =	vbroadcast v20, $0x0;
	[tilespmem:s1+$0xFFFFFF90] =	vst v19;
	v19 =	vadd.s32 v9, v17  }
0x252: {  	v30 =	vld.idx.msk [tilespmem:v30+s2+$0x0], $0xffff;
	[tilespmem:s1+$0x20] =	vst v29;
	v29 =	vadd.s32 v0, v18  }
0x253: {  	v31 =	vadd.s32 v0, v20;
	v28 =	vld.idx.msk [tilespmem:v28+s2+$0x0], $0xffff  }
0x254: {  	v32 =	vadd.s32 v5, v23;
	v27 =	vld.idx.msk [tilespmem:v27+s2+$0x0], $0xffff;
	[tilespmem:s1+$0xFFFFFF20] =	vst v22  }
0x255: {  	v22 =	vld.idx.msk [tilespmem:v26+s2+$0x0], $0xffff;
	v26 =	vadd.s32 v10, v25  }
0x256: {  	v33 =	vadd.s32 v5, v21;
	v19 =	vld.idx.msk [tilespmem:v19+s2+$0x0], $0xffff  }
0x257: {  	v34 =	vadd.s32 v10, v17;
	v29 =	vld.idx.msk [tilespmem:v29+s2+$0x0], $0xffff  }
0x258: {  	[tilespmem:s1+$0x30] =	vst v28;
	v28 =	vld.idx.msk [tilespmem:v31+s2+$0x0], $0xffff;
	v31 =	vadd.s32 v2, v18  }
0x259: {  	[tilespmem:s1+$0x80] =	vst v30;
	v30 =	vadd.s32 v2, v20;
	v32 =	vld.idx.msk [tilespmem:v32+s2+$0x0], $0xffff  }
0x25a: {  	s0 =	simm.s32 $0x4600;
	v35 =	vadd.s32 v6, v23;
	[tilespmem:s1+$0xFFFFFF30] =	vst v22;
	v22 =	vld.idx.msk [tilespmem:v26+s2+$0x0], $0xffff  }
0x25b: {  	v41 =	vadd.s32 v12, v24;
	[tilespmem:s0+$0xFFFFFF80] =	vst v19;
	v26 =	vld.idx.msk [tilespmem:v33+s2+$0x0], $0xffff  }
0x25c: {  	v19 =	vadd.s32 v11, v25;
	[tilespmem:s0+$0x0] =	vst v29;
	v29 =	vld.idx.msk [tilespmem:v34+s2+$0x0], $0xffff  }
0x25d: {  	v39 =	vadd.s32 v6, v21;
	v31 =	vld.idx.msk [tilespmem:v31+s2+$0x0], $0xffff;
	[tilespmem:s0+$0xFFFFFF00] =	vst v28  }
0x25e: {  	v40 =	vadd.s32 v11, v17;
	[tilespmem:s1+$0x40] =	vst v32;
	v28 =	vld.idx.msk [tilespmem:v30+s2+$0x0], $0xffff  }
0x25f: {  	[tilespmem:s1+$0xFFFFFFA0] =	vst v27;
	v30 =	vadd.s32 v3, v18;
	v32 =	vld.idx.msk [tilespmem:v35+s2+$0x0], $0xffff  }
0x260: {  	s14 =	simm.s32 $0x1C;
	[tilespmem:s1+$0x90] =	vst v22;
	v22 =	vadd.s32 v3, v20;
	v35 =	vld.idx.msk [tilespmem:v41+s2+$0x0], $0xffff  }
0x261: {  	v36 =	vadd.s32 v13, v24;
	[tilespmem:s1+$0xFFFFFF40] =	vst v26;
	v26 =	vld.idx.msk [tilespmem:v19+s2+$0x0], $0xffff;
	v19 =	vmov s14  }
0x262: {  	v33 =	vld.idx.msk [tilespmem:v39+s2+$0x0], $0xffff;
	[tilespmem:s0+$0xFFFFFF90] =	vst v29;
	v29 =	vadd.s32 v12, v25;
	v19 =	vshrl.u32 v19, $0x3  }
0x263: {  	v34 =	vld.idx.msk [tilespmem:v40+s2+$0x0], $0xffff;
	[tilespmem:s0+$0x10] =	vst v31;
	v31 =	vadd.s32 v7, v21;
	v19 =	vshll.u32 v19, v1  }
0x264: {  	v30 =	vld.idx.msk [tilespmem:v30+s2+$0x0], $0xffff;
	[tilespmem:s0+$0xFFFFFF10] =	vst v28;
	v28 =	vadd.s32 v7, v23;
	v19 =	vbroadcast v19, $0x0  }
0x265: {  	s14 =	simm.s32 $0x20;
	v27 =	vld.idx.msk [tilespmem:v22+s2+$0x0], $0xffff;
	v22 =	vadd.s32 v4, v18;
	[tilespmem:s1+$0xFFFFFFB0] =	vst v35  }
0x266: {  	v46 =	vadd.s32 v8, v23;
	v23 =	vmov s14;
	[tilespmem:s1+$0xA0] =	vst v26;
	v26 =	vadd.s32 v9, v19;
	v35 =	vld.idx.msk [tilespmem:v36+s2+$0x0], $0xffff  }
0x267: {  	v37 =	vadd.s32 v4, v20;
	v23 =	vshrl.u32 v23, $0x3;
	[tilespmem:s1+$0xFFFFFF50] =	vst v33;
	v29 =	vld.idx.msk [tilespmem:v29+s2+$0x0], $0xffff  }
0x268: {  	v47 =	vadd.s32 v14, v24;
	s15 =	simm.s32 $0x24;
	[tilespmem:s1+$0x50] =	vst v32;
	v23 =	vshll.u32 v23, v1;
	v31 =	vld.idx.msk [tilespmem:v31+s2+$0x0], $0xffff  }
0x269: {  	v43 =	vadd.s32 v13, v25;
	v42 =	vmov s15;
	v23 =	vbroadcast v23, $0x0;
	[tilespmem:s0+$0x20] =	vst v30;
	v28 =	vld.idx.msk [tilespmem:v28+s2+$0x0], $0xffff  }
0x26a: {  	v45 =	vadd.s32 v8, v21;
	s25 =	simm.s32 $0x28;
	v30 =	vshrl.u32 v42, $0x3;
	v38 =	vld.idx.msk [tilespmem:v22+s2+$0x0], $0xffff  }
0x26b: {  	v44 =	vmov s25;
	v49 =	vadd.s32 v0, v23;
	v22 =	vshll.u32 v30, v1;
	[tilespmem:s0+$0xFFFFFF20] =	vst v27;
	v26 =	vld.idx.msk [tilespmem:v26+s2+$0x0], $0xffff  }
0x26c: {  	v30 =	vshrl.u32 v44, $0x3;
	v21 =	vbroadcast v22, $0x0;
	v37 =	vld.idx.msk [tilespmem:v37+s2+$0x0], $0xffff;
	[tilespmem:s1+$0xFFFFFFC0] =	vst v35  }
0x26d: {  	v22 =	vshll.u32 v30, v1;
	v30 =	vadd.s32 v5, v18;
	[tilespmem:s1+$0xB0] =	vst v29;
	v32 =	vld.idx.msk [tilespmem:v47+s2+$0x0], $0xffff  }
0x26e: {  	v22 =	vbroadcast v22, $0x0;
	v29 =	vadd.s32 v9, v21;
	v33 =	vld.idx.msk [tilespmem:v43+s2+$0x0], $0xffff;
	[tilespmem:s1+$0xFFFFFF60] =	vst v31  }
0x26f: {  	v52 =	vadd.s32 v10, v19;
	[tilespmem:s0+$0xFFFFFFA0] =	vst v34;
	v31 =	vld.idx.msk [tilespmem:v45+s2+$0x0], $0xffff  }
0x270: {  	v39 =	vadd.s32 v0, v22;
	[tilespmem:s1+$0x60] =	vst v28;
	v54 =	vld.idx.msk [tilespmem:v49+s2+$0x0], $0xffff  }
0x271: {  	v28 =	vadd.s32 v14, v25;
	[tilespmem:s0+$0x30] =	vst v38;
	v27 =	vld.idx.msk [tilespmem:v46+s2+$0x0], $0xffff  }
0x272: {  	v48 =	vadd.s32 v5, v20;
	v30 =	vld.idx.msk [tilespmem:v30+s2+$0x0], $0xffff;
	[tilespmem:s0+$0xFFFFFF30] =	vst v37  }
0x273: {  	v56 =	vadd.s32 v2, v23;
	[tilespmem:s0+$0x80] =	vst v26;
	v29 =	vld.idx.msk [tilespmem:v29+s2+$0x0], $0xffff  }
0x274: {  	v51 =	vadd.s32 v6, v18;
	[tilespmem:s1+$0xC0] =	vst v33;
	v33 =	vld.idx.msk [tilespmem:v52+s2+$0x0], $0xffff  }
0x275: {  	s25 =	simm.s32 $0x4800;
	v53 =	vadd.s32 v10, v21;
	v50 =	vld.idx.msk [tilespmem:v39+s2+$0x0], $0xffff;
	[tilespmem:s1+$0xFFFFFF70] =	vst v31  }
0x276: {  	v59 =	vadd.s32 v11, v19;
	v28 =	vld.idx.msk [tilespmem:v28+s2+$0x0], $0xffff;
	[tilespmem:s25+$0xFFFFFF00] =	vst v54  }
0x277: {  	v31 =	vld.idx.msk [tilespmem:v48+s2+$0x0], $0xffff;
	[tilespmem:s0+$0x40] =	vst v30;
	v30 =	vadd.s32 v15, v24  }
0x278: {  	v55 =	vadd.s32 v2, v22;
	[tilespmem:s1+$0xFFFFFFD0] =	vst v32;
	v34 =	vld.idx.msk [tilespmem:v56+s2+$0x0], $0xffff  }
0x279: {  	v58 =	vadd.s32 v6, v20;
	v26 =	vld.idx.msk [tilespmem:v51+s2+$0x0], $0xffff;
	[tilespmem:s25+$0xFFFFFF80] =	vst v29  }
0x27a: {  	v29 =	vadd.s32 v15, v25;
	[tilespmem:s0+$0x90] =	vst v33;
	v57 =	vld.idx.msk [tilespmem:v53+s2+$0x0], $0xffff  }
0x27b: {  	[tilespmem:s1+$0xD0] =	vst v28;
	v28 =	vadd.s32 v11, v21;
	v62 =	vld.idx.msk [tilespmem:v59+s2+$0x0], $0xffff  }
0x27c: {  	v61 =	vadd.s32 v3, v23;
	[tilespmem:s25+$0x0] =	vst v50;
	v30 =	vld.idx.msk [tilespmem:v30+s2+$0x0], $0xffff  }
0x27d: {  	v24 =	vadd.s32 v16, v24;
	[tilespmem:s0+$0xFFFFFF40] =	vst v31;
	v36 =	vld.idx.msk [tilespmem:v55+s2+$0x0], $0xffff  }
0x27e: {  	v60 =	vadd.s32 v3, v22;
	v37 =	vld.idx.msk [tilespmem:v58+s2+$0x0], $0xffff;
	[tilespmem:s25+$0xFFFFFF10] =	vst v34  }
0x27f: {  	v41 =	vadd.s32 v12, v19;
	v31 =	vld.idx.msk [tilespmem:v29+s2+$0x0], $0xffff;
	[tilespmem:s25+$0xFFFFFF90] =	vst v57  }
0x280: {  	s15 =	simm.s32 $0x2C;
	v25 =	vadd.s32 v16, v25;
	[tilespmem:s0+$0x50] =	vst v26;
	v63 =	vld.idx.msk [tilespmem:v28+s2+$0x0], $0xffff  }
0x281: {  	v40 =	vadd.s32 v12, v17;
	v26 =	vmov s15;
	v28 =	vld.idx.msk [tilespmem:v61+s2+$0x0], $0xffff;
	[tilespmem:s1+$0xFFFFFFE0] =	vst v30  }
0x282: {  	[tilespmem:s25+$0x10] =	vst v36;
	v36 =	vadd.s32 v7, v20;
	v29 =	vld.idx.msk [tilespmem:v24+s2+$0x0], $0xffff;
	v24 =	vshrl.u32 v26, $0x3  }
0x283: {  	v34 =	vadd.s32 v7, v18;
	[tilespmem:s0+$0xA0] =	vst v62;
	v32 =	vld.idx.msk [tilespmem:v60+s2+$0x0], $0xffff;
	v24 =	vshll.u32 v24, v1  }
0x284: {  	v35 =	vadd.s32 v4, v22;
	v33 =	vld.idx.msk [tilespmem:v41+s2+$0x0], $0xffff;
	[tilespmem:s1+$0xE0] =	vst v31;
	v24 =	vbroadcast v24, $0x0  }
0x285: {  	[tilespmem:s0+$0xFFFFFF50] =	vst v37;
	v26 =	vadd.s32 v13, v17;
	v30 =	vld.idx.msk [tilespmem:v25+s2+$0x0], $0xffff  }
0x286: {  	s3 =	simm.s32 $0x8;
	s14 =	simm.s32 $0x30;
	v31 =	vld.idx.msk [tilespmem:v40+s2+$0x0], $0xffff;
	v25 =	vadd.s32 v13, v21;
	[tilespmem:s25+$0xFFFFFFA0] =	vst v63;
	v37 =	vadd.s32 v9, v24  }
.LBB2_25:
0x287: {  	s15 =	sadd.s32 $0x4, s14;
	s3 =	sadd.s32 $0x4, s3;
	v36 =	vld.idx.msk [tilespmem:v36+s2+$0x0], $0xffff;
	[tilespmem:s1+$0x70] =	vst v27  }
0x288: {  	v27 =	vmov s15;
	s15 =	sadd.s32 $0x8, s14;
	p1 =	slt.u32 s3, $0x1C;
	[tilespmem:s25+$0x20] =	vst v32;
	v32 =	vld.idx.msk [tilespmem:v34+s2+$0x0], $0xffff;
	v34 =	vadd.s32 v13, v19  }
0x289: {  	v39 =	vadd.s32 v4, v23;
	v27 =	vshrl.u32 v27, $0x3;
	v38 =	vmov s15;
	v35 =	vld.idx.msk [tilespmem:v35+s2+$0x0], $0xffff;
	[tilespmem:s1+$0xFFFFFFF0] =	vst v29  }
0x28a: {  	v27 =	vshll.u32 v27, v1;
	v29 =	vshrl.u32 v38, $0x3;
	v38 =	vadd.s32 v8, v20;
	[tilespmem:s1+$0xF0] =	vst v30;
	v20 =	vmovc v23;
	s1 =	smov.u32 s0;
	s0 =	smov.u32 s25  }
0x28b: {  	v30 =	vbroadcast v27, $0x0;
	v23 =	vshll.u32 v29, v1;
	v27 =	vadd.s32 v5, v22;
	v29 =	vld.idx.msk [tilespmem:v37+s2+$0x0], $0xffff;
	[tilespmem:s1+$0xFFFFFFB0] =	vst v31  }
0x28c: {  	v40 =	vadd.s32 v8, v18;
	v18 =	vmovc v22;
	v31 =	vmov s14;
	v37 =	vld.idx.msk [tilespmem:v26+s2+$0x0], $0xffff;
	[tilespmem:s1+$0xB0] =	vst v33;
	v22 =	vbroadcast v23, $0x0;
	v26 =	vmovc v25  }
0x28d: {  	v23 =	vshrl.u32 v31, $0x3;
	v31 =	vadd.s32 v9, v30;
	v25 =	vadd.s32 v13, v30;
	[tilespmem:s25+$0xFFFFFF20] =	vst v28;
	v28 =	vld.idx.msk [tilespmem:v34+s2+$0x0], $0xffff  }
0x28e: {  	v23 =	vshll.u32 v23, v1;
	v33 =	vadd.s32 v0, v22;
	v34 =	vld.idx.msk [tilespmem:v39+s2+$0x0], $0xffff;
	[tilespmem:s1+$0xFFFFFF60] =	vst v36  }
0x28f: {  	v23 =	vbroadcast v23, $0x0;
	v36 =	vadd.s32 v14, v17;
	[tilespmem:s25+$0x30] =	vst v35;
	v35 =	vld.idx.msk [tilespmem:v38+s2+$0x0], $0xffff  }
0x290: {  	v38 =	vld.idx.msk [tilespmem:v27+s2+$0x0], $0xffff;
	[tilespmem:s1+$0x60] =	vst v32;
	v32 =	vadd.s32 v14, v19  }
0x291: {  	v41 =	vadd.s32 v5, v20;
	v39 =	vadd.s32 v0, v23;
	v27 =	vld.idx.msk [tilespmem:v40+s2+$0x0], $0xffff  }
0x292: {  	v31 =	vld.idx.msk [tilespmem:v31+s2+$0x0], $0xffff;
	[tilespmem:s1+$0xFFFFFFC0] =	vst v37  }
0x293: {  	v37 =	vadd.s32 v6, v18;
	v33 =	vld.idx.msk [tilespmem:v33+s2+$0x0], $0xffff;
	[tilespmem:s1+$0xC0] =	vst v28  }
0x294: {  	v28 =	vadd.s32 v10, v30;
	[tilespmem:s25+$0xFFFFFF30] =	vst v34;
	v34 =	vadd.s32 v10, v24;
	v36 =	vld.idx.msk [tilespmem:v36+s2+$0x0], $0xffff  }
0x295: {  	[tilespmem:s1+$0xFFFFFF70] =	vst v35;
	v32 =	vld.idx.msk [tilespmem:v32+s2+$0x0], $0xffff  }
0x296: {  	v35 =	vld.idx.msk [tilespmem:v41+s2+$0x0], $0xffff;
	[tilespmem:s25+$0x40] =	vst v38;
	v38 =	vadd.s32 v15, v17  }
0x297: {  	v40 =	vadd.s32 v2, v22;
	s25 =	sadd.s32 $0x200, s25;
	v39 =	vld.idx.msk [tilespmem:v39+s2+$0x0], $0xffff;
	[tilespmem:s0+$0x80] =	vst v29  }
0x298: {  	v29 =	vadd.s32 v2, v23;
	[tilespmem:s25+$0xFFFFFF80] =	vst v31;
	v31 =	vld.idx.msk [tilespmem:v37+s2+$0x0], $0xffff;
	v37 =	vadd.s32 v15, v19  }
0x299: {  	[tilespmem:s25+$0x0] =	vst v33;
	v33 =	vld.idx.msk [tilespmem:v34+s2+$0x0], $0xffff  }
0x29a: {  	v34 =	vadd.s32 v6, v20;
	v28 =	vld.idx.msk [tilespmem:v28+s2+$0x0], $0xffff;
	[tilespmem:s1+$0xFFFFFFD0] =	vst v36  }
0x29b: {  	v36 =	vadd.s32 v11, v24;
	v38 =	vld.idx.msk [tilespmem:v38+s2+$0x0], $0xffff;
	[tilespmem:s1+$0xD0] =	vst v32  }
0x29c: {  	v32 =	vadd.s32 v11, v30;
	v40 =	vld.idx.msk [tilespmem:v40+s2+$0x0], $0xffff;
	[tilespmem:s0+$0xFFFFFF40] =	vst v35  }
0x29d: {  	v35 =	vadd.s32 v16, v17;
	v17 =	vmov v21;
	v21 =	vmov v30;
	[tilespmem:s25+$0xFFFFFF00] =	vst v39;
	v37 =	vld.idx.msk [tilespmem:v37+s2+$0x0], $0xffff  }
0x29e: {  	v39 =	vadd.s32 v3, v22;
	v30 =	vld.idx.msk [tilespmem:v29+s2+$0x0], $0xffff;
	[tilespmem:s0+$0x50] =	vst v31  }
0x29f: {  	v31 =	vld.idx.msk [tilespmem:v34+s2+$0x0], $0xffff;
	[tilespmem:s0+$0x90] =	vst v33;
	v33 =	vadd.s32 v16, v19;
	v19 =	vmov v24  }
0x2a0: {  	v24 =	vadd.s32 v3, v23;
	[tilespmem:s25+$0xFFFFFF90] =	vst v28;
	v41 =	vld.idx.msk [tilespmem:v36+s2+$0x0], $0xffff  }
0x2a1: {  	s15 =	sadd.s32 $0xC, s14;
	v43 =	vadd.s32 v12, v17;
	v42 =	vld.idx.msk [tilespmem:v32+s2+$0x0], $0xffff;
	[tilespmem:s1+$0xFFFFFFE0] =	vst v38  }
0x2a2: {  	v28 =	vmov s15;
	v38 =	vadd.s32 v12, v19;
	[tilespmem:s25+$0x10] =	vst v40;
	v29 =	vld.idx.msk [tilespmem:v35+s2+$0x0], $0xffff  }
.Ltmp15:
0x2a3: {  	v36 =	vadd.s32 v7, v20;
	v28 =	vshrl.u32 v28, $0x3;
	v32 =	vld.idx.msk [tilespmem:v39+s2+$0x0], $0xffff;
	[tilespmem:s1+$0xE0] =	vst v37;
	(pc) =	sbr.rel @p1 .LBB2_25-.Ltmp15, $4  }
0x2a4: {  	v34 =	vadd.s32 v7, v18;
	v37 =	vshll.u32 v28, v1;
	[tilespmem:s25+$0xFFFFFF10] =	vst v30;
	v30 =	vld.idx.msk [tilespmem:v33+s2+$0x0], $0xffff  }
0x2a5: {  	v35 =	vadd.s32 v4, v22;
	v28 =	vld.idx.msk [tilespmem:v24+s2+$0x0], $0xffff;
	v24 =	vbroadcast v37, $0x0;
	[tilespmem:s0+$0xFFFFFF50] =	vst v31  }
0x2a6: {  	v31 =	vld.idx.msk [tilespmem:v43+s2+$0x0], $0xffff;
	[tilespmem:s0+$0xA0] =	vst v41  }
0x2a7: {  	s14 =	sadd.s32 $0x10, s14;
	[tilespmem:s25+$0xFFFFFFA0] =	vst v42;
	v37 =	vadd.s32 v9, v24;
	v33 =	vld.idx.msk [tilespmem:v38+s2+$0x0], $0xffff  }
0x2a8: {  	_ =	sdelay $0x3  }
0x2a9: {  	v37 =	vld.idx.msk [tilespmem:v37+s2+$0x0], $0xffff  }
0x2aa: {  	v38 =	vadd.s32 v10, v24;
	_ =	sdelay $0x3  }
0x2ab: {  	[tilespmem:s25+$0x80] =	vst v37  }
0x2ac: {  	v37 =	vld.idx.msk [tilespmem:v38+s2+$0x0], $0xffff  }
0x2ad: {  	[tilespmem:s1+$0x70] =	vst v27;
	v59 =	vadd.s32 v11, v24  }
0x2ae: {  	[tilespmem:s25+$0x20] =	vst v32  }
0x2af: {  	[tilespmem:s1+$0xFFFFFFF0] =	vst v29  }
0x2b0: {  	v60 =	vld.idx.msk [tilespmem:v36+s2+$0x0], $0xffff;
	v61 =	vadd.s32 v4, v23;
	[tilespmem:s1+$0xF0] =	vst v30  }
0x2b1: {  	v63 =	vadd.s32 v12, v21;
	v34 =	vld.idx.msk [tilespmem:v34+s2+$0x0], $0xffff;
	[tilespmem:s25+$0x90] =	vst v37  }
0x2b2: {  	v62 =	vadd.s32 v13, v19;
	[tilespmem:s25+$0xFFFFFF20] =	vst v28;
	v27 =	vld.idx.msk [tilespmem:v59+s2+$0x0], $0xffff  }
0x2b3: {  	v36 =	vadd.s32 v12, v24;
	v35 =	vld.idx.msk [tilespmem:v35+s2+$0x0], $0xffff;
	[tilespmem:s0+$0xFFFFFFB0] =	vst v31  }
0x2b4: {  	v20 =	vadd.s32 v8, v20;
	[tilespmem:s0+$0xB0] =	vst v33;
	v26 =	vld.idx.msk [tilespmem:v26+s2+$0x0], $0xffff  }
0x2b5: {  	v18 =	vadd.s32 v8, v18;
	v32 =	vld.idx.msk [tilespmem:v61+s2+$0x0], $0xffff;
	[tilespmem:s0+$0xFFFFFF60] =	vst v60  }
0x2b6: {  	v39 =	vadd.s32 v5, v23;
	v31 =	vld.idx.msk [tilespmem:v63+s2+$0x0], $0xffff;
	[tilespmem:s0+$0x60] =	vst v34  }
0x2b7: {  	v38 =	vld.idx.msk [tilespmem:v62+s2+$0x0], $0xffff;
	[tilespmem:s25+$0xA0] =	vst v27  }
0x2b8: {  	[tilespmem:s25+$0x30] =	vst v35;
	v37 =	vadd.s32 v5, v22;
	v27 =	vld.idx.msk [tilespmem:v36+s2+$0x0], $0xffff  }
0x2b9: {  	v41 =	vadd.s32 v13, v24;
	v20 =	vld.idx.msk [tilespmem:v20+s2+$0x0], $0xffff;
	[tilespmem:s0+$0xFFFFFFC0] =	vst v26  }
0x2ba: {  	v40 =	vadd.s32 v14, v17;
	v18 =	vld.idx.msk [tilespmem:v18+s2+$0x0], $0xffff;
	[tilespmem:s25+$0xFFFFFF30] =	vst v32  }
0x2bb: {  	v42 =	vadd.s32 v14, v19;
	[tilespmem:s25+$0xFFFFFFB0] =	vst v31;
	v44 =	vld.idx.msk [tilespmem:v39+s2+$0x0], $0xffff  }
0x2bc: {  	v46 =	vadd.s32 v6, v23;
	[tilespmem:s0+$0xC0] =	vst v38;
	v25 =	vld.idx.msk [tilespmem:v25+s2+$0x0], $0xffff  }
0x2bd: {  	v49 =	vadd.s32 v14, v21;
	v28 =	vld.idx.msk [tilespmem:v37+s2+$0x0], $0xffff;
	[tilespmem:s25+$0xB0] =	vst v27  }
0x2be: {  	v43 =	vadd.s32 v6, v22;
	[tilespmem:s0+$0xFFFFFF70] =	vst v20;
	v48 =	vld.idx.msk [tilespmem:v41+s2+$0x0], $0xffff  }
0x2bf: {  	v51 =	vadd.s32 v14, v24;
	v45 =	vld.idx.msk [tilespmem:v40+s2+$0x0], $0xffff;
	[tilespmem:s0+$0x70] =	vst v18  }
0x2c0: {  	v47 =	vadd.s32 v15, v17;
	v50 =	vld.idx.msk [tilespmem:v42+s2+$0x0], $0xffff;
	[tilespmem:s25+$0xFFFFFF40] =	vst v44  }
0x2c1: {  	v52 =	vadd.s32 v15, v19;
	[tilespmem:s25+$0xFFFFFFC0] =	vst v25;
	v29 =	vld.idx.msk [tilespmem:v46+s2+$0x0], $0xffff  }
0x2c2: {  	v53 =	vadd.s32 v7, v23;
	v55 =	vld.idx.msk [tilespmem:v49+s2+$0x0], $0xffff;
	[tilespmem:s25+$0x40] =	vst v28  }
0x2c3: {  	v57 =	vadd.s32 v15, v21;
	v32 =	vld.idx.msk [tilespmem:v43+s2+$0x0], $0xffff;
	[tilespmem:s25+$0xC0] =	vst v48  }
0x2c4: {  	v54 =	vadd.s32 v7, v22;
	[tilespmem:s0+$0xFFFFFFD0] =	vst v45;
	v56 =	vld.idx.msk [tilespmem:v51+s2+$0x0], $0xffff  }
0x2c5: {  	v59 =	vadd.s32 v15, v24;
	v30 =	vld.idx.msk [tilespmem:v47+s2+$0x0], $0xffff;
	[tilespmem:s0+$0xD0] =	vst v50  }
0x2c6: {  	v17 =	vadd.s32 v16, v17;
	v58 =	vld.idx.msk [tilespmem:v52+s2+$0x0], $0xffff;
	[tilespmem:s25+$0xFFFFFF50] =	vst v29  }
0x2c7: {  	v19 =	vadd.s32 v16, v19;
	[tilespmem:s25+$0xFFFFFFD0] =	vst v55;
	v29 =	vld.idx.msk [tilespmem:v53+s2+$0x0], $0xffff  }
0x2c8: {  	v60 =	vadd.s32 v8, v23;
	v62 =	vld.idx.msk [tilespmem:v57+s2+$0x0], $0xffff;
	[tilespmem:s25+$0x50] =	vst v32  }
0x2c9: {  	v63 =	vadd.s32 v16, v21;
	v25 =	vld.idx.msk [tilespmem:v54+s2+$0x0], $0xffff;
	[tilespmem:s25+$0xD0] =	vst v56  }
0x2ca: {  	v61 =	vadd.s32 v8, v22;
	[tilespmem:s0+$0xFFFFFFE0] =	vst v30;
	v26 =	vld.idx.msk [tilespmem:v59+s2+$0x0], $0xffff  }
0x2cb: {  	v18 =	vadd.s32 v16, v24;
	v17 =	vld.idx.msk [tilespmem:v17+s2+$0x0], $0xffff;
	[tilespmem:s0+$0xE0] =	vst v58  }
0x2cc: {  	v19 =	vld.idx.msk [tilespmem:v19+s2+$0x0], $0xffff;
	[tilespmem:s25+$0xFFFFFF60] =	vst v29  }
0x2cd: {  	[tilespmem:s25+$0xFFFFFFE0] =	vst v62;
	v23 =	vld.idx.msk [tilespmem:v60+s2+$0x0], $0xffff  }
0x2ce: {  	v21 =	vld.idx.msk [tilespmem:v63+s2+$0x0], $0xffff;
	[tilespmem:s25+$0x60] =	vst v25  }
0x2cf: {  	v20 =	vld.idx.msk [tilespmem:v61+s2+$0x0], $0xffff;
	[tilespmem:s25+$0xE0] =	vst v26  }
0x2d0: {  	[tilespmem:s0+$0xFFFFFFF0] =	vst v17;
	v17 =	vld.idx.msk [tilespmem:v18+s2+$0x0], $0xffff  }
0x2d1: {  	[tilespmem:s0+$0xF0] =	vst v19  }
0x2d2: {  	[tilespmem:s25+$0xFFFFFF70] =	vst v23  }
0x2d3: {  	[tilespmem:s25+$0xFFFFFFF0] =	vst v21  }
0x2d4: {  	s31 =	sand.u32 $0x1FFFFE00, s31;
	[tilespmem:s25+$0x70] =	vst v20  }
0x2d5: {  	s0 =	sadd.s32 s4, s31;
	[tilespmem:s25+$0xF0] =	vst v17  }
0x2d6: {  	[hbm4b:s0+s2] =	stream.linear.scatter [tilespmem:s20], [sflag:$0x5], $0x1000, $0x38;
	[tilespmem:$0x5B00] =	vst v63  }
0x2d7: {  	s0 =	sadd.s32 $0x4, s30  }
0x2d8: {  	p1 =	sge.u32 s0, s6  }
.Ltmp16:
0x2d9: {  	_ = 	snop;
	(pc) =	sbr.rel @p1 .LBB2_34-.Ltmp16, $1  }
0x2da: {  	_ =	sdelay $0x3  }
0x2db: {  	p1 =	sge.u32 s30, s11  }
.Ltmp17:
0x2dc: {  	_ = 	snop;
	(pc) =	sbr.rel @p1 .LBB2_31-.Ltmp17, $3  }
0x2dd: {  	_ =	sdelay $0x1  }
0x2de: {  	s0 =	sadd.s32 s5, s0  }
0x2df: {  	s31 =	sshll.u32 s0, $0x9  }
0x2e0: {  	s0 =	sadd.s32 s31, s13;
	s1 =	simm.s32 $0x0  }
0x2e1: {  	s3 =	simm.s32 $0x10;
	s14 =	simm.s32 $0x88;
	s25 =	sadd.s32 $0x0, s0  }
.LBB2_29:
0x2e2: {  	[tilespmem:s1], [sflag:$0x1] =	stream.linear.gather [hbm4b:s25+s2], $0x80, $0x38;
	[tilespmem:$0x5B00] =	vst v63  }
0x2e3: {  	s15 =	smov.u32 s3;
	s1 =	smov.u32 s14;
	p1 =	sne.s32 s3, $0x1F0  }
.Ltmp18:
0x2e4: {  	s3 =	sadd.s32 $0x10, s3;
	(pc) =	sbr.rel @p1 .LBB2_29-.Ltmp18, $2  }
0x2e5: {  	_ =	sdelay $0x2  }
0x2e6: {  	s14 =	sadd.s32 $0x88, s14;
	s25 =	sadd.s32 s15, s0  }
0x2e7: {  	[tilespmem:s1], [sflag:$0x1] =	stream.linear.gather [hbm4b:s25+s2], $0x80, $0x38;
	[tilespmem:$0x5B00] =	vst v63  }
.LBB2_31:
0x2e8: {  	s0 =	simm.s32 $0x8  }
0x2e9: {  	v17 =	vmov s0  }
0x2ea: {  	s1 =	simm.s32 $0x0;
	v17 =	vshrl.u32 v17, $0x3  }
0x2eb: {  	v18 =	vmov s1;
	v17 =	vshll.u32 v17, v1  }
0x2ec: {  	v23 =	vbroadcast v17, $0x0;
	v17 =	vshrl.u32 v18, $0x3  }
0x2ed: {  	_ =	swait.ge [sflag:s18], $0x1000;
	s3 =	simm.s32 $0x4;
	v17 =	vshll.u32 v17, v1  }
0x2ee: {  	[sflag:s18] =	ssyncset.done $0x0;
	v18 =	vmov s3;
	v19 =	vadd.s32 v0, v23;
	v21 =	vbroadcast v17, $0x0  }
0x2ef: {  	[sflag:s18] =	ssyncadd.s32 $0xFFFFF000;
	v17 =	vshrl.u32 v18, $0x3  }
0x2f0: {  	_ =	swait.ge [sflag:s22], $0x1000;
	v17 =	vshll.u32 v17, v1;
	v18 =	vadd.s32 v0, v21  }
0x2f1: {  	[sflag:s22] =	ssyncset.done $0x0;
	v24 =	vbroadcast v17, $0x0  }
0x2f2: {  	[sflag:s22] =	ssyncadd.s32 $0xFFFFF000  }
0x2f3: {  	v17 =	vadd.s32 v9, v24;
	v19 =	vld.idx.msk [tilespmem:v19+s19+$0x0], $0xffff  }
0x2f4: {  	v20 =	vadd.s32 v2, v23  }
0x2f5: {  	v18 =	vld.idx.msk [tilespmem:v18+s19+$0x0], $0xffff  }
0x2f6: {  	v22 =	vadd.s32 v2, v21  }
0x2f7: {  	s1 =	simm.s32 $0x3400  }
0x2f8: {  	s14 =	simm.s32 $0xC;
	v17 =	vld.idx.msk [tilespmem:v17+s19+$0x0], $0xffff;
	[tilespmem:s1+$0x0] =	vst v19  }
0x2f9: {  	v25 =	vmov s14;
	v19 =	vadd.s32 v10, v24;
	v20 =	vld.idx.msk [tilespmem:v20+s19+$0x0], $0xffff  }
0x2fa: {  	v25 =	vshrl.u32 v25, $0x3;
	[tilespmem:s1+$0xFFFFFF00] =	vst v18;
	v18 =	vadd.s32 v3, v23  }
0x2fb: {  	v25 =	vshll.u32 v25, v1;
	v22 =	vld.idx.msk [tilespmem:v22+s19+$0x0], $0xffff  }
0x2fc: {  	v25 =	vbroadcast v25, $0x0;
	v26 =	vadd.s32 v3, v21  }
0x2fd: {  	s15 =	simm.s32 $0x14;
	[tilespmem:s1+$0xFFFFFF80] =	vst v17  }
0x2fe: {  	s25 =	simm.s32 $0x18;
	v28 =	vadd.s32 v4, v23;
	v30 =	vadd.s32 v9, v25;
	v17 =	vmov s15;
	v19 =	vld.idx.msk [tilespmem:v19+s19+$0x0], $0xffff;
	[tilespmem:s1+$0x10] =	vst v20  }
0x2ff: {  	s3 =	simm.s32 $0x10;
	v27 =	vadd.s32 v11, v24;
	v17 =	vshrl.u32 v17, $0x3;
	v29 =	vld.idx.msk [tilespmem:v18+s19+$0x0], $0xffff;
	v18 =	vmov s25  }
0x300: {  	v17 =	vshll.u32 v17, v1;
	v20 =	vmov s3;
	[tilespmem:s1+$0xFFFFFF10] =	vst v22;
	v18 =	vshrl.u32 v18, $0x3  }
0x301: {  	v17 =	vbroadcast v17, $0x0;
	v20 =	vshrl.u32 v20, $0x3;
	v22 =	vld.idx.msk [tilespmem:v26+s19+$0x0], $0xffff;
	v18 =	vshll.u32 v18, v1  }
0x302: {  	v20 =	vshll.u32 v20, v1;
	v26 =	vadd.s32 v4, v21;
	v18 =	vbroadcast v18, $0x0  }
0x303: {  	v20 =	vbroadcast v20, $0x0;
	[tilespmem:s1+$0xFFFFFF90] =	vst v19;
	v19 =	vadd.s32 v9, v17  }
0x304: {  	v30 =	vld.idx.msk [tilespmem:v30+s19+$0x0], $0xffff;
	[tilespmem:s1+$0x20] =	vst v29;
	v29 =	vadd.s32 v0, v18  }
0x305: {  	v31 =	vadd.s32 v0, v20;
	v28 =	vld.idx.msk [tilespmem:v28+s19+$0x0], $0xffff  }
0x306: {  	v32 =	vadd.s32 v5, v23;
	v27 =	vld.idx.msk [tilespmem:v27+s19+$0x0], $0xffff;
	[tilespmem:s1+$0xFFFFFF20] =	vst v22  }
0x307: {  	v22 =	vld.idx.msk [tilespmem:v26+s19+$0x0], $0xffff;
	v26 =	vadd.s32 v10, v25  }
0x308: {  	v33 =	vadd.s32 v5, v21;
	v19 =	vld.idx.msk [tilespmem:v19+s19+$0x0], $0xffff  }
0x309: {  	v34 =	vadd.s32 v10, v17;
	v29 =	vld.idx.msk [tilespmem:v29+s19+$0x0], $0xffff  }
0x30a: {  	[tilespmem:s1+$0x30] =	vst v28;
	v28 =	vld.idx.msk [tilespmem:v31+s19+$0x0], $0xffff;
	v31 =	vadd.s32 v2, v18  }
0x30b: {  	[tilespmem:s1+$0x80] =	vst v30;
	v30 =	vadd.s32 v2, v20;
	v32 =	vld.idx.msk [tilespmem:v32+s19+$0x0], $0xffff  }
0x30c: {  	s0 =	simm.s32 $0x3600;
	v35 =	vadd.s32 v6, v23;
	[tilespmem:s1+$0xFFFFFF30] =	vst v22;
	v22 =	vld.idx.msk [tilespmem:v26+s19+$0x0], $0xffff  }
0x30d: {  	v41 =	vadd.s32 v12, v24;
	[tilespmem:s0+$0xFFFFFF80] =	vst v19;
	v26 =	vld.idx.msk [tilespmem:v33+s19+$0x0], $0xffff  }
0x30e: {  	v19 =	vadd.s32 v11, v25;
	[tilespmem:s0+$0x0] =	vst v29;
	v29 =	vld.idx.msk [tilespmem:v34+s19+$0x0], $0xffff  }
0x30f: {  	v39 =	vadd.s32 v6, v21;
	v31 =	vld.idx.msk [tilespmem:v31+s19+$0x0], $0xffff;
	[tilespmem:s0+$0xFFFFFF00] =	vst v28  }
0x310: {  	v40 =	vadd.s32 v11, v17;
	[tilespmem:s1+$0x40] =	vst v32;
	v28 =	vld.idx.msk [tilespmem:v30+s19+$0x0], $0xffff  }
0x311: {  	[tilespmem:s1+$0xFFFFFFA0] =	vst v27;
	v30 =	vadd.s32 v3, v18;
	v32 =	vld.idx.msk [tilespmem:v35+s19+$0x0], $0xffff  }
0x312: {  	s14 =	simm.s32 $0x1C;
	[tilespmem:s1+$0x90] =	vst v22;
	v22 =	vadd.s32 v3, v20;
	v35 =	vld.idx.msk [tilespmem:v41+s19+$0x0], $0xffff  }
0x313: {  	v36 =	vadd.s32 v13, v24;
	[tilespmem:s1+$0xFFFFFF40] =	vst v26;
	v26 =	vld.idx.msk [tilespmem:v19+s19+$0x0], $0xffff;
	v19 =	vmov s14  }
0x314: {  	v33 =	vld.idx.msk [tilespmem:v39+s19+$0x0], $0xffff;
	[tilespmem:s0+$0xFFFFFF90] =	vst v29;
	v29 =	vadd.s32 v12, v25;
	v19 =	vshrl.u32 v19, $0x3  }
0x315: {  	v34 =	vld.idx.msk [tilespmem:v40+s19+$0x0], $0xffff;
	[tilespmem:s0+$0x10] =	vst v31;
	v31 =	vadd.s32 v7, v21;
	v19 =	vshll.u32 v19, v1  }
0x316: {  	v30 =	vld.idx.msk [tilespmem:v30+s19+$0x0], $0xffff;
	[tilespmem:s0+$0xFFFFFF10] =	vst v28;
	v28 =	vadd.s32 v7, v23;
	v19 =	vbroadcast v19, $0x0  }
0x317: {  	s14 =	simm.s32 $0x20;
	v27 =	vld.idx.msk [tilespmem:v22+s19+$0x0], $0xffff;
	v22 =	vadd.s32 v4, v18;
	[tilespmem:s1+$0xFFFFFFB0] =	vst v35  }
0x318: {  	v46 =	vadd.s32 v8, v23;
	v23 =	vmov s14;
	[tilespmem:s1+$0xA0] =	vst v26;
	v26 =	vadd.s32 v9, v19;
	v35 =	vld.idx.msk [tilespmem:v36+s19+$0x0], $0xffff  }
0x319: {  	v37 =	vadd.s32 v4, v20;
	v23 =	vshrl.u32 v23, $0x3;
	[tilespmem:s1+$0xFFFFFF50] =	vst v33;
	v29 =	vld.idx.msk [tilespmem:v29+s19+$0x0], $0xffff  }
0x31a: {  	v47 =	vadd.s32 v14, v24;
	s15 =	simm.s32 $0x24;
	[tilespmem:s1+$0x50] =	vst v32;
	v23 =	vshll.u32 v23, v1;
	v31 =	vld.idx.msk [tilespmem:v31+s19+$0x0], $0xffff  }
0x31b: {  	v43 =	vadd.s32 v13, v25;
	v42 =	vmov s15;
	v23 =	vbroadcast v23, $0x0;
	[tilespmem:s0+$0x20] =	vst v30;
	v28 =	vld.idx.msk [tilespmem:v28+s19+$0x0], $0xffff  }
0x31c: {  	v45 =	vadd.s32 v8, v21;
	s25 =	simm.s32 $0x28;
	v30 =	vshrl.u32 v42, $0x3;
	v38 =	vld.idx.msk [tilespmem:v22+s19+$0x0], $0xffff  }
0x31d: {  	v44 =	vmov s25;
	v49 =	vadd.s32 v0, v23;
	v22 =	vshll.u32 v30, v1;
	[tilespmem:s0+$0xFFFFFF20] =	vst v27;
	v26 =	vld.idx.msk [tilespmem:v26+s19+$0x0], $0xffff  }
0x31e: {  	v30 =	vshrl.u32 v44, $0x3;
	v21 =	vbroadcast v22, $0x0;
	v37 =	vld.idx.msk [tilespmem:v37+s19+$0x0], $0xffff;
	[tilespmem:s1+$0xFFFFFFC0] =	vst v35  }
0x31f: {  	v22 =	vshll.u32 v30, v1;
	v30 =	vadd.s32 v5, v18;
	[tilespmem:s1+$0xB0] =	vst v29;
	v32 =	vld.idx.msk [tilespmem:v47+s19+$0x0], $0xffff  }
0x320: {  	v22 =	vbroadcast v22, $0x0;
	v29 =	vadd.s32 v9, v21;
	v33 =	vld.idx.msk [tilespmem:v43+s19+$0x0], $0xffff;
	[tilespmem:s1+$0xFFFFFF60] =	vst v31  }
0x321: {  	v52 =	vadd.s32 v10, v19;
	[tilespmem:s0+$0xFFFFFFA0] =	vst v34;
	v31 =	vld.idx.msk [tilespmem:v45+s19+$0x0], $0xffff  }
0x322: {  	v39 =	vadd.s32 v0, v22;
	[tilespmem:s1+$0x60] =	vst v28;
	v54 =	vld.idx.msk [tilespmem:v49+s19+$0x0], $0xffff  }
0x323: {  	v28 =	vadd.s32 v14, v25;
	[tilespmem:s0+$0x30] =	vst v38;
	v27 =	vld.idx.msk [tilespmem:v46+s19+$0x0], $0xffff  }
0x324: {  	v48 =	vadd.s32 v5, v20;
	v30 =	vld.idx.msk [tilespmem:v30+s19+$0x0], $0xffff;
	[tilespmem:s0+$0xFFFFFF30] =	vst v37  }
0x325: {  	v56 =	vadd.s32 v2, v23;
	[tilespmem:s0+$0x80] =	vst v26;
	v29 =	vld.idx.msk [tilespmem:v29+s19+$0x0], $0xffff  }
0x326: {  	v51 =	vadd.s32 v6, v18;
	[tilespmem:s1+$0xC0] =	vst v33;
	v33 =	vld.idx.msk [tilespmem:v52+s19+$0x0], $0xffff  }
0x327: {  	s25 =	simm.s32 $0x3800;
	v53 =	vadd.s32 v10, v21;
	v50 =	vld.idx.msk [tilespmem:v39+s19+$0x0], $0xffff;
	[tilespmem:s1+$0xFFFFFF70] =	vst v31  }
0x328: {  	v59 =	vadd.s32 v11, v19;
	v28 =	vld.idx.msk [tilespmem:v28+s19+$0x0], $0xffff;
	[tilespmem:s25+$0xFFFFFF00] =	vst v54  }
0x329: {  	v31 =	vld.idx.msk [tilespmem:v48+s19+$0x0], $0xffff;
	[tilespmem:s0+$0x40] =	vst v30;
	v30 =	vadd.s32 v15, v24  }
0x32a: {  	v55 =	vadd.s32 v2, v22;
	[tilespmem:s1+$0xFFFFFFD0] =	vst v32;
	v34 =	vld.idx.msk [tilespmem:v56+s19+$0x0], $0xffff  }
0x32b: {  	v58 =	vadd.s32 v6, v20;
	v26 =	vld.idx.msk [tilespmem:v51+s19+$0x0], $0xffff;
	[tilespmem:s25+$0xFFFFFF80] =	vst v29  }
0x32c: {  	v29 =	vadd.s32 v15, v25;
	[tilespmem:s0+$0x90] =	vst v33;
	v57 =	vld.idx.msk [tilespmem:v53+s19+$0x0], $0xffff  }
0x32d: {  	[tilespmem:s1+$0xD0] =	vst v28;
	v28 =	vadd.s32 v11, v21;
	v62 =	vld.idx.msk [tilespmem:v59+s19+$0x0], $0xffff  }
0x32e: {  	v61 =	vadd.s32 v3, v23;
	[tilespmem:s25+$0x0] =	vst v50;
	v30 =	vld.idx.msk [tilespmem:v30+s19+$0x0], $0xffff  }
0x32f: {  	v24 =	vadd.s32 v16, v24;
	[tilespmem:s0+$0xFFFFFF40] =	vst v31;
	v36 =	vld.idx.msk [tilespmem:v55+s19+$0x0], $0xffff  }
0x330: {  	v60 =	vadd.s32 v3, v22;
	v37 =	vld.idx.msk [tilespmem:v58+s19+$0x0], $0xffff;
	[tilespmem:s25+$0xFFFFFF10] =	vst v34  }
0x331: {  	v41 =	vadd.s32 v12, v19;
	v31 =	vld.idx.msk [tilespmem:v29+s19+$0x0], $0xffff;
	[tilespmem:s25+$0xFFFFFF90] =	vst v57  }
0x332: {  	s15 =	simm.s32 $0x2C;
	v25 =	vadd.s32 v16, v25;
	[tilespmem:s0+$0x50] =	vst v26;
	v63 =	vld.idx.msk [tilespmem:v28+s19+$0x0], $0xffff  }
0x333: {  	v40 =	vadd.s32 v12, v17;
	v26 =	vmov s15;
	v28 =	vld.idx.msk [tilespmem:v61+s19+$0x0], $0xffff;
	[tilespmem:s1+$0xFFFFFFE0] =	vst v30  }
0x334: {  	[tilespmem:s25+$0x10] =	vst v36;
	v36 =	vadd.s32 v7, v20;
	v29 =	vld.idx.msk [tilespmem:v24+s19+$0x0], $0xffff;
	v24 =	vshrl.u32 v26, $0x3  }
0x335: {  	v34 =	vadd.s32 v7, v18;
	[tilespmem:s0+$0xA0] =	vst v62;
	v32 =	vld.idx.msk [tilespmem:v60+s19+$0x0], $0xffff;
	v24 =	vshll.u32 v24, v1  }
0x336: {  	v35 =	vadd.s32 v4, v22;
	v33 =	vld.idx.msk [tilespmem:v41+s19+$0x0], $0xffff;
	[tilespmem:s1+$0xE0] =	vst v31;
	v24 =	vbroadcast v24, $0x0  }
0x337: {  	[tilespmem:s0+$0xFFFFFF50] =	vst v37;
	v26 =	vadd.s32 v13, v17;
	v30 =	vld.idx.msk [tilespmem:v25+s19+$0x0], $0xffff  }
0x338: {  	s3 =	simm.s32 $0x8;
	s14 =	simm.s32 $0x30;
	v31 =	vld.idx.msk [tilespmem:v40+s19+$0x0], $0xffff;
	v25 =	vadd.s32 v13, v21;
	[tilespmem:s25+$0xFFFFFFA0] =	vst v63;
	v37 =	vadd.s32 v9, v24  }
.LBB2_32:
0x339: {  	s15 =	sadd.s32 $0x4, s14;
	s3 =	sadd.s32 $0x4, s3;
	v36 =	vld.idx.msk [tilespmem:v36+s19+$0x0], $0xffff;
	[tilespmem:s1+$0x70] =	vst v27  }
0x33a: {  	v27 =	vmov s15;
	s15 =	sadd.s32 $0x8, s14;
	p1 =	slt.u32 s3, $0x1C;
	[tilespmem:s25+$0x20] =	vst v32;
	v32 =	vld.idx.msk [tilespmem:v34+s19+$0x0], $0xffff;
	v34 =	vadd.s32 v13, v19  }
0x33b: {  	v39 =	vadd.s32 v4, v23;
	v27 =	vshrl.u32 v27, $0x3;
	v38 =	vmov s15;
	v35 =	vld.idx.msk [tilespmem:v35+s19+$0x0], $0xffff;
	[tilespmem:s1+$0xFFFFFFF0] =	vst v29  }
0x33c: {  	v27 =	vshll.u32 v27, v1;
	v29 =	vshrl.u32 v38, $0x3;
	v38 =	vadd.s32 v8, v20;
	[tilespmem:s1+$0xF0] =	vst v30;
	v20 =	vmovc v23;
	s1 =	smov.u32 s0;
	s0 =	smov.u32 s25  }
0x33d: {  	v30 =	vbroadcast v27, $0x0;
	v23 =	vshll.u32 v29, v1;
	v27 =	vadd.s32 v5, v22;
	v29 =	vld.idx.msk [tilespmem:v37+s19+$0x0], $0xffff;
	[tilespmem:s1+$0xFFFFFFB0] =	vst v31  }
0x33e: {  	v40 =	vadd.s32 v8, v18;
	v18 =	vmovc v22;
	v31 =	vmov s14;
	v37 =	vld.idx.msk [tilespmem:v26+s19+$0x0], $0xffff;
	[tilespmem:s1+$0xB0] =	vst v33;
	v22 =	vbroadcast v23, $0x0;
	v26 =	vmovc v25  }
0x33f: {  	v23 =	vshrl.u32 v31, $0x3;
	v31 =	vadd.s32 v9, v30;
	v25 =	vadd.s32 v13, v30;
	[tilespmem:s25+$0xFFFFFF20] =	vst v28;
	v28 =	vld.idx.msk [tilespmem:v34+s19+$0x0], $0xffff  }
0x340: {  	v23 =	vshll.u32 v23, v1;
	v33 =	vadd.s32 v0, v22;
	v34 =	vld.idx.msk [tilespmem:v39+s19+$0x0], $0xffff;
	[tilespmem:s1+$0xFFFFFF60] =	vst v36  }
0x341: {  	v23 =	vbroadcast v23, $0x0;
	v36 =	vadd.s32 v14, v17;
	[tilespmem:s25+$0x30] =	vst v35;
	v35 =	vld.idx.msk [tilespmem:v38+s19+$0x0], $0xffff  }
0x342: {  	v38 =	vld.idx.msk [tilespmem:v27+s19+$0x0], $0xffff;
	[tilespmem:s1+$0x60] =	vst v32;
	v32 =	vadd.s32 v14, v19  }
0x343: {  	v41 =	vadd.s32 v5, v20;
	v39 =	vadd.s32 v0, v23;
	v27 =	vld.idx.msk [tilespmem:v40+s19+$0x0], $0xffff  }
0x344: {  	v31 =	vld.idx.msk [tilespmem:v31+s19+$0x0], $0xffff;
	[tilespmem:s1+$0xFFFFFFC0] =	vst v37  }
0x345: {  	v37 =	vadd.s32 v6, v18;
	v33 =	vld.idx.msk [tilespmem:v33+s19+$0x0], $0xffff;
	[tilespmem:s1+$0xC0] =	vst v28  }
0x346: {  	v28 =	vadd.s32 v10, v30;
	[tilespmem:s25+$0xFFFFFF30] =	vst v34;
	v34 =	vadd.s32 v10, v24;
	v36 =	vld.idx.msk [tilespmem:v36+s19+$0x0], $0xffff  }
0x347: {  	[tilespmem:s1+$0xFFFFFF70] =	vst v35;
	v32 =	vld.idx.msk [tilespmem:v32+s19+$0x0], $0xffff  }
0x348: {  	v35 =	vld.idx.msk [tilespmem:v41+s19+$0x0], $0xffff;
	[tilespmem:s25+$0x40] =	vst v38;
	v38 =	vadd.s32 v15, v17  }
0x349: {  	v40 =	vadd.s32 v2, v22;
	s25 =	sadd.s32 $0x200, s25;
	v39 =	vld.idx.msk [tilespmem:v39+s19+$0x0], $0xffff;
	[tilespmem:s0+$0x80] =	vst v29  }
0x34a: {  	v29 =	vadd.s32 v2, v23;
	[tilespmem:s25+$0xFFFFFF80] =	vst v31;
	v31 =	vld.idx.msk [tilespmem:v37+s19+$0x0], $0xffff;
	v37 =	vadd.s32 v15, v19  }
0x34b: {  	[tilespmem:s25+$0x0] =	vst v33;
	v33 =	vld.idx.msk [tilespmem:v34+s19+$0x0], $0xffff  }
0x34c: {  	v34 =	vadd.s32 v6, v20;
	v28 =	vld.idx.msk [tilespmem:v28+s19+$0x0], $0xffff;
	[tilespmem:s1+$0xFFFFFFD0] =	vst v36  }
0x34d: {  	v36 =	vadd.s32 v11, v24;
	v38 =	vld.idx.msk [tilespmem:v38+s19+$0x0], $0xffff;
	[tilespmem:s1+$0xD0] =	vst v32  }
0x34e: {  	v32 =	vadd.s32 v11, v30;
	v40 =	vld.idx.msk [tilespmem:v40+s19+$0x0], $0xffff;
	[tilespmem:s0+$0xFFFFFF40] =	vst v35  }
0x34f: {  	v35 =	vadd.s32 v16, v17;
	v17 =	vmov v21;
	v21 =	vmov v30;
	[tilespmem:s25+$0xFFFFFF00] =	vst v39;
	v37 =	vld.idx.msk [tilespmem:v37+s19+$0x0], $0xffff  }
0x350: {  	v39 =	vadd.s32 v3, v22;
	v30 =	vld.idx.msk [tilespmem:v29+s19+$0x0], $0xffff;
	[tilespmem:s0+$0x50] =	vst v31  }
0x351: {  	v31 =	vld.idx.msk [tilespmem:v34+s19+$0x0], $0xffff;
	[tilespmem:s0+$0x90] =	vst v33;
	v33 =	vadd.s32 v16, v19;
	v19 =	vmov v24  }
0x352: {  	v24 =	vadd.s32 v3, v23;
	[tilespmem:s25+$0xFFFFFF90] =	vst v28;
	v41 =	vld.idx.msk [tilespmem:v36+s19+$0x0], $0xffff  }
0x353: {  	s15 =	sadd.s32 $0xC, s14;
	v43 =	vadd.s32 v12, v17;
	v42 =	vld.idx.msk [tilespmem:v32+s19+$0x0], $0xffff;
	[tilespmem:s1+$0xFFFFFFE0] =	vst v38  }
0x354: {  	v28 =	vmov s15;
	v38 =	vadd.s32 v12, v19;
	[tilespmem:s25+$0x10] =	vst v40;
	v29 =	vld.idx.msk [tilespmem:v35+s19+$0x0], $0xffff  }
.Ltmp19:
0x355: {  	v36 =	vadd.s32 v7, v20;
	v28 =	vshrl.u32 v28, $0x3;
	v32 =	vld.idx.msk [tilespmem:v39+s19+$0x0], $0xffff;
	[tilespmem:s1+$0xE0] =	vst v37;
	(pc) =	sbr.rel @p1 .LBB2_32-.Ltmp19, $4  }
0x356: {  	v34 =	vadd.s32 v7, v18;
	v37 =	vshll.u32 v28, v1;
	[tilespmem:s25+$0xFFFFFF10] =	vst v30;
	v30 =	vld.idx.msk [tilespmem:v33+s19+$0x0], $0xffff  }
0x357: {  	v35 =	vadd.s32 v4, v22;
	v28 =	vld.idx.msk [tilespmem:v24+s19+$0x0], $0xffff;
	v24 =	vbroadcast v37, $0x0;
	[tilespmem:s0+$0xFFFFFF50] =	vst v31  }
0x358: {  	v31 =	vld.idx.msk [tilespmem:v43+s19+$0x0], $0xffff;
	[tilespmem:s0+$0xA0] =	vst v41  }
0x359: {  	s14 =	sadd.s32 $0x10, s14;
	[tilespmem:s25+$0xFFFFFFA0] =	vst v42;
	v37 =	vadd.s32 v9, v24;
	v33 =	vld.idx.msk [tilespmem:v38+s19+$0x0], $0xffff  }
0x35a: {  	_ =	sdelay $0x3  }
0x35b: {  	v37 =	vld.idx.msk [tilespmem:v37+s19+$0x0], $0xffff  }
0x35c: {  	v38 =	vadd.s32 v10, v24;
	_ =	sdelay $0x3  }
0x35d: {  	[tilespmem:s25+$0x80] =	vst v37  }
0x35e: {  	v37 =	vld.idx.msk [tilespmem:v38+s19+$0x0], $0xffff  }
0x35f: {  	[tilespmem:s1+$0x70] =	vst v27;
	v59 =	vadd.s32 v11, v24  }
0x360: {  	[tilespmem:s25+$0x20] =	vst v32  }
0x361: {  	[tilespmem:s1+$0xFFFFFFF0] =	vst v29  }
0x362: {  	v60 =	vld.idx.msk [tilespmem:v36+s19+$0x0], $0xffff;
	v61 =	vadd.s32 v4, v23;
	[tilespmem:s1+$0xF0] =	vst v30  }
0x363: {  	v63 =	vadd.s32 v12, v21;
	v34 =	vld.idx.msk [tilespmem:v34+s19+$0x0], $0xffff;
	[tilespmem:s25+$0x90] =	vst v37  }
0x364: {  	v62 =	vadd.s32 v13, v19;
	[tilespmem:s25+$0xFFFFFF20] =	vst v28;
	v27 =	vld.idx.msk [tilespmem:v59+s19+$0x0], $0xffff  }
0x365: {  	v36 =	vadd.s32 v12, v24;
	v35 =	vld.idx.msk [tilespmem:v35+s19+$0x0], $0xffff;
	[tilespmem:s0+$0xFFFFFFB0] =	vst v31  }
0x366: {  	v20 =	vadd.s32 v8, v20;
	[tilespmem:s0+$0xB0] =	vst v33;
	v26 =	vld.idx.msk [tilespmem:v26+s19+$0x0], $0xffff  }
0x367: {  	v18 =	vadd.s32 v8, v18;
	v32 =	vld.idx.msk [tilespmem:v61+s19+$0x0], $0xffff;
	[tilespmem:s0+$0xFFFFFF60] =	vst v60  }
0x368: {  	v39 =	vadd.s32 v5, v23;
	v31 =	vld.idx.msk [tilespmem:v63+s19+$0x0], $0xffff;
	[tilespmem:s0+$0x60] =	vst v34  }
0x369: {  	v38 =	vld.idx.msk [tilespmem:v62+s19+$0x0], $0xffff;
	[tilespmem:s25+$0xA0] =	vst v27  }
0x36a: {  	[tilespmem:s25+$0x30] =	vst v35;
	v37 =	vadd.s32 v5, v22;
	v27 =	vld.idx.msk [tilespmem:v36+s19+$0x0], $0xffff  }
0x36b: {  	v41 =	vadd.s32 v13, v24;
	v20 =	vld.idx.msk [tilespmem:v20+s19+$0x0], $0xffff;
	[tilespmem:s0+$0xFFFFFFC0] =	vst v26  }
0x36c: {  	v40 =	vadd.s32 v14, v17;
	v18 =	vld.idx.msk [tilespmem:v18+s19+$0x0], $0xffff;
	[tilespmem:s25+$0xFFFFFF30] =	vst v32  }
0x36d: {  	v42 =	vadd.s32 v14, v19;
	[tilespmem:s25+$0xFFFFFFB0] =	vst v31;
	v44 =	vld.idx.msk [tilespmem:v39+s19+$0x0], $0xffff  }
0x36e: {  	v46 =	vadd.s32 v6, v23;
	[tilespmem:s0+$0xC0] =	vst v38;
	v25 =	vld.idx.msk [tilespmem:v25+s19+$0x0], $0xffff  }
0x36f: {  	v49 =	vadd.s32 v14, v21;
	v28 =	vld.idx.msk [tilespmem:v37+s19+$0x0], $0xffff;
	[tilespmem:s25+$0xB0] =	vst v27  }
0x370: {  	v43 =	vadd.s32 v6, v22;
	[tilespmem:s0+$0xFFFFFF70] =	vst v20;
	v48 =	vld.idx.msk [tilespmem:v41+s19+$0x0], $0xffff  }
0x371: {  	v51 =	vadd.s32 v14, v24;
	v45 =	vld.idx.msk [tilespmem:v40+s19+$0x0], $0xffff;
	[tilespmem:s0+$0x70] =	vst v18  }
0x372: {  	v47 =	vadd.s32 v15, v17;
	v50 =	vld.idx.msk [tilespmem:v42+s19+$0x0], $0xffff;
	[tilespmem:s25+$0xFFFFFF40] =	vst v44  }
0x373: {  	v52 =	vadd.s32 v15, v19;
	[tilespmem:s25+$0xFFFFFFC0] =	vst v25;
	v29 =	vld.idx.msk [tilespmem:v46+s19+$0x0], $0xffff  }
0x374: {  	v53 =	vadd.s32 v7, v23;
	v55 =	vld.idx.msk [tilespmem:v49+s19+$0x0], $0xffff;
	[tilespmem:s25+$0x40] =	vst v28  }
0x375: {  	v57 =	vadd.s32 v15, v21;
	v32 =	vld.idx.msk [tilespmem:v43+s19+$0x0], $0xffff;
	[tilespmem:s25+$0xC0] =	vst v48  }
0x376: {  	v54 =	vadd.s32 v7, v22;
	[tilespmem:s0+$0xFFFFFFD0] =	vst v45;
	v56 =	vld.idx.msk [tilespmem:v51+s19+$0x0], $0xffff  }
0x377: {  	v59 =	vadd.s32 v15, v24;
	v30 =	vld.idx.msk [tilespmem:v47+s19+$0x0], $0xffff;
	[tilespmem:s0+$0xD0] =	vst v50  }
0x378: {  	v17 =	vadd.s32 v16, v17;
	v58 =	vld.idx.msk [tilespmem:v52+s19+$0x0], $0xffff;
	[tilespmem:s25+$0xFFFFFF50] =	vst v29  }
0x379: {  	v19 =	vadd.s32 v16, v19;
	[tilespmem:s25+$0xFFFFFFD0] =	vst v55;
	v29 =	vld.idx.msk [tilespmem:v53+s19+$0x0], $0xffff  }
0x37a: {  	v60 =	vadd.s32 v8, v23;
	v62 =	vld.idx.msk [tilespmem:v57+s19+$0x0], $0xffff;
	[tilespmem:s25+$0x50] =	vst v32  }
0x37b: {  	v63 =	vadd.s32 v16, v21;
	v25 =	vld.idx.msk [tilespmem:v54+s19+$0x0], $0xffff;
	[tilespmem:s25+$0xD0] =	vst v56  }
0x37c: {  	v61 =	vadd.s32 v8, v22;
	[tilespmem:s0+$0xFFFFFFE0] =	vst v30;
	v26 =	vld.idx.msk [tilespmem:v59+s19+$0x0], $0xffff  }
0x37d: {  	v18 =	vadd.s32 v16, v24;
	v17 =	vld.idx.msk [tilespmem:v17+s19+$0x0], $0xffff;
	[tilespmem:s0+$0xE0] =	vst v58  }
0x37e: {  	v19 =	vld.idx.msk [tilespmem:v19+s19+$0x0], $0xffff;
	[tilespmem:s25+$0xFFFFFF60] =	vst v29  }
0x37f: {  	[tilespmem:s25+$0xFFFFFFE0] =	vst v62;
	v23 =	vld.idx.msk [tilespmem:v60+s19+$0x0], $0xffff  }
0x380: {  	v21 =	vld.idx.msk [tilespmem:v63+s19+$0x0], $0xffff;
	[tilespmem:s25+$0x60] =	vst v25  }
0x381: {  	v20 =	vld.idx.msk [tilespmem:v61+s19+$0x0], $0xffff;
	[tilespmem:s25+$0xE0] =	vst v26  }
0x382: {  	[tilespmem:s0+$0xFFFFFFF0] =	vst v17;
	v17 =	vld.idx.msk [tilespmem:v18+s19+$0x0], $0xffff  }
0x383: {  	[tilespmem:s0+$0xF0] =	vst v19  }
0x384: {  	[tilespmem:s25+$0xFFFFFF70] =	vst v23  }
0x385: {  	[tilespmem:s25+$0xFFFFFFF0] =	vst v21  }
0x386: {  	s31 =	sand.u32 $0x1FFFFE00, s31;
	[tilespmem:s25+$0x70] =	vst v20  }
0x387: {  	s0 =	sadd.s32 s4, s31;
	[tilespmem:s25+$0xF0] =	vst v17  }
0x388: {  	[hbm4b:s0+s2] =	stream.linear.scatter [tilespmem:s17], [sflag:$0x4], $0x1000, $0x38;
	[tilespmem:$0x5B00] =	vst v63  }
.LBB2_34:
0x389: {  	s0 =	sadd.s32 $0x5, s30  }
0x38a: {  	p1 =	sge.u32 s0, s6  }
.Ltmp20:
0x38b: {  	_ = 	snop;
	(pc) =	sbr.rel @p1 .LBB2_42-.Ltmp20, $1  }
0x38c: {  	_ =	sdelay $0x3  }
0x38d: {  	p1 =	sge.u32 s30, s12  }
.Ltmp21:
0x38e: {  	_ = 	snop;
	(pc) =	sbr.rel @p1 .LBB2_39-.Ltmp21, $3  }
0x38f: {  	_ =	sdelay $0x1  }
0x390: {  	s0 =	sadd.s32 s5, s0  }
0x391: {  	s30 =	sshll.u32 s0, $0x9  }
0x392: {  	s0 =	sadd.s32 s30, s13;
	s1 =	simm.s32 $0x1100  }
0x393: {  	s3 =	simm.s32 $0x10;
	s14 =	simm.s32 $0x1188;
	s25 =	sadd.s32 $0x0, s0  }
.LBB2_37:
0x394: {  	[tilespmem:s1], [sflag:$0x2] =	stream.linear.gather [hbm4b:s25+s2], $0x80, $0x38;
	[tilespmem:$0x5B00] =	vst v63  }
0x395: {  	s15 =	smov.u32 s3;
	s1 =	smov.u32 s14;
	p1 =	sne.s32 s3, $0x1F0  }
.Ltmp22:
0x396: {  	s3 =	sadd.s32 $0x10, s3;
	(pc) =	sbr.rel @p1 .LBB2_37-.Ltmp22, $2  }
0x397: {  	_ =	sdelay $0x2  }
0x398: {  	s14 =	sadd.s32 $0x88, s14;
	s25 =	sadd.s32 s15, s0  }
0x399: {  	[tilespmem:s1], [sflag:$0x2] =	stream.linear.gather [hbm4b:s25+s2], $0x80, $0x38;
	[tilespmem:$0x5B00] =	vst v63  }
.LBB2_39:
0x39a: {  	s0 =	simm.s32 $0x8  }
0x39b: {  	v17 =	vmov s0  }
0x39c: {  	s1 =	simm.s32 $0x0;
	v17 =	vshrl.u32 v17, $0x3  }
0x39d: {  	v18 =	vmov s1;
	v17 =	vshll.u32 v17, v1  }
0x39e: {  	v23 =	vbroadcast v17, $0x0;
	v17 =	vshrl.u32 v18, $0x3  }
0x39f: {  	_ =	swait.ge [sflag:s21], $0x1000;
	s3 =	simm.s32 $0x4;
	v17 =	vshll.u32 v17, v1  }
0x3a0: {  	[sflag:s21] =	ssyncset.done $0x0;
	v18 =	vmov s3;
	v19 =	vadd.s32 v0, v23;
	v21 =	vbroadcast v17, $0x0  }
0x3a1: {  	[sflag:s21] =	ssyncadd.s32 $0xFFFFF000;
	v17 =	vshrl.u32 v18, $0x3  }
0x3a2: {  	_ =	swait.ge [sflag:s24], $0x1000;
	v17 =	vshll.u32 v17, v1;
	v18 =	vadd.s32 v0, v21  }
0x3a3: {  	[sflag:s24] =	ssyncset.done $0x0;
	v24 =	vbroadcast v17, $0x0  }
0x3a4: {  	[sflag:s24] =	ssyncadd.s32 $0xFFFFF000  }
0x3a5: {  	v17 =	vadd.s32 v9, v24;
	v19 =	vld.idx.msk [tilespmem:v19+s23+$0x0], $0xffff  }
0x3a6: {  	v20 =	vadd.s32 v2, v23  }
0x3a7: {  	v18 =	vld.idx.msk [tilespmem:v18+s23+$0x0], $0xffff  }
0x3a8: {  	v22 =	vadd.s32 v2, v21  }
0x3a9: {  	s1 =	simm.s32 $0x4400  }
0x3aa: {  	s14 =	simm.s32 $0xC;
	v17 =	vld.idx.msk [tilespmem:v17+s23+$0x0], $0xffff;
	[tilespmem:s1+$0x0] =	vst v19  }
0x3ab: {  	v25 =	vmov s14;
	v19 =	vadd.s32 v10, v24;
	v20 =	vld.idx.msk [tilespmem:v20+s23+$0x0], $0xffff  }
0x3ac: {  	v25 =	vshrl.u32 v25, $0x3;
	[tilespmem:s1+$0xFFFFFF00] =	vst v18;
	v18 =	vadd.s32 v3, v23  }
0x3ad: {  	v25 =	vshll.u32 v25, v1;
	v22 =	vld.idx.msk [tilespmem:v22+s23+$0x0], $0xffff  }
0x3ae: {  	v25 =	vbroadcast v25, $0x0;
	v26 =	vadd.s32 v3, v21  }
0x3af: {  	s15 =	simm.s32 $0x14;
	[tilespmem:s1+$0xFFFFFF80] =	vst v17  }
0x3b0: {  	s25 =	simm.s32 $0x18;
	v28 =	vadd.s32 v4, v23;
	v30 =	vadd.s32 v9, v25;
	v17 =	vmov s15;
	v19 =	vld.idx.msk [tilespmem:v19+s23+$0x0], $0xffff;
	[tilespmem:s1+$0x10] =	vst v20  }
0x3b1: {  	s3 =	simm.s32 $0x10;
	v27 =	vadd.s32 v11, v24;
	v17 =	vshrl.u32 v17, $0x3;
	v29 =	vld.idx.msk [tilespmem:v18+s23+$0x0], $0xffff;
	v18 =	vmov s25  }
0x3b2: {  	v17 =	vshll.u32 v17, v1;
	v20 =	vmov s3;
	[tilespmem:s1+$0xFFFFFF10] =	vst v22;
	v18 =	vshrl.u32 v18, $0x3  }
0x3b3: {  	v17 =	vbroadcast v17, $0x0;
	v20 =	vshrl.u32 v20, $0x3;
	v22 =	vld.idx.msk [tilespmem:v26+s23+$0x0], $0xffff;
	v18 =	vshll.u32 v18, v1  }
0x3b4: {  	v20 =	vshll.u32 v20, v1;
	v26 =	vadd.s32 v4, v21;
	v18 =	vbroadcast v18, $0x0  }
0x3b5: {  	v20 =	vbroadcast v20, $0x0;
	[tilespmem:s1+$0xFFFFFF90] =	vst v19;
	v19 =	vadd.s32 v9, v17  }
0x3b6: {  	v30 =	vld.idx.msk [tilespmem:v30+s23+$0x0], $0xffff;
	[tilespmem:s1+$0x20] =	vst v29;
	v29 =	vadd.s32 v0, v18  }
0x3b7: {  	v31 =	vadd.s32 v0, v20;
	v28 =	vld.idx.msk [tilespmem:v28+s23+$0x0], $0xffff  }
0x3b8: {  	v32 =	vadd.s32 v5, v23;
	v27 =	vld.idx.msk [tilespmem:v27+s23+$0x0], $0xffff;
	[tilespmem:s1+$0xFFFFFF20] =	vst v22  }
0x3b9: {  	v22 =	vld.idx.msk [tilespmem:v26+s23+$0x0], $0xffff;
	v26 =	vadd.s32 v10, v25  }
0x3ba: {  	v33 =	vadd.s32 v5, v21;
	v19 =	vld.idx.msk [tilespmem:v19+s23+$0x0], $0xffff  }
0x3bb: {  	v34 =	vadd.s32 v10, v17;
	v29 =	vld.idx.msk [tilespmem:v29+s23+$0x0], $0xffff  }
0x3bc: {  	[tilespmem:s1+$0x30] =	vst v28;
	v28 =	vld.idx.msk [tilespmem:v31+s23+$0x0], $0xffff;
	v31 =	vadd.s32 v2, v18  }
0x3bd: {  	[tilespmem:s1+$0x80] =	vst v30;
	v30 =	vadd.s32 v2, v20;
	v32 =	vld.idx.msk [tilespmem:v32+s23+$0x0], $0xffff  }
0x3be: {  	s0 =	simm.s32 $0x4600;
	v35 =	vadd.s32 v6, v23;
	[tilespmem:s1+$0xFFFFFF30] =	vst v22;
	v22 =	vld.idx.msk [tilespmem:v26+s23+$0x0], $0xffff  }
0x3bf: {  	v41 =	vadd.s32 v12, v24;
	[tilespmem:s0+$0xFFFFFF80] =	vst v19;
	v26 =	vld.idx.msk [tilespmem:v33+s23+$0x0], $0xffff  }
0x3c0: {  	v19 =	vadd.s32 v11, v25;
	[tilespmem:s0+$0x0] =	vst v29;
	v29 =	vld.idx.msk [tilespmem:v34+s23+$0x0], $0xffff  }
0x3c1: {  	v39 =	vadd.s32 v6, v21;
	v31 =	vld.idx.msk [tilespmem:v31+s23+$0x0], $0xffff;
	[tilespmem:s0+$0xFFFFFF00] =	vst v28  }
0x3c2: {  	v40 =	vadd.s32 v11, v17;
	[tilespmem:s1+$0x40] =	vst v32;
	v28 =	vld.idx.msk [tilespmem:v30+s23+$0x0], $0xffff  }
0x3c3: {  	[tilespmem:s1+$0xFFFFFFA0] =	vst v27;
	v30 =	vadd.s32 v3, v18;
	v32 =	vld.idx.msk [tilespmem:v35+s23+$0x0], $0xffff  }
0x3c4: {  	s31 =	simm.s32 $0x1C;
	[tilespmem:s1+$0x90] =	vst v22;
	v22 =	vadd.s32 v3, v20;
	v35 =	vld.idx.msk [tilespmem:v41+s23+$0x0], $0xffff  }
0x3c5: {  	v36 =	vadd.s32 v13, v24;
	[tilespmem:s1+$0xFFFFFF40] =	vst v26;
	v26 =	vld.idx.msk [tilespmem:v19+s23+$0x0], $0xffff;
	v19 =	vmov s31  }
0x3c6: {  	v33 =	vld.idx.msk [tilespmem:v39+s23+$0x0], $0xffff;
	[tilespmem:s0+$0xFFFFFF90] =	vst v29;
	v29 =	vadd.s32 v12, v25;
	v19 =	vshrl.u32 v19, $0x3  }
0x3c7: {  	v34 =	vld.idx.msk [tilespmem:v40+s23+$0x0], $0xffff;
	[tilespmem:s0+$0x10] =	vst v31;
	v31 =	vadd.s32 v7, v21;
	v19 =	vshll.u32 v19, v1  }
0x3c8: {  	v30 =	vld.idx.msk [tilespmem:v30+s23+$0x0], $0xffff;
	[tilespmem:s0+$0xFFFFFF10] =	vst v28;
	v28 =	vadd.s32 v7, v23;
	v19 =	vbroadcast v19, $0x0  }
0x3c9: {  	s25 =	simm.s32 $0x20;
	v27 =	vld.idx.msk [tilespmem:v22+s23+$0x0], $0xffff;
	v22 =	vadd.s32 v4, v18;
	[tilespmem:s1+$0xFFFFFFB0] =	vst v35  }
0x3ca: {  	v46 =	vadd.s32 v8, v23;
	v23 =	vmov s25;
	[tilespmem:s1+$0xA0] =	vst v26;
	v26 =	vadd.s32 v9, v19;
	v35 =	vld.idx.msk [tilespmem:v36+s23+$0x0], $0xffff  }
0x3cb: {  	v37 =	vadd.s32 v4, v20;
	v23 =	vshrl.u32 v23, $0x3;
	[tilespmem:s1+$0xFFFFFF50] =	vst v33;
	v29 =	vld.idx.msk [tilespmem:v29+s23+$0x0], $0xffff  }
0x3cc: {  	s14 =	simm.s32 $0x24;
	v47 =	vadd.s32 v14, v24;
	[tilespmem:s1+$0x50] =	vst v32;
	v23 =	vshll.u32 v23, v1;
	v31 =	vld.idx.msk [tilespmem:v31+s23+$0x0], $0xffff  }
0x3cd: {  	v42 =	vmov s14;
	v43 =	vadd.s32 v13, v25;
	v23 =	vbroadcast v23, $0x0;
	[tilespmem:s0+$0x20] =	vst v30;
	v28 =	vld.idx.msk [tilespmem:v28+s23+$0x0], $0xffff  }
0x3ce: {  	v45 =	vadd.s32 v8, v21;
	s15 =	simm.s32 $0x28;
	v30 =	vshrl.u32 v42, $0x3;
	v38 =	vld.idx.msk [tilespmem:v22+s23+$0x0], $0xffff  }
0x3cf: {  	v44 =	vmov s15;
	v49 =	vadd.s32 v0, v23;
	v22 =	vshll.u32 v30, v1;
	[tilespmem:s0+$0xFFFFFF20] =	vst v27;
	v26 =	vld.idx.msk [tilespmem:v26+s23+$0x0], $0xffff  }
0x3d0: {  	v30 =	vshrl.u32 v44, $0x3;
	v21 =	vbroadcast v22, $0x0;
	v37 =	vld.idx.msk [tilespmem:v37+s23+$0x0], $0xffff;
	[tilespmem:s1+$0xFFFFFFC0] =	vst v35  }
0x3d1: {  	v22 =	vshll.u32 v30, v1;
	v30 =	vadd.s32 v5, v18;
	[tilespmem:s1+$0xB0] =	vst v29;
	v32 =	vld.idx.msk [tilespmem:v47+s23+$0x0], $0xffff  }
0x3d2: {  	v22 =	vbroadcast v22, $0x0;
	v29 =	vadd.s32 v9, v21;
	v33 =	vld.idx.msk [tilespmem:v43+s23+$0x0], $0xffff;
	[tilespmem:s1+$0xFFFFFF60] =	vst v31  }
0x3d3: {  	v52 =	vadd.s32 v10, v19;
	[tilespmem:s0+$0xFFFFFFA0] =	vst v34;
	v31 =	vld.idx.msk [tilespmem:v45+s23+$0x0], $0xffff  }
0x3d4: {  	v39 =	vadd.s32 v0, v22;
	[tilespmem:s1+$0x60] =	vst v28;
	v54 =	vld.idx.msk [tilespmem:v49+s23+$0x0], $0xffff  }
0x3d5: {  	v28 =	vadd.s32 v14, v25;
	[tilespmem:s0+$0x30] =	vst v38;
	v27 =	vld.idx.msk [tilespmem:v46+s23+$0x0], $0xffff  }
0x3d6: {  	v48 =	vadd.s32 v5, v20;
	v30 =	vld.idx.msk [tilespmem:v30+s23+$0x0], $0xffff;
	[tilespmem:s0+$0xFFFFFF30] =	vst v37  }
0x3d7: {  	v56 =	vadd.s32 v2, v23;
	[tilespmem:s0+$0x80] =	vst v26;
	v29 =	vld.idx.msk [tilespmem:v29+s23+$0x0], $0xffff  }
0x3d8: {  	v51 =	vadd.s32 v6, v18;
	[tilespmem:s1+$0xC0] =	vst v33;
	v33 =	vld.idx.msk [tilespmem:v52+s23+$0x0], $0xffff  }
0x3d9: {  	s25 =	simm.s32 $0x4800;
	v53 =	vadd.s32 v10, v21;
	v50 =	vld.idx.msk [tilespmem:v39+s23+$0x0], $0xffff;
	[tilespmem:s1+$0xFFFFFF70] =	vst v31  }
0x3da: {  	v59 =	vadd.s32 v11, v19;
	v28 =	vld.idx.msk [tilespmem:v28+s23+$0x0], $0xffff;
	[tilespmem:s25+$0xFFFFFF00] =	vst v54  }
0x3db: {  	v31 =	vld.idx.msk [tilespmem:v48+s23+$0x0], $0xffff;
	[tilespmem:s0+$0x40] =	vst v30;
	v30 =	vadd.s32 v15, v24  }
0x3dc: {  	v55 =	vadd.s32 v2, v22;
	[tilespmem:s1+$0xFFFFFFD0] =	vst v32;
	v34 =	vld.idx.msk [tilespmem:v56+s23+$0x0], $0xffff  }
0x3dd: {  	v58 =	vadd.s32 v6, v20;
	v26 =	vld.idx.msk [tilespmem:v51+s23+$0x0], $0xffff;
	[tilespmem:s25+$0xFFFFFF80] =	vst v29  }
0x3de: {  	v29 =	vadd.s32 v15, v25;
	[tilespmem:s0+$0x90] =	vst v33;
	v57 =	vld.idx.msk [tilespmem:v53+s23+$0x0], $0xffff  }
0x3df: {  	[tilespmem:s1+$0xD0] =	vst v28;
	v28 =	vadd.s32 v11, v21;
	v62 =	vld.idx.msk [tilespmem:v59+s23+$0x0], $0xffff  }
0x3e0: {  	v61 =	vadd.s32 v3, v23;
	[tilespmem:s25+$0x0] =	vst v50;
	v30 =	vld.idx.msk [tilespmem:v30+s23+$0x0], $0xffff  }
0x3e1: {  	v24 =	vadd.s32 v16, v24;
	[tilespmem:s0+$0xFFFFFF40] =	vst v31;
	v36 =	vld.idx.msk [tilespmem:v55+s23+$0x0], $0xffff  }
0x3e2: {  	v60 =	vadd.s32 v3, v22;
	v37 =	vld.idx.msk [tilespmem:v58+s23+$0x0], $0xffff;
	[tilespmem:s25+$0xFFFFFF10] =	vst v34  }
0x3e3: {  	v41 =	vadd.s32 v12, v19;
	v31 =	vld.idx.msk [tilespmem:v29+s23+$0x0], $0xffff;
	[tilespmem:s25+$0xFFFFFF90] =	vst v57  }
0x3e4: {  	s31 =	simm.s32 $0x2C;
	v25 =	vadd.s32 v16, v25;
	[tilespmem:s0+$0x50] =	vst v26;
	v63 =	vld.idx.msk [tilespmem:v28+s23+$0x0], $0xffff  }
0x3e5: {  	v40 =	vadd.s32 v12, v17;
	v26 =	vmov s31;
	v28 =	vld.idx.msk [tilespmem:v61+s23+$0x0], $0xffff;
	[tilespmem:s1+$0xFFFFFFE0] =	vst v30  }
0x3e6: {  	[tilespmem:s25+$0x10] =	vst v36;
	v36 =	vadd.s32 v7, v20;
	v29 =	vld.idx.msk [tilespmem:v24+s23+$0x0], $0xffff;
	v24 =	vshrl.u32 v26, $0x3  }
0x3e7: {  	v34 =	vadd.s32 v7, v18;
	[tilespmem:s0+$0xA0] =	vst v62;
	v32 =	vld.idx.msk [tilespmem:v60+s23+$0x0], $0xffff;
	v24 =	vshll.u32 v24, v1  }
0x3e8: {  	v35 =	vadd.s32 v4, v22;
	v33 =	vld.idx.msk [tilespmem:v41+s23+$0x0], $0xffff;
	[tilespmem:s1+$0xE0] =	vst v31;
	v24 =	vbroadcast v24, $0x0  }
0x3e9: {  	[tilespmem:s0+$0xFFFFFF50] =	vst v37;
	v26 =	vadd.s32 v13, v17;
	v30 =	vld.idx.msk [tilespmem:v25+s23+$0x0], $0xffff  }
0x3ea: {  	s14 =	simm.s32 $0x30;
	s3 =	simm.s32 $0x8;
	v31 =	vld.idx.msk [tilespmem:v40+s23+$0x0], $0xffff;
	v25 =	vadd.s32 v13, v21;
	[tilespmem:s25+$0xFFFFFFA0] =	vst v63;
	v37 =	vadd.s32 v9, v24  }
.LBB2_40:
0x3eb: {  	s15 =	sadd.s32 $0x4, s14;
	s3 =	sadd.s32 $0x4, s3;
	v36 =	vld.idx.msk [tilespmem:v36+s23+$0x0], $0xffff;
	[tilespmem:s1+$0x70] =	vst v27  }
0x3ec: {  	v27 =	vmov s15;
	s15 =	sadd.s32 $0x8, s14;
	p1 =	slt.u32 s3, $0x1C;
	[tilespmem:s25+$0x20] =	vst v32;
	v32 =	vld.idx.msk [tilespmem:v34+s23+$0x0], $0xffff;
	v34 =	vadd.s32 v13, v19  }
0x3ed: {  	v39 =	vadd.s32 v4, v23;
	v27 =	vshrl.u32 v27, $0x3;
	v38 =	vmov s15;
	v35 =	vld.idx.msk [tilespmem:v35+s23+$0x0], $0xffff;
	[tilespmem:s1+$0xFFFFFFF0] =	vst v29  }
0x3ee: {  	v27 =	vshll.u32 v27, v1;
	v29 =	vshrl.u32 v38, $0x3;
	v38 =	vadd.s32 v8, v20;
	[tilespmem:s1+$0xF0] =	vst v30;
	v20 =	vmovc v23;
	s1 =	smov.u32 s0;
	s0 =	smov.u32 s25  }
0x3ef: {  	v30 =	vbroadcast v27, $0x0;
	v23 =	vshll.u32 v29, v1;
	v27 =	vadd.s32 v5, v22;
	v29 =	vld.idx.msk [tilespmem:v37+s23+$0x0], $0xffff;
	[tilespmem:s1+$0xFFFFFFB0] =	vst v31  }
0x3f0: {  	v40 =	vadd.s32 v8, v18;
	v18 =	vmovc v22;
	v31 =	vmov s14;
	v37 =	vld.idx.msk [tilespmem:v26+s23+$0x0], $0xffff;
	[tilespmem:s1+$0xB0] =	vst v33;
	v22 =	vbroadcast v23, $0x0;
	v26 =	vmovc v25  }
0x3f1: {  	v23 =	vshrl.u32 v31, $0x3;
	v31 =	vadd.s32 v9, v30;
	v25 =	vadd.s32 v13, v30;
	[tilespmem:s25+$0xFFFFFF20] =	vst v28;
	v28 =	vld.idx.msk [tilespmem:v34+s23+$0x0], $0xffff  }
0x3f2: {  	v23 =	vshll.u32 v23, v1;
	v33 =	vadd.s32 v0, v22;
	v34 =	vld.idx.msk [tilespmem:v39+s23+$0x0], $0xffff;
	[tilespmem:s1+$0xFFFFFF60] =	vst v36  }
0x3f3: {  	v23 =	vbroadcast v23, $0x0;
	v36 =	vadd.s32 v14, v17;
	[tilespmem:s25+$0x30] =	vst v35;
	v35 =	vld.idx.msk [tilespmem:v38+s23+$0x0], $0xffff  }
0x3f4: {  	v38 =	vld.idx.msk [tilespmem:v27+s23+$0x0], $0xffff;
	[tilespmem:s1+$0x60] =	vst v32;
	v32 =	vadd.s32 v14, v19  }
0x3f5: {  	v41 =	vadd.s32 v5, v20;
	v39 =	vadd.s32 v0, v23;
	v27 =	vld.idx.msk [tilespmem:v40+s23+$0x0], $0xffff  }
0x3f6: {  	v31 =	vld.idx.msk [tilespmem:v31+s23+$0x0], $0xffff;
	[tilespmem:s1+$0xFFFFFFC0] =	vst v37  }
0x3f7: {  	v37 =	vadd.s32 v6, v18;
	v33 =	vld.idx.msk [tilespmem:v33+s23+$0x0], $0xffff;
	[tilespmem:s1+$0xC0] =	vst v28  }
0x3f8: {  	v28 =	vadd.s32 v10, v30;
	[tilespmem:s25+$0xFFFFFF30] =	vst v34;
	v34 =	vadd.s32 v10, v24;
	v36 =	vld.idx.msk [tilespmem:v36+s23+$0x0], $0xffff  }
0x3f9: {  	[tilespmem:s1+$0xFFFFFF70] =	vst v35;
	v32 =	vld.idx.msk [tilespmem:v32+s23+$0x0], $0xffff  }
0x3fa: {  	v35 =	vld.idx.msk [tilespmem:v41+s23+$0x0], $0xffff;
	[tilespmem:s25+$0x40] =	vst v38;
	v38 =	vadd.s32 v15, v17  }
0x3fb: {  	v40 =	vadd.s32 v2, v22;
	s25 =	sadd.s32 $0x200, s25;
	v39 =	vld.idx.msk [tilespmem:v39+s23+$0x0], $0xffff;
	[tilespmem:s0+$0x80] =	vst v29  }
0x3fc: {  	v29 =	vadd.s32 v2, v23;
	[tilespmem:s25+$0xFFFFFF80] =	vst v31;
	v31 =	vld.idx.msk [tilespmem:v37+s23+$0x0], $0xffff;
	v37 =	vadd.s32 v15, v19  }
0x3fd: {  	[tilespmem:s25+$0x0] =	vst v33;
	v33 =	vld.idx.msk [tilespmem:v34+s23+$0x0], $0xffff  }
0x3fe: {  	v34 =	vadd.s32 v6, v20;
	v28 =	vld.idx.msk [tilespmem:v28+s23+$0x0], $0xffff;
	[tilespmem:s1+$0xFFFFFFD0] =	vst v36  }
0x3ff: {  	v36 =	vadd.s32 v11, v24;
	v38 =	vld.idx.msk [tilespmem:v38+s23+$0x0], $0xffff;
	[tilespmem:s1+$0xD0] =	vst v32  }
0x400: {  	v32 =	vadd.s32 v11, v30;
	v40 =	vld.idx.msk [tilespmem:v40+s23+$0x0], $0xffff;
	[tilespmem:s0+$0xFFFFFF40] =	vst v35  }
0x401: {  	v35 =	vadd.s32 v16, v17;
	v17 =	vmov v21;
	v21 =	vmov v30;
	[tilespmem:s25+$0xFFFFFF00] =	vst v39;
	v37 =	vld.idx.msk [tilespmem:v37+s23+$0x0], $0xffff  }
0x402: {  	v39 =	vadd.s32 v3, v22;
	v30 =	vld.idx.msk [tilespmem:v29+s23+$0x0], $0xffff;
	[tilespmem:s0+$0x50] =	vst v31  }
0x403: {  	v31 =	vld.idx.msk [tilespmem:v34+s23+$0x0], $0xffff;
	[tilespmem:s0+$0x90] =	vst v33;
	v33 =	vadd.s32 v16, v19;
	v19 =	vmov v24  }
0x404: {  	v24 =	vadd.s32 v3, v23;
	[tilespmem:s25+$0xFFFFFF90] =	vst v28;
	v41 =	vld.idx.msk [tilespmem:v36+s23+$0x0], $0xffff  }
0x405: {  	s15 =	sadd.s32 $0xC, s14;
	v43 =	vadd.s32 v12, v17;
	v42 =	vld.idx.msk [tilespmem:v32+s23+$0x0], $0xffff;
	[tilespmem:s1+$0xFFFFFFE0] =	vst v38  }
0x406: {  	v28 =	vmov s15;
	v38 =	vadd.s32 v12, v19;
	[tilespmem:s25+$0x10] =	vst v40;
	v29 =	vld.idx.msk [tilespmem:v35+s23+$0x0], $0xffff  }
.Ltmp23:
0x407: {  	v36 =	vadd.s32 v7, v20;
	v28 =	vshrl.u32 v28, $0x3;
	v32 =	vld.idx.msk [tilespmem:v39+s23+$0x0], $0xffff;
	[tilespmem:s1+$0xE0] =	vst v37;
	(pc) =	sbr.rel @p1 .LBB2_40-.Ltmp23, $4  }
0x408: {  	v34 =	vadd.s32 v7, v18;
	v37 =	vshll.u32 v28, v1;
	[tilespmem:s25+$0xFFFFFF10] =	vst v30;
	v30 =	vld.idx.msk [tilespmem:v33+s23+$0x0], $0xffff  }
0x409: {  	v35 =	vadd.s32 v4, v22;
	v28 =	vld.idx.msk [tilespmem:v24+s23+$0x0], $0xffff;
	v24 =	vbroadcast v37, $0x0;
	[tilespmem:s0+$0xFFFFFF50] =	vst v31  }
0x40a: {  	v31 =	vld.idx.msk [tilespmem:v43+s23+$0x0], $0xffff;
	[tilespmem:s0+$0xA0] =	vst v41  }
0x40b: {  	s14 =	sadd.s32 $0x10, s14;
	[tilespmem:s25+$0xFFFFFFA0] =	vst v42;
	v37 =	vadd.s32 v9, v24;
	v33 =	vld.idx.msk [tilespmem:v38+s23+$0x0], $0xffff  }
0x40c: {  	_ =	sdelay $0x3  }
0x40d: {  	v37 =	vld.idx.msk [tilespmem:v37+s23+$0x0], $0xffff  }
0x40e: {  	v38 =	vadd.s32 v10, v24;
	_ =	sdelay $0x3  }
0x40f: {  	[tilespmem:s25+$0x80] =	vst v37  }
0x410: {  	v37 =	vld.idx.msk [tilespmem:v38+s23+$0x0], $0xffff  }
0x411: {  	[tilespmem:s1+$0x70] =	vst v27;
	v59 =	vadd.s32 v11, v24  }
0x412: {  	[tilespmem:s25+$0x20] =	vst v32  }
0x413: {  	[tilespmem:s1+$0xFFFFFFF0] =	vst v29  }
0x414: {  	v60 =	vld.idx.msk [tilespmem:v36+s23+$0x0], $0xffff;
	v61 =	vadd.s32 v4, v23;
	[tilespmem:s1+$0xF0] =	vst v30  }
0x415: {  	v63 =	vadd.s32 v12, v21;
	v34 =	vld.idx.msk [tilespmem:v34+s23+$0x0], $0xffff;
	[tilespmem:s25+$0x90] =	vst v37  }
0x416: {  	v62 =	vadd.s32 v13, v19;
	[tilespmem:s25+$0xFFFFFF20] =	vst v28;
	v27 =	vld.idx.msk [tilespmem:v59+s23+$0x0], $0xffff  }
0x417: {  	v36 =	vadd.s32 v12, v24;
	v35 =	vld.idx.msk [tilespmem:v35+s23+$0x0], $0xffff;
	[tilespmem:s0+$0xFFFFFFB0] =	vst v31  }
0x418: {  	v20 =	vadd.s32 v8, v20;
	[tilespmem:s0+$0xB0] =	vst v33;
	v26 =	vld.idx.msk [tilespmem:v26+s23+$0x0], $0xffff  }
0x419: {  	v18 =	vadd.s32 v8, v18;
	v32 =	vld.idx.msk [tilespmem:v61+s23+$0x0], $0xffff;
	[tilespmem:s0+$0xFFFFFF60] =	vst v60  }
0x41a: {  	v39 =	vadd.s32 v5, v23;
	v31 =	vld.idx.msk [tilespmem:v63+s23+$0x0], $0xffff;
	[tilespmem:s0+$0x60] =	vst v34  }
0x41b: {  	v38 =	vld.idx.msk [tilespmem:v62+s23+$0x0], $0xffff;
	[tilespmem:s25+$0xA0] =	vst v27  }
0x41c: {  	[tilespmem:s25+$0x30] =	vst v35;
	v37 =	vadd.s32 v5, v22;
	v27 =	vld.idx.msk [tilespmem:v36+s23+$0x0], $0xffff  }
0x41d: {  	v41 =	vadd.s32 v13, v24;
	v20 =	vld.idx.msk [tilespmem:v20+s23+$0x0], $0xffff;
	[tilespmem:s0+$0xFFFFFFC0] =	vst v26  }
0x41e: {  	v40 =	vadd.s32 v14, v17;
	v18 =	vld.idx.msk [tilespmem:v18+s23+$0x0], $0xffff;
	[tilespmem:s25+$0xFFFFFF30] =	vst v32  }
0x41f: {  	v42 =	vadd.s32 v14, v19;
	[tilespmem:s25+$0xFFFFFFB0] =	vst v31;
	v44 =	vld.idx.msk [tilespmem:v39+s23+$0x0], $0xffff  }
0x420: {  	v46 =	vadd.s32 v6, v23;
	[tilespmem:s0+$0xC0] =	vst v38;
	v25 =	vld.idx.msk [tilespmem:v25+s23+$0x0], $0xffff  }
0x421: {  	v49 =	vadd.s32 v14, v21;
	v28 =	vld.idx.msk [tilespmem:v37+s23+$0x0], $0xffff;
	[tilespmem:s25+$0xB0] =	vst v27  }
0x422: {  	v43 =	vadd.s32 v6, v22;
	[tilespmem:s0+$0xFFFFFF70] =	vst v20;
	v48 =	vld.idx.msk [tilespmem:v41+s23+$0x0], $0xffff  }
0x423: {  	v51 =	vadd.s32 v14, v24;
	v45 =	vld.idx.msk [tilespmem:v40+s23+$0x0], $0xffff;
	[tilespmem:s0+$0x70] =	vst v18  }
0x424: {  	v47 =	vadd.s32 v15, v17;
	v50 =	vld.idx.msk [tilespmem:v42+s23+$0x0], $0xffff;
	[tilespmem:s25+$0xFFFFFF40] =	vst v44  }
0x425: {  	v52 =	vadd.s32 v15, v19;
	[tilespmem:s25+$0xFFFFFFC0] =	vst v25;
	v29 =	vld.idx.msk [tilespmem:v46+s23+$0x0], $0xffff  }
0x426: {  	v53 =	vadd.s32 v7, v23;
	v55 =	vld.idx.msk [tilespmem:v49+s23+$0x0], $0xffff;
	[tilespmem:s25+$0x40] =	vst v28  }
0x427: {  	v57 =	vadd.s32 v15, v21;
	v32 =	vld.idx.msk [tilespmem:v43+s23+$0x0], $0xffff;
	[tilespmem:s25+$0xC0] =	vst v48  }
0x428: {  	v54 =	vadd.s32 v7, v22;
	[tilespmem:s0+$0xFFFFFFD0] =	vst v45;
	v56 =	vld.idx.msk [tilespmem:v51+s23+$0x0], $0xffff  }
0x429: {  	v59 =	vadd.s32 v15, v24;
	v30 =	vld.idx.msk [tilespmem:v47+s23+$0x0], $0xffff;
	[tilespmem:s0+$0xD0] =	vst v50  }
0x42a: {  	v17 =	vadd.s32 v16, v17;
	v58 =	vld.idx.msk [tilespmem:v52+s23+$0x0], $0xffff;
	[tilespmem:s25+$0xFFFFFF50] =	vst v29  }
0x42b: {  	v19 =	vadd.s32 v16, v19;
	[tilespmem:s25+$0xFFFFFFD0] =	vst v55;
	v29 =	vld.idx.msk [tilespmem:v53+s23+$0x0], $0xffff  }
0x42c: {  	v60 =	vadd.s32 v8, v23;
	v62 =	vld.idx.msk [tilespmem:v57+s23+$0x0], $0xffff;
	[tilespmem:s25+$0x50] =	vst v32  }
0x42d: {  	v63 =	vadd.s32 v16, v21;
	v25 =	vld.idx.msk [tilespmem:v54+s23+$0x0], $0xffff;
	[tilespmem:s25+$0xD0] =	vst v56  }
0x42e: {  	v61 =	vadd.s32 v8, v22;
	[tilespmem:s0+$0xFFFFFFE0] =	vst v30;
	v26 =	vld.idx.msk [tilespmem:v59+s23+$0x0], $0xffff  }
0x42f: {  	v18 =	vadd.s32 v16, v24;
	v17 =	vld.idx.msk [tilespmem:v17+s23+$0x0], $0xffff;
	[tilespmem:s0+$0xE0] =	vst v58  }
0x430: {  	v19 =	vld.idx.msk [tilespmem:v19+s23+$0x0], $0xffff;
	[tilespmem:s25+$0xFFFFFF60] =	vst v29  }
0x431: {  	[tilespmem:s25+$0xFFFFFFE0] =	vst v62;
	v23 =	vld.idx.msk [tilespmem:v60+s23+$0x0], $0xffff  }
0x432: {  	v21 =	vld.idx.msk [tilespmem:v63+s23+$0x0], $0xffff;
	[tilespmem:s25+$0x60] =	vst v25  }
0x433: {  	v20 =	vld.idx.msk [tilespmem:v61+s23+$0x0], $0xffff;
	[tilespmem:s25+$0xE0] =	vst v26  }
0x434: {  	[tilespmem:s0+$0xFFFFFFF0] =	vst v17;
	v17 =	vld.idx.msk [tilespmem:v18+s23+$0x0], $0xffff  }
0x435: {  	[tilespmem:s0+$0xF0] =	vst v19  }
.Ltmp24:
0x436: {  	[tilespmem:s25+$0xFFFFFF70] =	vst v23;
	(pc) =	sbr.rel .LBB2_42-.Ltmp24, $4  }
0x437: {  	[tilespmem:s25+$0xFFFFFFF0] =	vst v21  }
0x438: {  	s31 =	sand.u32 $0x1FFFFE00, s30;
	[tilespmem:s25+$0x70] =	vst v20  }
0x439: {  	s0 =	sadd.s32 s4, s31;
	[tilespmem:s25+$0xF0] =	vst v17  }
0x43a: {  	[hbm4b:s0+s2] =	stream.linear.scatter [tilespmem:s20], [sflag:$0x5], $0x1000, $0x38;
	[tilespmem:$0x5B00] =	vst v63  }
.LBB2_43:
0x43b: {  	_ =	swait.ge [sflag:s22], $0x1000  }
.Ltmp25:
0x43c: {  	[sflag:s22] =	ssyncset.done $0x0;
	(pc) =	sbr.rel @p0 .LBB2_47-.Ltmp25, $4  }
0x43d: {  	[sflag:s22] =	ssyncadd.s32 $0xFFFFF000  }
0x43e: {  	_ =	swait.ge [sflag:s24], $0x1000  }
0x43f: {  	[sflag:s24] =	ssyncset.done $0x0  }
0x440: {  	[sflag:s24] =	ssyncadd.s32 $0xFFFFF000  }
0x441: {  	s0 =	rddreg [dreg:$0x3];
	s1 =	simm.s32 $0x5300  }
0x442: {  	[tilespmem:s1], [sflag:$0x6] =	stream.linear.gather [hbm4b:s0+s2], $0x800, $0x38;
	[tilespmem:$0x5B00] =	vst v63  }
0x443: {  	_ =	swait.ge [sflag:s26], $0x800  }
0x444: {  	[sflag:s26] =	ssyncset.done $0x0  }
0x445: {  	s15 =	simm.s32 $0x5380;
	[sflag:s26] =	ssyncadd.s32 $0xFFFFF800  }
0x446: {  	v17 =	vld [tilespmem:s15+$0x0]  }
0x447: {  	v18 =	vld [tilespmem:s15+$0xFFFFFF80];
	_ =	sdelay $0x2  }
0x448: {  	s0 =	simm.s32 $0x3380  }
0x449: {  	[tilespmem:s0+$0x0] =	vst v17  }
0x44a: {  	[tilespmem:s0+$0xFFFFFF80] =	vst v18;
	v17 =	vld [tilespmem:s15+$0x10]  }
0x44b: {  	v18 =	vld [tilespmem:s15+$0xFFFFFF90];
	_ =	sdelay $0x3  }
0x44c: {  	[tilespmem:s0+$0x10] =	vst v17  }
0x44d: {  	[tilespmem:s0+$0xFFFFFF90] =	vst v18;
	v17 =	vld [tilespmem:s15+$0x20]  }
0x44e: {  	v18 =	vld [tilespmem:s15+$0xFFFFFFA0];
	_ =	sdelay $0x1  }
0x44f: {  	s3 =	simm.s32 $0x5480  }
0x450: {  	v19 =	vld [tilespmem:s3+$0x0]  }
0x451: {  	v20 =	vld [tilespmem:s3+$0xFFFFFF80];
	[tilespmem:s0+$0x20] =	vst v17  }
0x452: {  	[tilespmem:s0+$0xFFFFFFA0] =	vst v18;
	v17 =	vld [tilespmem:s15+$0x30]  }
0x453: {  	v18 =	vld [tilespmem:s15+$0xFFFFFFB0]  }
0x454: {  	s1 =	simm.s32 $0x3480  }
0x455: {  	[tilespmem:s1+$0x0] =	vst v19  }
0x456: {  	[tilespmem:s1+$0xFFFFFF80] =	vst v20;
	v19 =	vld [tilespmem:s3+$0x10]  }
0x457: {  	v20 =	vld [tilespmem:s3+$0xFFFFFF90];
	[tilespmem:s0+$0x30] =	vst v17  }
0x458: {  	[tilespmem:s0+$0xFFFFFFB0] =	vst v18;
	v17 =	vld [tilespmem:s15+$0x40]  }
0x459: {  	v18 =	vld [tilespmem:s15+$0xFFFFFFC0];
	_ =	sdelay $0x1  }
0x45a: {  	[tilespmem:s1+$0x10] =	vst v19  }
0x45b: {  	[tilespmem:s1+$0xFFFFFF90] =	vst v20;
	v19 =	vld [tilespmem:s3+$0x20]  }
0x45c: {  	v20 =	vld [tilespmem:s3+$0xFFFFFFA0];
	[tilespmem:s0+$0x40] =	vst v17  }
0x45d: {  	[tilespmem:s0+$0xFFFFFFC0] =	vst v18;
	v17 =	vld [tilespmem:s15+$0x50]  }
0x45e: {  	s14 =	simm.s32 $0x5580;
	v18 =	vld [tilespmem:s15+$0xFFFFFFD0]  }
0x45f: {  	v21 =	vld [tilespmem:s14+$0x0]  }
0x460: {  	v22 =	vld [tilespmem:s14+$0xFFFFFF80];
	[tilespmem:s1+$0x20] =	vst v19  }
0x461: {  	[tilespmem:s1+$0xFFFFFFA0] =	vst v20;
	v19 =	vld [tilespmem:s3+$0x30]  }
0x462: {  	v20 =	vld [tilespmem:s3+$0xFFFFFFB0];
	[tilespmem:s0+$0x50] =	vst v17  }
0x463: {  	s25 =	simm.s32 $0x3580;
	[tilespmem:s0+$0xFFFFFFD0] =	vst v18;
	v17 =	vld [tilespmem:s15+$0x60]  }
0x464: {  	[tilespmem:s25+$0x0] =	vst v21;
	v18 =	vld [tilespmem:s15+$0xFFFFFFE0]  }
0x465: {  	[tilespmem:s25+$0xFFFFFF80] =	vst v22;
	v21 =	vld [tilespmem:s14+$0x10]  }
0x466: {  	v22 =	vld [tilespmem:s14+$0xFFFFFF90];
	[tilespmem:s1+$0x30] =	vst v19  }
0x467: {  	[tilespmem:s1+$0xFFFFFFB0] =	vst v20;
	v19 =	vld [tilespmem:s3+$0x40]  }
0x468: {  	v23 =	vld [tilespmem:s3+$0xFFFFFFC0];
	[tilespmem:s0+$0x60] =	vst v17  }
0x469: {  	[tilespmem:s0+$0xFFFFFFE0] =	vst v18;
	v24 =	vld [tilespmem:s15+$0x70]  }
0x46a: {  	[tilespmem:s25+$0x10] =	vst v21;
	v17 =	vld [tilespmem:s15+$0xFFFFFFF0]  }
0x46b: {  	[tilespmem:s25+$0xFFFFFF90] =	vst v22;
	v20 =	vld [tilespmem:s14+$0x20]  }
0x46c: {  	v21 =	vld [tilespmem:s14+$0xFFFFFFA0];
	[tilespmem:s1+$0x40] =	vst v19  }
0x46d: {  	[tilespmem:s1+$0xFFFFFFC0] =	vst v23;
	v18 =	vld [tilespmem:s3+$0x50]  }
0x46e: {  	s29 =	simm.s32 $0x4;
	s30 =	simm.s32 $0x5680;
	v19 =	vld [tilespmem:s3+$0xFFFFFFD0];
	[tilespmem:s0+$0x70] =	vst v24  }
.LBB2_45:
0x46f: {  	v22 =	vld [tilespmem:s30+$0x0];
	s29 =	sadd.s32 $0x2, s29;
	[tilespmem:s0+$0xFFFFFFF0] =	vst v17;
	s0 =	smov.u32 s1;
	s1 =	smov.u32 s25  }
0x470: {  	v17 =	vld [tilespmem:s30+$0xFFFFFF80];
	p1 =	slt.u32 s29, $0xE;
	[tilespmem:s25+$0x20] =	vst v20  }
0x471: {  	[tilespmem:s25+$0xFFFFFFA0] =	vst v21;
	v20 =	vld [tilespmem:s14+$0x30]  }
0x472: {  	v21 =	vld [tilespmem:s14+$0xFFFFFFB0];
	[tilespmem:s0+$0x50] =	vst v18  }
0x473: {  	s25 =	sadd.s32 $0x100, s25;
	[tilespmem:s0+$0xFFFFFFD0] =	vst v19;
	v18 =	vld [tilespmem:s3+$0x60]  }
0x474: {  	[tilespmem:s25+$0x0] =	vst v22;
	v19 =	vld [tilespmem:s3+$0xFFFFFFE0]  }
0x475: {  	[tilespmem:s25+$0xFFFFFF80] =	vst v17;
	v17 =	vld [tilespmem:s30+$0x10]  }
0x476: {  	v22 =	vld [tilespmem:s30+$0xFFFFFF90];
	[tilespmem:s1+$0x30] =	vst v20  }
0x477: {  	[tilespmem:s1+$0xFFFFFFB0] =	vst v21;
	v23 =	vld [tilespmem:s14+$0x40]  }
0x478: {  	v24 =	vld [tilespmem:s14+$0xFFFFFFC0];
	[tilespmem:s0+$0x60] =	vst v18  }
0x479: {  	[tilespmem:s0+$0xFFFFFFE0] =	vst v19;
	v25 =	vld [tilespmem:s3+$0x70]  }
.Ltmp26:
0x47a: {  	[tilespmem:s25+$0x10] =	vst v17;
	v17 =	vld [tilespmem:s3+$0xFFFFFFF0];
	s3 =	smov.u32 s14;
	s14 =	smov.u32 s30;
	(pc) =	sbr.rel @p1 .LBB2_45-.Ltmp26, $4  }
0x47b: {  	[tilespmem:s25+$0xFFFFFF90] =	vst v22;
	v20 =	vld [tilespmem:s30+$0x20]  }
0x47c: {  	v21 =	vld [tilespmem:s30+$0xFFFFFFA0];
	[tilespmem:s1+$0x40] =	vst v23  }
0x47d: {  	[tilespmem:s1+$0xFFFFFFC0] =	vst v24;
	v18 =	vld [tilespmem:s3+$0x50]  }
0x47e: {  	s30 =	sadd.s32 $0x100, s30;
	v19 =	vld [tilespmem:s3+$0xFFFFFFD0];
	[tilespmem:s0+$0x70] =	vst v25  }
0x47f: {  	_ = 	snop  }
0x480: {  	[tilespmem:s25+$0x20] =	vst v20  }
0x481: {  	[tilespmem:s25+$0xFFFFFFA0] =	vst v21;
	v20 =	vld [tilespmem:s14+$0x30]  }
0x482: {  	v21 =	vld [tilespmem:s14+$0xFFFFFFB0];
	_ =	sdelay $0x3  }
0x483: {  	[tilespmem:s25+$0x30] =	vst v20  }
0x484: {  	[tilespmem:s25+$0xFFFFFFB0] =	vst v21;
	v20 =	vld [tilespmem:s14+$0x40]  }
0x485: {  	v21 =	vld [tilespmem:s14+$0xFFFFFFC0];
	_ =	sdelay $0x3  }
0x486: {  	[tilespmem:s25+$0x40] =	vst v20  }
0x487: {  	[tilespmem:s25+$0xFFFFFFC0] =	vst v21;
	v20 =	vld [tilespmem:s14+$0x50]  }
0x488: {  	v21 =	vld [tilespmem:s14+$0xFFFFFFD0];
	_ =	sdelay $0x1  }
0x489: {  	[tilespmem:s1+$0x50] =	vst v18  }
0x48a: {  	[tilespmem:s1+$0xFFFFFFD0] =	vst v19;
	v18 =	vld [tilespmem:s3+$0x60]  }
0x48b: {  	v19 =	vld [tilespmem:s3+$0xFFFFFFE0];
	[tilespmem:s25+$0x50] =	vst v20  }
0x48c: {  	[tilespmem:s25+$0xFFFFFFD0] =	vst v21;
	v20 =	vld [tilespmem:s14+$0x60]  }
0x48d: {  	v21 =	vld [tilespmem:s14+$0xFFFFFFE0];
	_ =	sdelay $0x1  }
0x48e: {  	[tilespmem:s1+$0x60] =	vst v18  }
0x48f: {  	[tilespmem:s1+$0xFFFFFFE0] =	vst v19;
	v18 =	vld [tilespmem:s3+$0x70]  }
0x490: {  	v19 =	vld [tilespmem:s3+$0xFFFFFFF0];
	[tilespmem:s25+$0x60] =	vst v20  }
0x491: {  	[tilespmem:s25+$0xFFFFFFE0] =	vst v21;
	v20 =	vld [tilespmem:s14+$0x70]  }
0x492: {  	v21 =	vld [tilespmem:s14+$0xFFFFFFF0]  }
0x493: {  	[tilespmem:s0+$0xFFFFFFF0] =	vst v17  }
0x494: {  	[tilespmem:s1+$0x70] =	vst v18  }
0x495: {  	[tilespmem:s1+$0xFFFFFFF0] =	vst v19  }
0x496: {  	[tilespmem:s25+$0x70] =	vst v20  }
0x497: {  	[tilespmem:s25+$0xFFFFFFF0] =	vst v21  }
.Ltmp27:
0x498: {  	s0 =	rddreg [dreg:$0x4];
	(pc) =	sbr.rel .LBB2_47-.Ltmp27, $4  }
0x499: {  	[hbm4b:s0+s2] =	stream.linear.scatter [tilespmem:s17], [sflag:$0x6], $0x800, $0x38;
	[tilespmem:$0x5B00] =	vst v63  }
0x49a: {  	_ =	swait.ge [sflag:s26], $0x800  }
0x49b: {  	[sflag:s26] =	ssyncset.done $0x0  }
0x49c: {  	[sflag:s26] =	ssyncadd.s32 $0xFFFFF800  }
.LBB2_48:
0x49d: {  	_ =	sfence.sel $0x180000  }
0x49e: {  	[bflag:$0x0] =	sbarrier.arrive $0xFFFF  }
0x49f: {  	_ =	strace $0x9000004A  }
0x4a0: {  	s0 =	stileid.u32;
	[bflag:$0x2] =	sbarrier.arrive $0xFFFF  }
0x4a1: {  	p0 =	sne.s32 s0, $0x0;
	s0 =	rddreg [dreg:$0x2]  }
0x4a2: {  	s0 =	sadd.s32 @!p0 $0x100000, s0  }
0x4a3: {  	[sflag:s0] =	ssyncadd.tile.s32 @!p0 $0x1;
	_ =	shalt  }
.Lfunc_end2:
_tile_overlayer_lowered:
.L_overlay_start_2:
0x4a4: {  	(tag) =	ssettag $0x2  }
0x4a5: {  	s0 =	rddreg [dreg:$0x0];
	s2 =	stileid.u32  }
0x4a6: {  	s1 =	rddreg [dreg:$0x1];
	p0 =	sne.s32 s2, $0x0  }
0x4a7: {  	s3 =	rddreg [dreg:$0x2];
	[bflag:$0x3] =	sbarrier.arrive $0xFFFF;
	s2 =	simm.s32 @!p0 $0x1C06  }
0x4a8: {  	[timem:s3], [sflag:s2] =	dma.local @!p0 [hbm:s0], s1  }
0x4a9: {  	s0 =	simm.s32 @!p0 $0x6  }
0x4aa: {  	_ =	swait.ge @!p0 [sflag:s0], s1  }
0x4ab: {  	s1 =	ssub.s32 @!p0 $0x0, s1;
	[sflag:s0] =	ssyncset.done @!p0 $0x0  }
0x4ac: {  	[sflag:s0] =	ssyncadd.s32 @!p0 s1  }
0x4ad: {  	[bflag:$0x3] =	sbarrier.arrive $0xFFFF  }
0x4ae: {  	_ =	shalt  }

</sc_bundles>
